<compile_context>
chip_gen: v7x
topology: tpu7x:2x2x1
jax: 0.10.2.dev20260603
libtpu: 0.0.44.dev20260713+nightly
codegen_flags: <defaults>
</compile_context>

<pallas_src>
import functools

import jax
import jax.numpy as jnp
import numpy as np
from jax import lax
from jax.experimental import pallas as pl
from jax.experimental.pallas import tpu as pltpu
from jax.experimental.pallas import tpu_sc as plsc

Dim = 2
R = 1.0
sigma = float(np.sqrt(2.0))
gamma = 1.0
NSTEP = 50
total_time = 0.2
dt = total_time / NSTEP
E1 = float(np.exp(-gamma * dt).astype(np.float32))

LANES = 128
RB = 16
BLK = RB * LANES

NSAMP = 65536
NA = 32768
NB = NSAMP - NA
NWORK = 32
PER_W = NA // NWORK
SBLK = 512
NSBLK = PER_W // SBLK
SGRP = SBLK // 16



def _sc_phase1_body(x0_hbm, dw_hbm, ub_hbm,
                    o_xs0, o_xs1, o_df0, o_df1, o_epk, o_A, o_exf,
                    dwv, x0v, ubv, v_xs0, v_xs1, v_df0, v_df1, v_epk, v_A, v_exf):
    wid = lax.axis_index("s") * 2 + lax.axis_index("c")
    pltpu.sync_copy(ub_hbm, ubv)
    uv = ubv[...]

    for blk in range(NSBLK):
        base = wid * PER_W + blk * SBLK
        pltpu.sync_copy(dw_hbm.at[:, :, pl.ds(base, SBLK)], dwv)
        pltpu.sync_copy(x0_hbm.at[:, pl.ds(base, SBLK)], x0v)

        def group(g, carry):
            gl = pl.ds(g * 16, 16)
            x00 = x0v[0, gl]
            x01 = x0v[1, gl]
            zeros = jnp.zeros((16,), jnp.float32)
            ones = jnp.ones((16,), jnp.float32)

            def step(t, st):
                x0_, x1_, alivef, exitedf, A, ep, epk, xs0, xs1, sdf0, sdf1 = st
                d0 = sigma * dwv[0, t, gl]
                d1 = sigma * dwv[1, t, gl]
                g0 = uv * x0_ * dt
                g1 = uv * x1_ * dt
                t0 = x0_ + (g0 + d0)
                t1 = x1_ + (g1 + d1)
                exn = jnp.where(t0 * t0 + t1 * t1 < R * R, 1.0, 0.0)
                nx0 = (x0_ + g0) + d0
                nx1 = (x1_ + g1) + d1
                aliveN_f = alivef * exn
                newexit_f = alivef - aliveN_f
                nb = newexit_f > 0.0
                ab = aliveN_f > 0.0
                xs0 = jnp.where(nb, x0_, xs0)
                xs1 = jnp.where(nb, x1_, xs1)
                sdf0 = jnp.where(nb, d0, sdf0)
                sdf1 = jnp.where(nb, d1, sdf1)
                epk = jnp.where(nb, ep, epk)
                exitedf = exitedf + newexit_f
                x0_ = jnp.where(ab, nx0, x0_)
                x1_ = jnp.where(ab, nx1, x1_)
                w = (uv * uv + 2.0) * (x0_ * x0_ + x1_ * x1_) - 2.0 * Dim
                A = A + aliveN_f * (w * ep)
                ep = ep * E1
                return (x0_, x1_, aliveN_f, exitedf, A, ep, epk, xs0, xs1, sdf0, sdf1)

            st = (x00, x01, ones, zeros, zeros, ones,
                  zeros, zeros, zeros, zeros, zeros)
            st = lax.fori_loop(1, NSTEP, step, st, unroll=2)
            x0_, x1_, alivef, exitedf, A, ep, epk, xs0, xs1, sdf0, sdf1 = st
            eb = exitedf > 0.0
            xs0 = jnp.where(eb, xs0, x0_)
            xs1 = jnp.where(eb, xs1, x1_)
            epk = jnp.where(eb, epk, ep)
            v_xs0[gl] = xs0
            v_xs1[gl] = xs1
            v_df0[gl] = sdf0
            v_df1[gl] = sdf1
            v_epk[gl] = epk
            v_A[gl] = A
            v_exf[gl] = exitedf
            return carry

        lax.fori_loop(0, SGRP, group, 0, unroll=2)
        pltpu.sync_copy(v_xs0, o_xs0.at[pl.ds(base, SBLK)])
        pltpu.sync_copy(v_xs1, o_xs1.at[pl.ds(base, SBLK)])
        pltpu.sync_copy(v_df0, o_df0.at[pl.ds(base, SBLK)])
        pltpu.sync_copy(v_df1, o_df1.at[pl.ds(base, SBLK)])
        pltpu.sync_copy(v_epk, o_epk.at[pl.ds(base, SBLK)])
        pltpu.sync_copy(v_A, o_A.at[pl.ds(base, SBLK)])
        pltpu.sync_copy(v_exf, o_exf.at[pl.ds(base, SBLK)])


_SC_OUT = [jax.ShapeDtypeStruct((NA,), jnp.float32)] * 7

_sc_phase1 = functools.partial(
    pl.kernel,
    mesh=plsc.VectorSubcoreMesh(core_axis_name="c", subcore_axis_name="s"),
    out_type=_SC_OUT,
    scratch_types=[
        pltpu.VMEM((2, NSTEP, SBLK), jnp.float32),
        pltpu.VMEM((2, SBLK), jnp.float32),
        pltpu.VMEM((16,), jnp.float32),
    ] + [pltpu.VMEM((SBLK,), jnp.float32)] * 7,
)(_sc_phase1_body)



def _rho_tile(xe0, xe1, dr0, dr1, df0, df1):
    a = dr0 * dr0 + dr1 * dr1
    b = 2.0 * (dr0 * df0 + dr1 * df1)
    c = (2.0 * dr0 * xe0 + df0 * df0) + (2.0 * dr1 * xe1 + df1 * df1)
    d = 2.0 * (df0 * xe0 + df1 * xe1)
    e = (xe0 * xe0 + xe1 * xe1) - R ** 2
    p = (8.0 * a * c - 3.0 * (b * b)) / (8.0 * (a * a))
    q = (b * b * b - 4.0 * a * b * c + 8.0 * (a * a) * d) / (8.0 * (a * a * a))
    sign_q = jnp.sign(q)
    D0 = c * c - 3.0 * b * d + 12.0 * a * e
    D1 = (2.0 * (c * c * c) - 9.0 * b * c * d + 27.0 * (b * b) * e
          + 27.0 * a * (d * d) - 72.0 * a * c * e)
    D2 = D1 * D1 - 4.0 * (D0 * D0 * D0)
    signal_D2 = jnp.ceil((jnp.sign(D2) + 1.0) / 2.0)
    QQ = (D1 + jnp.sqrt(jnp.abs(D2))) / 2.0
    Q = jnp.sign(QQ) * jnp.abs(QQ) ** (1.0 / 3.0)
    S_plus = 0.5 * jnp.sqrt(jnp.abs((Q + D0 / Q) / (3.0 * a) - 2.0 * p / 3.0))
    m = jnp.minimum(jnp.sqrt(jnp.abs(D1 * D1 / 4.0 / (D0 * D0 * D0))), 1.0)
    phi = jax.lax.atan2(jnp.sqrt((1.0 - m) * (m + 1.0)), m)
    S_minus = 0.5 * jnp.sqrt(jnp.abs(2.0 * jnp.sqrt(jnp.abs(D0)) * jnp.cos(phi / 3.0) / (3.0 * a)
                                     - 2.0 * p / 3.0))
    S = signal_D2 * S_plus + (1.0 - signal_D2) * S_minus
    temp = -4.0 * (S * S) - 2.0 * p + jnp.abs(q / S)
    sqrt_rho = 0.5 * jnp.sqrt(jnp.abs(temp)) - b / (4.0 * a) - sign_q * S
    bad = (1.0 - sqrt_rho) * sqrt_rho < 0.0
    new_temp = -4.0 * (S * S) - 2.0 * p - jnp.abs(q / S)
    new_sqrt_rho = 0.5 * jnp.sqrt(jnp.abs(new_temp)) - b / (4.0 * a) + sign_q * S
    sqrt_rho_final = jnp.where(bad, new_sqrt_rho, sqrt_rho)
    return sqrt_rho_final * sqrt_rho_final, jnp.abs(sqrt_rho_final)


def _phase2_tail(uf, x00, x01, d00, d01, exit0, w0,
                 xs0, xs1, sdf0, sdf1, epk, A, exited):
    xe0 = jnp.where(exited, xs0, 0.1)
    xe1 = jnp.where(exited, xs1, 0.1)
    dr0 = jnp.where(exited, uf * xs0 * dt, 0.01)
    dr1 = jnp.where(exited, uf * xs1 * dt, 0.01)
    df0 = jnp.where(exited, sdf0, 0.01)
    df1 = jnp.where(exited, sdf1, 0.01)
    rho_q, srho_q = _rho_tile(xe0, xe1, dr0, dr1, df0, df1)
    rho = jnp.where(exited, rho_q, 0.0)
    srho = jnp.where(exited, srho_q, 0.0)
    xk0 = xs0 + uf * xs0 * dt * rho + sdf0 * srho
    xk1 = xs1 + uf * xs1 * dt * rho + sdf1 * srho
    nrm = xk0 * xk0 + xk1 * xk1
    term = epk * (rho * ((uf * uf + 2.0) * nrm - 2.0 * Dim) * dt
                  + jnp.exp(-gamma * dt * rho) * nrm)

    xe0b = jnp.where(exit0, x00, 0.1)
    xe1b = jnp.where(exit0, x01, 0.1)
    dr0b = jnp.where(exit0, uf * x00 * dt, 0.01)
    dr1b = jnp.where(exit0, uf * x01 * dt, 0.01)
    df0b = jnp.where(exit0, d00, 0.01)
    df1b = jnp.where(exit0, d01, 0.01)
    rho0, _ = _rho_tile(xe0b, xe1b, dr0b, dr1b, df0b, df1b)
    coef0 = jnp.where(exit0, rho0, 1.0)
    D0x = jnp.exp(-gamma * dt * coef0)
    return coef0 * w0 * dt + D0x * (dt * A + term)



def _tc_full_body(x0_ref, dwt_ref, u_ref, y_ref):
    uf = u_ref[0, 0]
    x00 = x0_ref[0]
    x01 = x0_ref[1]

    d00 = sigma * dwt_ref[0, 0]
    d01 = sigma * dwt_ref[1, 0]
    g0 = uf * x00 * dt
    g1 = uf * x01 * dt
    t0 = x00 + (g0 + d00)
    t1 = x01 + (g1 + d01)
    exit0 = t0 * t0 + t1 * t1 >= R * R
    w0 = (uf * uf + 2.0) * (x00 * x00 + x01 * x01) - 2.0 * Dim

    zeros = jnp.zeros_like(x00)

    def step(t, st):
        x0_, x1_, alivef, exitedf, A, ep, epk, xs0, xs1, sdf0, sdf1 = st
        alive = alivef > 0.0
        d0 = sigma * dwt_ref[0, t]
        d1 = sigma * dwt_ref[1, t]
        g0 = uf * x0_ * dt
        g1 = uf * x1_ * dt
        t0 = x0_ + (g0 + d0)
        t1 = x1_ + (g1 + d1)
        ex = t0 * t0 + t1 * t1 >= R * R
        nx0 = (x0_ + g0) + d0
        nx1 = (x1_ + g1) + d1
        newexit = alive & ex
        xs0 = jnp.where(newexit, x0_, xs0)
        xs1 = jnp.where(newexit, x1_, xs1)
        sdf0 = jnp.where(newexit, d0, sdf0)
        sdf1 = jnp.where(newexit, d1, sdf1)
        epk = jnp.where(newexit, ep, epk)
        exitedf = jnp.where(newexit, 1.0, exitedf)
        aliveN = alive & jnp.logical_not(ex)
        x0_ = jnp.where(aliveN, nx0, x0_)
        x1_ = jnp.where(aliveN, nx1, x1_)
        w = (uf * uf + 2.0) * (x0_ * x0_ + x1_ * x1_) - 2.0 * Dim
        A = A + jnp.where(aliveN, w * ep, 0.0)
        ep = ep * E1
        alivef = jnp.where(aliveN, 1.0, 0.0)
        return (x0_, x1_, alivef, exitedf, A, ep, epk, xs0, xs1, sdf0, sdf1)

    st = (x00, x01, jnp.ones_like(x00), zeros,
          zeros, jnp.ones_like(x00), zeros, zeros, zeros, zeros, zeros)
    st = jax.lax.fori_loop(1, NSTEP, step, st, unroll=2)
    x0_, x1_, alivef, exitedf, A, ep, epk, xs0, xs1, sdf0, sdf1 = st
    exited = exitedf > 0.0
    xs0 = jnp.where(exited, xs0, x0_)
    xs1 = jnp.where(exited, xs1, x1_)
    epk = jnp.where(exited, epk, ep)

    y_ref[...] = _phase2_tail(uf, x00, x01, d00, d01, exit0, w0,
                              xs0, xs1, sdf0, sdf1, epk, A, exited)



def _tc_phase2_body(x0_ref, dw0_ref, u_ref,
                    xs0_ref, xs1_ref, df0_ref, df1_ref, epk_ref, A_ref, exf_ref,
                    y_ref):
    uf = u_ref[0, 0]
    x00 = x0_ref[0]
    x01 = x0_ref[1]
    d00 = sigma * dw0_ref[0]
    d01 = sigma * dw0_ref[1]
    g0 = uf * x00 * dt
    g1 = uf * x01 * dt
    t0 = x00 + (g0 + d00)
    t1 = x01 + (g1 + d01)
    exit0 = t0 * t0 + t1 * t1 >= R * R
    w0 = (uf * uf + 2.0) * (x00 * x00 + x01 * x01) - 2.0 * Dim

    y_ref[...] = _phase2_tail(uf, x00, x01, d00, d01, exit0, w0,
                              xs0_ref[...], xs1_ref[...], df0_ref[...],
                              df1_ref[...], epk_ref[...], A_ref[...],
                              exf_ref[...] > 0.0)


@jax.jit
def kernel(x0, dw, u):
    rows = NSAMP // LANES
    rows_a = NA // LANES
    blk_a = NA // BLK
    blk_b = NB // BLK

    x0t = x0.transpose(1, 0)
    dwt = dw.transpose(1, 2, 0)
    ub = jnp.full((16,), u, jnp.float32)
    u2d = jnp.reshape(u.astype(jnp.float32), (1, 1))

    x0r = x0t.reshape(2, rows, LANES)
    dwt4 = dwt.reshape(2, NSTEP, rows, LANES)
    dw0r = dwt4[:, 0]

    ph1 = _sc_phase1(x0t, dwt, ub)
    xs0, xs1, df0, df1, epk, A, exf = [v.reshape(rows_a, LANES) for v in ph1]

    pair_b = pl.BlockSpec((2, RB, LANES), lambda i: (0, blk_a + i, 0))
    y_b = pl.pallas_call(
        _tc_full_body,
        grid=(blk_b,),
        in_specs=[pair_b,
                  pl.BlockSpec((2, NSTEP, RB, LANES), lambda i: (0, 0, blk_a + i, 0)),
                  pl.BlockSpec(memory_space=pltpu.SMEM)],
        out_specs=pl.BlockSpec((RB, LANES), lambda i: (i, 0)),
        out_shape=jax.ShapeDtypeStruct((NB // LANES, LANES), jnp.float32),
    )(x0r, dwt4, u2d)

    row_spec = pl.BlockSpec((RB, LANES), lambda i: (i, 0))
    pair_a = pl.BlockSpec((2, RB, LANES), lambda i: (0, i, 0))
    y_a = pl.pallas_call(
        _tc_phase2_body,
        grid=(blk_a,),
        in_specs=[pair_a, pair_a,
                  pl.BlockSpec(memory_space=pltpu.SMEM),
                  row_spec, row_spec, row_spec, row_spec, row_spec,
                  row_spec, row_spec],
        out_specs=row_spec,
        out_shape=jax.ShapeDtypeStruct((rows_a, LANES), jnp.float32),
    )(x0r, dw0r, u2d, xs0, xs1, df0, df1, epk, A, exf)

    y = jnp.concatenate([y_a.reshape(-1), y_b.reshape(-1)])
    return y.reshape(NSAMP, 1)

# --- scband reference (transcript-rebuilt; emitter-appended) ---
"""Pipeline reference for scband-model-8830452760818 (READ-ONLY COPY).

The authoritative reference and input builder live on the scoring server;
editing this copy changes nothing except your own understanding.
"""

import jax, jax.numpy as jnp
import numpy as np

Dim = 2
R = 1.0
sigma = float(np.sqrt(2.0))
gamma = 1.0
num_interval = 50
total_time = 0.2
NUM_SAMPLE = 65536


def setup_inputs(seed: int = 0):
    key = jax.random.key(seed)
    k1, k2 = jax.random.split(key)
    delta_t = total_time / num_interval
    # x0 uniform in [-0.7, 0.7]^2 so every point lies strictly inside the unit ball (b(x0) < 0)
    x0 = jax.random.uniform(k1, (NUM_SAMPLE, Dim), minval=-0.7, maxval=0.7, dtype=jnp.float32)
    dw = jax.random.normal(k2, (NUM_SAMPLE, Dim, num_interval), dtype=jnp.float32) * np.sqrt(delta_t).astype(np.float32)
    u = jnp.array(-1.0, dtype=jnp.float32)  # learned scalar parameter of the model
    return {"x0": x0, "dw": dw, "u": u}


def _b(x):
    return jnp.sum(x ** 2, axis=1, keepdims=True) - R ** 2


def _rho(x_e, dr_e, df_e):
    # quartic-root solve for the fractional exit time (Ferrari), per sample
    a = jnp.sum(dr_e ** 2, axis=1)
    b = 2.0 * jnp.sum(dr_e * df_e, axis=1)
    c = jnp.sum(2.0 * dr_e * x_e + df_e ** 2, axis=1)
    d = 2.0 * jnp.sum(df_e * x_e, axis=1)
    e = jnp.sum(x_e ** 2, axis=1) - R ** 2
    p = (8.0 * a * c - 3.0 * b ** 2) / (8.0 * a ** 2)
    q = (b ** 3 - 4.0 * a * b * c + 8.0 * a ** 2 * d) / (8.0 * a ** 3)
    sign_q = jnp.sign(q)
    D0 = c ** 2 - 3.0 * b * d + 12.0 * a * e
    D1 = 2.0 * c ** 3 - 9.0 * b * c * d + 27.0 * b ** 2 * e + 27.0 * a * d ** 2 - 72.0 * a * c * e
    D2 = D1 ** 2 - 4.0 * D0 ** 3
    signal_D2 = jnp.ceil((jnp.sign(D2) + 1.0) / 2.0)
    QQ = (D1 + jnp.abs(D2) ** 0.5) / 2.0
    Q = jnp.sign(QQ) * jnp.abs(QQ) ** (1.0 / 3.0)
    S_plus = 0.5 * jnp.abs((Q + D0 / Q) / (3.0 * a) - 2.0 * p / 3.0) ** 0.5
    phi = jnp.arccos(jnp.minimum(jnp.abs(D1 ** 2 / 4.0 / D0 ** 3) ** 0.5, 1.0))
    S_minus = 0.5 * jnp.abs(2.0 * jnp.abs(D0) ** 0.5 * jnp.cos(phi / 3.0) / (3.0 * a) - 2.0 * p / 3.0) ** 0.5
    S = signal_D2 * S_plus + (1.0 - signal_D2) * S_minus
    temp = -4.0 * S ** 2 - 2.0 * p + jnp.abs(q / S)
    sqrt_rho = 0.5 * jnp.abs(temp) ** 0.5 - b / (4.0 * a) - sign_q * S
    bad = (1.0 - sqrt_rho) * sqrt_rho < 0.0
    new_temp = -4.0 * S ** 2 - 2.0 * p - jnp.abs(q / S)
    new_sqrt_rho = 0.5 * jnp.abs(new_temp) ** 0.5 - b / (4.0 * a) + sign_q * S
    sqrt_rho_final = jnp.where(bad, new_sqrt_rho, sqrt_rho)
    return sqrt_rho_final ** 2


def _propagate(x0, dw, u):
    num_sample, dim = x0.shape
    N = num_interval
    delta_t = total_time / N
    x_list = [x0]
    x_i = x0
    flag = jnp.ones((num_sample,), dtype=x0.dtype)
    coefs = []
    for i in range(N):
        drift = u * x_i * delta_t
        diff = sigma * dw[:, :, i]
        delta_x = drift + diff
        x_next = x_i + delta_x
        Exit = jnp.reshape(jnp.ceil((jnp.sign(_b(x_next)) + 1.0) / 2.0), (num_sample,))
        coef_temp = (1.0 - Exit) * flag
        mask = (flag * Exit) == 1.0
        m2 = mask[:, None]
        # safe fill values keep the unselected branch finite (TF gathers exit rows instead)
        x_e = jnp.where(m2, x_i, 0.1)
        dr_e = jnp.where(m2, drift, 0.01)
        df_e = jnp.where(m2, diff, 0.01)
        rho = _rho(x_e, dr_e, df_e)
        coef_i = jnp.where(mask, rho, coef_temp)  # == tensor_scatter_nd_update(coef_temp, exit_idx, rho)
        coefs.append(coef_i[:, None])
        if i > 0:
            x_i = x_i + drift * coef_i[:, None] + diff * (coef_i ** 0.5)[:, None]
            x_list.append(x_i)
            flag = flag * (1.0 - Exit)
    x = jnp.stack(x_list, axis=2)
    coef = jnp.concatenate(coefs, axis=1)
    return x, coef


def reference(x0, dw, u):
    x, coef = _propagate(x0, dw, u)
    delta_t = total_time / num_interval
    y = 0.0
    discount = 1.0
    for t in range(num_interval):
        w = (u ** 2 + 2.0) * jnp.sum(x[:, :, t] ** 2, axis=1, keepdims=True) - 2.0 * Dim
        y = y + coef[:, t:t + 1] * w * delta_t * discount
        discount = discount * jnp.exp(-gamma * delta_t * coef[:, t:t + 1])
    y = y + discount * jnp.sum(x[:, :, -1] ** 2, axis=1, keepdims=True)
    return y

if __name__ == "__main__":
    import jax
    _d = setup_inputs()
    print(jax.jit(kernel)(*tuple(_d.values())))

</pallas_src>

<mosaic_0001>
#map = affine_map<(d0, d1) -> (0, 0)>
#map1 = affine_map<(d0, d1) -> (0, 0, 0)>
#map2 = affine_map<(d0, d1) -> (0)>
module attributes {stable_mosaic.version = 14 : i64} {
  func.func @_sc_phase1_body(%arg0: i32, %arg1: i32, %arg2: memref<2x65536xf32, #tpu.memory_space<hbm>>, %arg3: memref<2x50x65536xf32, #tpu.memory_space<hbm>>, %arg4: memref<16xf32, #tpu.memory_space<hbm>>, %arg5: memref<32768xf32, #tpu.memory_space<hbm>>, %arg6: memref<32768xf32, #tpu.memory_space<hbm>>, %arg7: memref<32768xf32, #tpu.memory_space<hbm>>, %arg8: memref<32768xf32, #tpu.memory_space<hbm>>, %arg9: memref<32768xf32, #tpu.memory_space<hbm>>, %arg10: memref<32768xf32, #tpu.memory_space<hbm>>, %arg11: memref<32768xf32, #tpu.memory_space<hbm>>, %arg12: memref<2x50x512xf32, #tpu.memory_space<vmem>>, %arg13: memref<2x512xf32, #tpu.memory_space<vmem>>, %arg14: memref<16xf32, #tpu.memory_space<vmem>>, %arg15: memref<512xf32, #tpu.memory_space<vmem>>, %arg16: memref<512xf32, #tpu.memory_space<vmem>>, %arg17: memref<512xf32, #tpu.memory_space<vmem>>, %arg18: memref<512xf32, #tpu.memory_space<vmem>>, %arg19: memref<512xf32, #tpu.memory_space<vmem>>, %arg20: memref<512xf32, #tpu.memory_space<vmem>>, %arg21: memref<512xf32, #tpu.memory_space<vmem>>) attributes {dimension_semantics = [#tpu.dimension_semantics<core_parallel>, #tpu.dimension_semantics<subcore_parallel>], iteration_bounds = array<i64: 2, 16>, scalar_prefetch = 0 : i64, scratch_operands = 10 : i64, tpu.core_type = #tpu.core_type<sc_vector_subcore>, window_params = [{transform_indices = #map}, {transform_indices = #map1}, {transform_indices = #map2}, {transform_indices = #map2}, {transform_indices = #map2}, {transform_indices = #map2}, {transform_indices = #map2}, {transform_indices = #map2}, {transform_indices = #map2}, {transform_indices = #map2}]} {
    %mul3A = arith.constant 2 : i32
    %mul3A_0 = arith.muli %arg1, %mul3A : i32
    %add3A = arith.addi %mul3A_0, %arg0 : i32
    "tpu.region"() ({
      %run_scoped3A = tpu.sem_alloc : memref<!tpu.dma_semaphore, #tpu.memory_space<semaphore_mem>>
      tpu.enqueue_dma source(%arg4 : memref<16xf32, #tpu.memory_space<hbm>>) target(%arg14 : memref<16xf32, #tpu.memory_space<vmem>>) target_semaphore(%run_scoped3A : memref<!tpu.dma_semaphore, #tpu.memory_space<semaphore_mem>>)
      tpu.wait_dma2 semaphore(%run_scoped3A : memref<!tpu.dma_semaphore, #tpu.memory_space<semaphore_mem>>) src(%arg4 : memref<16xf32, #tpu.memory_space<hbm>>) dst(%arg14 : memref<16xf32, #tpu.memory_space<vmem>>)
      tpu.yield
    }) : () -> ()
    %get3A = arith.constant 0 : index
    %get3A_1 = tpu.vector_load %arg14[%get3A] {strides = array<i32>} : memref<16xf32, #tpu.memory_space<vmem>>, vector<16xf32>,
    %get3A_2 = vector.shape_cast %get3A_1 : vector<16xf32> to vector<16xf32>
    %mul3A_3 = arith.constant 1024 : i32
    %mul3A_4 = arith.muli %add3A, %mul3A_3 : i32
    %add3A_5 = arith.constant 0 : i32
    %add3A_6 = arith.addi %mul3A_4, %add3A_5 : i32
    "tpu.region"() ({
      %run_scoped3A = tpu.sem_alloc : memref<!tpu.dma_semaphore, #tpu.memory_space<semaphore_mem>>
      %dma_start3A = arith.constant 0 : i32
      %dma_start3A_22 = arith.constant 0 : i32
      %dma_start3A_23 = tpu.memref_slice %arg3[%dma_start3A, %dma_start3A_22, %add3A_6] : memref<2x50x65536xf32, #tpu.memory_space<hbm>> -> memref<2x50x512xf32, #tpu.memory_space<hbm>>
      %dma_start3A_24 = arith.constant 0 : i32
      %dma_start3A_25 = arith.constant 0 : i32
      %dma_start3A_26 = tpu.memref_slice %arg3[%dma_start3A_24, %dma_start3A_25, %add3A_6] : memref<2x50x65536xf32, #tpu.memory_space<hbm>> -> memref<2x50x512xf32, #tpu.memory_space<hbm>>
      tpu.enqueue_dma source(%dma_start3A_26 : memref<2x50x512xf32, #tpu.memory_space<hbm>>) target(%arg12 : memref<2x50x512xf32, #tpu.memory_space<vmem>>) target_semaphore(%run_scoped3A : memref<!tpu.dma_semaphore, #tpu.memory_space<semaphore_mem>>)
      %dma_wait3A = arith.constant 0 : i32
      %dma_wait3A_27 = arith.constant 0 : i32
      %dma_wait3A_28 = tpu.memref_slice %arg3[%dma_wait3A, %dma_wait3A_27, %add3A_6] : memref<2x50x65536xf32, #tpu.memory_space<hbm>> -> memref<2x50x512xf32, #tpu.memory_space<hbm>>
      %dma_wait3A_29 = arith.constant 0 : i32
      %dma_wait3A_30 = arith.constant 0 : i32
      %dma_wait3A_31 = tpu.memref_slice %arg3[%dma_wait3A_29, %dma_wait3A_30, %add3A_6] : memref<2x50x65536xf32, #tpu.memory_space<hbm>> -> memref<2x50x512xf32, #tpu.memory_space<hbm>>
      tpu.wait_dma2 semaphore(%run_scoped3A : memref<!tpu.dma_semaphore, #tpu.memory_space<semaphore_mem>>) src(%dma_wait3A_31 : memref<2x50x512xf32, #tpu.memory_space<hbm>>) dst(%arg12 : memref<2x50x512xf32, #tpu.memory_space<vmem>>)
      tpu.yield
    }) : () -> ()
    "tpu.region"() ({
      %run_scoped3A = tpu.sem_alloc : memref<!tpu.dma_semaphore, #tpu.memory_space<semaphore_mem>>
      %dma_start3A = arith.constant 0 : i32
      %dma_start3A_22 = tpu.memref_slice %arg2[%dma_start3A, %add3A_6] : memref<2x65536xf32, #tpu.memory_space<hbm>> -> memref<2x512xf32, #tpu.memory_space<hbm>>
      %dma_start3A_23 = arith.constant 0 : i32
      %dma_start3A_24 = tpu.memref_slice %arg2[%dma_start3A_23, %add3A_6] : memref<2x65536xf32, #tpu.memory_space<hbm>> -> memref<2x512xf32, #tpu.memory_space<hbm>>
      tpu.enqueue_dma source(%dma_start3A_24 : memref<2x512xf32, #tpu.memory_space<hbm>>) target(%arg13 : memref<2x512xf32, #tpu.memory_space<vmem>>) target_semaphore(%run_scoped3A : memref<!tpu.dma_semaphore, #tpu.memory_space<semaphore_mem>>)
      %dma_wait3A = arith.constant 0 : i32
      %dma_wait3A_25 = tpu.memref_slice %arg2[%dma_wait3A, %add3A_6] : memref<2x65536xf32, #tpu.memory_space<hbm>> -> memref<2x512xf32, #tpu.memory_space<hbm>>
      %dma_wait3A_26 = arith.constant 0 : i32
      %dma_wait3A_27 = tpu.memref_slice %arg2[%dma_wait3A_26, %add3A_6] : memref<2x65536xf32, #tpu.memory_space<hbm>> -> memref<2x512xf32, #tpu.memory_space<hbm>>
      tpu.wait_dma2 semaphore(%run_scoped3A : memref<!tpu.dma_semaphore, #tpu.memory_space<semaphore_mem>>) src(%dma_wait3A_27 : memref<2x512xf32, #tpu.memory_space<hbm>>) dst(%arg13 : memref<2x512xf32, #tpu.memory_space<vmem>>)
      tpu.yield
    }) : () -> ()
    %scan3A = arith.constant 0 : i32
    %scan3A_7 = arith.constant 0 : i32
    %scan3A_8 = arith.constant 32 : i32
    %scan3A_9 = arith.addi %scan3A_7, %scan3A_8 : i32
    %scan3A_10 = arith.constant 2 : i32
    scf.for %scan3A_22 = %scan3A_7 to %scan3A_9 step %scan3A_10  : i32 {
      %mul3A_23 = arith.constant 16 : i32
      %mul3A_24 = arith.muli %scan3A_22, %mul3A_23 : i32
      %get3A_25 = arith.constant 0 : i32
      %get3A_26 = arith.index_cast %get3A_25 : i32 to index
      %get3A_27 = arith.index_cast %mul3A_24 : i32 to index
      %get3A_28 = tpu.vector_load %arg13[%get3A_26, %get3A_27] {strides = array<i32>} : memref<2x512xf32, #tpu.memory_space<vmem>>, vector<1x16xf32>,
      %get3A_29 = vector.shape_cast %get3A_28 : vector<1x16xf32> to vector<16xf32>
      %get3A_30 = arith.constant 1 : i32
      %get3A_31 = arith.index_cast %get3A_30 : i32 to index
      %get3A_32 = arith.index_cast %mul3A_24 : i32 to index
      %get3A_33 = tpu.vector_load %arg13[%get3A_31, %get3A_32] {strides = array<i32>} : memref<2x512xf32, #tpu.memory_space<vmem>>, vector<1x16xf32>,
      %get3A_34 = vector.shape_cast %get3A_33 : vector<1x16xf32> to vector<16xf32>
      %broadcast_in_dim3A = arith.constant 0.000000e+00 : f32
      %broadcast_in_dim3A_35 = vector.broadcast %broadcast_in_dim3A : f32 to vector<16xf32>
      %broadcast_in_dim3A_36 = arith.constant 1.000000e+00 : f32
      %broadcast_in_dim3A_37 = vector.broadcast %broadcast_in_dim3A_36 : f32 to vector<16xf32>
      %scan3A_38 = arith.constant 1 : i32
      %scan3A_39 = arith.constant 48 : i32
      %scan3A_40 = arith.addi %scan3A_38, %scan3A_39 : i32
      %scan3A_41 = arith.constant 2 : i32
      %scan3A_42:11 = scf.for %scan3A_290 = %scan3A_38 to %scan3A_40 step %scan3A_41 iter_args(%scan3A_291 = %get3A_29, %scan3A_292 = %get3A_34, %scan3A_293 = %broadcast_in_dim3A_37, %scan3A_294 = %broadcast_in_dim3A_35, %scan3A_295 = %broadcast_in_dim3A_35, %scan3A_296 = %broadcast_in_dim3A_37, %scan3A_297 = %broadcast_in_dim3A_35, %scan3A_298 = %broadcast_in_dim3A_35, %scan3A_299 = %broadcast_in_dim3A_35, %scan3A_300 = %broadcast_in_dim3A_35, %scan3A_301 = %broadcast_in_dim3A_35) -> (vector<16xf32>, vector<16xf32>, vector<16xf32>, vector<16xf32>, vector<16xf32>, vector<16xf32>, vector<16xf32>, vector<16xf32>, vector<16xf32>, vector<16xf32>, vector<16xf32>)  : i32 {
        %get3A_302 = arith.constant 0 : i32
        %get3A_303 = arith.index_cast %get3A_302 : i32 to index
        %get3A_304 = arith.index_cast %scan3A_290 : i32 to index
        %get3A_305 = arith.index_cast %mul3A_24 : i32 to index
        %get3A_306 = tpu.vector_load %arg12[%get3A_303, %get3A_304, %get3A_305] {strides = array<i32>} : memref<2x50x512xf32, #tpu.memory_space<vmem>>, vector<1x1x16xf32>,
        %get3A_307 = vector.shape_cast %get3A_306 : vector<1x1x16xf32> to vector<16xf32>
        %mul3A_308 = arith.constant 1.41421354 : f32
        %mul3A_309 = vector.broadcast %mul3A_308 : f32 to vector<16xf32>
        %mul3A_310 = arith.mulf %mul3A_309, %get3A_307 : vector<16xf32>
        %get3A_311 = arith.constant 1 : i32
        %get3A_312 = arith.index_cast %get3A_311 : i32 to index
        %get3A_313 = arith.index_cast %scan3A_290 : i32 to index
        %get3A_314 = arith.index_cast %mul3A_24 : i32 to index
        %get3A_315 = tpu.vector_load %arg12[%get3A_312, %get3A_313, %get3A_314] {strides = array<i32>} : memref<2x50x512xf32, #tpu.memory_space<vmem>>, vector<1x1x16xf32>,
        %get3A_316 = vector.shape_cast %get3A_315 : vector<1x1x16xf32> to vector<16xf32>
        %mul3A_317 = arith.constant 1.41421354 : f32
        %mul3A_318 = vector.broadcast %mul3A_317 : f32 to vector<16xf32>
        %mul3A_319 = arith.mulf %mul3A_318, %get3A_316 : vector<16xf32>
        %mul3A_320 = arith.mulf %get3A_2, %scan3A_291 : vector<16xf32>
        %mul3A_321 = arith.constant 4.000000e-03 : f32
        %mul3A_322 = vector.broadcast %mul3A_321 : f32 to vector<16xf32>
        %mul3A_323 = arith.mulf %mul3A_320, %mul3A_322 : vector<16xf32>
        %mul3A_324 = arith.mulf %get3A_2, %scan3A_292 : vector<16xf32>
        %mul3A_325 = arith.constant 4.000000e-03 : f32
        %mul3A_326 = vector.broadcast %mul3A_325 : f32 to vector<16xf32>
        %mul3A_327 = arith.mulf %mul3A_324, %mul3A_326 : vector<16xf32>
        %add3A_328 = arith.addf %mul3A_323, %mul3A_310 : vector<16xf32>
        %add3A_329 = arith.addf %scan3A_291, %add3A_328 : vector<16xf32>
        %add3A_330 = arith.addf %mul3A_327, %mul3A_319 : vector<16xf32>
        %add3A_331 = arith.addf %scan3A_292, %add3A_330 : vector<16xf32>
        %mul3A_332 = arith.mulf %add3A_329, %add3A_329 : vector<16xf32>
        %mul3A_333 = arith.mulf %add3A_331, %add3A_331 : vector<16xf32>
        %add3A_334 = arith.addf %mul3A_332, %mul3A_333 : vector<16xf32>
        %lt3A_335 = arith.constant 1.000000e+00 : f32
        %lt3A_336 = vector.broadcast %lt3A_335 : f32 to vector<16xf32>
        %lt3A_337 = arith.cmpf olt, %add3A_334, %lt3A_336 : vector<16xf32>
        %jit3A_338 = arith.constant 1.000000e+00 : f32
        %jit3A_339 = arith.constant 0.000000e+00 : f32
        %broadcast_in_dim3A_340 = vector.broadcast %jit3A_338 : f32 to vector<16xf32>
        %broadcast_in_dim3A_341 = vector.broadcast %jit3A_339 : f32 to vector<16xf32>
        %select_n3A_342 = arith.select %lt3A_337, %broadcast_in_dim3A_340, %broadcast_in_dim3A_341 : vector<16xi1>, vector<16xf32>
        %add3A_343 = arith.addf %scan3A_291, %mul3A_323 : vector<16xf32>
        %add3A_344 = arith.addf %add3A_343, %mul3A_310 : vector<16xf32>
        %add3A_345 = arith.addf %scan3A_292, %mul3A_327 : vector<16xf32>
        %add3A_346 = arith.addf %add3A_345, %mul3A_319 : vector<16xf32>
        %mul3A_347 = arith.mulf %scan3A_293, %select_n3A_342 : vector<16xf32>
        %sub3A_348 = arith.subf %scan3A_293, %mul3A_347 : vector<16xf32>
        %gt3A_349 = arith.constant 0.000000e+00 : f32
        %gt3A_350 = vector.broadcast %gt3A_349 : f32 to vector<16xf32>
        %gt3A_351 = arith.cmpf ogt, %sub3A_348, %gt3A_350 : vector<16xf32>
        %gt3A_352 = arith.constant 0.000000e+00 : f32
        %gt3A_353 = vector.broadcast %gt3A_352 : f32 to vector<16xf32>
        %gt3A_354 = arith.cmpf ogt, %mul3A_347, %gt3A_353 : vector<16xf32>
        %select_n3A_355 = arith.select %gt3A_351, %scan3A_291, %scan3A_298 : vector<16xi1>, vector<16xf32>
        %select_n3A_356 = arith.select %gt3A_351, %scan3A_292, %scan3A_299 : vector<16xi1>, vector<16xf32>
        %select_n3A_357 = arith.select %gt3A_351, %mul3A_310, %scan3A_300 : vector<16xi1>, vector<16xf32>
        %select_n3A_358 = arith.select %gt3A_351, %mul3A_319, %scan3A_301 : vector<16xi1>, vector<16xf32>
        %select_n3A_359 = arith.select %gt3A_351, %scan3A_296, %scan3A_297 : vector<16xi1>, vector<16xf32>
        %add3A_360 = arith.addf %scan3A_294, %sub3A_348 : vector<16xf32>
        %select_n3A_361 = arith.select %gt3A_354, %add3A_344, %scan3A_291 : vector<16xi1>, vector<16xf32>
        %select_n3A_362 = arith.select %gt3A_354, %add3A_346, %scan3A_292 : vector<16xi1>, vector<16xf32>
        %mul3A_363 = arith.mulf %get3A_2, %get3A_2 : vector<16xf32>
        %add3A_364 = arith.constant 2.000000e+00 : f32
        %add3A_365 = vector.broadcast %add3A_364 : f32 to vector<16xf32>
        %add3A_366 = arith.addf %mul3A_363, %add3A_365 : vector<16xf32>
        %mul3A_367 = arith.mulf %select_n3A_361, %select_n3A_361 : vector<16xf32>
        %mul3A_368 = arith.mulf %select_n3A_362, %select_n3A_362 : vector<16xf32>
        %add3A_369 = arith.addf %mul3A_367, %mul3A_368 : vector<16xf32>
        %mul3A_370 = arith.mulf %add3A_366, %add3A_369 : vector<16xf32>
        %sub3A_371 = arith.constant 4.000000e+00 : f32
        %sub3A_372 = vector.broadcast %sub3A_371 : f32 to vector<16xf32>
        %sub3A_373 = arith.subf %mul3A_370, %sub3A_372 : vector<16xf32>
        %mul3A_374 = arith.mulf %sub3A_373, %scan3A_296 : vector<16xf32>
        %mul3A_375 = arith.mulf %mul3A_347, %mul3A_374 : vector<16xf32>
        %add3A_376 = arith.addf %scan3A_295, %mul3A_375 : vector<16xf32>
        %mul3A_377 = arith.constant 0.996007978 : f32
        %mul3A_378 = vector.broadcast %mul3A_377 : f32 to vector<16xf32>
        %mul3A_379 = arith.mulf %scan3A_296, %mul3A_378 : vector<16xf32>
        %scan3A_380 = arith.constant 1 : i32
        %scan3A_381 = arith.addi %scan3A_290, %scan3A_380 : i32
        %get3A_382 = arith.constant 0 : i32
        %get3A_383 = arith.index_cast %get3A_382 : i32 to index
        %get3A_384 = arith.index_cast %scan3A_381 : i32 to index
        %get3A_385 = arith.index_cast %mul3A_24 : i32 to index
        %get3A_386 = tpu.vector_load %arg12[%get3A_383, %get3A_384, %get3A_385] {strides = array<i32>} : memref<2x50x512xf32, #tpu.memory_space<vmem>>, vector<1x1x16xf32>,
        %get3A_387 = vector.shape_cast %get3A_386 : vector<1x1x16xf32> to vector<16xf32>
        %mul3A_388 = arith.constant 1.41421354 : f32
        %mul3A_389 = vector.broadcast %mul3A_388 : f32 to vector<16xf32>
        %mul3A_390 = arith.mulf %mul3A_389, %get3A_387 : vector<16xf32>
        %get3A_391 = arith.constant 1 : i32
        %get3A_392 = arith.index_cast %get3A_391 : i32 to index
        %get3A_393 = arith.index_cast %scan3A_381 : i32 to index
        %get3A_394 = arith.index_cast %mul3A_24 : i32 to index
        %get3A_395 = tpu.vector_load %arg12[%get3A_392, %get3A_393, %get3A_394] {strides = array<i32>} : memref<2x50x512xf32, #tpu.memory_space<vmem>>, vector<1x1x16xf32>,
        %get3A_396 = vector.shape_cast %get3A_395 : vector<1x1x16xf32> to vector<16xf32>
        %mul3A_397 = arith.constant 1.41421354 : f32
        %mul3A_398 = vector.broadcast %mul3A_397 : f32 to vector<16xf32>
        %mul3A_399 = arith.mulf %mul3A_398, %get3A_396 : vector<16xf32>
        %mul3A_400 = arith.mulf %get3A_2, %select_n3A_361 : vector<16xf32>
        %mul3A_401 = arith.constant 4.000000e-03 : f32
        %mul3A_402 = vector.broadcast %mul3A_401 : f32 to vector<16xf32>
        %mul3A_403 = arith.mulf %mul3A_400, %mul3A_402 : vector<16xf32>
        %mul3A_404 = arith.mulf %get3A_2, %select_n3A_362 : vector<16xf32>
        %mul3A_405 = arith.constant 4.000000e-03 : f32
        %mul3A_406 = vector.broadcast %mul3A_405 : f32 to vector<16xf32>
        %mul3A_407 = arith.mulf %mul3A_404, %mul3A_406 : vector<16xf32>
        %add3A_408 = arith.addf %mul3A_403, %mul3A_390 : vector<16xf32>
        %add3A_409 = arith.addf %select_n3A_361, %add3A_408 : vector<16xf32>
        %add3A_410 = arith.addf %mul3A_407, %mul3A_399 : vector<16xf32>
        %add3A_411 = arith.addf %select_n3A_362, %add3A_410 : vector<16xf32>
        %mul3A_412 = arith.mulf %add3A_409, %add3A_409 : vector<16xf32>
        %mul3A_413 = arith.mulf %add3A_411, %add3A_411 : vector<16xf32>
        %add3A_414 = arith.addf %mul3A_412, %mul3A_413 : vector<16xf32>
        %lt3A_415 = arith.constant 1.000000e+00 : f32
        %lt3A_416 = vector.broadcast %lt3A_415 : f32 to vector<16xf32>
        %lt3A_417 = arith.cmpf olt, %add3A_414, %lt3A_416 : vector<16xf32>
        %jit3A_418 = arith.constant 1.000000e+00 : f32
        %jit3A_419 = arith.constant 0.000000e+00 : f32
        %broadcast_in_dim3A_420 = vector.broadcast %jit3A_418 : f32 to vector<16xf32>
        %broadcast_in_dim3A_421 = vector.broadcast %jit3A_419 : f32 to vector<16xf32>
        %select_n3A_422 = arith.select %lt3A_417, %broadcast_in_dim3A_420, %broadcast_in_dim3A_421 : vector<16xi1>, vector<16xf32>
        %add3A_423 = arith.addf %select_n3A_361, %mul3A_403 : vector<16xf32>
        %add3A_424 = arith.addf %add3A_423, %mul3A_390 : vector<16xf32>
        %add3A_425 = arith.addf %select_n3A_362, %mul3A_407 : vector<16xf32>
        %add3A_426 = arith.addf %add3A_425, %mul3A_399 : vector<16xf32>
        %mul3A_427 = arith.mulf %mul3A_347, %select_n3A_422 : vector<16xf32>
        %sub3A_428 = arith.subf %mul3A_347, %mul3A_427 : vector<16xf32>
        %gt3A_429 = arith.constant 0.000000e+00 : f32
        %gt3A_430 = vector.broadcast %gt3A_429 : f32 to vector<16xf32>
        %gt3A_431 = arith.cmpf ogt, %sub3A_428, %gt3A_430 : vector<16xf32>
        %gt3A_432 = arith.constant 0.000000e+00 : f32
        %gt3A_433 = vector.broadcast %gt3A_432 : f32 to vector<16xf32>
        %gt3A_434 = arith.cmpf ogt, %mul3A_427, %gt3A_433 : vector<16xf32>
        %select_n3A_435 = arith.select %gt3A_431, %select_n3A_361, %select_n3A_355 : vector<16xi1>, vector<16xf32>
        %select_n3A_436 = arith.select %gt3A_431, %select_n3A_362, %select_n3A_356 : vector<16xi1>, vector<16xf32>
        %select_n3A_437 = arith.select %gt3A_431, %mul3A_390, %select_n3A_357 : vector<16xi1>, vector<16xf32>
        %select_n3A_438 = arith.select %gt3A_431, %mul3A_399, %select_n3A_358 : vector<16xi1>, vector<16xf32>
        %select_n3A_439 = arith.select %gt3A_431, %mul3A_379, %select_n3A_359 : vector<16xi1>, vector<16xf32>
        %add3A_440 = arith.addf %add3A_360, %sub3A_428 : vector<16xf32>
        %select_n3A_441 = arith.select %gt3A_434, %add3A_424, %select_n3A_361 : vector<16xi1>, vector<16xf32>
        %select_n3A_442 = arith.select %gt3A_434, %add3A_426, %select_n3A_362 : vector<16xi1>, vector<16xf32>
        %mul3A_443 = arith.mulf %get3A_2, %get3A_2 : vector<16xf32>
        %add3A_444 = arith.constant 2.000000e+00 : f32
        %add3A_445 = vector.broadcast %add3A_444 : f32 to vector<16xf32>
        %add3A_446 = arith.addf %mul3A_443, %add3A_445 : vector<16xf32>
        %mul3A_447 = arith.mulf %select_n3A_441, %select_n3A_441 : vector<16xf32>
        %mul3A_448 = arith.mulf %select_n3A_442, %select_n3A_442 : vector<16xf32>
        %add3A_449 = arith.addf %mul3A_447, %mul3A_448 : vector<16xf32>
        %mul3A_450 = arith.mulf %add3A_446, %add3A_449 : vector<16xf32>
        %sub3A_451 = arith.constant 4.000000e+00 : f32
        %sub3A_452 = vector.broadcast %sub3A_451 : f32 to vector<16xf32>
        %sub3A_453 = arith.subf %mul3A_450, %sub3A_452 : vector<16xf32>
        %mul3A_454 = arith.mulf %sub3A_453, %mul3A_379 : vector<16xf32>
        %mul3A_455 = arith.mulf %mul3A_427, %mul3A_454 : vector<16xf32>
        %add3A_456 = arith.addf %add3A_376, %mul3A_455 : vector<16xf32>
        %mul3A_457 = arith.constant 0.996007978 : f32
        %mul3A_458 = vector.broadcast %mul3A_457 : f32 to vector<16xf32>
        %mul3A_459 = arith.mulf %mul3A_379, %mul3A_458 : vector<16xf32>
        scf.yield %select_n3A_441, %select_n3A_442, %mul3A_427, %add3A_440, %add3A_456, %mul3A_459, %select_n3A_439, %select_n3A_435, %select_n3A_436, %select_n3A_437, %select_n3A_438 : vector<16xf32>, vector<16xf32>, vector<16xf32>, vector<16xf32>, vector<16xf32>, vector<16xf32>, vector<16xf32>, vector<16xf32>, vector<16xf32>, vector<16xf32>, vector<16xf32>
      }
      %scan3A_43 = arith.constant 48 : i32
      %scan3A_44 = arith.addi %scan3A_38, %scan3A_43 : i32
      %get3A_45 = arith.constant 0 : i32
      %get3A_46 = arith.index_cast %get3A_45 : i32 to index
      %get3A_47 = arith.index_cast %scan3A_44 : i32 to index
      %get3A_48 = arith.index_cast %mul3A_24 : i32 to index
      %get3A_49 = tpu.vector_load %arg12[%get3A_46, %get3A_47, %get3A_48] {strides = array<i32>} : memref<2x50x512xf32, #tpu.memory_space<vmem>>, vector<1x1x16xf32>,
      %get3A_50 = vector.shape_cast %get3A_49 : vector<1x1x16xf32> to vector<16xf32>
      %mul3A_51 = arith.constant 1.41421354 : f32
      %mul3A_52 = vector.broadcast %mul3A_51 : f32 to vector<16xf32>
      %mul3A_53 = arith.mulf %mul3A_52, %get3A_50 : vector<16xf32>
      %get3A_54 = arith.constant 1 : i32
      %get3A_55 = arith.index_cast %get3A_54 : i32 to index
      %get3A_56 = arith.index_cast %scan3A_44 : i32 to index
      %get3A_57 = arith.index_cast %mul3A_24 : i32 to index
      %get3A_58 = tpu.vector_load %arg12[%get3A_55, %get3A_56, %get3A_57] {strides = array<i32>} : memref<2x50x512xf32, #tpu.memory_space<vmem>>, vector<1x1x16xf32>,
      %get3A_59 = vector.shape_cast %get3A_58 : vector<1x1x16xf32> to vector<16xf32>
      %mul3A_60 = arith.constant 1.41421354 : f32
      %mul3A_61 = vector.broadcast %mul3A_60 : f32 to vector<16xf32>
      %mul3A_62 = arith.mulf %mul3A_61, %get3A_59 : vector<16xf32>
      %mul3A_63 = arith.mulf %get3A_2, %scan3A_42#0 : vector<16xf32>
      %mul3A_64 = arith.constant 4.000000e-03 : f32
      %mul3A_65 = vector.broadcast %mul3A_64 : f32 to vector<16xf32>
      %mul3A_66 = arith.mulf %mul3A_63, %mul3A_65 : vector<16xf32>
      %mul3A_67 = arith.mulf %get3A_2, %scan3A_42#1 : vector<16xf32>
      %mul3A_68 = arith.constant 4.000000e-03 : f32
      %mul3A_69 = vector.broadcast %mul3A_68 : f32 to vector<16xf32>
      %mul3A_70 = arith.mulf %mul3A_67, %mul3A_69 : vector<16xf32>
      %add3A_71 = arith.addf %mul3A_66, %mul3A_53 : vector<16xf32>
      %add3A_72 = arith.addf %scan3A_42#0, %add3A_71 : vector<16xf32>
      %add3A_73 = arith.addf %mul3A_70, %mul3A_62 : vector<16xf32>
      %add3A_74 = arith.addf %scan3A_42#1, %add3A_73 : vector<16xf32>
      %mul3A_75 = arith.mulf %add3A_72, %add3A_72 : vector<16xf32>
      %mul3A_76 = arith.mulf %add3A_74, %add3A_74 : vector<16xf32>
      %add3A_77 = arith.addf %mul3A_75, %mul3A_76 : vector<16xf32>
      %lt3A = arith.constant 1.000000e+00 : f32
      %lt3A_78 = vector.broadcast %lt3A : f32 to vector<16xf32>
      %lt3A_79 = arith.cmpf olt, %add3A_77, %lt3A_78 : vector<16xf32>
      %jit3A = arith.constant 1.000000e+00 : f32
      %jit3A_80 = arith.constant 0.000000e+00 : f32
      %broadcast_in_dim3A_81 = vector.broadcast %jit3A : f32 to vector<16xf32>
      %broadcast_in_dim3A_82 = vector.broadcast %jit3A_80 : f32 to vector<16xf32>
      %select_n3A = arith.select %lt3A_79, %broadcast_in_dim3A_81, %broadcast_in_dim3A_82 : vector<16xi1>, vector<16xf32>
      %add3A_83 = arith.addf %scan3A_42#0, %mul3A_66 : vector<16xf32>
      %add3A_84 = arith.addf %add3A_83, %mul3A_53 : vector<16xf32>
      %add3A_85 = arith.addf %scan3A_42#1, %mul3A_70 : vector<16xf32>
      %add3A_86 = arith.addf %add3A_85, %mul3A_62 : vector<16xf32>
      %mul3A_87 = arith.mulf %scan3A_42#2, %select_n3A : vector<16xf32>
      %sub3A = arith.subf %scan3A_42#2, %mul3A_87 : vector<16xf32>
      %gt3A = arith.constant 0.000000e+00 : f32
      %gt3A_88 = vector.broadcast %gt3A : f32 to vector<16xf32>
      %gt3A_89 = arith.cmpf ogt, %sub3A, %gt3A_88 : vector<16xf32>
      %gt3A_90 = arith.constant 0.000000e+00 : f32
      %gt3A_91 = vector.broadcast %gt3A_90 : f32 to vector<16xf32>
      %gt3A_92 = arith.cmpf ogt, %mul3A_87, %gt3A_91 : vector<16xf32>
      %select_n3A_93 = arith.select %gt3A_89, %scan3A_42#0, %scan3A_42#7 : vector<16xi1>, vector<16xf32>
      %select_n3A_94 = arith.select %gt3A_89, %scan3A_42#1, %scan3A_42#8 : vector<16xi1>, vector<16xf32>
      %select_n3A_95 = arith.select %gt3A_89, %mul3A_53, %scan3A_42#9 : vector<16xi1>, vector<16xf32>
      %select_n3A_96 = arith.select %gt3A_89, %mul3A_62, %scan3A_42#10 : vector<16xi1>, vector<16xf32>
      %select_n3A_97 = arith.select %gt3A_89, %scan3A_42#5, %scan3A_42#6 : vector<16xi1>, vector<16xf32>
      %add3A_98 = arith.addf %scan3A_42#3, %sub3A : vector<16xf32>
      %select_n3A_99 = arith.select %gt3A_92, %add3A_84, %scan3A_42#0 : vector<16xi1>, vector<16xf32>
      %select_n3A_100 = arith.select %gt3A_92, %add3A_86, %scan3A_42#1 : vector<16xi1>, vector<16xf32>
      %mul3A_101 = arith.mulf %get3A_2, %get3A_2 : vector<16xf32>
      %add3A_102 = arith.constant 2.000000e+00 : f32
      %add3A_103 = vector.broadcast %add3A_102 : f32 to vector<16xf32>
      %add3A_104 = arith.addf %mul3A_101, %add3A_103 : vector<16xf32>
      %mul3A_105 = arith.mulf %select_n3A_99, %select_n3A_99 : vector<16xf32>
      %mul3A_106 = arith.mulf %select_n3A_100, %select_n3A_100 : vector<16xf32>
      %add3A_107 = arith.addf %mul3A_105, %mul3A_106 : vector<16xf32>
      %mul3A_108 = arith.mulf %add3A_104, %add3A_107 : vector<16xf32>
      %sub3A_109 = arith.constant 4.000000e+00 : f32
      %sub3A_110 = vector.broadcast %sub3A_109 : f32 to vector<16xf32>
      %sub3A_111 = arith.subf %mul3A_108, %sub3A_110 : vector<16xf32>
      %mul3A_112 = arith.mulf %sub3A_111, %scan3A_42#5 : vector<16xf32>
      %mul3A_113 = arith.mulf %mul3A_87, %mul3A_112 : vector<16xf32>
      %add3A_114 = arith.addf %scan3A_42#4, %mul3A_113 : vector<16xf32>
      %mul3A_115 = arith.constant 0.996007978 : f32
      %mul3A_116 = vector.broadcast %mul3A_115 : f32 to vector<16xf32>
      %mul3A_117 = arith.mulf %scan3A_42#5, %mul3A_116 : vector<16xf32>
      %scan3A_118 = arith.constant 49 : i32
      %gt3A_119 = arith.constant 0.000000e+00 : f32
      %gt3A_120 = vector.broadcast %gt3A_119 : f32 to vector<16xf32>
      %gt3A_121 = arith.cmpf ogt, %add3A_98, %gt3A_120 : vector<16xf32>
      %select_n3A_122 = arith.select %gt3A_121, %select_n3A_93, %select_n3A_99 : vector<16xi1>, vector<16xf32>
      %select_n3A_123 = arith.select %gt3A_121, %select_n3A_94, %select_n3A_100 : vector<16xi1>, vector<16xf32>
      %select_n3A_124 = arith.select %gt3A_121, %select_n3A_97, %mul3A_117 : vector<16xi1>, vector<16xf32>
      %swap3A = arith.index_cast %mul3A_24 : i32 to index
      %swap3A_125 = tpu.vector_load %arg15[%swap3A] {strides = array<i32>} : memref<512xf32, #tpu.memory_space<vmem>>, vector<16xf32>,
      %swap3A_126 = vector.shape_cast %swap3A_125 : vector<16xf32> to vector<16xf32>
      %swap3A_127 = vector.shape_cast %select_n3A_122 : vector<16xf32> to vector<16xf32>
      tpu.vector_store %arg15[%swap3A], %swap3A_127 {strides = array<i32>} : memref<512xf32, #tpu.memory_space<vmem>>, vector<16xf32>,
      %swap3A_128 = arith.index_cast %mul3A_24 : i32 to index
      %swap3A_129 = tpu.vector_load %arg16[%swap3A_128] {strides = array<i32>} : memref<512xf32, #tpu.memory_space<vmem>>, vector<16xf32>,
      %swap3A_130 = vector.shape_cast %swap3A_129 : vector<16xf32> to vector<16xf32>
      %swap3A_131 = vector.shape_cast %select_n3A_123 : vector<16xf32> to vector<16xf32>
      tpu.vector_store %arg16[%swap3A_128], %swap3A_131 {strides = array<i32>} : memref<512xf32, #tpu.memory_space<vmem>>, vector<16xf32>,
      %swap3A_132 = arith.index_cast %mul3A_24 : i32 to index
      %swap3A_133 = tpu.vector_load %arg17[%swap3A_132] {strides = array<i32>} : memref<512xf32, #tpu.memory_space<vmem>>, vector<16xf32>,
      %swap3A_134 = vector.shape_cast %swap3A_133 : vector<16xf32> to vector<16xf32>
      %swap3A_135 = vector.shape_cast %select_n3A_95 : vector<16xf32> to vector<16xf32>
      tpu.vector_store %arg17[%swap3A_132], %swap3A_135 {strides = array<i32>} : memref<512xf32, #tpu.memory_space<vmem>>, vector<16xf32>,
      %swap3A_136 = arith.index_cast %mul3A_24 : i32 to index
      %swap3A_137 = tpu.vector_load %arg18[%swap3A_136] {strides = array<i32>} : memref<512xf32, #tpu.memory_space<vmem>>, vector<16xf32>,
      %swap3A_138 = vector.shape_cast %swap3A_137 : vector<16xf32> to vector<16xf32>
      %swap3A_139 = vector.shape_cast %select_n3A_96 : vector<16xf32> to vector<16xf32>
      tpu.vector_store %arg18[%swap3A_136], %swap3A_139 {strides = array<i32>} : memref<512xf32, #tpu.memory_space<vmem>>, vector<16xf32>,
      %swap3A_140 = arith.index_cast %mul3A_24 : i32 to index
      %swap3A_141 = tpu.vector_load %arg19[%swap3A_140] {strides = array<i32>} : memref<512xf32, #tpu.memory_space<vmem>>, vector<16xf32>,
      %swap3A_142 = vector.shape_cast %swap3A_141 : vector<16xf32> to vector<16xf32>
      %swap3A_143 = vector.shape_cast %select_n3A_124 : vector<16xf32> to vector<16xf32>
      tpu.vector_store %arg19[%swap3A_140], %swap3A_143 {strides = array<i32>} : memref<512xf32, #tpu.memory_space<vmem>>, vector<16xf32>,
      %swap3A_144 = arith.index_cast %mul3A_24 : i32 to index
      %swap3A_145 = tpu.vector_load %arg20[%swap3A_144] {strides = array<i32>} : memref<512xf32, #tpu.memory_space<vmem>>, vector<16xf32>,
      %swap3A_146 = vector.shape_cast %swap3A_145 : vector<16xf32> to vector<16xf32>
      %swap3A_147 = vector.shape_cast %add3A_114 : vector<16xf32> to vector<16xf32>
      tpu.vector_store %arg20[%swap3A_144], %swap3A_147 {strides = array<i32>} : memref<512xf32, #tpu.memory_space<vmem>>, vector<16xf32>,
      %swap3A_148 = arith.index_cast %mul3A_24 : i32 to index
      %swap3A_149 = tpu.vector_load %arg21[%swap3A_148] {strides = array<i32>} : memref<512xf32, #tpu.memory_space<vmem>>, vector<16xf32>,
      %swap3A_150 = vector.shape_cast %swap3A_149 : vector<16xf32> to vector<16xf32>
      %swap3A_151 = vector.shape_cast %add3A_98 : vector<16xf32> to vector<16xf32>
      tpu.vector_store %arg21[%swap3A_148], %swap3A_151 {strides = array<i32>} : memref<512xf32, #tpu.memory_space<vmem>>, vector<16xf32>,
      %scan3A_152 = arith.constant 1 : i32
      %scan3A_153 = arith.addi %scan3A_22, %scan3A_152 : i32
      %mul3A_154 = arith.constant 16 : i32
      %mul3A_155 = arith.muli %scan3A_153, %mul3A_154 : i32
      %get3A_156 = arith.constant 0 : i32
      %get3A_157 = arith.index_cast %get3A_156 : i32 to index
      %get3A_158 = arith.index_cast %mul3A_155 : i32 to index
      %get3A_159 = tpu.vector_load %arg13[%get3A_157, %get3A_158] {strides = array<i32>} : memref<2x512xf32, #tpu.memory_space<vmem>>, vector<1x16xf32>,
      %get3A_160 = vector.shape_cast %get3A_159 : vector<1x16xf32> to vector<16xf32>
      %get3A_161 = arith.constant 1 : i32
      %get3A_162 = arith.index_cast %get3A_161 : i32 to index
      %get3A_163 = arith.index_cast %mul3A_155 : i32 to index
      %get3A_164 = tpu.vector_load %arg13[%get3A_162, %get3A_163] {strides = array<i32>} : memref<2x512xf32, #tpu.memory_space<vmem>>, vector<1x16xf32>,
      %get3A_165 = vector.shape_cast %get3A_164 : vector<1x16xf32> to vector<16xf32>
      %broadcast_in_dim3A_166 = arith.constant 0.000000e+00 : f32
      %broadcast_in_dim3A_167 = vector.broadcast %broadcast_in_dim3A_166 : f32 to vector<16xf32>
      %broadcast_in_dim3A_168 = arith.constant 1.000000e+00 : f32
      %broadcast_in_dim3A_169 = vector.broadcast %broadcast_in_dim3A_168 : f32 to vector<16xf32>
      %scan3A_170 = arith.constant 1 : i32
      %scan3A_171 = arith.constant 48 : i32
      %scan3A_172 = arith.addi %scan3A_170, %scan3A_171 : i32
      %scan3A_173 = arith.constant 2 : i32
      %scan3A_174:11 = scf.for %scan3A_290 = %scan3A_170 to %scan3A_172 step %scan3A_173 iter_args(%scan3A_291 = %get3A_160, %scan3A_292 = %get3A_165, %scan3A_293 = %broadcast_in_dim3A_169, %scan3A_294 = %broadcast_in_dim3A_167, %scan3A_295 = %broadcast_in_dim3A_167, %scan3A_296 = %broadcast_in_dim3A_169, %scan3A_297 = %broadcast_in_dim3A_167, %scan3A_298 = %broadcast_in_dim3A_167, %scan3A_299 = %broadcast_in_dim3A_167, %scan3A_300 = %broadcast_in_dim3A_167, %scan3A_301 = %broadcast_in_dim3A_167) -> (vector<16xf32>, vector<16xf32>, vector<16xf32>, vector<16xf32>, vector<16xf32>, vector<16xf32>, vector<16xf32>, vector<16xf32>, vector<16xf32>, vector<16xf32>, vector<16xf32>)  : i32 {
        %get3A_302 = arith.constant 0 : i32
        %get3A_303 = arith.index_cast %get3A_302 : i32 to index
        %get3A_304 = arith.index_cast %scan3A_290 : i32 to index
        %get3A_305 = arith.index_cast %mul3A_155 : i32 to index
        %get3A_306 = tpu.vector_load %arg12[%get3A_303, %get3A_304, %get3A_305] {strides = array<i32>} : memref<2x50x512xf32, #tpu.memory_space<vmem>>, vector<1x1x16xf32>,
        %get3A_307 = vector.shape_cast %get3A_306 : vector<1x1x16xf32> to vector<16xf32>
        %mul3A_308 = arith.constant 1.41421354 : f32
        %mul3A_309 = vector.broadcast %mul3A_308 : f32 to vector<16xf32>
        %mul3A_310 = arith.mulf %mul3A_309, %get3A_307 : vector<16xf32>
        %get3A_311 = arith.constant 1 : i32
        %get3A_312 = arith.index_cast %get3A_311 : i32 to index
        %get3A_313 = arith.index_cast %scan3A_290 : i32 to index
        %get3A_314 = arith.index_cast %mul3A_155 : i32 to index
        %get3A_315 = tpu.vector_load %arg12[%get3A_312, %get3A_313, %get3A_314] {strides = array<i32>} : memref<2x50x512xf32, #tpu.memory_space<vmem>>, vector<1x1x16xf32>,
        %get3A_316 = vector.shape_cast %get3A_315 : vector<1x1x16xf32> to vector<16xf32>
        %mul3A_317 = arith.constant 1.41421354 : f32
        %mul3A_318 = vector.broadcast %mul3A_317 : f32 to vector<16xf32>
        %mul3A_319 = arith.mulf %mul3A_318, %get3A_316 : vector<16xf32>
        %mul3A_320 = arith.mulf %get3A_2, %scan3A_291 : vector<16xf32>
        %mul3A_321 = arith.constant 4.000000e-03 : f32
        %mul3A_322 = vector.broadcast %mul3A_321 : f32 to vector<16xf32>
        %mul3A_323 = arith.mulf %mul3A_320, %mul3A_322 : vector<16xf32>
        %mul3A_324 = arith.mulf %get3A_2, %scan3A_292 : vector<16xf32>
        %mul3A_325 = arith.constant 4.000000e-03 : f32
        %mul3A_326 = vector.broadcast %mul3A_325 : f32 to vector<16xf32>
        %mul3A_327 = arith.mulf %mul3A_324, %mul3A_326 : vector<16xf32>
        %add3A_328 = arith.addf %mul3A_323, %mul3A_310 : vector<16xf32>
        %add3A_329 = arith.addf %scan3A_291, %add3A_328 : vector<16xf32>
        %add3A_330 = arith.addf %mul3A_327, %mul3A_319 : vector<16xf32>
        %add3A_331 = arith.addf %scan3A_292, %add3A_330 : vector<16xf32>
        %mul3A_332 = arith.mulf %add3A_329, %add3A_329 : vector<16xf32>
        %mul3A_333 = arith.mulf %add3A_331, %add3A_331 : vector<16xf32>
        %add3A_334 = arith.addf %mul3A_332, %mul3A_333 : vector<16xf32>
        %lt3A_335 = arith.constant 1.000000e+00 : f32
        %lt3A_336 = vector.broadcast %lt3A_335 : f32 to vector<16xf32>
        %lt3A_337 = arith.cmpf olt, %add3A_334, %lt3A_336 : vector<16xf32>
        %jit3A_338 = arith.constant 1.000000e+00 : f32
        %jit3A_339 = arith.constant 0.000000e+00 : f32
        %broadcast_in_dim3A_340 = vector.broadcast %jit3A_338 : f32 to vector<16xf32>
        %broadcast_in_dim3A_341 = vector.broadcast %jit3A_339 : f32 to vector<16xf32>
        %select_n3A_342 = arith.select %lt3A_337, %broadcast_in_dim3A_340, %broadcast_in_dim3A_341 : vector<16xi1>, vector<16xf32>
        %add3A_343 = arith.addf %scan3A_291, %mul3A_323 : vector<16xf32>
        %add3A_344 = arith.addf %add3A_343, %mul3A_310 : vector<16xf32>
        %add3A_345 = arith.addf %scan3A_292, %mul3A_327 : vector<16xf32>
        %add3A_346 = arith.addf %add3A_345, %mul3A_319 : vector<16xf32>
        %mul3A_347 = arith.mulf %scan3A_293, %select_n3A_342 : vector<16xf32>
        %sub3A_348 = arith.subf %scan3A_293, %mul3A_347 : vector<16xf32>
        %gt3A_349 = arith.constant 0.000000e+00 : f32
        %gt3A_350 = vector.broadcast %gt3A_349 : f32 to vector<16xf32>
        %gt3A_351 = arith.cmpf ogt, %sub3A_348, %gt3A_350 : vector<16xf32>
        %gt3A_352 = arith.constant 0.000000e+00 : f32
        %gt3A_353 = vector.broadcast %gt3A_352 : f32 to vector<16xf32>
        %gt3A_354 = arith.cmpf ogt, %mul3A_347, %gt3A_353 : vector<16xf32>
        %select_n3A_355 = arith.select %gt3A_351, %scan3A_291, %scan3A_298 : vector<16xi1>, vector<16xf32>
        %select_n3A_356 = arith.select %gt3A_351, %scan3A_292, %scan3A_299 : vector<16xi1>, vector<16xf32>
        %select_n3A_357 = arith.select %gt3A_351, %mul3A_310, %scan3A_300 : vector<16xi1>, vector<16xf32>
        %select_n3A_358 = arith.select %gt3A_351, %mul3A_319, %scan3A_301 : vector<16xi1>, vector<16xf32>
        %select_n3A_359 = arith.select %gt3A_351, %scan3A_296, %scan3A_297 : vector<16xi1>, vector<16xf32>
        %add3A_360 = arith.addf %scan3A_294, %sub3A_348 : vector<16xf32>
        %select_n3A_361 = arith.select %gt3A_354, %add3A_344, %scan3A_291 : vector<16xi1>, vector<16xf32>
        %select_n3A_362 = arith.select %gt3A_354, %add3A_346, %scan3A_292 : vector<16xi1>, vector<16xf32>
        %mul3A_363 = arith.mulf %get3A_2, %get3A_2 : vector<16xf32>
        %add3A_364 = arith.constant 2.000000e+00 : f32
        %add3A_365 = vector.broadcast %add3A_364 : f32 to vector<16xf32>
        %add3A_366 = arith.addf %mul3A_363, %add3A_365 : vector<16xf32>
        %mul3A_367 = arith.mulf %select_n3A_361, %select_n3A_361 : vector<16xf32>
        %mul3A_368 = arith.mulf %select_n3A_362, %select_n3A_362 : vector<16xf32>
        %add3A_369 = arith.addf %mul3A_367, %mul3A_368 : vector<16xf32>
        %mul3A_370 = arith.mulf %add3A_366, %add3A_369 : vector<16xf32>
        %sub3A_371 = arith.constant 4.000000e+00 : f32
        %sub3A_372 = vector.broadcast %sub3A_371 : f32 to vector<16xf32>
        %sub3A_373 = arith.subf %mul3A_370, %sub3A_372 : vector<16xf32>
        %mul3A_374 = arith.mulf %sub3A_373, %scan3A_296 : vector<16xf32>
        %mul3A_375 = arith.mulf %mul3A_347, %mul3A_374 : vector<16xf32>
        %add3A_376 = arith.addf %scan3A_295, %mul3A_375 : vector<16xf32>
        %mul3A_377 = arith.constant 0.996007978 : f32
        %mul3A_378 = vector.broadcast %mul3A_377 : f32 to vector<16xf32>
        %mul3A_379 = arith.mulf %scan3A_296, %mul3A_378 : vector<16xf32>
        %scan3A_380 = arith.constant 1 : i32
        %scan3A_381 = arith.addi %scan3A_290, %scan3A_380 : i32
        %get3A_382 = arith.constant 0 : i32
        %get3A_383 = arith.index_cast %get3A_382 : i32 to index
        %get3A_384 = arith.index_cast %scan3A_381 : i32 to index
        %get3A_385 = arith.index_cast %mul3A_155 : i32 to index
        %get3A_386 = tpu.vector_load %arg12[%get3A_383, %get3A_384, %get3A_385] {strides = array<i32>} : memref<2x50x512xf32, #tpu.memory_space<vmem>>, vector<1x1x16xf32>,
        %get3A_387 = vector.shape_cast %get3A_386 : vector<1x1x16xf32> to vector<16xf32>
        %mul3A_388 = arith.constant 1.41421354 : f32
        %mul3A_389 = vector.broadcast %mul3A_388 : f32 to vector<16xf32>
        %mul3A_390 = arith.mulf %mul3A_389, %get3A_387 : vector<16xf32>
        %get3A_391 = arith.constant 1 : i32
        %get3A_392 = arith.index_cast %get3A_391 : i32 to index
        %get3A_393 = arith.index_cast %scan3A_381 : i32 to index
        %get3A_394 = arith.index_cast %mul3A_155 : i32 to index
        %get3A_395 = tpu.vector_load %arg12[%get3A_392, %get3A_393, %get3A_394] {strides = array<i32>} : memref<2x50x512xf32, #tpu.memory_space<vmem>>, vector<1x1x16xf32>,
        %get3A_396 = vector.shape_cast %get3A_395 : vector<1x1x16xf32> to vector<16xf32>
        %mul3A_397 = arith.constant 1.41421354 : f32
        %mul3A_398 = vector.broadcast %mul3A_397 : f32 to vector<16xf32>
        %mul3A_399 = arith.mulf %mul3A_398, %get3A_396 : vector<16xf32>
        %mul3A_400 = arith.mulf %get3A_2, %select_n3A_361 : vector<16xf32>
        %mul3A_401 = arith.constant 4.000000e-03 : f32
        %mul3A_402 = vector.broadcast %mul3A_401 : f32 to vector<16xf32>
        %mul3A_403 = arith.mulf %mul3A_400, %mul3A_402 : vector<16xf32>
        %mul3A_404 = arith.mulf %get3A_2, %select_n3A_362 : vector<16xf32>
        %mul3A_405 = arith.constant 4.000000e-03 : f32
        %mul3A_406 = vector.broadcast %mul3A_405 : f32 to vector<16xf32>
        %mul3A_407 = arith.mulf %mul3A_404, %mul3A_406 : vector<16xf32>
        %add3A_408 = arith.addf %mul3A_403, %mul3A_390 : vector<16xf32>
        %add3A_409 = arith.addf %select_n3A_361, %add3A_408 : vector<16xf32>
        %add3A_410 = arith.addf %mul3A_407, %mul3A_399 : vector<16xf32>
        %add3A_411 = arith.addf %select_n3A_362, %add3A_410 : vector<16xf32>
        %mul3A_412 = arith.mulf %add3A_409, %add3A_409 : vector<16xf32>
        %mul3A_413 = arith.mulf %add3A_411, %add3A_411 : vector<16xf32>
        %add3A_414 = arith.addf %mul3A_412, %mul3A_413 : vector<16xf32>
        %lt3A_415 = arith.constant 1.000000e+00 : f32
        %lt3A_416 = vector.broadcast %lt3A_415 : f32 to vector<16xf32>
        %lt3A_417 = arith.cmpf olt, %add3A_414, %lt3A_416 : vector<16xf32>
        %jit3A_418 = arith.constant 1.000000e+00 : f32
        %jit3A_419 = arith.constant 0.000000e+00 : f32
        %broadcast_in_dim3A_420 = vector.broadcast %jit3A_418 : f32 to vector<16xf32>
        %broadcast_in_dim3A_421 = vector.broadcast %jit3A_419 : f32 to vector<16xf32>
        %select_n3A_422 = arith.select %lt3A_417, %broadcast_in_dim3A_420, %broadcast_in_dim3A_421 : vector<16xi1>, vector<16xf32>
        %add3A_423 = arith.addf %select_n3A_361, %mul3A_403 : vector<16xf32>
        %add3A_424 = arith.addf %add3A_423, %mul3A_390 : vector<16xf32>
        %add3A_425 = arith.addf %select_n3A_362, %mul3A_407 : vector<16xf32>
        %add3A_426 = arith.addf %add3A_425, %mul3A_399 : vector<16xf32>
        %mul3A_427 = arith.mulf %mul3A_347, %select_n3A_422 : vector<16xf32>
        %sub3A_428 = arith.subf %mul3A_347, %mul3A_427 : vector<16xf32>
        %gt3A_429 = arith.constant 0.000000e+00 : f32
        %gt3A_430 = vector.broadcast %gt3A_429 : f32 to vector<16xf32>
        %gt3A_431 = arith.cmpf ogt, %sub3A_428, %gt3A_430 : vector<16xf32>
        %gt3A_432 = arith.constant 0.000000e+00 : f32
        %gt3A_433 = vector.broadcast %gt3A_432 : f32 to vector<16xf32>
        %gt3A_434 = arith.cmpf ogt, %mul3A_427, %gt3A_433 : vector<16xf32>
        %select_n3A_435 = arith.select %gt3A_431, %select_n3A_361, %select_n3A_355 : vector<16xi1>, vector<16xf32>
        %select_n3A_436 = arith.select %gt3A_431, %select_n3A_362, %select_n3A_356 : vector<16xi1>, vector<16xf32>
        %select_n3A_437 = arith.select %gt3A_431, %mul3A_390, %select_n3A_357 : vector<16xi1>, vector<16xf32>
        %select_n3A_438 = arith.select %gt3A_431, %mul3A_399, %select_n3A_358 : vector<16xi1>, vector<16xf32>
        %select_n3A_439 = arith.select %gt3A_431, %mul3A_379, %select_n3A_359 : vector<16xi1>, vector<16xf32>
        %add3A_440 = arith.addf %add3A_360, %sub3A_428 : vector<16xf32>
        %select_n3A_441 = arith.select %gt3A_434, %add3A_424, %select_n3A_361 : vector<16xi1>, vector<16xf32>
        %select_n3A_442 = arith.select %gt3A_434, %add3A_426, %select_n3A_362 : vector<16xi1>, vector<16xf32>
        %mul3A_443 = arith.mulf %get3A_2, %get3A_2 : vector<16xf32>
        %add3A_444 = arith.constant 2.000000e+00 : f32
        %add3A_445 = vector.broadcast %add3A_444 : f32 to vector<16xf32>
        %add3A_446 = arith.addf %mul3A_443, %add3A_445 : vector<16xf32>
        %mul3A_447 = arith.mulf %select_n3A_441, %select_n3A_441 : vector<16xf32>
        %mul3A_448 = arith.mulf %select_n3A_442, %select_n3A_442 : vector<16xf32>
        %add3A_449 = arith.addf %mul3A_447, %mul3A_448 : vector<16xf32>
        %mul3A_450 = arith.mulf %add3A_446, %add3A_449 : vector<16xf32>
        %sub3A_451 = arith.constant 4.000000e+00 : f32
        %sub3A_452 = vector.broadcast %sub3A_451 : f32 to vector<16xf32>
        %sub3A_453 = arith.subf %mul3A_450, %sub3A_452 : vector<16xf32>
        %mul3A_454 = arith.mulf %sub3A_453, %mul3A_379 : vector<16xf32>
        %mul3A_455 = arith.mulf %mul3A_427, %mul3A_454 : vector<16xf32>
        %add3A_456 = arith.addf %add3A_376, %mul3A_455 : vector<16xf32>
        %mul3A_457 = arith.constant 0.996007978 : f32
        %mul3A_458 = vector.broadcast %mul3A_457 : f32 to vector<16xf32>
        %mul3A_459 = arith.mulf %mul3A_379, %mul3A_458 : vector<16xf32>
        scf.yield %select_n3A_441, %select_n3A_442, %mul3A_427, %add3A_440, %add3A_456, %mul3A_459, %select_n3A_439, %select_n3A_435, %select_n3A_436, %select_n3A_437, %select_n3A_438 : vector<16xf32>, vector<16xf32>, vector<16xf32>, vector<16xf32>, vector<16xf32>, vector<16xf32>, vector<16xf32>, vector<16xf32>, vector<16xf32>, vector<16xf32>, vector<16xf32>
      }
      %scan3A_175 = arith.constant 48 : i32
      %scan3A_176 = arith.addi %scan3A_170, %scan3A_175 : i32
      %get3A_177 = arith.constant 0 : i32
      %get3A_178 = arith.index_cast %get3A_177 : i32 to index
      %get3A_179 = arith.index_cast %scan3A_176 : i32 to index
      %get3A_180 = arith.index_cast %mul3A_155 : i32 to index
      %get3A_181 = tpu.vector_load %arg12[%get3A_178, %get3A_179, %get3A_180] {strides = array<i32>} : memref<2x50x512xf32, #tpu.memory_space<vmem>>, vector<1x1x16xf32>,
      %get3A_182 = vector.shape_cast %get3A_181 : vector<1x1x16xf32> to vector<16xf32>
      %mul3A_183 = arith.constant 1.41421354 : f32
      %mul3A_184 = vector.broadcast %mul3A_183 : f32 to vector<16xf32>
      %mul3A_185 = arith.mulf %mul3A_184, %get3A_182 : vector<16xf32>
      %get3A_186 = arith.constant 1 : i32
      %get3A_187 = arith.index_cast %get3A_186 : i32 to index
      %get3A_188 = arith.index_cast %scan3A_176 : i32 to index
      %get3A_189 = arith.index_cast %mul3A_155 : i32 to index
      %get3A_190 = tpu.vector_load %arg12[%get3A_187, %get3A_188, %get3A_189] {strides = array<i32>} : memref<2x50x512xf32, #tpu.memory_space<vmem>>, vector<1x1x16xf32>,
      %get3A_191 = vector.shape_cast %get3A_190 : vector<1x1x16xf32> to vector<16xf32>
      %mul3A_192 = arith.constant 1.41421354 : f32
      %mul3A_193 = vector.broadcast %mul3A_192 : f32 to vector<16xf32>
      %mul3A_194 = arith.mulf %mul3A_193, %get3A_191 : vector<16xf32>
      %mul3A_195 = arith.mulf %get3A_2, %scan3A_174#0 : vector<16xf32>
      %mul3A_196 = arith.constant 4.000000e-03 : f32
      %mul3A_197 = vector.broadcast %mul3A_196 : f32 to vector<16xf32>
      %mul3A_198 = arith.mulf %mul3A_195, %mul3A_197 : vector<16xf32>
      %mul3A_199 = arith.mulf %get3A_2, %scan3A_174#1 : vector<16xf32>
      %mul3A_200 = arith.constant 4.000000e-03 : f32
      %mul3A_201 = vector.broadcast %mul3A_200 : f32 to vector<16xf32>
      %mul3A_202 = arith.mulf %mul3A_199, %mul3A_201 : vector<16xf32>
      %add3A_203 = arith.addf %mul3A_198, %mul3A_185 : vector<16xf32>
      %add3A_204 = arith.addf %scan3A_174#0, %add3A_203 : vector<16xf32>
      %add3A_205 = arith.addf %mul3A_202, %mul3A_194 : vector<16xf32>
      %add3A_206 = arith.addf %scan3A_174#1, %add3A_205 : vector<16xf32>
      %mul3A_207 = arith.mulf %add3A_204, %add3A_204 : vector<16xf32>
      %mul3A_208 = arith.mulf %add3A_206, %add3A_206 : vector<16xf32>
      %add3A_209 = arith.addf %mul3A_207, %mul3A_208 : vector<16xf32>
      %lt3A_210 = arith.constant 1.000000e+00 : f32
      %lt3A_211 = vector.broadcast %lt3A_210 : f32 to vector<16xf32>
      %lt3A_212 = arith.cmpf olt, %add3A_209, %lt3A_211 : vector<16xf32>
      %jit3A_213 = arith.constant 1.000000e+00 : f32
      %jit3A_214 = arith.constant 0.000000e+00 : f32
      %broadcast_in_dim3A_215 = vector.broadcast %jit3A_213 : f32 to vector<16xf32>
      %broadcast_in_dim3A_216 = vector.broadcast %jit3A_214 : f32 to vector<16xf32>
      %select_n3A_217 = arith.select %lt3A_212, %broadcast_in_dim3A_215, %broadcast_in_dim3A_216 : vector<16xi1>, vector<16xf32>
      %add3A_218 = arith.addf %scan3A_174#0, %mul3A_198 : vector<16xf32>
      %add3A_219 = arith.addf %add3A_218, %mul3A_185 : vector<16xf32>
      %add3A_220 = arith.addf %scan3A_174#1, %mul3A_202 : vector<16xf32>
      %add3A_221 = arith.addf %add3A_220, %mul3A_194 : vector<16xf32>
      %mul3A_222 = arith.mulf %scan3A_174#2, %select_n3A_217 : vector<16xf32>
      %sub3A_223 = arith.subf %scan3A_174#2, %mul3A_222 : vector<16xf32>
      %gt3A_224 = arith.constant 0.000000e+00 : f32
      %gt3A_225 = vector.broadcast %gt3A_224 : f32 to vector<16xf32>
      %gt3A_226 = arith.cmpf ogt, %sub3A_223, %gt3A_225 : vector<16xf32>
      %gt3A_227 = arith.constant 0.000000e+00 : f32
      %gt3A_228 = vector.broadcast %gt3A_227 : f32 to vector<16xf32>
      %gt3A_229 = arith.cmpf ogt, %mul3A_222, %gt3A_228 : vector<16xf32>
      %select_n3A_230 = arith.select %gt3A_226, %scan3A_174#0, %scan3A_174#7 : vector<16xi1>, vector<16xf32>
      %select_n3A_231 = arith.select %gt3A_226, %scan3A_174#1, %scan3A_174#8 : vector<16xi1>, vector<16xf32>
      %select_n3A_232 = arith.select %gt3A_226, %mul3A_185, %scan3A_174#9 : vector<16xi1>, vector<16xf32>
      %select_n3A_233 = arith.select %gt3A_226, %mul3A_194, %scan3A_174#10 : vector<16xi1>, vector<16xf32>
      %select_n3A_234 = arith.select %gt3A_226, %scan3A_174#5, %scan3A_174#6 : vector<16xi1>, vector<16xf32>
      %add3A_235 = arith.addf %scan3A_174#3, %sub3A_223 : vector<16xf32>
      %select_n3A_236 = arith.select %gt3A_229, %add3A_219, %scan3A_174#0 : vector<16xi1>, vector<16xf32>
      %select_n3A_237 = arith.select %gt3A_229, %add3A_221, %scan3A_174#1 : vector<16xi1>, vector<16xf32>
      %mul3A_238 = arith.mulf %get3A_2, %get3A_2 : vector<16xf32>
      %add3A_239 = arith.constant 2.000000e+00 : f32
      %add3A_240 = vector.broadcast %add3A_239 : f32 to vector<16xf32>
      %add3A_241 = arith.addf %mul3A_238, %add3A_240 : vector<16xf32>
      %mul3A_242 = arith.mulf %select_n3A_236, %select_n3A_236 : vector<16xf32>
      %mul3A_243 = arith.mulf %select_n3A_237, %select_n3A_237 : vector<16xf32>
      %add3A_244 = arith.addf %mul3A_242, %mul3A_243 : vector<16xf32>
      %mul3A_245 = arith.mulf %add3A_241, %add3A_244 : vector<16xf32>
      %sub3A_246 = arith.constant 4.000000e+00 : f32
      %sub3A_247 = vector.broadcast %sub3A_246 : f32 to vector<16xf32>
      %sub3A_248 = arith.subf %mul3A_245, %sub3A_247 : vector<16xf32>
      %mul3A_249 = arith.mulf %sub3A_248, %scan3A_174#5 : vector<16xf32>
      %mul3A_250 = arith.mulf %mul3A_222, %mul3A_249 : vector<16xf32>
      %add3A_251 = arith.addf %scan3A_174#4, %mul3A_250 : vector<16xf32>
      %mul3A_252 = arith.constant 0.996007978 : f32
      %mul3A_253 = vector.broadcast %mul3A_252 : f32 to vector<16xf32>
      %mul3A_254 = arith.mulf %scan3A_174#5, %mul3A_253 : vector<16xf32>
      %scan3A_255 = arith.constant 49 : i32
      %gt3A_256 = arith.constant 0.000000e+00 : f32
      %gt3A_257 = vector.broadcast %gt3A_256 : f32 to vector<16xf32>
      %gt3A_258 = arith.cmpf ogt, %add3A_235, %gt3A_257 : vector<16xf32>
      %select_n3A_259 = arith.select %gt3A_258, %select_n3A_230, %select_n3A_236 : vector<16xi1>, vector<16xf32>
      %select_n3A_260 = arith.select %gt3A_258, %select_n3A_231, %select_n3A_237 : vector<16xi1>, vector<16xf32>
      %select_n3A_261 = arith.select %gt3A_258, %select_n3A_234, %mul3A_254 : vector<16xi1>, vector<16xf32>
      %swap3A_262 = arith.index_cast %mul3A_155 : i32 to index
      %swap3A_263 = tpu.vector_load %arg15[%swap3A_262] {strides = array<i32>} : memref<512xf32, #tpu.memory_space<vmem>>, vector<16xf32>,
      %swap3A_264 = vector.shape_cast %swap3A_263 : vector<16xf32> to vector<16xf32>
      %swap3A_265 = vector.shape_cast %select_n3A_259 : vector<16xf32> to vector<16xf32>
      tpu.vector_store %arg15[%swap3A_262], %swap3A_265 {strides = array<i32>} : memref<512xf32, #tpu.memory_space<vmem>>, vector<16xf32>,
      %swap3A_266 = arith.index_cast %mul3A_155 : i32 to index
      %swap3A_267 = tpu.vector_load %arg16[%swap3A_266] {strides = array<i32>} : memref<512xf32, #tpu.memory_space<vmem>>, vector<16xf32>,
      %swap3A_268 = vector.shape_cast %swap3A_267 : vector<16xf32> to vector<16xf32>
      %swap3A_269 = vector.shape_cast %select_n3A_260 : vector<16xf32> to vector<16xf32>
      tpu.vector_store %arg16[%swap3A_266], %swap3A_269 {strides = array<i32>} : memref<512xf32, #tpu.memory_space<vmem>>, vector<16xf32>,
      %swap3A_270 = arith.index_cast %mul3A_155 : i32 to index
      %swap3A_271 = tpu.vector_load %arg17[%swap3A_270] {strides = array<i32>} : memref<512xf32, #tpu.memory_space<vmem>>, vector<16xf32>,
      %swap3A_272 = vector.shape_cast %swap3A_271 : vector<16xf32> to vector<16xf32>
      %swap3A_273 = vector.shape_cast %select_n3A_232 : vector<16xf32> to vector<16xf32>
      tpu.vector_store %arg17[%swap3A_270], %swap3A_273 {strides = array<i32>} : memref<512xf32, #tpu.memory_space<vmem>>, vector<16xf32>,
      %swap3A_274 = arith.index_cast %mul3A_155 : i32 to index
      %swap3A_275 = tpu.vector_load %arg18[%swap3A_274] {strides = array<i32>} : memref<512xf32, #tpu.memory_space<vmem>>, vector<16xf32>,
      %swap3A_276 = vector.shape_cast %swap3A_275 : vector<16xf32> to vector<16xf32>
      %swap3A_277 = vector.shape_cast %select_n3A_233 : vector<16xf32> to vector<16xf32>
      tpu.vector_store %arg18[%swap3A_274], %swap3A_277 {strides = array<i32>} : memref<512xf32, #tpu.memory_space<vmem>>, vector<16xf32>,
      %swap3A_278 = arith.index_cast %mul3A_155 : i32 to index
      %swap3A_279 = tpu.vector_load %arg19[%swap3A_278] {strides = array<i32>} : memref<512xf32, #tpu.memory_space<vmem>>, vector<16xf32>,
      %swap3A_280 = vector.shape_cast %swap3A_279 : vector<16xf32> to vector<16xf32>
      %swap3A_281 = vector.shape_cast %select_n3A_261 : vector<16xf32> to vector<16xf32>
      tpu.vector_store %arg19[%swap3A_278], %swap3A_281 {strides = array<i32>} : memref<512xf32, #tpu.memory_space<vmem>>, vector<16xf32>,
      %swap3A_282 = arith.index_cast %mul3A_155 : i32 to index
      %swap3A_283 = tpu.vector_load %arg20[%swap3A_282] {strides = array<i32>} : memref<512xf32, #tpu.memory_space<vmem>>, vector<16xf32>,
      %swap3A_284 = vector.shape_cast %swap3A_283 : vector<16xf32> to vector<16xf32>
      %swap3A_285 = vector.shape_cast %add3A_251 : vector<16xf32> to vector<16xf32>
      tpu.vector_store %arg20[%swap3A_282], %swap3A_285 {strides = array<i32>} : memref<512xf32, #tpu.memory_space<vmem>>, vector<16xf32>,
      %swap3A_286 = arith.index_cast %mul3A_155 : i32 to index
      %swap3A_287 = tpu.vector_load %arg21[%swap3A_286] {strides = array<i32>} : memref<512xf32, #tpu.memory_space<vmem>>, vector<16xf32>,
      %swap3A_288 = vector.shape_cast %swap3A_287 : vector<16xf32> to vector<16xf32>
      %swap3A_289 = vector.shape_cast %add3A_235 : vector<16xf32> to vector<16xf32>
      tpu.vector_store %arg21[%swap3A_286], %swap3A_289 {strides = array<i32>} : memref<512xf32, #tpu.memory_space<vmem>>, vector<16xf32>,
    }
    %scan3A_11 = arith.constant 32 : i32
    "tpu.region"() ({
      %run_scoped3A = tpu.sem_alloc : memref<!tpu.dma_semaphore, #tpu.memory_space<semaphore_mem>>
      %dma_start3A = tpu.memref_slice %arg5[%add3A_6] : memref<32768xf32, #tpu.memory_space<hbm>> -> memref<512xf32, #tpu.memory_space<hbm>>
      %dma_start3A_22 = tpu.memref_slice %arg5[%add3A_6] : memref<32768xf32, #tpu.memory_space<hbm>> -> memref<512xf32, #tpu.memory_space<hbm>>
      tpu.enqueue_dma source(%arg15 : memref<512xf32, #tpu.memory_space<vmem>>) target(%dma_start3A_22 : memref<512xf32, #tpu.memory_space<hbm>>) target_semaphore(%run_scoped3A : memref<!tpu.dma_semaphore, #tpu.memory_space<semaphore_mem>>)
      %dma_wait3A = tpu.memref_slice %arg5[%add3A_6] : memref<32768xf32, #tpu.memory_space<hbm>> -> memref<512xf32, #tpu.memory_space<hbm>>
      %dma_wait3A_23 = tpu.memref_slice %arg5[%add3A_6] : memref<32768xf32, #tpu.memory_space<hbm>> -> memref<512xf32, #tpu.memory_space<hbm>>
      tpu.wait_dma2 semaphore(%run_scoped3A : memref<!tpu.dma_semaphore, #tpu.memory_space<semaphore_mem>>) src(%arg15 : memref<512xf32, #tpu.memory_space<vmem>>) dst(%dma_wait3A_23 : memref<512xf32, #tpu.memory_space<hbm>>)
      tpu.yield
    }) : () -> ()
    "tpu.region"() ({
      %run_scoped3A = tpu.sem_alloc : memref<!tpu.dma_semaphore, #tpu.memory_space<semaphore_mem>>
      %dma_start3A = tpu.memref_slice %arg6[%add3A_6] : memref<32768xf32, #tpu.memory_space<hbm>> -> memref<512xf32, #tpu.memory_space<hbm>>
      %dma_start3A_22 = tpu.memref_slice %arg6[%add3A_6] : memref<32768xf32, #tpu.memory_space<hbm>> -> memref<512xf32, #tpu.memory_space<hbm>>
      tpu.enqueue_dma source(%arg16 : memref<512xf32, #tpu.memory_space<vmem>>) target(%dma_start3A_22 : memref<512xf32, #tpu.memory_space<hbm>>) target_semaphore(%run_scoped3A : memref<!tpu.dma_semaphore, #tpu.memory_space<semaphore_mem>>)
      %dma_wait3A = tpu.memref_slice %arg6[%add3A_6] : memref<32768xf32, #tpu.memory_space<hbm>> -> memref<512xf32, #tpu.memory_space<hbm>>
      %dma_wait3A_23 = tpu.memref_slice %arg6[%add3A_6] : memref<32768xf32, #tpu.memory_space<hbm>> -> memref<512xf32, #tpu.memory_space<hbm>>
      tpu.wait_dma2 semaphore(%run_scoped3A : memref<!tpu.dma_semaphore, #tpu.memory_space<semaphore_mem>>) src(%arg16 : memref<512xf32, #tpu.memory_space<vmem>>) dst(%dma_wait3A_23 : memref<512xf32, #tpu.memory_space<hbm>>)
      tpu.yield
    }) : () -> ()
    "tpu.region"() ({
      %run_scoped3A = tpu.sem_alloc : memref<!tpu.dma_semaphore, #tpu.memory_space<semaphore_mem>>
      %dma_start3A = tpu.memref_slice %arg7[%add3A_6] : memref<32768xf32, #tpu.memory_space<hbm>> -> memref<512xf32, #tpu.memory_space<hbm>>
      %dma_start3A_22 = tpu.memref_slice %arg7[%add3A_6] : memref<32768xf32, #tpu.memory_space<hbm>> -> memref<512xf32, #tpu.memory_space<hbm>>
      tpu.enqueue_dma source(%arg17 : memref<512xf32, #tpu.memory_space<vmem>>) target(%dma_start3A_22 : memref<512xf32, #tpu.memory_space<hbm>>) target_semaphore(%run_scoped3A : memref<!tpu.dma_semaphore, #tpu.memory_space<semaphore_mem>>)
      %dma_wait3A = tpu.memref_slice %arg7[%add3A_6] : memref<32768xf32, #tpu.memory_space<hbm>> -> memref<512xf32, #tpu.memory_space<hbm>>
      %dma_wait3A_23 = tpu.memref_slice %arg7[%add3A_6] : memref<32768xf32, #tpu.memory_space<hbm>> -> memref<512xf32, #tpu.memory_space<hbm>>
      tpu.wait_dma2 semaphore(%run_scoped3A : memref<!tpu.dma_semaphore, #tpu.memory_space<semaphore_mem>>) src(%arg17 : memref<512xf32, #tpu.memory_space<vmem>>) dst(%dma_wait3A_23 : memref<512xf32, #tpu.memory_space<hbm>>)
      tpu.yield
    }) : () -> ()
    "tpu.region"() ({
      %run_scoped3A = tpu.sem_alloc : memref<!tpu.dma_semaphore, #tpu.memory_space<semaphore_mem>>
      %dma_start3A = tpu.memref_slice %arg8[%add3A_6] : memref<32768xf32, #tpu.memory_space<hbm>> -> memref<512xf32, #tpu.memory_space<hbm>>
      %dma_start3A_22 = tpu.memref_slice %arg8[%add3A_6] : memref<32768xf32, #tpu.memory_space<hbm>> -> memref<512xf32, #tpu.memory_space<hbm>>
      tpu.enqueue_dma source(%arg18 : memref<512xf32, #tpu.memory_space<vmem>>) target(%dma_start3A_22 : memref<512xf32, #tpu.memory_space<hbm>>) target_semaphore(%run_scoped3A : memref<!tpu.dma_semaphore, #tpu.memory_space<semaphore_mem>>)
      %dma_wait3A = tpu.memref_slice %arg8[%add3A_6] : memref<32768xf32, #tpu.memory_space<hbm>> -> memref<512xf32, #tpu.memory_space<hbm>>
      %dma_wait3A_23 = tpu.memref_slice %arg8[%add3A_6] : memref<32768xf32, #tpu.memory_space<hbm>> -> memref<512xf32, #tpu.memory_space<hbm>>
      tpu.wait_dma2 semaphore(%run_scoped3A : memref<!tpu.dma_semaphore, #tpu.memory_space<semaphore_mem>>) src(%arg18 : memref<512xf32, #tpu.memory_space<vmem>>) dst(%dma_wait3A_23 : memref<512xf32, #tpu.memory_space<hbm>>)
      tpu.yield
    }) : () -> ()
    "tpu.region"() ({
      %run_scoped3A = tpu.sem_alloc : memref<!tpu.dma_semaphore, #tpu.memory_space<semaphore_mem>>
      %dma_start3A = tpu.memref_slice %arg9[%add3A_6] : memref<32768xf32, #tpu.memory_space<hbm>> -> memref<512xf32, #tpu.memory_space<hbm>>
      %dma_start3A_22 = tpu.memref_slice %arg9[%add3A_6] : memref<32768xf32, #tpu.memory_space<hbm>> -> memref<512xf32, #tpu.memory_space<hbm>>
      tpu.enqueue_dma source(%arg19 : memref<512xf32, #tpu.memory_space<vmem>>) target(%dma_start3A_22 : memref<512xf32, #tpu.memory_space<hbm>>) target_semaphore(%run_scoped3A : memref<!tpu.dma_semaphore, #tpu.memory_space<semaphore_mem>>)
      %dma_wait3A = tpu.memref_slice %arg9[%add3A_6] : memref<32768xf32, #tpu.memory_space<hbm>> -> memref<512xf32, #tpu.memory_space<hbm>>
      %dma_wait3A_23 = tpu.memref_slice %arg9[%add3A_6] : memref<32768xf32, #tpu.memory_space<hbm>> -> memref<512xf32, #tpu.memory_space<hbm>>
      tpu.wait_dma2 semaphore(%run_scoped3A : memref<!tpu.dma_semaphore, #tpu.memory_space<semaphore_mem>>) src(%arg19 : memref<512xf32, #tpu.memory_space<vmem>>) dst(%dma_wait3A_23 : memref<512xf32, #tpu.memory_space<hbm>>)
      tpu.yield
    }) : () -> ()
    "tpu.region"() ({
      %run_scoped3A = tpu.sem_alloc : memref<!tpu.dma_semaphore, #tpu.memory_space<semaphore_mem>>
      %dma_start3A = tpu.memref_slice %arg10[%add3A_6] : memref<32768xf32, #tpu.memory_space<hbm>> -> memref<512xf32, #tpu.memory_space<hbm>>
      %dma_start3A_22 = tpu.memref_slice %arg10[%add3A_6] : memref<32768xf32, #tpu.memory_space<hbm>> -> memref<512xf32, #tpu.memory_space<hbm>>
      tpu.enqueue_dma source(%arg20 : memref<512xf32, #tpu.memory_space<vmem>>) target(%dma_start3A_22 : memref<512xf32, #tpu.memory_space<hbm>>) target_semaphore(%run_scoped3A : memref<!tpu.dma_semaphore, #tpu.memory_space<semaphore_mem>>)
      %dma_wait3A = tpu.memref_slice %arg10[%add3A_6] : memref<32768xf32, #tpu.memory_space<hbm>> -> memref<512xf32, #tpu.memory_space<hbm>>
      %dma_wait3A_23 = tpu.memref_slice %arg10[%add3A_6] : memref<32768xf32, #tpu.memory_space<hbm>> -> memref<512xf32, #tpu.memory_space<hbm>>
      tpu.wait_dma2 semaphore(%run_scoped3A : memref<!tpu.dma_semaphore, #tpu.memory_space<semaphore_mem>>) src(%arg20 : memref<512xf32, #tpu.memory_space<vmem>>) dst(%dma_wait3A_23 : memref<512xf32, #tpu.memory_space<hbm>>)
      tpu.yield
    }) : () -> ()
    "tpu.region"() ({
      %run_scoped3A = tpu.sem_alloc : memref<!tpu.dma_semaphore, #tpu.memory_space<semaphore_mem>>
      %dma_start3A = tpu.memref_slice %arg11[%add3A_6] : memref<32768xf32, #tpu.memory_space<hbm>> -> memref<512xf32, #tpu.memory_space<hbm>>
      %dma_start3A_22 = tpu.memref_slice %arg11[%add3A_6] : memref<32768xf32, #tpu.memory_space<hbm>> -> memref<512xf32, #tpu.memory_space<hbm>>
      tpu.enqueue_dma source(%arg21 : memref<512xf32, #tpu.memory_space<vmem>>) target(%dma_start3A_22 : memref<512xf32, #tpu.memory_space<hbm>>) target_semaphore(%run_scoped3A : memref<!tpu.dma_semaphore, #tpu.memory_space<semaphore_mem>>)
      %dma_wait3A = tpu.memref_slice %arg11[%add3A_6] : memref<32768xf32, #tpu.memory_space<hbm>> -> memref<512xf32, #tpu.memory_space<hbm>>
      %dma_wait3A_23 = tpu.memref_slice %arg11[%add3A_6] : memref<32768xf32, #tpu.memory_space<hbm>> -> memref<512xf32, #tpu.memory_space<hbm>>
      tpu.wait_dma2 semaphore(%run_scoped3A : memref<!tpu.dma_semaphore, #tpu.memory_space<semaphore_mem>>) src(%arg21 : memref<512xf32, #tpu.memory_space<vmem>>) dst(%dma_wait3A_23 : memref<512xf32, #tpu.memory_space<hbm>>)
      tpu.yield
    }) : () -> ()
    %mul3A_12 = arith.constant 1024 : i32
    %mul3A_13 = arith.muli %add3A, %mul3A_12 : i32
    %add3A_14 = arith.constant 512 : i32
    %add3A_15 = arith.addi %mul3A_13, %add3A_14 : i32
    "tpu.region"() ({
      %run_scoped3A = tpu.sem_alloc : memref<!tpu.dma_semaphore, #tpu.memory_space<semaphore_mem>>
      %dma_start3A = arith.constant 0 : i32
      %dma_start3A_22 = arith.constant 0 : i32
      %dma_start3A_23 = tpu.memref_slice %arg3[%dma_start3A, %dma_start3A_22, %add3A_15] : memref<2x50x65536xf32, #tpu.memory_space<hbm>> -> memref<2x50x512xf32, #tpu.memory_space<hbm>>
      %dma_start3A_24 = arith.constant 0 : i32
      %dma_start3A_25 = arith.constant 0 : i32
      %dma_start3A_26 = tpu.memref_slice %arg3[%dma_start3A_24, %dma_start3A_25, %add3A_15] : memref<2x50x65536xf32, #tpu.memory_space<hbm>> -> memref<2x50x512xf32, #tpu.memory_space<hbm>>
      tpu.enqueue_dma source(%dma_start3A_26 : memref<2x50x512xf32, #tpu.memory_space<hbm>>) target(%arg12 : memref<2x50x512xf32, #tpu.memory_space<vmem>>) target_semaphore(%run_scoped3A : memref<!tpu.dma_semaphore, #tpu.memory_space<semaphore_mem>>)
      %dma_wait3A = arith.constant 0 : i32
      %dma_wait3A_27 = arith.constant 0 : i32
      %dma_wait3A_28 = tpu.memref_slice %arg3[%dma_wait3A, %dma_wait3A_27, %add3A_15] : memref<2x50x65536xf32, #tpu.memory_space<hbm>> -> memref<2x50x512xf32, #tpu.memory_space<hbm>>
      %dma_wait3A_29 = arith.constant 0 : i32
      %dma_wait3A_30 = arith.constant 0 : i32
      %dma_wait3A_31 = tpu.memref_slice %arg3[%dma_wait3A_29, %dma_wait3A_30, %add3A_15] : memref<2x50x65536xf32, #tpu.memory_space<hbm>> -> memref<2x50x512xf32, #tpu.memory_space<hbm>>
      tpu.wait_dma2 semaphore(%run_scoped3A : memref<!tpu.dma_semaphore, #tpu.memory_space<semaphore_mem>>) src(%dma_wait3A_31 : memref<2x50x512xf32, #tpu.memory_space<hbm>>) dst(%arg12 : memref<2x50x512xf32, #tpu.memory_space<vmem>>)
      tpu.yield
    }) : () -> ()
    "tpu.region"() ({
      %run_scoped3A = tpu.sem_alloc : memref<!tpu.dma_semaphore, #tpu.memory_space<semaphore_mem>>
      %dma_start3A = arith.constant 0 : i32
      %dma_start3A_22 = tpu.memref_slice %arg2[%dma_start3A, %add3A_15] : memref<2x65536xf32, #tpu.memory_space<hbm>> -> memref<2x512xf32, #tpu.memory_space<hbm>>
      %dma_start3A_23 = arith.constant 0 : i32
      %dma_start3A_24 = tpu.memref_slice %arg2[%dma_start3A_23, %add3A_15] : memref<2x65536xf32, #tpu.memory_space<hbm>> -> memref<2x512xf32, #tpu.memory_space<hbm>>
      tpu.enqueue_dma source(%dma_start3A_24 : memref<2x512xf32, #tpu.memory_space<hbm>>) target(%arg13 : memref<2x512xf32, #tpu.memory_space<vmem>>) target_semaphore(%run_scoped3A : memref<!tpu.dma_semaphore, #tpu.memory_space<semaphore_mem>>)
      %dma_wait3A = arith.constant 0 : i32
      %dma_wait3A_25 = tpu.memref_slice %arg2[%dma_wait3A, %add3A_15] : memref<2x65536xf32, #tpu.memory_space<hbm>> -> memref<2x512xf32, #tpu.memory_space<hbm>>
      %dma_wait3A_26 = arith.constant 0 : i32
      %dma_wait3A_27 = tpu.memref_slice %arg2[%dma_wait3A_26, %add3A_15] : memref<2x65536xf32, #tpu.memory_space<hbm>> -> memref<2x512xf32, #tpu.memory_space<hbm>>
      tpu.wait_dma2 semaphore(%run_scoped3A : memref<!tpu.dma_semaphore, #tpu.memory_space<semaphore_mem>>) src(%dma_wait3A_27 : memref<2x512xf32, #tpu.memory_space<hbm>>) dst(%arg13 : memref<2x512xf32, #tpu.memory_space<vmem>>)
      tpu.yield
    }) : () -> ()
    %scan3A_16 = arith.constant 0 : i32
    %scan3A_17 = arith.constant 0 : i32
    %scan3A_18 = arith.constant 32 : i32
    %scan3A_19 = arith.addi %scan3A_17, %scan3A_18 : i32
    %scan3A_20 = arith.constant 2 : i32
    scf.for %scan3A_22 = %scan3A_17 to %scan3A_19 step %scan3A_20  : i32 {
      %mul3A_23 = arith.constant 16 : i32
      %mul3A_24 = arith.muli %scan3A_22, %mul3A_23 : i32
      %get3A_25 = arith.constant 0 : i32
      %get3A_26 = arith.index_cast %get3A_25 : i32 to index
      %get3A_27 = arith.index_cast %mul3A_24 : i32 to index
      %get3A_28 = tpu.vector_load %arg13[%get3A_26, %get3A_27] {strides = array<i32>} : memref<2x512xf32, #tpu.memory_space<vmem>>, vector<1x16xf32>,
      %get3A_29 = vector.shape_cast %get3A_28 : vector<1x16xf32> to vector<16xf32>
      %get3A_30 = arith.constant 1 : i32
      %get3A_31 = arith.index_cast %get3A_30 : i32 to index
      %get3A_32 = arith.index_cast %mul3A_24 : i32 to index
      %get3A_33 = tpu.vector_load %arg13[%get3A_31, %get3A_32] {strides = array<i32>} : memref<2x512xf32, #tpu.memory_space<vmem>>, vector<1x16xf32>,
      %get3A_34 = vector.shape_cast %get3A_33 : vector<1x16xf32> to vector<16xf32>
      %broadcast_in_dim3A = arith.constant 0.000000e+00 : f32
      %broadcast_in_dim3A_35 = vector.broadcast %broadcast_in_dim3A : f32 to vector<16xf32>
      %broadcast_in_dim3A_36 = arith.constant 1.000000e+00 : f32
      %broadcast_in_dim3A_37 = vector.broadcast %broadcast_in_dim3A_36 : f32 to vector<16xf32>
      %scan3A_38 = arith.constant 1 : i32
      %scan3A_39 = arith.constant 48 : i32
      %scan3A_40 = arith.addi %scan3A_38, %scan3A_39 : i32
      %scan3A_41 = arith.constant 2 : i32
      %scan3A_42:11 = scf.for %scan3A_290 = %scan3A_38 to %scan3A_40 step %scan3A_41 iter_args(%scan3A_291 = %get3A_29, %scan3A_292 = %get3A_34, %scan3A_293 = %broadcast_in_dim3A_37, %scan3A_294 = %broadcast_in_dim3A_35, %scan3A_295 = %broadcast_in_dim3A_35, %scan3A_296 = %broadcast_in_dim3A_37, %scan3A_297 = %broadcast_in_dim3A_35, %scan3A_298 = %broadcast_in_dim3A_35, %scan3A_299 = %broadcast_in_dim3A_35, %scan3A_300 = %broadcast_in_dim3A_35, %scan3A_301 = %broadcast_in_dim3A_35) -> (vector<16xf32>, vector<16xf32>, vector<16xf32>, vector<16xf32>, vector<16xf32>, vector<16xf32>, vector<16xf32>, vector<16xf32>, vector<16xf32>, vector<16xf32>, vector<16xf32>)  : i32 {
        %get3A_302 = arith.constant 0 : i32
        %get3A_303 = arith.index_cast %get3A_302 : i32 to index
        %get3A_304 = arith.index_cast %scan3A_290 : i32 to index
        %get3A_305 = arith.index_cast %mul3A_24 : i32 to index
        %get3A_306 = tpu.vector_load %arg12[%get3A_303, %get3A_304, %get3A_305] {strides = array<i32>} : memref<2x50x512xf32, #tpu.memory_space<vmem>>, vector<1x1x16xf32>,
        %get3A_307 = vector.shape_cast %get3A_306 : vector<1x1x16xf32> to vector<16xf32>
        %mul3A_308 = arith.constant 1.41421354 : f32
        %mul3A_309 = vector.broadcast %mul3A_308 : f32 to vector<16xf32>
        %mul3A_310 = arith.mulf %mul3A_309, %get3A_307 : vector<16xf32>
        %get3A_311 = arith.constant 1 : i32
        %get3A_312 = arith.index_cast %get3A_311 : i32 to index
        %get3A_313 = arith.index_cast %scan3A_290 : i32 to index
        %get3A_314 = arith.index_cast %mul3A_24 : i32 to index
        %get3A_315 = tpu.vector_load %arg12[%get3A_312, %get3A_313, %get3A_314] {strides = array<i32>} : memref<2x50x512xf32, #tpu.memory_space<vmem>>, vector<1x1x16xf32>,
        %get3A_316 = vector.shape_cast %get3A_315 : vector<1x1x16xf32> to vector<16xf32>
        %mul3A_317 = arith.constant 1.41421354 : f32
        %mul3A_318 = vector.broadcast %mul3A_317 : f32 to vector<16xf32>
        %mul3A_319 = arith.mulf %mul3A_318, %get3A_316 : vector<16xf32>
        %mul3A_320 = arith.mulf %get3A_2, %scan3A_291 : vector<16xf32>
        %mul3A_321 = arith.constant 4.000000e-03 : f32
        %mul3A_322 = vector.broadcast %mul3A_321 : f32 to vector<16xf32>
        %mul3A_323 = arith.mulf %mul3A_320, %mul3A_322 : vector<16xf32>
        %mul3A_324 = arith.mulf %get3A_2, %scan3A_292 : vector<16xf32>
        %mul3A_325 = arith.constant 4.000000e-03 : f32
        %mul3A_326 = vector.broadcast %mul3A_325 : f32 to vector<16xf32>
        %mul3A_327 = arith.mulf %mul3A_324, %mul3A_326 : vector<16xf32>
        %add3A_328 = arith.addf %mul3A_323, %mul3A_310 : vector<16xf32>
        %add3A_329 = arith.addf %scan3A_291, %add3A_328 : vector<16xf32>
        %add3A_330 = arith.addf %mul3A_327, %mul3A_319 : vector<16xf32>
        %add3A_331 = arith.addf %scan3A_292, %add3A_330 : vector<16xf32>
        %mul3A_332 = arith.mulf %add3A_329, %add3A_329 : vector<16xf32>
        %mul3A_333 = arith.mulf %add3A_331, %add3A_331 : vector<16xf32>
        %add3A_334 = arith.addf %mul3A_332, %mul3A_333 : vector<16xf32>
        %lt3A_335 = arith.constant 1.000000e+00 : f32
        %lt3A_336 = vector.broadcast %lt3A_335 : f32 to vector<16xf32>
        %lt3A_337 = arith.cmpf olt, %add3A_334, %lt3A_336 : vector<16xf32>
        %jit3A_338 = arith.constant 1.000000e+00 : f32
        %jit3A_339 = arith.constant 0.000000e+00 : f32
        %broadcast_in_dim3A_340 = vector.broadcast %jit3A_338 : f32 to vector<16xf32>
        %broadcast_in_dim3A_341 = vector.broadcast %jit3A_339 : f32 to vector<16xf32>
        %select_n3A_342 = arith.select %lt3A_337, %broadcast_in_dim3A_340, %broadcast_in_dim3A_341 : vector<16xi1>, vector<16xf32>
        %add3A_343 = arith.addf %scan3A_291, %mul3A_323 : vector<16xf32>
        %add3A_344 = arith.addf %add3A_343, %mul3A_310 : vector<16xf32>
        %add3A_345 = arith.addf %scan3A_292, %mul3A_327 : vector<16xf32>
        %add3A_346 = arith.addf %add3A_345, %mul3A_319 : vector<16xf32>
        %mul3A_347 = arith.mulf %scan3A_293, %select_n3A_342 : vector<16xf32>
        %sub3A_348 = arith.subf %scan3A_293, %mul3A_347 : vector<16xf32>
        %gt3A_349 = arith.constant 0.000000e+00 : f32
        %gt3A_350 = vector.broadcast %gt3A_349 : f32 to vector<16xf32>
        %gt3A_351 = arith.cmpf ogt, %sub3A_348, %gt3A_350 : vector<16xf32>
        %gt3A_352 = arith.constant 0.000000e+00 : f32
        %gt3A_353 = vector.broadcast %gt3A_352 : f32 to vector<16xf32>
        %gt3A_354 = arith.cmpf ogt, %mul3A_347, %gt3A_353 : vector<16xf32>
        %select_n3A_355 = arith.select %gt3A_351, %scan3A_291, %scan3A_298 : vector<16xi1>, vector<16xf32>
        %select_n3A_356 = arith.select %gt3A_351, %scan3A_292, %scan3A_299 : vector<16xi1>, vector<16xf32>
        %select_n3A_357 = arith.select %gt3A_351, %mul3A_310, %scan3A_300 : vector<16xi1>, vector<16xf32>
        %select_n3A_358 = arith.select %gt3A_351, %mul3A_319, %scan3A_301 : vector<16xi1>, vector<16xf32>
        %select_n3A_359 = arith.select %gt3A_351, %scan3A_296, %scan3A_297 : vector<16xi1>, vector<16xf32>
        %add3A_360 = arith.addf %scan3A_294, %sub3A_348 : vector<16xf32>
        %select_n3A_361 = arith.select %gt3A_354, %add3A_344, %scan3A_291 : vector<16xi1>, vector<16xf32>
        %select_n3A_362 = arith.select %gt3A_354, %add3A_346, %scan3A_292 : vector<16xi1>, vector<16xf32>
        %mul3A_363 = arith.mulf %get3A_2, %get3A_2 : vector<16xf32>
        %add3A_364 = arith.constant 2.000000e+00 : f32
        %add3A_365 = vector.broadcast %add3A_364 : f32 to vector<16xf32>
        %add3A_366 = arith.addf %mul3A_363, %add3A_365 : vector<16xf32>
        %mul3A_367 = arith.mulf %select_n3A_361, %select_n3A_361 : vector<16xf32>
        %mul3A_368 = arith.mulf %select_n3A_362, %select_n3A_362 : vector<16xf32>
        %add3A_369 = arith.addf %mul3A_367, %mul3A_368 : vector<16xf32>
        %mul3A_370 = arith.mulf %add3A_366, %add3A_369 : vector<16xf32>
        %sub3A_371 = arith.constant 4.000000e+00 : f32
        %sub3A_372 = vector.broadcast %sub3A_371 : f32 to vector<16xf32>
        %sub3A_373 = arith.subf %mul3A_370, %sub3A_372 : vector<16xf32>
        %mul3A_374 = arith.mulf %sub3A_373, %scan3A_296 : vector<16xf32>
        %mul3A_375 = arith.mulf %mul3A_347, %mul3A_374 : vector<16xf32>
        %add3A_376 = arith.addf %scan3A_295, %mul3A_375 : vector<16xf32>
        %mul3A_377 = arith.constant 0.996007978 : f32
        %mul3A_378 = vector.broadcast %mul3A_377 : f32 to vector<16xf32>
        %mul3A_379 = arith.mulf %scan3A_296, %mul3A_378 : vector<16xf32>
        %scan3A_380 = arith.constant 1 : i32
        %scan3A_381 = arith.addi %scan3A_290, %scan3A_380 : i32
        %get3A_382 = arith.constant 0 : i32
        %get3A_383 = arith.index_cast %get3A_382 : i32 to index
        %get3A_384 = arith.index_cast %scan3A_381 : i32 to index
        %get3A_385 = arith.index_cast %mul3A_24 : i32 to index
        %get3A_386 = tpu.vector_load %arg12[%get3A_383, %get3A_384, %get3A_385] {strides = array<i32>} : memref<2x50x512xf32, #tpu.memory_space<vmem>>, vector<1x1x16xf32>,
        %get3A_387 = vector.shape_cast %get3A_386 : vector<1x1x16xf32> to vector<16xf32>
        %mul3A_388 = arith.constant 1.41421354 : f32
        %mul3A_389 = vector.broadcast %mul3A_388 : f32 to vector<16xf32>
        %mul3A_390 = arith.mulf %mul3A_389, %get3A_387 : vector<16xf32>
        %get3A_391 = arith.constant 1 : i32
        %get3A_392 = arith.index_cast %get3A_391 : i32 to index
        %get3A_393 = arith.index_cast %scan3A_381 : i32 to index
        %get3A_394 = arith.index_cast %mul3A_24 : i32 to index
        %get3A_395 = tpu.vector_load %arg12[%get3A_392, %get3A_393, %get3A_394] {strides = array<i32>} : memref<2x50x512xf32, #tpu.memory_space<vmem>>, vector<1x1x16xf32>,
        %get3A_396 = vector.shape_cast %get3A_395 : vector<1x1x16xf32> to vector<16xf32>
        %mul3A_397 = arith.constant 1.41421354 : f32
        %mul3A_398 = vector.broadcast %mul3A_397 : f32 to vector<16xf32>
        %mul3A_399 = arith.mulf %mul3A_398, %get3A_396 : vector<16xf32>
        %mul3A_400 = arith.mulf %get3A_2, %select_n3A_361 : vector<16xf32>
        %mul3A_401 = arith.constant 4.000000e-03 : f32
        %mul3A_402 = vector.broadcast %mul3A_401 : f32 to vector<16xf32>
        %mul3A_403 = arith.mulf %mul3A_400, %mul3A_402 : vector<16xf32>
        %mul3A_404 = arith.mulf %get3A_2, %select_n3A_362 : vector<16xf32>
        %mul3A_405 = arith.constant 4.000000e-03 : f32
        %mul3A_406 = vector.broadcast %mul3A_405 : f32 to vector<16xf32>
        %mul3A_407 = arith.mulf %mul3A_404, %mul3A_406 : vector<16xf32>
        %add3A_408 = arith.addf %mul3A_403, %mul3A_390 : vector<16xf32>
        %add3A_409 = arith.addf %select_n3A_361, %add3A_408 : vector<16xf32>
        %add3A_410 = arith.addf %mul3A_407, %mul3A_399 : vector<16xf32>
        %add3A_411 = arith.addf %select_n3A_362, %add3A_410 : vector<16xf32>
        %mul3A_412 = arith.mulf %add3A_409, %add3A_409 : vector<16xf32>
        %mul3A_413 = arith.mulf %add3A_411, %add3A_411 : vector<16xf32>
        %add3A_414 = arith.addf %mul3A_412, %mul3A_413 : vector<16xf32>
        %lt3A_415 = arith.constant 1.000000e+00 : f32
        %lt3A_416 = vector.broadcast %lt3A_415 : f32 to vector<16xf32>
        %lt3A_417 = arith.cmpf olt, %add3A_414, %lt3A_416 : vector<16xf32>
        %jit3A_418 = arith.constant 1.000000e+00 : f32
        %jit3A_419 = arith.constant 0.000000e+00 : f32
        %broadcast_in_dim3A_420 = vector.broadcast %jit3A_418 : f32 to vector<16xf32>
        %broadcast_in_dim3A_421 = vector.broadcast %jit3A_419 : f32 to vector<16xf32>
        %select_n3A_422 = arith.select %lt3A_417, %broadcast_in_dim3A_420, %broadcast_in_dim3A_421 : vector<16xi1>, vector<16xf32>
        %add3A_423 = arith.addf %select_n3A_361, %mul3A_403 : vector<16xf32>
        %add3A_424 = arith.addf %add3A_423, %mul3A_390 : vector<16xf32>
        %add3A_425 = arith.addf %select_n3A_362, %mul3A_407 : vector<16xf32>
        %add3A_426 = arith.addf %add3A_425, %mul3A_399 : vector<16xf32>
        %mul3A_427 = arith.mulf %mul3A_347, %select_n3A_422 : vector<16xf32>
        %sub3A_428 = arith.subf %mul3A_347, %mul3A_427 : vector<16xf32>
        %gt3A_429 = arith.constant 0.000000e+00 : f32
        %gt3A_430 = vector.broadcast %gt3A_429 : f32 to vector<16xf32>
        %gt3A_431 = arith.cmpf ogt, %sub3A_428, %gt3A_430 : vector<16xf32>
        %gt3A_432 = arith.constant 0.000000e+00 : f32
        %gt3A_433 = vector.broadcast %gt3A_432 : f32 to vector<16xf32>
        %gt3A_434 = arith.cmpf ogt, %mul3A_427, %gt3A_433 : vector<16xf32>
        %select_n3A_435 = arith.select %gt3A_431, %select_n3A_361, %select_n3A_355 : vector<16xi1>, vector<16xf32>
        %select_n3A_436 = arith.select %gt3A_431, %select_n3A_362, %select_n3A_356 : vector<16xi1>, vector<16xf32>
        %select_n3A_437 = arith.select %gt3A_431, %mul3A_390, %select_n3A_357 : vector<16xi1>, vector<16xf32>
        %select_n3A_438 = arith.select %gt3A_431, %mul3A_399, %select_n3A_358 : vector<16xi1>, vector<16xf32>
        %select_n3A_439 = arith.select %gt3A_431, %mul3A_379, %select_n3A_359 : vector<16xi1>, vector<16xf32>
        %add3A_440 = arith.addf %add3A_360, %sub3A_428 : vector<16xf32>
        %select_n3A_441 = arith.select %gt3A_434, %add3A_424, %select_n3A_361 : vector<16xi1>, vector<16xf32>
        %select_n3A_442 = arith.select %gt3A_434, %add3A_426, %select_n3A_362 : vector<16xi1>, vector<16xf32>
        %mul3A_443 = arith.mulf %get3A_2, %get3A_2 : vector<16xf32>
        %add3A_444 = arith.constant 2.000000e+00 : f32
        %add3A_445 = vector.broadcast %add3A_444 : f32 to vector<16xf32>
        %add3A_446 = arith.addf %mul3A_443, %add3A_445 : vector<16xf32>
        %mul3A_447 = arith.mulf %select_n3A_441, %select_n3A_441 : vector<16xf32>
        %mul3A_448 = arith.mulf %select_n3A_442, %select_n3A_442 : vector<16xf32>
        %add3A_449 = arith.addf %mul3A_447, %mul3A_448 : vector<16xf32>
        %mul3A_450 = arith.mulf %add3A_446, %add3A_449 : vector<16xf32>
        %sub3A_451 = arith.constant 4.000000e+00 : f32
        %sub3A_452 = vector.broadcast %sub3A_451 : f32 to vector<16xf32>
        %sub3A_453 = arith.subf %mul3A_450, %sub3A_452 : vector<16xf32>
        %mul3A_454 = arith.mulf %sub3A_453, %mul3A_379 : vector<16xf32>
        %mul3A_455 = arith.mulf %mul3A_427, %mul3A_454 : vector<16xf32>
        %add3A_456 = arith.addf %add3A_376, %mul3A_455 : vector<16xf32>
        %mul3A_457 = arith.constant 0.996007978 : f32
        %mul3A_458 = vector.broadcast %mul3A_457 : f32 to vector<16xf32>
        %mul3A_459 = arith.mulf %mul3A_379, %mul3A_458 : vector<16xf32>
        scf.yield %select_n3A_441, %select_n3A_442, %mul3A_427, %add3A_440, %add3A_456, %mul3A_459, %select_n3A_439, %select_n3A_435, %select_n3A_436, %select_n3A_437, %select_n3A_438 : vector<16xf32>, vector<16xf32>, vector<16xf32>, vector<16xf32>, vector<16xf32>, vector<16xf32>, vector<16xf32>, vector<16xf32>, vector<16xf32>, vector<16xf32>, vector<16xf32>
      }
      %scan3A_43 = arith.constant 48 : i32
      %scan3A_44 = arith.addi %scan3A_38, %scan3A_43 : i32
      %get3A_45 = arith.constant 0 : i32
      %get3A_46 = arith.index_cast %get3A_45 : i32 to index
      %get3A_47 = arith.index_cast %scan3A_44 : i32 to index
      %get3A_48 = arith.index_cast %mul3A_24 : i32 to index
      %get3A_49 = tpu.vector_load %arg12[%get3A_46, %get3A_47, %get3A_48] {strides = array<i32>} : memref<2x50x512xf32, #tpu.memory_space<vmem>>, vector<1x1x16xf32>,
      %get3A_50 = vector.shape_cast %get3A_49 : vector<1x1x16xf32> to vector<16xf32>
      %mul3A_51 = arith.constant 1.41421354 : f32
      %mul3A_52 = vector.broadcast %mul3A_51 : f32 to vector<16xf32>
      %mul3A_53 = arith.mulf %mul3A_52, %get3A_50 : vector<16xf32>
      %get3A_54 = arith.constant 1 : i32
      %get3A_55 = arith.index_cast %get3A_54 : i32 to index
      %get3A_56 = arith.index_cast %scan3A_44 : i32 to index
      %get3A_57 = arith.index_cast %mul3A_24 : i32 to index
      %get3A_58 = tpu.vector_load %arg12[%get3A_55, %get3A_56, %get3A_57] {strides = array<i32>} : memref<2x50x512xf32, #tpu.memory_space<vmem>>, vector<1x1x16xf32>,
      %get3A_59 = vector.shape_cast %get3A_58 : vector<1x1x16xf32> to vector<16xf32>
      %mul3A_60 = arith.constant 1.41421354 : f32
      %mul3A_61 = vector.broadcast %mul3A_60 : f32 to vector<16xf32>
      %mul3A_62 = arith.mulf %mul3A_61, %get3A_59 : vector<16xf32>
      %mul3A_63 = arith.mulf %get3A_2, %scan3A_42#0 : vector<16xf32>
      %mul3A_64 = arith.constant 4.000000e-03 : f32
      %mul3A_65 = vector.broadcast %mul3A_64 : f32 to vector<16xf32>
      %mul3A_66 = arith.mulf %mul3A_63, %mul3A_65 : vector<16xf32>
      %mul3A_67 = arith.mulf %get3A_2, %scan3A_42#1 : vector<16xf32>
      %mul3A_68 = arith.constant 4.000000e-03 : f32
      %mul3A_69 = vector.broadcast %mul3A_68 : f32 to vector<16xf32>
      %mul3A_70 = arith.mulf %mul3A_67, %mul3A_69 : vector<16xf32>
      %add3A_71 = arith.addf %mul3A_66, %mul3A_53 : vector<16xf32>
      %add3A_72 = arith.addf %scan3A_42#0, %add3A_71 : vector<16xf32>
      %add3A_73 = arith.addf %mul3A_70, %mul3A_62 : vector<16xf32>
      %add3A_74 = arith.addf %scan3A_42#1, %add3A_73 : vector<16xf32>
      %mul3A_75 = arith.mulf %add3A_72, %add3A_72 : vector<16xf32>
      %mul3A_76 = arith.mulf %add3A_74, %add3A_74 : vector<16xf32>
      %add3A_77 = arith.addf %mul3A_75, %mul3A_76 : vector<16xf32>
      %lt3A = arith.constant 1.000000e+00 : f32
      %lt3A_78 = vector.broadcast %lt3A : f32 to vector<16xf32>
      %lt3A_79 = arith.cmpf olt, %add3A_77, %lt3A_78 : vector<16xf32>
      %jit3A = arith.constant 1.000000e+00 : f32
      %jit3A_80 = arith.constant 0.000000e+00 : f32
      %broadcast_in_dim3A_81 = vector.broadcast %jit3A : f32 to vector<16xf32>
      %broadcast_in_dim3A_82 = vector.broadcast %jit3A_80 : f32 to vector<16xf32>
      %select_n3A = arith.select %lt3A_79, %broadcast_in_dim3A_81, %broadcast_in_dim3A_82 : vector<16xi1>, vector<16xf32>
      %add3A_83 = arith.addf %scan3A_42#0, %mul3A_66 : vector<16xf32>
      %add3A_84 = arith.addf %add3A_83, %mul3A_53 : vector<16xf32>
      %add3A_85 = arith.addf %scan3A_42#1, %mul3A_70 : vector<16xf32>
      %add3A_86 = arith.addf %add3A_85, %mul3A_62 : vector<16xf32>
      %mul3A_87 = arith.mulf %scan3A_42#2, %select_n3A : vector<16xf32>
      %sub3A = arith.subf %scan3A_42#2, %mul3A_87 : vector<16xf32>
      %gt3A = arith.constant 0.000000e+00 : f32
      %gt3A_88 = vector.broadcast %gt3A : f32 to vector<16xf32>
      %gt3A_89 = arith.cmpf ogt, %sub3A, %gt3A_88 : vector<16xf32>
      %gt3A_90 = arith.constant 0.000000e+00 : f32
      %gt3A_91 = vector.broadcast %gt3A_90 : f32 to vector<16xf32>
      %gt3A_92 = arith.cmpf ogt, %mul3A_87, %gt3A_91 : vector<16xf32>
      %select_n3A_93 = arith.select %gt3A_89, %scan3A_42#0, %scan3A_42#7 : vector<16xi1>, vector<16xf32>
      %select_n3A_94 = arith.select %gt3A_89, %scan3A_42#1, %scan3A_42#8 : vector<16xi1>, vector<16xf32>
      %select_n3A_95 = arith.select %gt3A_89, %mul3A_53, %scan3A_42#9 : vector<16xi1>, vector<16xf32>
      %select_n3A_96 = arith.select %gt3A_89, %mul3A_62, %scan3A_42#10 : vector<16xi1>, vector<16xf32>
      %select_n3A_97 = arith.select %gt3A_89, %scan3A_42#5, %scan3A_42#6 : vector<16xi1>, vector<16xf32>
      %add3A_98 = arith.addf %scan3A_42#3, %sub3A : vector<16xf32>
      %select_n3A_99 = arith.select %gt3A_92, %add3A_84, %scan3A_42#0 : vector<16xi1>, vector<16xf32>
      %select_n3A_100 = arith.select %gt3A_92, %add3A_86, %scan3A_42#1 : vector<16xi1>, vector<16xf32>
      %mul3A_101 = arith.mulf %get3A_2, %get3A_2 : vector<16xf32>
      %add3A_102 = arith.constant 2.000000e+00 : f32
      %add3A_103 = vector.broadcast %add3A_102 : f32 to vector<16xf32>
      %add3A_104 = arith.addf %mul3A_101, %add3A_103 : vector<16xf32>
      %mul3A_105 = arith.mulf %select_n3A_99, %select_n3A_99 : vector<16xf32>
      %mul3A_106 = arith.mulf %select_n3A_100, %select_n3A_100 : vector<16xf32>
      %add3A_107 = arith.addf %mul3A_105, %mul3A_106 : vector<16xf32>
      %mul3A_108 = arith.mulf %add3A_104, %add3A_107 : vector<16xf32>
      %sub3A_109 = arith.constant 4.000000e+00 : f32
      %sub3A_110 = vector.broadcast %sub3A_109 : f32 to vector<16xf32>
      %sub3A_111 = arith.subf %mul3A_108, %sub3A_110 : vector<16xf32>
      %mul3A_112 = arith.mulf %sub3A_111, %scan3A_42#5 : vector<16xf32>
      %mul3A_113 = arith.mulf %mul3A_87, %mul3A_112 : vector<16xf32>
      %add3A_114 = arith.addf %scan3A_42#4, %mul3A_113 : vector<16xf32>
      %mul3A_115 = arith.constant 0.996007978 : f32
      %mul3A_116 = vector.broadcast %mul3A_115 : f32 to vector<16xf32>
      %mul3A_117 = arith.mulf %scan3A_42#5, %mul3A_116 : vector<16xf32>
      %scan3A_118 = arith.constant 49 : i32
      %gt3A_119 = arith.constant 0.000000e+00 : f32
      %gt3A_120 = vector.broadcast %gt3A_119 : f32 to vector<16xf32>
      %gt3A_121 = arith.cmpf ogt, %add3A_98, %gt3A_120 : vector<16xf32>
      %select_n3A_122 = arith.select %gt3A_121, %select_n3A_93, %select_n3A_99 : vector<16xi1>, vector<16xf32>
      %select_n3A_123 = arith.select %gt3A_121, %select_n3A_94, %select_n3A_100 : vector<16xi1>, vector<16xf32>
      %select_n3A_124 = arith.select %gt3A_121, %select_n3A_97, %mul3A_117 : vector<16xi1>, vector<16xf32>
      %swap3A = arith.index_cast %mul3A_24 : i32 to index
      %swap3A_125 = tpu.vector_load %arg15[%swap3A] {strides = array<i32>} : memref<512xf32, #tpu.memory_space<vmem>>, vector<16xf32>,
      %swap3A_126 = vector.shape_cast %swap3A_125 : vector<16xf32> to vector<16xf32>
      %swap3A_127 = vector.shape_cast %select_n3A_122 : vector<16xf32> to vector<16xf32>
      tpu.vector_store %arg15[%swap3A], %swap3A_127 {strides = array<i32>} : memref<512xf32, #tpu.memory_space<vmem>>, vector<16xf32>,
      %swap3A_128 = arith.index_cast %mul3A_24 : i32 to index
      %swap3A_129 = tpu.vector_load %arg16[%swap3A_128] {strides = array<i32>} : memref<512xf32, #tpu.memory_space<vmem>>, vector<16xf32>,
      %swap3A_130 = vector.shape_cast %swap3A_129 : vector<16xf32> to vector<16xf32>
      %swap3A_131 = vector.shape_cast %select_n3A_123 : vector<16xf32> to vector<16xf32>
      tpu.vector_store %arg16[%swap3A_128], %swap3A_131 {strides = array<i32>} : memref<512xf32, #tpu.memory_space<vmem>>, vector<16xf32>,
      %swap3A_132 = arith.index_cast %mul3A_24 : i32 to index
      %swap3A_133 = tpu.vector_load %arg17[%swap3A_132] {strides = array<i32>} : memref<512xf32, #tpu.memory_space<vmem>>, vector<16xf32>,
      %swap3A_134 = vector.shape_cast %swap3A_133 : vector<16xf32> to vector<16xf32>
      %swap3A_135 = vector.shape_cast %select_n3A_95 : vector<16xf32> to vector<16xf32>
      tpu.vector_store %arg17[%swap3A_132], %swap3A_135 {strides = array<i32>} : memref<512xf32, #tpu.memory_space<vmem>>, vector<16xf32>,
      %swap3A_136 = arith.index_cast %mul3A_24 : i32 to index
      %swap3A_137 = tpu.vector_load %arg18[%swap3A_136] {strides = array<i32>} : memref<512xf32, #tpu.memory_space<vmem>>, vector<16xf32>,
      %swap3A_138 = vector.shape_cast %swap3A_137 : vector<16xf32> to vector<16xf32>
      %swap3A_139 = vector.shape_cast %select_n3A_96 : vector<16xf32> to vector<16xf32>
      tpu.vector_store %arg18[%swap3A_136], %swap3A_139 {strides = array<i32>} : memref<512xf32, #tpu.memory_space<vmem>>, vector<16xf32>,
      %swap3A_140 = arith.index_cast %mul3A_24 : i32 to index
      %swap3A_141 = tpu.vector_load %arg19[%swap3A_140] {strides = array<i32>} : memref<512xf32, #tpu.memory_space<vmem>>, vector<16xf32>,
      %swap3A_142 = vector.shape_cast %swap3A_141 : vector<16xf32> to vector<16xf32>
      %swap3A_143 = vector.shape_cast %select_n3A_124 : vector<16xf32> to vector<16xf32>
      tpu.vector_store %arg19[%swap3A_140], %swap3A_143 {strides = array<i32>} : memref<512xf32, #tpu.memory_space<vmem>>, vector<16xf32>,
      %swap3A_144 = arith.index_cast %mul3A_24 : i32 to index
      %swap3A_145 = tpu.vector_load %arg20[%swap3A_144] {strides = array<i32>} : memref<512xf32, #tpu.memory_space<vmem>>, vector<16xf32>,
      %swap3A_146 = vector.shape_cast %swap3A_145 : vector<16xf32> to vector<16xf32>
      %swap3A_147 = vector.shape_cast %add3A_114 : vector<16xf32> to vector<16xf32>
      tpu.vector_store %arg20[%swap3A_144], %swap3A_147 {strides = array<i32>} : memref<512xf32, #tpu.memory_space<vmem>>, vector<16xf32>,
      %swap3A_148 = arith.index_cast %mul3A_24 : i32 to index
      %swap3A_149 = tpu.vector_load %arg21[%swap3A_148] {strides = array<i32>} : memref<512xf32, #tpu.memory_space<vmem>>, vector<16xf32>,
      %swap3A_150 = vector.shape_cast %swap3A_149 : vector<16xf32> to vector<16xf32>
      %swap3A_151 = vector.shape_cast %add3A_98 : vector<16xf32> to vector<16xf32>
      tpu.vector_store %arg21[%swap3A_148], %swap3A_151 {strides = array<i32>} : memref<512xf32, #tpu.memory_space<vmem>>, vector<16xf32>,
      %scan3A_152 = arith.constant 1 : i32
      %scan3A_153 = arith.addi %scan3A_22, %scan3A_152 : i32
      %mul3A_154 = arith.constant 16 : i32
      %mul3A_155 = arith.muli %scan3A_153, %mul3A_154 : i32
      %get3A_156 = arith.constant 0 : i32
      %get3A_157 = arith.index_cast %get3A_156 : i32 to index
      %get3A_158 = arith.index_cast %mul3A_155 : i32 to index
      %get3A_159 = tpu.vector_load %arg13[%get3A_157, %get3A_158] {strides = array<i32>} : memref<2x512xf32, #tpu.memory_space<vmem>>, vector<1x16xf32>,
      %get3A_160 = vector.shape_cast %get3A_159 : vector<1x16xf32> to vector<16xf32>
      %get3A_161 = arith.constant 1 : i32
      %get3A_162 = arith.index_cast %get3A_161 : i32 to index
      %get3A_163 = arith.index_cast %mul3A_155 : i32 to index
      %get3A_164 = tpu.vector_load %arg13[%get3A_162, %get3A_163] {strides = array<i32>} : memref<2x512xf32, #tpu.memory_space<vmem>>, vector<1x16xf32>,
      %get3A_165 = vector.shape_cast %get3A_164 : vector<1x16xf32> to vector<16xf32>
      %broadcast_in_dim3A_166 = arith.constant 0.000000e+00 : f32
      %broadcast_in_dim3A_167 = vector.broadcast %broadcast_in_dim3A_166 : f32 to vector<16xf32>
      %broadcast_in_dim3A_168 = arith.constant 1.000000e+00 : f32
      %broadcast_in_dim3A_169 = vector.broadcast %broadcast_in_dim3A_168 : f32 to vector<16xf32>
      %scan3A_170 = arith.constant 1 : i32
      %scan3A_171 = arith.constant 48 : i32
      %scan3A_172 = arith.addi %scan3A_170, %scan3A_171 : i32
      %scan3A_173 = arith.constant 2 : i32
      %scan3A_174:11 = scf.for %scan3A_290 = %scan3A_170 to %scan3A_172 step %scan3A_173 iter_args(%scan3A_291 = %get3A_160, %scan3A_292 = %get3A_165, %scan3A_293 = %broadcast_in_dim3A_169, %scan3A_294 = %broadcast_in_dim3A_167, %scan3A_295 = %broadcast_in_dim3A_167, %scan3A_296 = %broadcast_in_dim3A_169, %scan3A_297 = %broadcast_in_dim3A_167, %scan3A_298 = %broadcast_in_dim3A_167, %scan3A_299 = %broadcast_in_dim3A_167, %scan3A_300 = %broadcast_in_dim3A_167, %scan3A_301 = %broadcast_in_dim3A_167) -> (vector<16xf32>, vector<16xf32>, vector<16xf32>, vector<16xf32>, vector<16xf32>, vector<16xf32>, vector<16xf32>, vector<16xf32>, vector<16xf32>, vector<16xf32>, vector<16xf32>)  : i32 {
        %get3A_302 = arith.constant 0 : i32
        %get3A_303 = arith.index_cast %get3A_302 : i32 to index
        %get3A_304 = arith.index_cast %scan3A_290 : i32 to index
        %get3A_305 = arith.index_cast %mul3A_155 : i32 to index
        %get3A_306 = tpu.vector_load %arg12[%get3A_303, %get3A_304, %get3A_305] {strides = array<i32>} : memref<2x50x512xf32, #tpu.memory_space<vmem>>, vector<1x1x16xf32>,
        %get3A_307 = vector.shape_cast %get3A_306 : vector<1x1x16xf32> to vector<16xf32>
        %mul3A_308 = arith.constant 1.41421354 : f32
        %mul3A_309 = vector.broadcast %mul3A_308 : f32 to vector<16xf32>
        %mul3A_310 = arith.mulf %mul3A_309, %get3A_307 : vector<16xf32>
        %get3A_311 = arith.constant 1 : i32
        %get3A_312 = arith.index_cast %get3A_311 : i32 to index
        %get3A_313 = arith.index_cast %scan3A_290 : i32 to index
        %get3A_314 = arith.index_cast %mul3A_155 : i32 to index
        %get3A_315 = tpu.vector_load %arg12[%get3A_312, %get3A_313, %get3A_314] {strides = array<i32>} : memref<2x50x512xf32, #tpu.memory_space<vmem>>, vector<1x1x16xf32>,
        %get3A_316 = vector.shape_cast %get3A_315 : vector<1x1x16xf32> to vector<16xf32>
        %mul3A_317 = arith.constant 1.41421354 : f32
        %mul3A_318 = vector.broadcast %mul3A_317 : f32 to vector<16xf32>
        %mul3A_319 = arith.mulf %mul3A_318, %get3A_316 : vector<16xf32>
        %mul3A_320 = arith.mulf %get3A_2, %scan3A_291 : vector<16xf32>
        %mul3A_321 = arith.constant 4.000000e-03 : f32
        %mul3A_322 = vector.broadcast %mul3A_321 : f32 to vector<16xf32>
        %mul3A_323 = arith.mulf %mul3A_320, %mul3A_322 : vector<16xf32>
        %mul3A_324 = arith.mulf %get3A_2, %scan3A_292 : vector<16xf32>
        %mul3A_325 = arith.constant 4.000000e-03 : f32
        %mul3A_326 = vector.broadcast %mul3A_325 : f32 to vector<16xf32>
        %mul3A_327 = arith.mulf %mul3A_324, %mul3A_326 : vector<16xf32>
        %add3A_328 = arith.addf %mul3A_323, %mul3A_310 : vector<16xf32>
        %add3A_329 = arith.addf %scan3A_291, %add3A_328 : vector<16xf32>
        %add3A_330 = arith.addf %mul3A_327, %mul3A_319 : vector<16xf32>
        %add3A_331 = arith.addf %scan3A_292, %add3A_330 : vector<16xf32>
        %mul3A_332 = arith.mulf %add3A_329, %add3A_329 : vector<16xf32>
        %mul3A_333 = arith.mulf %add3A_331, %add3A_331 : vector<16xf32>
        %add3A_334 = arith.addf %mul3A_332, %mul3A_333 : vector<16xf32>
        %lt3A_335 = arith.constant 1.000000e+00 : f32
        %lt3A_336 = vector.broadcast %lt3A_335 : f32 to vector<16xf32>
        %lt3A_337 = arith.cmpf olt, %add3A_334, %lt3A_336 : vector<16xf32>
        %jit3A_338 = arith.constant 1.000000e+00 : f32
        %jit3A_339 = arith.constant 0.000000e+00 : f32
        %broadcast_in_dim3A_340 = vector.broadcast %jit3A_338 : f32 to vector<16xf32>
        %broadcast_in_dim3A_341 = vector.broadcast %jit3A_339 : f32 to vector<16xf32>
        %select_n3A_342 = arith.select %lt3A_337, %broadcast_in_dim3A_340, %broadcast_in_dim3A_341 : vector<16xi1>, vector<16xf32>
        %add3A_343 = arith.addf %scan3A_291, %mul3A_323 : vector<16xf32>
        %add3A_344 = arith.addf %add3A_343, %mul3A_310 : vector<16xf32>
        %add3A_345 = arith.addf %scan3A_292, %mul3A_327 : vector<16xf32>
        %add3A_346 = arith.addf %add3A_345, %mul3A_319 : vector<16xf32>
        %mul3A_347 = arith.mulf %scan3A_293, %select_n3A_342 : vector<16xf32>
        %sub3A_348 = arith.subf %scan3A_293, %mul3A_347 : vector<16xf32>
        %gt3A_349 = arith.constant 0.000000e+00 : f32
        %gt3A_350 = vector.broadcast %gt3A_349 : f32 to vector<16xf32>
        %gt3A_351 = arith.cmpf ogt, %sub3A_348, %gt3A_350 : vector<16xf32>
        %gt3A_352 = arith.constant 0.000000e+00 : f32
        %gt3A_353 = vector.broadcast %gt3A_352 : f32 to vector<16xf32>
        %gt3A_354 = arith.cmpf ogt, %mul3A_347, %gt3A_353 : vector<16xf32>
        %select_n3A_355 = arith.select %gt3A_351, %scan3A_291, %scan3A_298 : vector<16xi1>, vector<16xf32>
        %select_n3A_356 = arith.select %gt3A_351, %scan3A_292, %scan3A_299 : vector<16xi1>, vector<16xf32>
        %select_n3A_357 = arith.select %gt3A_351, %mul3A_310, %scan3A_300 : vector<16xi1>, vector<16xf32>
        %select_n3A_358 = arith.select %gt3A_351, %mul3A_319, %scan3A_301 : vector<16xi1>, vector<16xf32>
        %select_n3A_359 = arith.select %gt3A_351, %scan3A_296, %scan3A_297 : vector<16xi1>, vector<16xf32>
        %add3A_360 = arith.addf %scan3A_294, %sub3A_348 : vector<16xf32>
        %select_n3A_361 = arith.select %gt3A_354, %add3A_344, %scan3A_291 : vector<16xi1>, vector<16xf32>
        %select_n3A_362 = arith.select %gt3A_354, %add3A_346, %scan3A_292 : vector<16xi1>, vector<16xf32>
        %mul3A_363 = arith.mulf %get3A_2, %get3A_2 : vector<16xf32>
        %add3A_364 = arith.constant 2.000000e+00 : f32
        %add3A_365 = vector.broadcast %add3A_364 : f32 to vector<16xf32>
        %add3A_366 = arith.addf %mul3A_363, %add3A_365 : vector<16xf32>
        %mul3A_367 = arith.mulf %select_n3A_361, %select_n3A_361 : vector<16xf32>
        %mul3A_368 = arith.mulf %select_n3A_362, %select_n3A_362 : vector<16xf32>
        %add3A_369 = arith.addf %mul3A_367, %mul3A_368 : vector<16xf32>
        %mul3A_370 = arith.mulf %add3A_366, %add3A_369 : vector<16xf32>
        %sub3A_371 = arith.constant 4.000000e+00 : f32
        %sub3A_372 = vector.broadcast %sub3A_371 : f32 to vector<16xf32>
        %sub3A_373 = arith.subf %mul3A_370, %sub3A_372 : vector<16xf32>
        %mul3A_374 = arith.mulf %sub3A_373, %scan3A_296 : vector<16xf32>
        %mul3A_375 = arith.mulf %mul3A_347, %mul3A_374 : vector<16xf32>
        %add3A_376 = arith.addf %scan3A_295, %mul3A_375 : vector<16xf32>
        %mul3A_377 = arith.constant 0.996007978 : f32
        %mul3A_378 = vector.broadcast %mul3A_377 : f32 to vector<16xf32>
        %mul3A_379 = arith.mulf %scan3A_296, %mul3A_378 : vector<16xf32>
        %scan3A_380 = arith.constant 1 : i32
        %scan3A_381 = arith.addi %scan3A_290, %scan3A_380 : i32
        %get3A_382 = arith.constant 0 : i32
        %get3A_383 = arith.index_cast %get3A_382 : i32 to index
        %get3A_384 = arith.index_cast %scan3A_381 : i32 to index
        %get3A_385 = arith.index_cast %mul3A_155 : i32 to index
        %get3A_386 = tpu.vector_load %arg12[%get3A_383, %get3A_384, %get3A_385] {strides = array<i32>} : memref<2x50x512xf32, #tpu.memory_space<vmem>>, vector<1x1x16xf32>,
        %get3A_387 = vector.shape_cast %get3A_386 : vector<1x1x16xf32> to vector<16xf32>
        %mul3A_388 = arith.constant 1.41421354 : f32
        %mul3A_389 = vector.broadcast %mul3A_388 : f32 to vector<16xf32>
        %mul3A_390 = arith.mulf %mul3A_389, %get3A_387 : vector<16xf32>
        %get3A_391 = arith.constant 1 : i32
        %get3A_392 = arith.index_cast %get3A_391 : i32 to index
        %get3A_393 = arith.index_cast %scan3A_381 : i32 to index
        %get3A_394 = arith.index_cast %mul3A_155 : i32 to index
        %get3A_395 = tpu.vector_load %arg12[%get3A_392, %get3A_393, %get3A_394] {strides = array<i32>} : memref<2x50x512xf32, #tpu.memory_space<vmem>>, vector<1x1x16xf32>,
        %get3A_396 = vector.shape_cast %get3A_395 : vector<1x1x16xf32> to vector<16xf32>
        %mul3A_397 = arith.constant 1.41421354 : f32
        %mul3A_398 = vector.broadcast %mul3A_397 : f32 to vector<16xf32>
        %mul3A_399 = arith.mulf %mul3A_398, %get3A_396 : vector<16xf32>
        %mul3A_400 = arith.mulf %get3A_2, %select_n3A_361 : vector<16xf32>
        %mul3A_401 = arith.constant 4.000000e-03 : f32
        %mul3A_402 = vector.broadcast %mul3A_401 : f32 to vector<16xf32>
        %mul3A_403 = arith.mulf %mul3A_400, %mul3A_402 : vector<16xf32>
        %mul3A_404 = arith.mulf %get3A_2, %select_n3A_362 : vector<16xf32>
        %mul3A_405 = arith.constant 4.000000e-03 : f32
        %mul3A_406 = vector.broadcast %mul3A_405 : f32 to vector<16xf32>
        %mul3A_407 = arith.mulf %mul3A_404, %mul3A_406 : vector<16xf32>
        %add3A_408 = arith.addf %mul3A_403, %mul3A_390 : vector<16xf32>
        %add3A_409 = arith.addf %select_n3A_361, %add3A_408 : vector<16xf32>
        %add3A_410 = arith.addf %mul3A_407, %mul3A_399 : vector<16xf32>
        %add3A_411 = arith.addf %select_n3A_362, %add3A_410 : vector<16xf32>
        %mul3A_412 = arith.mulf %add3A_409, %add3A_409 : vector<16xf32>
        %mul3A_413 = arith.mulf %add3A_411, %add3A_411 : vector<16xf32>
        %add3A_414 = arith.addf %mul3A_412, %mul3A_413 : vector<16xf32>
        %lt3A_415 = arith.constant 1.000000e+00 : f32
        %lt3A_416 = vector.broadcast %lt3A_415 : f32 to vector<16xf32>
        %lt3A_417 = arith.cmpf olt, %add3A_414, %lt3A_416 : vector<16xf32>
        %jit3A_418 = arith.constant 1.000000e+00 : f32
        %jit3A_419 = arith.constant 0.000000e+00 : f32
        %broadcast_in_dim3A_420 = vector.broadcast %jit3A_418 : f32 to vector<16xf32>
        %broadcast_in_dim3A_421 = vector.broadcast %jit3A_419 : f32 to vector<16xf32>
        %select_n3A_422 = arith.select %lt3A_417, %broadcast_in_dim3A_420, %broadcast_in_dim3A_421 : vector<16xi1>, vector<16xf32>
        %add3A_423 = arith.addf %select_n3A_361, %mul3A_403 : vector<16xf32>
        %add3A_424 = arith.addf %add3A_423, %mul3A_390 : vector<16xf32>
        %add3A_425 = arith.addf %select_n3A_362, %mul3A_407 : vector<16xf32>
        %add3A_426 = arith.addf %add3A_425, %mul3A_399 : vector<16xf32>
        %mul3A_427 = arith.mulf %mul3A_347, %select_n3A_422 : vector<16xf32>
        %sub3A_428 = arith.subf %mul3A_347, %mul3A_427 : vector<16xf32>
        %gt3A_429 = arith.constant 0.000000e+00 : f32
        %gt3A_430 = vector.broadcast %gt3A_429 : f32 to vector<16xf32>
        %gt3A_431 = arith.cmpf ogt, %sub3A_428, %gt3A_430 : vector<16xf32>
        %gt3A_432 = arith.constant 0.000000e+00 : f32
        %gt3A_433 = vector.broadcast %gt3A_432 : f32 to vector<16xf32>
        %gt3A_434 = arith.cmpf ogt, %mul3A_427, %gt3A_433 : vector<16xf32>
        %select_n3A_435 = arith.select %gt3A_431, %select_n3A_361, %select_n3A_355 : vector<16xi1>, vector<16xf32>
        %select_n3A_436 = arith.select %gt3A_431, %select_n3A_362, %select_n3A_356 : vector<16xi1>, vector<16xf32>
        %select_n3A_437 = arith.select %gt3A_431, %mul3A_390, %select_n3A_357 : vector<16xi1>, vector<16xf32>
        %select_n3A_438 = arith.select %gt3A_431, %mul3A_399, %select_n3A_358 : vector<16xi1>, vector<16xf32>
        %select_n3A_439 = arith.select %gt3A_431, %mul3A_379, %select_n3A_359 : vector<16xi1>, vector<16xf32>
        %add3A_440 = arith.addf %add3A_360, %sub3A_428 : vector<16xf32>
        %select_n3A_441 = arith.select %gt3A_434, %add3A_424, %select_n3A_361 : vector<16xi1>, vector<16xf32>
        %select_n3A_442 = arith.select %gt3A_434, %add3A_426, %select_n3A_362 : vector<16xi1>, vector<16xf32>
        %mul3A_443 = arith.mulf %get3A_2, %get3A_2 : vector<16xf32>
        %add3A_444 = arith.constant 2.000000e+00 : f32
        %add3A_445 = vector.broadcast %add3A_444 : f32 to vector<16xf32>
        %add3A_446 = arith.addf %mul3A_443, %add3A_445 : vector<16xf32>
        %mul3A_447 = arith.mulf %select_n3A_441, %select_n3A_441 : vector<16xf32>
        %mul3A_448 = arith.mulf %select_n3A_442, %select_n3A_442 : vector<16xf32>
        %add3A_449 = arith.addf %mul3A_447, %mul3A_448 : vector<16xf32>
        %mul3A_450 = arith.mulf %add3A_446, %add3A_449 : vector<16xf32>
        %sub3A_451 = arith.constant 4.000000e+00 : f32
        %sub3A_452 = vector.broadcast %sub3A_451 : f32 to vector<16xf32>
        %sub3A_453 = arith.subf %mul3A_450, %sub3A_452 : vector<16xf32>
        %mul3A_454 = arith.mulf %sub3A_453, %mul3A_379 : vector<16xf32>
        %mul3A_455 = arith.mulf %mul3A_427, %mul3A_454 : vector<16xf32>
        %add3A_456 = arith.addf %add3A_376, %mul3A_455 : vector<16xf32>
        %mul3A_457 = arith.constant 0.996007978 : f32
        %mul3A_458 = vector.broadcast %mul3A_457 : f32 to vector<16xf32>
        %mul3A_459 = arith.mulf %mul3A_379, %mul3A_458 : vector<16xf32>
        scf.yield %select_n3A_441, %select_n3A_442, %mul3A_427, %add3A_440, %add3A_456, %mul3A_459, %select_n3A_439, %select_n3A_435, %select_n3A_436, %select_n3A_437, %select_n3A_438 : vector<16xf32>, vector<16xf32>, vector<16xf32>, vector<16xf32>, vector<16xf32>, vector<16xf32>, vector<16xf32>, vector<16xf32>, vector<16xf32>, vector<16xf32>, vector<16xf32>
      }
      %scan3A_175 = arith.constant 48 : i32
      %scan3A_176 = arith.addi %scan3A_170, %scan3A_175 : i32
      %get3A_177 = arith.constant 0 : i32
      %get3A_178 = arith.index_cast %get3A_177 : i32 to index
      %get3A_179 = arith.index_cast %scan3A_176 : i32 to index
      %get3A_180 = arith.index_cast %mul3A_155 : i32 to index
      %get3A_181 = tpu.vector_load %arg12[%get3A_178, %get3A_179, %get3A_180] {strides = array<i32>} : memref<2x50x512xf32, #tpu.memory_space<vmem>>, vector<1x1x16xf32>,
      %get3A_182 = vector.shape_cast %get3A_181 : vector<1x1x16xf32> to vector<16xf32>
      %mul3A_183 = arith.constant 1.41421354 : f32
      %mul3A_184 = vector.broadcast %mul3A_183 : f32 to vector<16xf32>
      %mul3A_185 = arith.mulf %mul3A_184, %get3A_182 : vector<16xf32>
      %get3A_186 = arith.constant 1 : i32
      %get3A_187 = arith.index_cast %get3A_186 : i32 to index
      %get3A_188 = arith.index_cast %scan3A_176 : i32 to index
      %get3A_189 = arith.index_cast %mul3A_155 : i32 to index
      %get3A_190 = tpu.vector_load %arg12[%get3A_187, %get3A_188, %get3A_189] {strides = array<i32>} : memref<2x50x512xf32, #tpu.memory_space<vmem>>, vector<1x1x16xf32>,
      %get3A_191 = vector.shape_cast %get3A_190 : vector<1x1x16xf32> to vector<16xf32>
      %mul3A_192 = arith.constant 1.41421354 : f32
      %mul3A_193 = vector.broadcast %mul3A_192 : f32 to vector<16xf32>
      %mul3A_194 = arith.mulf %mul3A_193, %get3A_191 : vector<16xf32>
      %mul3A_195 = arith.mulf %get3A_2, %scan3A_174#0 : vector<16xf32>
      %mul3A_196 = arith.constant 4.000000e-03 : f32
      %mul3A_197 = vector.broadcast %mul3A_196 : f32 to vector<16xf32>
      %mul3A_198 = arith.mulf %mul3A_195, %mul3A_197 : vector<16xf32>
      %mul3A_199 = arith.mulf %get3A_2, %scan3A_174#1 : vector<16xf32>
      %mul3A_200 = arith.constant 4.000000e-03 : f32
      %mul3A_201 = vector.broadcast %mul3A_200 : f32 to vector<16xf32>
      %mul3A_202 = arith.mulf %mul3A_199, %mul3A_201 : vector<16xf32>
      %add3A_203 = arith.addf %mul3A_198, %mul3A_185 : vector<16xf32>
      %add3A_204 = arith.addf %scan3A_174#0, %add3A_203 : vector<16xf32>
      %add3A_205 = arith.addf %mul3A_202, %mul3A_194 : vector<16xf32>
      %add3A_206 = arith.addf %scan3A_174#1, %add3A_205 : vector<16xf32>
      %mul3A_207 = arith.mulf %add3A_204, %add3A_204 : vector<16xf32>
      %mul3A_208 = arith.mulf %add3A_206, %add3A_206 : vector<16xf32>
      %add3A_209 = arith.addf %mul3A_207, %mul3A_208 : vector<16xf32>
      %lt3A_210 = arith.constant 1.000000e+00 : f32
      %lt3A_211 = vector.broadcast %lt3A_210 : f32 to vector<16xf32>
      %lt3A_212 = arith.cmpf olt, %add3A_209, %lt3A_211 : vector<16xf32>
      %jit3A_213 = arith.constant 1.000000e+00 : f32
      %jit3A_214 = arith.constant 0.000000e+00 : f32
      %broadcast_in_dim3A_215 = vector.broadcast %jit3A_213 : f32 to vector<16xf32>
      %broadcast_in_dim3A_216 = vector.broadcast %jit3A_214 : f32 to vector<16xf32>
      %select_n3A_217 = arith.select %lt3A_212, %broadcast_in_dim3A_215, %broadcast_in_dim3A_216 : vector<16xi1>, vector<16xf32>
      %add3A_218 = arith.addf %scan3A_174#0, %mul3A_198 : vector<16xf32>
      %add3A_219 = arith.addf %add3A_218, %mul3A_185 : vector<16xf32>
      %add3A_220 = arith.addf %scan3A_174#1, %mul3A_202 : vector<16xf32>
      %add3A_221 = arith.addf %add3A_220, %mul3A_194 : vector<16xf32>
      %mul3A_222 = arith.mulf %scan3A_174#2, %select_n3A_217 : vector<16xf32>
      %sub3A_223 = arith.subf %scan3A_174#2, %mul3A_222 : vector<16xf32>
      %gt3A_224 = arith.constant 0.000000e+00 : f32
      %gt3A_225 = vector.broadcast %gt3A_224 : f32 to vector<16xf32>
      %gt3A_226 = arith.cmpf ogt, %sub3A_223, %gt3A_225 : vector<16xf32>
      %gt3A_227 = arith.constant 0.000000e+00 : f32
      %gt3A_228 = vector.broadcast %gt3A_227 : f32 to vector<16xf32>
      %gt3A_229 = arith.cmpf ogt, %mul3A_222, %gt3A_228 : vector<16xf32>
      %select_n3A_230 = arith.select %gt3A_226, %scan3A_174#0, %scan3A_174#7 : vector<16xi1>, vector<16xf32>
      %select_n3A_231 = arith.select %gt3A_226, %scan3A_174#1, %scan3A_174#8 : vector<16xi1>, vector<16xf32>
      %select_n3A_232 = arith.select %gt3A_226, %mul3A_185, %scan3A_174#9 : vector<16xi1>, vector<16xf32>
      %select_n3A_233 = arith.select %gt3A_226, %mul3A_194, %scan3A_174#10 : vector<16xi1>, vector<16xf32>
      %select_n3A_234 = arith.select %gt3A_226, %scan3A_174#5, %scan3A_174#6 : vector<16xi1>, vector<16xf32>
      %add3A_235 = arith.addf %scan3A_174#3, %sub3A_223 : vector<16xf32>
      %select_n3A_236 = arith.select %gt3A_229, %add3A_219, %scan3A_174#0 : vector<16xi1>, vector<16xf32>
      %select_n3A_237 = arith.select %gt3A_229, %add3A_221, %scan3A_174#1 : vector<16xi1>, vector<16xf32>
      %mul3A_238 = arith.mulf %get3A_2, %get3A_2 : vector<16xf32>
      %add3A_239 = arith.constant 2.000000e+00 : f32
      %add3A_240 = vector.broadcast %add3A_239 : f32 to vector<16xf32>
      %add3A_241 = arith.addf %mul3A_238, %add3A_240 : vector<16xf32>
      %mul3A_242 = arith.mulf %select_n3A_236, %select_n3A_236 : vector<16xf32>
      %mul3A_243 = arith.mulf %select_n3A_237, %select_n3A_237 : vector<16xf32>
      %add3A_244 = arith.addf %mul3A_242, %mul3A_243 : vector<16xf32>
      %mul3A_245 = arith.mulf %add3A_241, %add3A_244 : vector<16xf32>
      %sub3A_246 = arith.constant 4.000000e+00 : f32
      %sub3A_247 = vector.broadcast %sub3A_246 : f32 to vector<16xf32>
      %sub3A_248 = arith.subf %mul3A_245, %sub3A_247 : vector<16xf32>
      %mul3A_249 = arith.mulf %sub3A_248, %scan3A_174#5 : vector<16xf32>
      %mul3A_250 = arith.mulf %mul3A_222, %mul3A_249 : vector<16xf32>
      %add3A_251 = arith.addf %scan3A_174#4, %mul3A_250 : vector<16xf32>
      %mul3A_252 = arith.constant 0.996007978 : f32
      %mul3A_253 = vector.broadcast %mul3A_252 : f32 to vector<16xf32>
      %mul3A_254 = arith.mulf %scan3A_174#5, %mul3A_253 : vector<16xf32>
      %scan3A_255 = arith.constant 49 : i32
      %gt3A_256 = arith.constant 0.000000e+00 : f32
      %gt3A_257 = vector.broadcast %gt3A_256 : f32 to vector<16xf32>
      %gt3A_258 = arith.cmpf ogt, %add3A_235, %gt3A_257 : vector<16xf32>
      %select_n3A_259 = arith.select %gt3A_258, %select_n3A_230, %select_n3A_236 : vector<16xi1>, vector<16xf32>
      %select_n3A_260 = arith.select %gt3A_258, %select_n3A_231, %select_n3A_237 : vector<16xi1>, vector<16xf32>
      %select_n3A_261 = arith.select %gt3A_258, %select_n3A_234, %mul3A_254 : vector<16xi1>, vector<16xf32>
      %swap3A_262 = arith.index_cast %mul3A_155 : i32 to index
      %swap3A_263 = tpu.vector_load %arg15[%swap3A_262] {strides = array<i32>} : memref<512xf32, #tpu.memory_space<vmem>>, vector<16xf32>,
      %swap3A_264 = vector.shape_cast %swap3A_263 : vector<16xf32> to vector<16xf32>
      %swap3A_265 = vector.shape_cast %select_n3A_259 : vector<16xf32> to vector<16xf32>
      tpu.vector_store %arg15[%swap3A_262], %swap3A_265 {strides = array<i32>} : memref<512xf32, #tpu.memory_space<vmem>>, vector<16xf32>,
      %swap3A_266 = arith.index_cast %mul3A_155 : i32 to index
      %swap3A_267 = tpu.vector_load %arg16[%swap3A_266] {strides = array<i32>} : memref<512xf32, #tpu.memory_space<vmem>>, vector<16xf32>,
      %swap3A_268 = vector.shape_cast %swap3A_267 : vector<16xf32> to vector<16xf32>
      %swap3A_269 = vector.shape_cast %select_n3A_260 : vector<16xf32> to vector<16xf32>
      tpu.vector_store %arg16[%swap3A_266], %swap3A_269 {strides = array<i32>} : memref<512xf32, #tpu.memory_space<vmem>>, vector<16xf32>,
      %swap3A_270 = arith.index_cast %mul3A_155 : i32 to index
      %swap3A_271 = tpu.vector_load %arg17[%swap3A_270] {strides = array<i32>} : memref<512xf32, #tpu.memory_space<vmem>>, vector<16xf32>,
      %swap3A_272 = vector.shape_cast %swap3A_271 : vector<16xf32> to vector<16xf32>
      %swap3A_273 = vector.shape_cast %select_n3A_232 : vector<16xf32> to vector<16xf32>
      tpu.vector_store %arg17[%swap3A_270], %swap3A_273 {strides = array<i32>} : memref<512xf32, #tpu.memory_space<vmem>>, vector<16xf32>,
      %swap3A_274 = arith.index_cast %mul3A_155 : i32 to index
      %swap3A_275 = tpu.vector_load %arg18[%swap3A_274] {strides = array<i32>} : memref<512xf32, #tpu.memory_space<vmem>>, vector<16xf32>,
      %swap3A_276 = vector.shape_cast %swap3A_275 : vector<16xf32> to vector<16xf32>
      %swap3A_277 = vector.shape_cast %select_n3A_233 : vector<16xf32> to vector<16xf32>
      tpu.vector_store %arg18[%swap3A_274], %swap3A_277 {strides = array<i32>} : memref<512xf32, #tpu.memory_space<vmem>>, vector<16xf32>,
      %swap3A_278 = arith.index_cast %mul3A_155 : i32 to index
      %swap3A_279 = tpu.vector_load %arg19[%swap3A_278] {strides = array<i32>} : memref<512xf32, #tpu.memory_space<vmem>>, vector<16xf32>,
      %swap3A_280 = vector.shape_cast %swap3A_279 : vector<16xf32> to vector<16xf32>
      %swap3A_281 = vector.shape_cast %select_n3A_261 : vector<16xf32> to vector<16xf32>
      tpu.vector_store %arg19[%swap3A_278], %swap3A_281 {strides = array<i32>} : memref<512xf32, #tpu.memory_space<vmem>>, vector<16xf32>,
      %swap3A_282 = arith.index_cast %mul3A_155 : i32 to index
      %swap3A_283 = tpu.vector_load %arg20[%swap3A_282] {strides = array<i32>} : memref<512xf32, #tpu.memory_space<vmem>>, vector<16xf32>,
      %swap3A_284 = vector.shape_cast %swap3A_283 : vector<16xf32> to vector<16xf32>
      %swap3A_285 = vector.shape_cast %add3A_251 : vector<16xf32> to vector<16xf32>
      tpu.vector_store %arg20[%swap3A_282], %swap3A_285 {strides = array<i32>} : memref<512xf32, #tpu.memory_space<vmem>>, vector<16xf32>,
      %swap3A_286 = arith.index_cast %mul3A_155 : i32 to index
      %swap3A_287 = tpu.vector_load %arg21[%swap3A_286] {strides = array<i32>} : memref<512xf32, #tpu.memory_space<vmem>>, vector<16xf32>,
      %swap3A_288 = vector.shape_cast %swap3A_287 : vector<16xf32> to vector<16xf32>
      %swap3A_289 = vector.shape_cast %add3A_235 : vector<16xf32> to vector<16xf32>
      tpu.vector_store %arg21[%swap3A_286], %swap3A_289 {strides = array<i32>} : memref<512xf32, #tpu.memory_space<vmem>>, vector<16xf32>,
    }
    %scan3A_21 = arith.constant 32 : i32
    "tpu.region"() ({
      %run_scoped3A = tpu.sem_alloc : memref<!tpu.dma_semaphore, #tpu.memory_space<semaphore_mem>>
      %dma_start3A = tpu.memref_slice %arg5[%add3A_15] : memref<32768xf32, #tpu.memory_space<hbm>> -> memref<512xf32, #tpu.memory_space<hbm>>
      %dma_start3A_22 = tpu.memref_slice %arg5[%add3A_15] : memref<32768xf32, #tpu.memory_space<hbm>> -> memref<512xf32, #tpu.memory_space<hbm>>
      tpu.enqueue_dma source(%arg15 : memref<512xf32, #tpu.memory_space<vmem>>) target(%dma_start3A_22 : memref<512xf32, #tpu.memory_space<hbm>>) target_semaphore(%run_scoped3A : memref<!tpu.dma_semaphore, #tpu.memory_space<semaphore_mem>>)
      %dma_wait3A = tpu.memref_slice %arg5[%add3A_15] : memref<32768xf32, #tpu.memory_space<hbm>> -> memref<512xf32, #tpu.memory_space<hbm>>
      %dma_wait3A_23 = tpu.memref_slice %arg5[%add3A_15] : memref<32768xf32, #tpu.memory_space<hbm>> -> memref<512xf32, #tpu.memory_space<hbm>>
      tpu.wait_dma2 semaphore(%run_scoped3A : memref<!tpu.dma_semaphore, #tpu.memory_space<semaphore_mem>>) src(%arg15 : memref<512xf32, #tpu.memory_space<vmem>>) dst(%dma_wait3A_23 : memref<512xf32, #tpu.memory_space<hbm>>)
      tpu.yield
    }) : () -> ()
    "tpu.region"() ({
      %run_scoped3A = tpu.sem_alloc : memref<!tpu.dma_semaphore, #tpu.memory_space<semaphore_mem>>
      %dma_start3A = tpu.memref_slice %arg6[%add3A_15] : memref<32768xf32, #tpu.memory_space<hbm>> -> memref<512xf32, #tpu.memory_space<hbm>>
      %dma_start3A_22 = tpu.memref_slice %arg6[%add3A_15] : memref<32768xf32, #tpu.memory_space<hbm>> -> memref<512xf32, #tpu.memory_space<hbm>>
      tpu.enqueue_dma source(%arg16 : memref<512xf32, #tpu.memory_space<vmem>>) target(%dma_start3A_22 : memref<512xf32, #tpu.memory_space<hbm>>) target_semaphore(%run_scoped3A : memref<!tpu.dma_semaphore, #tpu.memory_space<semaphore_mem>>)
      %dma_wait3A = tpu.memref_slice %arg6[%add3A_15] : memref<32768xf32, #tpu.memory_space<hbm>> -> memref<512xf32, #tpu.memory_space<hbm>>
      %dma_wait3A_23 = tpu.memref_slice %arg6[%add3A_15] : memref<32768xf32, #tpu.memory_space<hbm>> -> memref<512xf32, #tpu.memory_space<hbm>>
      tpu.wait_dma2 semaphore(%run_scoped3A : memref<!tpu.dma_semaphore, #tpu.memory_space<semaphore_mem>>) src(%arg16 : memref<512xf32, #tpu.memory_space<vmem>>) dst(%dma_wait3A_23 : memref<512xf32, #tpu.memory_space<hbm>>)
      tpu.yield
    }) : () -> ()
    "tpu.region"() ({
      %run_scoped3A = tpu.sem_alloc : memref<!tpu.dma_semaphore, #tpu.memory_space<semaphore_mem>>
      %dma_start3A = tpu.memref_slice %arg7[%add3A_15] : memref<32768xf32, #tpu.memory_space<hbm>> -> memref<512xf32, #tpu.memory_space<hbm>>
      %dma_start3A_22 = tpu.memref_slice %arg7[%add3A_15] : memref<32768xf32, #tpu.memory_space<hbm>> -> memref<512xf32, #tpu.memory_space<hbm>>
      tpu.enqueue_dma source(%arg17 : memref<512xf32, #tpu.memory_space<vmem>>) target(%dma_start3A_22 : memref<512xf32, #tpu.memory_space<hbm>>) target_semaphore(%run_scoped3A : memref<!tpu.dma_semaphore, #tpu.memory_space<semaphore_mem>>)
      %dma_wait3A = tpu.memref_slice %arg7[%add3A_15] : memref<32768xf32, #tpu.memory_space<hbm>> -> memref<512xf32, #tpu.memory_space<hbm>>
      %dma_wait3A_23 = tpu.memref_slice %arg7[%add3A_15] : memref<32768xf32, #tpu.memory_space<hbm>> -> memref<512xf32, #tpu.memory_space<hbm>>
      tpu.wait_dma2 semaphore(%run_scoped3A : memref<!tpu.dma_semaphore, #tpu.memory_space<semaphore_mem>>) src(%arg17 : memref<512xf32, #tpu.memory_space<vmem>>) dst(%dma_wait3A_23 : memref<512xf32, #tpu.memory_space<hbm>>)
      tpu.yield
    }) : () -> ()
    "tpu.region"() ({
      %run_scoped3A = tpu.sem_alloc : memref<!tpu.dma_semaphore, #tpu.memory_space<semaphore_mem>>
      %dma_start3A = tpu.memref_slice %arg8[%add3A_15] : memref<32768xf32, #tpu.memory_space<hbm>> -> memref<512xf32, #tpu.memory_space<hbm>>
      %dma_start3A_22 = tpu.memref_slice %arg8[%add3A_15] : memref<32768xf32, #tpu.memory_space<hbm>> -> memref<512xf32, #tpu.memory_space<hbm>>
      tpu.enqueue_dma source(%arg18 : memref<512xf32, #tpu.memory_space<vmem>>) target(%dma_start3A_22 : memref<512xf32, #tpu.memory_space<hbm>>) target_semaphore(%run_scoped3A : memref<!tpu.dma_semaphore, #tpu.memory_space<semaphore_mem>>)
      %dma_wait3A = tpu.memref_slice %arg8[%add3A_15] : memref<32768xf32, #tpu.memory_space<hbm>> -> memref<512xf32, #tpu.memory_space<hbm>>
      %dma_wait3A_23 = tpu.memref_slice %arg8[%add3A_15] : memref<32768xf32, #tpu.memory_space<hbm>> -> memref<512xf32, #tpu.memory_space<hbm>>
      tpu.wait_dma2 semaphore(%run_scoped3A : memref<!tpu.dma_semaphore, #tpu.memory_space<semaphore_mem>>) src(%arg18 : memref<512xf32, #tpu.memory_space<vmem>>) dst(%dma_wait3A_23 : memref<512xf32, #tpu.memory_space<hbm>>)
      tpu.yield
    }) : () -> ()
    "tpu.region"() ({
      %run_scoped3A = tpu.sem_alloc : memref<!tpu.dma_semaphore, #tpu.memory_space<semaphore_mem>>
      %dma_start3A = tpu.memref_slice %arg9[%add3A_15] : memref<32768xf32, #tpu.memory_space<hbm>> -> memref<512xf32, #tpu.memory_space<hbm>>
      %dma_start3A_22 = tpu.memref_slice %arg9[%add3A_15] : memref<32768xf32, #tpu.memory_space<hbm>> -> memref<512xf32, #tpu.memory_space<hbm>>
      tpu.enqueue_dma source(%arg19 : memref<512xf32, #tpu.memory_space<vmem>>) target(%dma_start3A_22 : memref<512xf32, #tpu.memory_space<hbm>>) target_semaphore(%run_scoped3A : memref<!tpu.dma_semaphore, #tpu.memory_space<semaphore_mem>>)
      %dma_wait3A = tpu.memref_slice %arg9[%add3A_15] : memref<32768xf32, #tpu.memory_space<hbm>> -> memref<512xf32, #tpu.memory_space<hbm>>
      %dma_wait3A_23 = tpu.memref_slice %arg9[%add3A_15] : memref<32768xf32, #tpu.memory_space<hbm>> -> memref<512xf32, #tpu.memory_space<hbm>>
      tpu.wait_dma2 semaphore(%run_scoped3A : memref<!tpu.dma_semaphore, #tpu.memory_space<semaphore_mem>>) src(%arg19 : memref<512xf32, #tpu.memory_space<vmem>>) dst(%dma_wait3A_23 : memref<512xf32, #tpu.memory_space<hbm>>)
      tpu.yield
    }) : () -> ()
    "tpu.region"() ({
      %run_scoped3A = tpu.sem_alloc : memref<!tpu.dma_semaphore, #tpu.memory_space<semaphore_mem>>
      %dma_start3A = tpu.memref_slice %arg10[%add3A_15] : memref<32768xf32, #tpu.memory_space<hbm>> -> memref<512xf32, #tpu.memory_space<hbm>>
      %dma_start3A_22 = tpu.memref_slice %arg10[%add3A_15] : memref<32768xf32, #tpu.memory_space<hbm>> -> memref<512xf32, #tpu.memory_space<hbm>>
      tpu.enqueue_dma source(%arg20 : memref<512xf32, #tpu.memory_space<vmem>>) target(%dma_start3A_22 : memref<512xf32, #tpu.memory_space<hbm>>) target_semaphore(%run_scoped3A : memref<!tpu.dma_semaphore, #tpu.memory_space<semaphore_mem>>)
      %dma_wait3A = tpu.memref_slice %arg10[%add3A_15] : memref<32768xf32, #tpu.memory_space<hbm>> -> memref<512xf32, #tpu.memory_space<hbm>>
      %dma_wait3A_23 = tpu.memref_slice %arg10[%add3A_15] : memref<32768xf32, #tpu.memory_space<hbm>> -> memref<512xf32, #tpu.memory_space<hbm>>
      tpu.wait_dma2 semaphore(%run_scoped3A : memref<!tpu.dma_semaphore, #tpu.memory_space<semaphore_mem>>) src(%arg20 : memref<512xf32, #tpu.memory_space<vmem>>) dst(%dma_wait3A_23 : memref<512xf32, #tpu.memory_space<hbm>>)
      tpu.yield
    }) : () -> ()
    "tpu.region"() ({
      %run_scoped3A = tpu.sem_alloc : memref<!tpu.dma_semaphore, #tpu.memory_space<semaphore_mem>>
      %dma_start3A = tpu.memref_slice %arg11[%add3A_15] : memref<32768xf32, #tpu.memory_space<hbm>> -> memref<512xf32, #tpu.memory_space<hbm>>
      %dma_start3A_22 = tpu.memref_slice %arg11[%add3A_15] : memref<32768xf32, #tpu.memory_space<hbm>> -> memref<512xf32, #tpu.memory_space<hbm>>
      tpu.enqueue_dma source(%arg21 : memref<512xf32, #tpu.memory_space<vmem>>) target(%dma_start3A_22 : memref<512xf32, #tpu.memory_space<hbm>>) target_semaphore(%run_scoped3A : memref<!tpu.dma_semaphore, #tpu.memory_space<semaphore_mem>>)
      %dma_wait3A = tpu.memref_slice %arg11[%add3A_15] : memref<32768xf32, #tpu.memory_space<hbm>> -> memref<512xf32, #tpu.memory_space<hbm>>
      %dma_wait3A_23 = tpu.memref_slice %arg11[%add3A_15] : memref<32768xf32, #tpu.memory_space<hbm>> -> memref<512xf32, #tpu.memory_space<hbm>>
      tpu.wait_dma2 semaphore(%run_scoped3A : memref<!tpu.dma_semaphore, #tpu.memory_space<semaphore_mem>>) src(%arg21 : memref<512xf32, #tpu.memory_space<vmem>>) dst(%dma_wait3A_23 : memref<512xf32, #tpu.memory_space<hbm>>)
      tpu.yield
    }) : () -> ()
    return
  }
}

module attributes {stable_mosaic.version = 14 : i64} {
  func.func @_tc_full_body(%arg0: i32, %arg1: memref<2x16x128xf32, #tpu.memory_space<vmem>>, %arg2: memref<2x50x16x128xf32, #tpu.memory_space<vmem>>, %arg3: memref<1x1xf32, #tpu.memory_space<smem>>, %arg4: memref<16x128xf32, #tpu.memory_space<vmem>>) attributes {dimension_semantics = [#tpu.dimension_semantics<arbitrary>], iteration_bounds = array<i64: 16>, scalar_prefetch = 0 : i64, scratch_operands = 0 : i64, tpu.core_type = #tpu.core_type<tc>, window_params = [{transform_indices = @transform_0, window_bounds = array<i64: 2, 16, 128>}, {transform_indices = @transform_1, window_bounds = array<i64: 2, 50, 16, 128>}, {transform_indices = @transform_2, window_bounds = array<i64: 1, 1>}, {transform_indices = @transform_3, window_bounds = array<i64: 16, 128>}]} {
    %get3A = arith.constant 0 : index
    %get3A_0 = arith.constant 0 : index
    %get3A_1 = memref.load %arg3[%get3A, %get3A_0] : memref<1x1xf32, #tpu.memory_space<smem>>
    %get3A_2 = arith.constant 0 : index
    %get3A_3 = arith.constant 0 : index
    %get3A_4 = arith.constant 0 : index
    %get3A_5 = vector.load %arg1[%get3A_2, %get3A_3, %get3A_4] : memref<2x16x128xf32, #tpu.memory_space<vmem>>, vector<1x16x128xf32>
    %get3A_6 = vector.shape_cast %get3A_5 : vector<1x16x128xf32> to vector<16x128xf32>
    %get3A_7 = arith.constant 1 : index
    %get3A_8 = arith.constant 0 : index
    %get3A_9 = arith.constant 0 : index
    %get3A_10 = vector.load %arg1[%get3A_7, %get3A_8, %get3A_9] : memref<2x16x128xf32, #tpu.memory_space<vmem>>, vector<1x16x128xf32>
    %get3A_11 = vector.shape_cast %get3A_10 : vector<1x16x128xf32> to vector<16x128xf32>
    %get3A_12 = arith.constant 0 : index
    %get3A_13 = arith.constant 0 : index
    %get3A_14 = arith.constant 0 : index
    %get3A_15 = arith.constant 0 : index
    %get3A_16 = vector.load %arg2[%get3A_12, %get3A_13, %get3A_14, %get3A_15] : memref<2x50x16x128xf32, #tpu.memory_space<vmem>>, vector<1x1x16x128xf32>
    %get3A_17 = vector.shape_cast %get3A_16 : vector<1x1x16x128xf32> to vector<16x128xf32>
    %mul3A = arith.constant 1.41421354 : f32
    %mul3A_18 = vector.broadcast %mul3A : f32 to vector<16x128xf32>
    %mul3A_19 = arith.mulf %mul3A_18, %get3A_17 : vector<16x128xf32>
    %get3A_20 = arith.constant 1 : index
    %get3A_21 = arith.constant 0 : index
    %get3A_22 = arith.constant 0 : index
    %get3A_23 = arith.constant 0 : index
    %get3A_24 = vector.load %arg2[%get3A_20, %get3A_21, %get3A_22, %get3A_23] : memref<2x50x16x128xf32, #tpu.memory_space<vmem>>, vector<1x1x16x128xf32>
    %get3A_25 = vector.shape_cast %get3A_24 : vector<1x1x16x128xf32> to vector<16x128xf32>
    %mul3A_26 = arith.constant 1.41421354 : f32
    %mul3A_27 = vector.broadcast %mul3A_26 : f32 to vector<16x128xf32>
    %mul3A_28 = arith.mulf %mul3A_27, %get3A_25 : vector<16x128xf32>
    %mul3A_29 = vector.broadcast %get3A_1 : f32 to vector<16x128xf32>
    %mul3A_30 = arith.mulf %mul3A_29, %get3A_6 : vector<16x128xf32>
    %mul3A_31 = arith.constant 4.000000e-03 : f32
    %mul3A_32 = vector.broadcast %mul3A_31 : f32 to vector<16x128xf32>
    %mul3A_33 = arith.mulf %mul3A_30, %mul3A_32 : vector<16x128xf32>
    %mul3A_34 = vector.broadcast %get3A_1 : f32 to vector<16x128xf32>
    %mul3A_35 = arith.mulf %mul3A_34, %get3A_11 : vector<16x128xf32>
    %mul3A_36 = arith.constant 4.000000e-03 : f32
    %mul3A_37 = vector.broadcast %mul3A_36 : f32 to vector<16x128xf32>
    %mul3A_38 = arith.mulf %mul3A_35, %mul3A_37 : vector<16x128xf32>
    %add3A = arith.addf %mul3A_33, %mul3A_19 : vector<16x128xf32>
    %add3A_39 = arith.addf %get3A_6, %add3A : vector<16x128xf32>
    %add3A_40 = arith.addf %mul3A_38, %mul3A_28 : vector<16x128xf32>
    %add3A_41 = arith.addf %get3A_11, %add3A_40 : vector<16x128xf32>
    %mul3A_42 = arith.mulf %add3A_39, %add3A_39 : vector<16x128xf32>
    %mul3A_43 = arith.mulf %add3A_41, %add3A_41 : vector<16x128xf32>
    %add3A_44 = arith.addf %mul3A_42, %mul3A_43 : vector<16x128xf32>
    %ge3A = arith.constant 1.000000e+00 : f32
    %ge3A_45 = vector.broadcast %ge3A : f32 to vector<16x128xf32>
    %ge3A_46 = arith.cmpf oge, %add3A_44, %ge3A_45 : vector<16x128xf32>
    %mul3A_47 = arith.mulf %get3A_1, %get3A_1 : f32
    %add3A_48 = arith.constant 2.000000e+00 : f32
    %add3A_49 = arith.addf %mul3A_47, %add3A_48 : f32
    %mul3A_50 = arith.mulf %get3A_6, %get3A_6 : vector<16x128xf32>
    %mul3A_51 = arith.mulf %get3A_11, %get3A_11 : vector<16x128xf32>
    %add3A_52 = arith.addf %mul3A_50, %mul3A_51 : vector<16x128xf32>
    %mul3A_53 = vector.broadcast %add3A_49 : f32 to vector<16x128xf32>
    %mul3A_54 = arith.mulf %mul3A_53, %add3A_52 : vector<16x128xf32>
    %sub3A = arith.constant 4.000000e+00 : f32
    %sub3A_55 = vector.broadcast %sub3A : f32 to vector<16x128xf32>
    %sub3A_56 = arith.subf %mul3A_54, %sub3A_55 : vector<16x128xf32>
    %broadcast_in_dim3A = arith.constant 0.000000e+00 : f32
    %broadcast_in_dim3A_57 = vector.broadcast %broadcast_in_dim3A : f32 to vector<16x128xf32>
    %broadcast_in_dim3A_58 = arith.constant 1.000000e+00 : f32
    %broadcast_in_dim3A_59 = vector.broadcast %broadcast_in_dim3A_58 : f32 to vector<16x128xf32>
    %broadcast_in_dim3A_60 = arith.constant 1.000000e+00 : f32
    %broadcast_in_dim3A_61 = vector.broadcast %broadcast_in_dim3A_60 : f32 to vector<16x128xf32>
    %scan3A = arith.constant 1 : i32
    %scan3A_62 = arith.constant 48 : i32
    %scan3A_63 = arith.addi %scan3A, %scan3A_62 : i32
    %scan3A_64 = arith.constant 2 : i32
    %scan3A_65:11 = scf.for %scan3A_860 = %scan3A to %scan3A_63 step %scan3A_64 iter_args(%scan3A_861 = %get3A_6, %scan3A_862 = %get3A_11, %scan3A_863 = %broadcast_in_dim3A_59, %scan3A_864 = %broadcast_in_dim3A_57, %scan3A_865 = %broadcast_in_dim3A_57, %scan3A_866 = %broadcast_in_dim3A_61, %scan3A_867 = %broadcast_in_dim3A_57, %scan3A_868 = %broadcast_in_dim3A_57, %scan3A_869 = %broadcast_in_dim3A_57, %scan3A_870 = %broadcast_in_dim3A_57, %scan3A_871 = %broadcast_in_dim3A_57) -> (vector<16x128xf32>, vector<16x128xf32>, vector<16x128xf32>, vector<16x128xf32>, vector<16x128xf32>, vector<16x128xf32>, vector<16x128xf32>, vector<16x128xf32>, vector<16x128xf32>, vector<16x128xf32>, vector<16x128xf32>)  : i32 {
      %gt3A_872 = arith.constant 0.000000e+00 : f32
      %gt3A_873 = vector.broadcast %gt3A_872 : f32 to vector<16x128xf32>
      %gt3A_874 = arith.cmpf ogt, %scan3A_863, %gt3A_873 : vector<16x128xf32>
      %get3A_875 = arith.constant 0 : index
      %get3A_876 = arith.index_cast %scan3A_860 : i32 to index
      %get3A_877 = arith.constant 0 : index
      %get3A_878 = arith.constant 0 : index
      %get3A_879 = vector.load %arg2[%get3A_875, %get3A_876, %get3A_877, %get3A_878] : memref<2x50x16x128xf32, #tpu.memory_space<vmem>>, vector<1x1x16x128xf32>
      %get3A_880 = vector.shape_cast %get3A_879 : vector<1x1x16x128xf32> to vector<16x128xf32>
      %mul3A_881 = arith.constant 1.41421354 : f32
      %mul3A_882 = vector.broadcast %mul3A_881 : f32 to vector<16x128xf32>
      %mul3A_883 = arith.mulf %mul3A_882, %get3A_880 : vector<16x128xf32>
      %get3A_884 = arith.constant 1 : index
      %get3A_885 = arith.index_cast %scan3A_860 : i32 to index
      %get3A_886 = arith.constant 0 : index
      %get3A_887 = arith.constant 0 : index
      %get3A_888 = vector.load %arg2[%get3A_884, %get3A_885, %get3A_886, %get3A_887] : memref<2x50x16x128xf32, #tpu.memory_space<vmem>>, vector<1x1x16x128xf32>
      %get3A_889 = vector.shape_cast %get3A_888 : vector<1x1x16x128xf32> to vector<16x128xf32>
      %mul3A_890 = arith.constant 1.41421354 : f32
      %mul3A_891 = vector.broadcast %mul3A_890 : f32 to vector<16x128xf32>
      %mul3A_892 = arith.mulf %mul3A_891, %get3A_889 : vector<16x128xf32>
      %mul3A_893 = vector.broadcast %get3A_1 : f32 to vector<16x128xf32>
      %mul3A_894 = arith.mulf %mul3A_893, %scan3A_861 : vector<16x128xf32>
      %mul3A_895 = arith.constant 4.000000e-03 : f32
      %mul3A_896 = vector.broadcast %mul3A_895 : f32 to vector<16x128xf32>
      %mul3A_897 = arith.mulf %mul3A_894, %mul3A_896 : vector<16x128xf32>
      %mul3A_898 = vector.broadcast %get3A_1 : f32 to vector<16x128xf32>
      %mul3A_899 = arith.mulf %mul3A_898, %scan3A_862 : vector<16x128xf32>
      %mul3A_900 = arith.constant 4.000000e-03 : f32
      %mul3A_901 = vector.broadcast %mul3A_900 : f32 to vector<16x128xf32>
      %mul3A_902 = arith.mulf %mul3A_899, %mul3A_901 : vector<16x128xf32>
      %add3A_903 = arith.addf %mul3A_897, %mul3A_883 : vector<16x128xf32>
      %add3A_904 = arith.addf %scan3A_861, %add3A_903 : vector<16x128xf32>
      %add3A_905 = arith.addf %mul3A_902, %mul3A_892 : vector<16x128xf32>
      %add3A_906 = arith.addf %scan3A_862, %add3A_905 : vector<16x128xf32>
      %mul3A_907 = arith.mulf %add3A_904, %add3A_904 : vector<16x128xf32>
      %mul3A_908 = arith.mulf %add3A_906, %add3A_906 : vector<16x128xf32>
      %add3A_909 = arith.addf %mul3A_907, %mul3A_908 : vector<16x128xf32>
      %ge3A_910 = arith.constant 1.000000e+00 : f32
      %ge3A_911 = vector.broadcast %ge3A_910 : f32 to vector<16x128xf32>
      %ge3A_912 = arith.cmpf oge, %add3A_909, %ge3A_911 : vector<16x128xf32>
      %add3A_913 = arith.addf %scan3A_861, %mul3A_897 : vector<16x128xf32>
      %add3A_914 = arith.addf %add3A_913, %mul3A_883 : vector<16x128xf32>
      %add3A_915 = arith.addf %scan3A_862, %mul3A_902 : vector<16x128xf32>
      %add3A_916 = arith.addf %add3A_915, %mul3A_892 : vector<16x128xf32>
      %and3A_917 = arith.andi %gt3A_874, %ge3A_912 : vector<16x128xi1>
      %select_n3A_918 = arith.select %and3A_917, %scan3A_861, %scan3A_868 : vector<16x128xi1>, vector<16x128xf32>
      %select_n3A_919 = arith.select %and3A_917, %scan3A_862, %scan3A_869 : vector<16x128xi1>, vector<16x128xf32>
      %select_n3A_920 = arith.select %and3A_917, %mul3A_883, %scan3A_870 : vector<16x128xi1>, vector<16x128xf32>
      %select_n3A_921 = arith.select %and3A_917, %mul3A_892, %scan3A_871 : vector<16x128xi1>, vector<16x128xf32>
      %select_n3A_922 = arith.select %and3A_917, %scan3A_866, %scan3A_867 : vector<16x128xi1>, vector<16x128xf32>
      %jit3A_923 = arith.constant 1.000000e+00 : f32
      %broadcast_in_dim3A_924 = vector.broadcast %jit3A_923 : f32 to vector<16x128xf32>
      %select_n3A_925 = arith.select %and3A_917, %broadcast_in_dim3A_924, %scan3A_864 : vector<16x128xi1>, vector<16x128xf32>
      %not3A_926 = arith.constant dense<true> : vector<16x128xi1>
      %not3A_927 = arith.xori %ge3A_912, %not3A_926 : vector<16x128xi1>
      %and3A_928 = arith.andi %gt3A_874, %not3A_927 : vector<16x128xi1>
      %select_n3A_929 = arith.select %and3A_928, %add3A_914, %scan3A_861 : vector<16x128xi1>, vector<16x128xf32>
      %select_n3A_930 = arith.select %and3A_928, %add3A_916, %scan3A_862 : vector<16x128xi1>, vector<16x128xf32>
      %mul3A_931 = arith.mulf %get3A_1, %get3A_1 : f32
      %add3A_932 = arith.constant 2.000000e+00 : f32
      %add3A_933 = arith.addf %mul3A_931, %add3A_932 : f32
      %mul3A_934 = arith.mulf %select_n3A_929, %select_n3A_929 : vector<16x128xf32>
      %mul3A_935 = arith.mulf %select_n3A_930, %select_n3A_930 : vector<16x128xf32>
      %add3A_936 = arith.addf %mul3A_934, %mul3A_935 : vector<16x128xf32>
      %mul3A_937 = vector.broadcast %add3A_933 : f32 to vector<16x128xf32>
      %mul3A_938 = arith.mulf %mul3A_937, %add3A_936 : vector<16x128xf32>
      %sub3A_939 = arith.constant 4.000000e+00 : f32
      %sub3A_940 = vector.broadcast %sub3A_939 : f32 to vector<16x128xf32>
      %sub3A_941 = arith.subf %mul3A_938, %sub3A_940 : vector<16x128xf32>
      %mul3A_942 = arith.mulf %sub3A_941, %scan3A_866 : vector<16x128xf32>
      %jit3A_943 = arith.constant 0.000000e+00 : f32
      %broadcast_in_dim3A_944 = vector.broadcast %jit3A_943 : f32 to vector<16x128xf32>
      %select_n3A_945 = arith.select %and3A_928, %mul3A_942, %broadcast_in_dim3A_944 : vector<16x128xi1>, vector<16x128xf32>
      %add3A_946 = arith.addf %scan3A_865, %select_n3A_945 : vector<16x128xf32>
      %mul3A_947 = arith.constant 0.996007978 : f32
      %mul3A_948 = vector.broadcast %mul3A_947 : f32 to vector<16x128xf32>
      %mul3A_949 = arith.mulf %scan3A_866, %mul3A_948 : vector<16x128xf32>
      %jit3A_950 = arith.constant 1.000000e+00 : f32
      %jit3A_951 = arith.constant 0.000000e+00 : f32
      %broadcast_in_dim3A_952 = vector.broadcast %jit3A_950 : f32 to vector<16x128xf32>
      %broadcast_in_dim3A_953 = vector.broadcast %jit3A_951 : f32 to vector<16x128xf32>
      %select_n3A_954 = arith.select %and3A_928, %broadcast_in_dim3A_952, %broadcast_in_dim3A_953 : vector<16x128xi1>, vector<16x128xf32>
      %scan3A_955 = arith.constant 1 : i32
      %scan3A_956 = arith.addi %scan3A_860, %scan3A_955 : i32
      %gt3A_957 = arith.constant 0.000000e+00 : f32
      %gt3A_958 = vector.broadcast %gt3A_957 : f32 to vector<16x128xf32>
      %gt3A_959 = arith.cmpf ogt, %select_n3A_954, %gt3A_958 : vector<16x128xf32>
      %get3A_960 = arith.constant 0 : index
      %get3A_961 = arith.index_cast %scan3A_956 : i32 to index
      %get3A_962 = arith.constant 0 : index
      %get3A_963 = arith.constant 0 : index
      %get3A_964 = vector.load %arg2[%get3A_960, %get3A_961, %get3A_962, %get3A_963] : memref<2x50x16x128xf32, #tpu.memory_space<vmem>>, vector<1x1x16x128xf32>
      %get3A_965 = vector.shape_cast %get3A_964 : vector<1x1x16x128xf32> to vector<16x128xf32>
      %mul3A_966 = arith.constant 1.41421354 : f32
      %mul3A_967 = vector.broadcast %mul3A_966 : f32 to vector<16x128xf32>
      %mul3A_968 = arith.mulf %mul3A_967, %get3A_965 : vector<16x128xf32>
      %get3A_969 = arith.constant 1 : index
      %get3A_970 = arith.index_cast %scan3A_956 : i32 to index
      %get3A_971 = arith.constant 0 : index
      %get3A_972 = arith.constant 0 : index
      %get3A_973 = vector.load %arg2[%get3A_969, %get3A_970, %get3A_971, %get3A_972] : memref<2x50x16x128xf32, #tpu.memory_space<vmem>>, vector<1x1x16x128xf32>
      %get3A_974 = vector.shape_cast %get3A_973 : vector<1x1x16x128xf32> to vector<16x128xf32>
      %mul3A_975 = arith.constant 1.41421354 : f32
      %mul3A_976 = vector.broadcast %mul3A_975 : f32 to vector<16x128xf32>
      %mul3A_977 = arith.mulf %mul3A_976, %get3A_974 : vector<16x128xf32>
      %mul3A_978 = vector.broadcast %get3A_1 : f32 to vector<16x128xf32>
      %mul3A_979 = arith.mulf %mul3A_978, %select_n3A_929 : vector<16x128xf32>
      %mul3A_980 = arith.constant 4.000000e-03 : f32
      %mul3A_981 = vector.broadcast %mul3A_980 : f32 to vector<16x128xf32>
      %mul3A_982 = arith.mulf %mul3A_979, %mul3A_981 : vector<16x128xf32>
      %mul3A_983 = vector.broadcast %get3A_1 : f32 to vector<16x128xf32>
      %mul3A_984 = arith.mulf %mul3A_983, %select_n3A_930 : vector<16x128xf32>
      %mul3A_985 = arith.constant 4.000000e-03 : f32
      %mul3A_986 = vector.broadcast %mul3A_985 : f32 to vector<16x128xf32>
      %mul3A_987 = arith.mulf %mul3A_984, %mul3A_986 : vector<16x128xf32>
      %add3A_988 = arith.addf %mul3A_982, %mul3A_968 : vector<16x128xf32>
      %add3A_989 = arith.addf %select_n3A_929, %add3A_988 : vector<16x128xf32>
      %add3A_990 = arith.addf %mul3A_987, %mul3A_977 : vector<16x128xf32>
      %add3A_991 = arith.addf %select_n3A_930, %add3A_990 : vector<16x128xf32>
      %mul3A_992 = arith.mulf %add3A_989, %add3A_989 : vector<16x128xf32>
      %mul3A_993 = arith.mulf %add3A_991, %add3A_991 : vector<16x128xf32>
      %add3A_994 = arith.addf %mul3A_992, %mul3A_993 : vector<16x128xf32>
      %ge3A_995 = arith.constant 1.000000e+00 : f32
      %ge3A_996 = vector.broadcast %ge3A_995 : f32 to vector<16x128xf32>
      %ge3A_997 = arith.cmpf oge, %add3A_994, %ge3A_996 : vector<16x128xf32>
      %add3A_998 = arith.addf %select_n3A_929, %mul3A_982 : vector<16x128xf32>
      %add3A_999 = arith.addf %add3A_998, %mul3A_968 : vector<16x128xf32>
      %add3A_1000 = arith.addf %select_n3A_930, %mul3A_987 : vector<16x128xf32>
      %add3A_1001 = arith.addf %add3A_1000, %mul3A_977 : vector<16x128xf32>
      %and3A_1002 = arith.andi %gt3A_959, %ge3A_997 : vector<16x128xi1>
      %select_n3A_1003 = arith.select %and3A_1002, %select_n3A_929, %select_n3A_918 : vector<16x128xi1>, vector<16x128xf32>
      %select_n3A_1004 = arith.select %and3A_1002, %select_n3A_930, %select_n3A_919 : vector<16x128xi1>, vector<16x128xf32>
      %select_n3A_1005 = arith.select %and3A_1002, %mul3A_968, %select_n3A_920 : vector<16x128xi1>, vector<16x128xf32>
      %select_n3A_1006 = arith.select %and3A_1002, %mul3A_977, %select_n3A_921 : vector<16x128xi1>, vector<16x128xf32>
      %select_n3A_1007 = arith.select %and3A_1002, %mul3A_949, %select_n3A_922 : vector<16x128xi1>, vector<16x128xf32>
      %jit3A_1008 = arith.constant 1.000000e+00 : f32
      %broadcast_in_dim3A_1009 = vector.broadcast %jit3A_1008 : f32 to vector<16x128xf32>
      %select_n3A_1010 = arith.select %and3A_1002, %broadcast_in_dim3A_1009, %select_n3A_925 : vector<16x128xi1>, vector<16x128xf32>
      %not3A_1011 = arith.constant dense<true> : vector<16x128xi1>
      %not3A_1012 = arith.xori %ge3A_997, %not3A_1011 : vector<16x128xi1>
      %and3A_1013 = arith.andi %gt3A_959, %not3A_1012 : vector<16x128xi1>
      %select_n3A_1014 = arith.select %and3A_1013, %add3A_999, %select_n3A_929 : vector<16x128xi1>, vector<16x128xf32>
      %select_n3A_1015 = arith.select %and3A_1013, %add3A_1001, %select_n3A_930 : vector<16x128xi1>, vector<16x128xf32>
      %mul3A_1016 = arith.mulf %get3A_1, %get3A_1 : f32
      %add3A_1017 = arith.constant 2.000000e+00 : f32
      %add3A_1018 = arith.addf %mul3A_1016, %add3A_1017 : f32
      %mul3A_1019 = arith.mulf %select_n3A_1014, %select_n3A_1014 : vector<16x128xf32>
      %mul3A_1020 = arith.mulf %select_n3A_1015, %select_n3A_1015 : vector<16x128xf32>
      %add3A_1021 = arith.addf %mul3A_1019, %mul3A_1020 : vector<16x128xf32>
      %mul3A_1022 = vector.broadcast %add3A_1018 : f32 to vector<16x128xf32>
      %mul3A_1023 = arith.mulf %mul3A_1022, %add3A_1021 : vector<16x128xf32>
      %sub3A_1024 = arith.constant 4.000000e+00 : f32
      %sub3A_1025 = vector.broadcast %sub3A_1024 : f32 to vector<16x128xf32>
      %sub3A_1026 = arith.subf %mul3A_1023, %sub3A_1025 : vector<16x128xf32>
      %mul3A_1027 = arith.mulf %sub3A_1026, %mul3A_949 : vector<16x128xf32>
      %jit3A_1028 = arith.constant 0.000000e+00 : f32
      %broadcast_in_dim3A_1029 = vector.broadcast %jit3A_1028 : f32 to vector<16x128xf32>
      %select_n3A_1030 = arith.select %and3A_1013, %mul3A_1027, %broadcast_in_dim3A_1029 : vector<16x128xi1>, vector<16x128xf32>
      %add3A_1031 = arith.addf %add3A_946, %select_n3A_1030 : vector<16x128xf32>
      %mul3A_1032 = arith.constant 0.996007978 : f32
      %mul3A_1033 = vector.broadcast %mul3A_1032 : f32 to vector<16x128xf32>
      %mul3A_1034 = arith.mulf %mul3A_949, %mul3A_1033 : vector<16x128xf32>
      %jit3A_1035 = arith.constant 1.000000e+00 : f32
      %jit3A_1036 = arith.constant 0.000000e+00 : f32
      %broadcast_in_dim3A_1037 = vector.broadcast %jit3A_1035 : f32 to vector<16x128xf32>
      %broadcast_in_dim3A_1038 = vector.broadcast %jit3A_1036 : f32 to vector<16x128xf32>
      %select_n3A_1039 = arith.select %and3A_1013, %broadcast_in_dim3A_1037, %broadcast_in_dim3A_1038 : vector<16x128xi1>, vector<16x128xf32>
      scf.yield %select_n3A_1014, %select_n3A_1015, %select_n3A_1039, %select_n3A_1010, %add3A_1031, %mul3A_1034, %select_n3A_1007, %select_n3A_1003, %select_n3A_1004, %select_n3A_1005, %select_n3A_1006 : vector<16x128xf32>, vector<16x128xf32>, vector<16x128xf32>, vector<16x128xf32>, vector<16x128xf32>, vector<16x128xf32>, vector<16x128xf32>, vector<16x128xf32>, vector<16x128xf32>, vector<16x128xf32>, vector<16x128xf32>
    }
    %scan3A_66 = arith.constant 48 : i32
    %scan3A_67 = arith.addi %scan3A, %scan3A_66 : i32
    %gt3A = arith.constant 0.000000e+00 : f32
    %gt3A_68 = vector.broadcast %gt3A : f32 to vector<16x128xf32>
    %gt3A_69 = arith.cmpf ogt, %scan3A_65#2, %gt3A_68 : vector<16x128xf32>
    %get3A_70 = arith.constant 0 : index
    %get3A_71 = arith.index_cast %scan3A_67 : i32 to index
    %get3A_72 = arith.constant 0 : index
    %get3A_73 = arith.constant 0 : index
    %get3A_74 = vector.load %arg2[%get3A_70, %get3A_71, %get3A_72, %get3A_73] : memref<2x50x16x128xf32, #tpu.memory_space<vmem>>, vector<1x1x16x128xf32>
    %get3A_75 = vector.shape_cast %get3A_74 : vector<1x1x16x128xf32> to vector<16x128xf32>
    %mul3A_76 = arith.constant 1.41421354 : f32
    %mul3A_77 = vector.broadcast %mul3A_76 : f32 to vector<16x128xf32>
    %mul3A_78 = arith.mulf %mul3A_77, %get3A_75 : vector<16x128xf32>
    %get3A_79 = arith.constant 1 : index
    %get3A_80 = arith.index_cast %scan3A_67 : i32 to index
    %get3A_81 = arith.constant 0 : index
    %get3A_82 = arith.constant 0 : index
    %get3A_83 = vector.load %arg2[%get3A_79, %get3A_80, %get3A_81, %get3A_82] : memref<2x50x16x128xf32, #tpu.memory_space<vmem>>, vector<1x1x16x128xf32>
    %get3A_84 = vector.shape_cast %get3A_83 : vector<1x1x16x128xf32> to vector<16x128xf32>
    %mul3A_85 = arith.constant 1.41421354 : f32
    %mul3A_86 = vector.broadcast %mul3A_85 : f32 to vector<16x128xf32>
    %mul3A_87 = arith.mulf %mul3A_86, %get3A_84 : vector<16x128xf32>
    %mul3A_88 = vector.broadcast %get3A_1 : f32 to vector<16x128xf32>
    %mul3A_89 = arith.mulf %mul3A_88, %scan3A_65#0 : vector<16x128xf32>
    %mul3A_90 = arith.constant 4.000000e-03 : f32
    %mul3A_91 = vector.broadcast %mul3A_90 : f32 to vector<16x128xf32>
    %mul3A_92 = arith.mulf %mul3A_89, %mul3A_91 : vector<16x128xf32>
    %mul3A_93 = vector.broadcast %get3A_1 : f32 to vector<16x128xf32>
    %mul3A_94 = arith.mulf %mul3A_93, %scan3A_65#1 : vector<16x128xf32>
    %mul3A_95 = arith.constant 4.000000e-03 : f32
    %mul3A_96 = vector.broadcast %mul3A_95 : f32 to vector<16x128xf32>
    %mul3A_97 = arith.mulf %mul3A_94, %mul3A_96 : vector<16x128xf32>
    %add3A_98 = arith.addf %mul3A_92, %mul3A_78 : vector<16x128xf32>
    %add3A_99 = arith.addf %scan3A_65#0, %add3A_98 : vector<16x128xf32>
    %add3A_100 = arith.addf %mul3A_97, %mul3A_87 : vector<16x128xf32>
    %add3A_101 = arith.addf %scan3A_65#1, %add3A_100 : vector<16x128xf32>
    %mul3A_102 = arith.mulf %add3A_99, %add3A_99 : vector<16x128xf32>
    %mul3A_103 = arith.mulf %add3A_101, %add3A_101 : vector<16x128xf32>
    %add3A_104 = arith.addf %mul3A_102, %mul3A_103 : vector<16x128xf32>
    %ge3A_105 = arith.constant 1.000000e+00 : f32
    %ge3A_106 = vector.broadcast %ge3A_105 : f32 to vector<16x128xf32>
    %ge3A_107 = arith.cmpf oge, %add3A_104, %ge3A_106 : vector<16x128xf32>
    %add3A_108 = arith.addf %scan3A_65#0, %mul3A_92 : vector<16x128xf32>
    %add3A_109 = arith.addf %add3A_108, %mul3A_78 : vector<16x128xf32>
    %add3A_110 = arith.addf %scan3A_65#1, %mul3A_97 : vector<16x128xf32>
    %add3A_111 = arith.addf %add3A_110, %mul3A_87 : vector<16x128xf32>
    %and3A = arith.andi %gt3A_69, %ge3A_107 : vector<16x128xi1>
    %select_n3A = arith.select %and3A, %scan3A_65#0, %scan3A_65#7 : vector<16x128xi1>, vector<16x128xf32>
    %select_n3A_112 = arith.select %and3A, %scan3A_65#1, %scan3A_65#8 : vector<16x128xi1>, vector<16x128xf32>
    %select_n3A_113 = arith.select %and3A, %mul3A_78, %scan3A_65#9 : vector<16x128xi1>, vector<16x128xf32>
    %select_n3A_114 = arith.select %and3A, %mul3A_87, %scan3A_65#10 : vector<16x128xi1>, vector<16x128xf32>
    %select_n3A_115 = arith.select %and3A, %scan3A_65#5, %scan3A_65#6 : vector<16x128xi1>, vector<16x128xf32>
    %jit3A = arith.constant 1.000000e+00 : f32
    %broadcast_in_dim3A_116 = vector.broadcast %jit3A : f32 to vector<16x128xf32>
    %select_n3A_117 = arith.select %and3A, %broadcast_in_dim3A_116, %scan3A_65#3 : vector<16x128xi1>, vector<16x128xf32>
    %not3A = arith.constant dense<true> : vector<16x128xi1>
    %not3A_118 = arith.xori %ge3A_107, %not3A : vector<16x128xi1>
    %and3A_119 = arith.andi %gt3A_69, %not3A_118 : vector<16x128xi1>
    %select_n3A_120 = arith.select %and3A_119, %add3A_109, %scan3A_65#0 : vector<16x128xi1>, vector<16x128xf32>
    %select_n3A_121 = arith.select %and3A_119, %add3A_111, %scan3A_65#1 : vector<16x128xi1>, vector<16x128xf32>
    %mul3A_122 = arith.mulf %get3A_1, %get3A_1 : f32
    %add3A_123 = arith.constant 2.000000e+00 : f32
    %add3A_124 = arith.addf %mul3A_122, %add3A_123 : f32
    %mul3A_125 = arith.mulf %select_n3A_120, %select_n3A_120 : vector<16x128xf32>
    %mul3A_126 = arith.mulf %select_n3A_121, %select_n3A_121 : vector<16x128xf32>
    %add3A_127 = arith.addf %mul3A_125, %mul3A_126 : vector<16x128xf32>
    %mul3A_128 = vector.broadcast %add3A_124 : f32 to vector<16x128xf32>
    %mul3A_129 = arith.mulf %mul3A_128, %add3A_127 : vector<16x128xf32>
    %sub3A_130 = arith.constant 4.000000e+00 : f32
    %sub3A_131 = vector.broadcast %sub3A_130 : f32 to vector<16x128xf32>
    %sub3A_132 = arith.subf %mul3A_129, %sub3A_131 : vector<16x128xf32>
    %mul3A_133 = arith.mulf %sub3A_132, %scan3A_65#5 : vector<16x128xf32>
    %jit3A_134 = arith.constant 0.000000e+00 : f32
    %broadcast_in_dim3A_135 = vector.broadcast %jit3A_134 : f32 to vector<16x128xf32>
    %select_n3A_136 = arith.select %and3A_119, %mul3A_133, %broadcast_in_dim3A_135 : vector<16x128xi1>, vector<16x128xf32>
    %add3A_137 = arith.addf %scan3A_65#4, %select_n3A_136 : vector<16x128xf32>
    %mul3A_138 = arith.constant 0.996007978 : f32
    %mul3A_139 = vector.broadcast %mul3A_138 : f32 to vector<16x128xf32>
    %mul3A_140 = arith.mulf %scan3A_65#5, %mul3A_139 : vector<16x128xf32>
    %jit3A_141 = arith.constant 1.000000e+00 : f32
    %jit3A_142 = arith.constant 0.000000e+00 : f32
    %broadcast_in_dim3A_143 = vector.broadcast %jit3A_141 : f32 to vector<16x128xf32>
    %broadcast_in_dim3A_144 = vector.broadcast %jit3A_142 : f32 to vector<16x128xf32>
    %select_n3A_145 = arith.select %and3A_119, %broadcast_in_dim3A_143, %broadcast_in_dim3A_144 : vector<16x128xi1>, vector<16x128xf32>
    %scan3A_146 = arith.constant 49 : i32
    %gt3A_147 = arith.constant 0.000000e+00 : f32
    %gt3A_148 = vector.broadcast %gt3A_147 : f32 to vector<16x128xf32>
    %gt3A_149 = arith.cmpf ogt, %select_n3A_117, %gt3A_148 : vector<16x128xf32>
    %select_n3A_150 = arith.select %gt3A_149, %select_n3A, %select_n3A_120 : vector<16x128xi1>, vector<16x128xf32>
    %select_n3A_151 = arith.select %gt3A_149, %select_n3A_112, %select_n3A_121 : vector<16x128xi1>, vector<16x128xf32>
    %select_n3A_152 = arith.select %gt3A_149, %select_n3A_115, %mul3A_140 : vector<16x128xi1>, vector<16x128xf32>
    %jit3A_153 = arith.constant 1.000000e-01 : f32
    %broadcast_in_dim3A_154 = vector.broadcast %jit3A_153 : f32 to vector<16x128xf32>
    %select_n3A_155 = arith.select %gt3A_149, %select_n3A_150, %broadcast_in_dim3A_154 : vector<16x128xi1>, vector<16x128xf32>
    %jit3A_156 = arith.constant 1.000000e-01 : f32
    %broadcast_in_dim3A_157 = vector.broadcast %jit3A_156 : f32 to vector<16x128xf32>
    %select_n3A_158 = arith.select %gt3A_149, %select_n3A_151, %broadcast_in_dim3A_157 : vector<16x128xi1>, vector<16x128xf32>
    %mul3A_159 = vector.broadcast %get3A_1 : f32 to vector<16x128xf32>
    %mul3A_160 = arith.mulf %mul3A_159, %select_n3A_150 : vector<16x128xf32>
    %mul3A_161 = arith.constant 4.000000e-03 : f32
    %mul3A_162 = vector.broadcast %mul3A_161 : f32 to vector<16x128xf32>
    %mul3A_163 = arith.mulf %mul3A_160, %mul3A_162 : vector<16x128xf32>
    %jit3A_164 = arith.constant 0.00999999977 : f32
    %broadcast_in_dim3A_165 = vector.broadcast %jit3A_164 : f32 to vector<16x128xf32>
    %select_n3A_166 = arith.select %gt3A_149, %mul3A_163, %broadcast_in_dim3A_165 : vector<16x128xi1>, vector<16x128xf32>
    %mul3A_167 = vector.broadcast %get3A_1 : f32 to vector<16x128xf32>
    %mul3A_168 = arith.mulf %mul3A_167, %select_n3A_151 : vector<16x128xf32>
    %mul3A_169 = arith.constant 4.000000e-03 : f32
    %mul3A_170 = vector.broadcast %mul3A_169 : f32 to vector<16x128xf32>
    %mul3A_171 = arith.mulf %mul3A_168, %mul3A_170 : vector<16x128xf32>
    %jit3A_172 = arith.constant 0.00999999977 : f32
    %broadcast_in_dim3A_173 = vector.broadcast %jit3A_172 : f32 to vector<16x128xf32>
    %select_n3A_174 = arith.select %gt3A_149, %mul3A_171, %broadcast_in_dim3A_173 : vector<16x128xi1>, vector<16x128xf32>
    %jit3A_175 = arith.constant 0.00999999977 : f32
    %broadcast_in_dim3A_176 = vector.broadcast %jit3A_175 : f32 to vector<16x128xf32>
    %select_n3A_177 = arith.select %gt3A_149, %select_n3A_113, %broadcast_in_dim3A_176 : vector<16x128xi1>, vector<16x128xf32>
    %jit3A_178 = arith.constant 0.00999999977 : f32
    %broadcast_in_dim3A_179 = vector.broadcast %jit3A_178 : f32 to vector<16x128xf32>
    %select_n3A_180 = arith.select %gt3A_149, %select_n3A_114, %broadcast_in_dim3A_179 : vector<16x128xi1>, vector<16x128xf32>
    %mul3A_181 = arith.mulf %select_n3A_166, %select_n3A_166 : vector<16x128xf32>
    %mul3A_182 = arith.mulf %select_n3A_174, %select_n3A_174 : vector<16x128xf32>
    %add3A_183 = arith.addf %mul3A_181, %mul3A_182 : vector<16x128xf32>
    %mul3A_184 = arith.mulf %select_n3A_166, %select_n3A_177 : vector<16x128xf32>
    %mul3A_185 = arith.mulf %select_n3A_174, %select_n3A_180 : vector<16x128xf32>
    %add3A_186 = arith.addf %mul3A_184, %mul3A_185 : vector<16x128xf32>
    %mul3A_187 = arith.constant 2.000000e+00 : f32
    %mul3A_188 = vector.broadcast %mul3A_187 : f32 to vector<16x128xf32>
    %mul3A_189 = arith.mulf %mul3A_188, %add3A_186 : vector<16x128xf32>
    %mul3A_190 = arith.constant 2.000000e+00 : f32
    %mul3A_191 = vector.broadcast %mul3A_190 : f32 to vector<16x128xf32>
    %mul3A_192 = arith.mulf %mul3A_191, %select_n3A_166 : vector<16x128xf32>
    %mul3A_193 = arith.mulf %mul3A_192, %select_n3A_155 : vector<16x128xf32>
    %mul3A_194 = arith.mulf %select_n3A_177, %select_n3A_177 : vector<16x128xf32>
    %add3A_195 = arith.addf %mul3A_193, %mul3A_194 : vector<16x128xf32>
    %mul3A_196 = arith.constant 2.000000e+00 : f32
    %mul3A_197 = vector.broadcast %mul3A_196 : f32 to vector<16x128xf32>
    %mul3A_198 = arith.mulf %mul3A_197, %select_n3A_174 : vector<16x128xf32>
    %mul3A_199 = arith.mulf %mul3A_198, %select_n3A_158 : vector<16x128xf32>
    %mul3A_200 = arith.mulf %select_n3A_180, %select_n3A_180 : vector<16x128xf32>
    %add3A_201 = arith.addf %mul3A_199, %mul3A_200 : vector<16x128xf32>
    %add3A_202 = arith.addf %add3A_195, %add3A_201 : vector<16x128xf32>
    %mul3A_203 = arith.mulf %select_n3A_177, %select_n3A_155 : vector<16x128xf32>
    %mul3A_204 = arith.mulf %select_n3A_180, %select_n3A_158 : vector<16x128xf32>
    %add3A_205 = arith.addf %mul3A_203, %mul3A_204 : vector<16x128xf32>
    %mul3A_206 = arith.constant 2.000000e+00 : f32
    %mul3A_207 = vector.broadcast %mul3A_206 : f32 to vector<16x128xf32>
    %mul3A_208 = arith.mulf %mul3A_207, %add3A_205 : vector<16x128xf32>
    %mul3A_209 = arith.mulf %select_n3A_155, %select_n3A_155 : vector<16x128xf32>
    %mul3A_210 = arith.mulf %select_n3A_158, %select_n3A_158 : vector<16x128xf32>
    %add3A_211 = arith.addf %mul3A_209, %mul3A_210 : vector<16x128xf32>
    %sub3A_212 = arith.constant 1.000000e+00 : f32
    %sub3A_213 = vector.broadcast %sub3A_212 : f32 to vector<16x128xf32>
    %sub3A_214 = arith.subf %add3A_211, %sub3A_213 : vector<16x128xf32>
    %mul3A_215 = arith.constant 8.000000e+00 : f32
    %mul3A_216 = vector.broadcast %mul3A_215 : f32 to vector<16x128xf32>
    %mul3A_217 = arith.mulf %mul3A_216, %add3A_183 : vector<16x128xf32>
    %mul3A_218 = arith.mulf %mul3A_217, %add3A_202 : vector<16x128xf32>
    %mul3A_219 = arith.mulf %mul3A_189, %mul3A_189 : vector<16x128xf32>
    %mul3A_220 = arith.constant 3.000000e+00 : f32
    %mul3A_221 = vector.broadcast %mul3A_220 : f32 to vector<16x128xf32>
    %mul3A_222 = arith.mulf %mul3A_221, %mul3A_219 : vector<16x128xf32>
    %sub3A_223 = arith.subf %mul3A_218, %mul3A_222 : vector<16x128xf32>
    %mul3A_224 = arith.mulf %add3A_183, %add3A_183 : vector<16x128xf32>
    %mul3A_225 = arith.constant 8.000000e+00 : f32
    %mul3A_226 = vector.broadcast %mul3A_225 : f32 to vector<16x128xf32>
    %mul3A_227 = arith.mulf %mul3A_226, %mul3A_224 : vector<16x128xf32>
    %div3A = arith.divf %sub3A_223, %mul3A_227 : vector<16x128xf32>
    %mul3A_228 = arith.mulf %mul3A_189, %mul3A_189 : vector<16x128xf32>
    %mul3A_229 = arith.mulf %mul3A_228, %mul3A_189 : vector<16x128xf32>
    %mul3A_230 = arith.constant 4.000000e+00 : f32
    %mul3A_231 = vector.broadcast %mul3A_230 : f32 to vector<16x128xf32>
    %mul3A_232 = arith.mulf %mul3A_231, %add3A_183 : vector<16x128xf32>
    %mul3A_233 = arith.mulf %mul3A_232, %mul3A_189 : vector<16x128xf32>
    %mul3A_234 = arith.mulf %mul3A_233, %add3A_202 : vector<16x128xf32>
    %sub3A_235 = arith.subf %mul3A_229, %mul3A_234 : vector<16x128xf32>
    %mul3A_236 = arith.mulf %add3A_183, %add3A_183 : vector<16x128xf32>
    %mul3A_237 = arith.constant 8.000000e+00 : f32
    %mul3A_238 = vector.broadcast %mul3A_237 : f32 to vector<16x128xf32>
    %mul3A_239 = arith.mulf %mul3A_238, %mul3A_236 : vector<16x128xf32>
    %mul3A_240 = arith.mulf %mul3A_239, %mul3A_208 : vector<16x128xf32>
    %add3A_241 = arith.addf %sub3A_235, %mul3A_240 : vector<16x128xf32>
    %mul3A_242 = arith.mulf %add3A_183, %add3A_183 : vector<16x128xf32>
    %mul3A_243 = arith.mulf %mul3A_242, %add3A_183 : vector<16x128xf32>
    %mul3A_244 = arith.constant 8.000000e+00 : f32
    %mul3A_245 = vector.broadcast %mul3A_244 : f32 to vector<16x128xf32>
    %mul3A_246 = arith.mulf %mul3A_245, %mul3A_243 : vector<16x128xf32>
    %div3A_247 = arith.divf %add3A_241, %mul3A_246 : vector<16x128xf32>
    %sign3A = tpu.bitcast %div3A_247 : vector<16x128xf32> -> vector<16x128xi32>
    %sign3A_248 = arith.constant -2147483648 : i32
    %sign3A_249 = vector.broadcast %sign3A_248 : i32 to vector<16x128xi32>
    %sign3A_250 = arith.andi %sign3A, %sign3A_249 : vector<16x128xi32>
    %sign3A_251 = arith.constant 1065353216 : i32
    %sign3A_252 = vector.broadcast %sign3A_251 : i32 to vector<16x128xi32>
    %sign3A_253 = arith.ori %sign3A_252, %sign3A_250 : vector<16x128xi32>
    %sign3A_254 = tpu.bitcast %sign3A_253 : vector<16x128xi32> -> vector<16x128xf32>
    %sign3A_255 = math.absf %div3A_247 : vector<16x128xf32>
    %sign3A_256 = arith.constant 0.000000e+00 : f32
    %sign3A_257 = vector.broadcast %sign3A_256 : f32 to vector<16x128xf32>
    %sign3A_258 = arith.cmpf ogt, %sign3A_255, %sign3A_257 : vector<16x128xf32>
    %sign3A_259 = arith.select %sign3A_258, %sign3A_254, %div3A_247 : vector<16x128xi1>, vector<16x128xf32>
    %mul3A_260 = arith.mulf %add3A_202, %add3A_202 : vector<16x128xf32>
    %mul3A_261 = arith.constant 3.000000e+00 : f32
    %mul3A_262 = vector.broadcast %mul3A_261 : f32 to vector<16x128xf32>
    %mul3A_263 = arith.mulf %mul3A_262, %mul3A_189 : vector<16x128xf32>
    %mul3A_264 = arith.mulf %mul3A_263, %mul3A_208 : vector<16x128xf32>
    %sub3A_265 = arith.subf %mul3A_260, %mul3A_264 : vector<16x128xf32>
    %mul3A_266 = arith.constant 1.200000e+01 : f32
    %mul3A_267 = vector.broadcast %mul3A_266 : f32 to vector<16x128xf32>
    %mul3A_268 = arith.mulf %mul3A_267, %add3A_183 : vector<16x128xf32>
    %mul3A_269 = arith.mulf %mul3A_268, %sub3A_214 : vector<16x128xf32>
    %add3A_270 = arith.addf %sub3A_265, %mul3A_269 : vector<16x128xf32>
    %mul3A_271 = arith.mulf %add3A_202, %add3A_202 : vector<16x128xf32>
    %mul3A_272 = arith.mulf %mul3A_271, %add3A_202 : vector<16x128xf32>
    %mul3A_273 = arith.constant 2.000000e+00 : f32
    %mul3A_274 = vector.broadcast %mul3A_273 : f32 to vector<16x128xf32>
    %mul3A_275 = arith.mulf %mul3A_274, %mul3A_272 : vector<16x128xf32>
    %mul3A_276 = arith.constant 9.000000e+00 : f32
    %mul3A_277 = vector.broadcast %mul3A_276 : f32 to vector<16x128xf32>
    %mul3A_278 = arith.mulf %mul3A_277, %mul3A_189 : vector<16x128xf32>
    %mul3A_279 = arith.mulf %mul3A_278, %add3A_202 : vector<16x128xf32>
    %mul3A_280 = arith.mulf %mul3A_279, %mul3A_208 : vector<16x128xf32>
    %sub3A_281 = arith.subf %mul3A_275, %mul3A_280 : vector<16x128xf32>
    %mul3A_282 = arith.mulf %mul3A_189, %mul3A_189 : vector<16x128xf32>
    %mul3A_283 = arith.constant 2.700000e+01 : f32
    %mul3A_284 = vector.broadcast %mul3A_283 : f32 to vector<16x128xf32>
    %mul3A_285 = arith.mulf %mul3A_284, %mul3A_282 : vector<16x128xf32>
    %mul3A_286 = arith.mulf %mul3A_285, %sub3A_214 : vector<16x128xf32>
    %add3A_287 = arith.addf %sub3A_281, %mul3A_286 : vector<16x128xf32>
    %mul3A_288 = arith.constant 2.700000e+01 : f32
    %mul3A_289 = vector.broadcast %mul3A_288 : f32 to vector<16x128xf32>
    %mul3A_290 = arith.mulf %mul3A_289, %add3A_183 : vector<16x128xf32>
    %mul3A_291 = arith.mulf %mul3A_208, %mul3A_208 : vector<16x128xf32>
    %mul3A_292 = arith.mulf %mul3A_290, %mul3A_291 : vector<16x128xf32>
    %add3A_293 = arith.addf %add3A_287, %mul3A_292 : vector<16x128xf32>
    %mul3A_294 = arith.constant 7.200000e+01 : f32
    %mul3A_295 = vector.broadcast %mul3A_294 : f32 to vector<16x128xf32>
    %mul3A_296 = arith.mulf %mul3A_295, %add3A_183 : vector<16x128xf32>
    %mul3A_297 = arith.mulf %mul3A_296, %add3A_202 : vector<16x128xf32>
    %mul3A_298 = arith.mulf %mul3A_297, %sub3A_214 : vector<16x128xf32>
    %sub3A_299 = arith.subf %add3A_293, %mul3A_298 : vector<16x128xf32>
    %mul3A_300 = arith.mulf %sub3A_299, %sub3A_299 : vector<16x128xf32>
    %mul3A_301 = arith.mulf %add3A_270, %add3A_270 : vector<16x128xf32>
    %mul3A_302 = arith.mulf %mul3A_301, %add3A_270 : vector<16x128xf32>
    %mul3A_303 = arith.constant 4.000000e+00 : f32
    %mul3A_304 = vector.broadcast %mul3A_303 : f32 to vector<16x128xf32>
    %mul3A_305 = arith.mulf %mul3A_304, %mul3A_302 : vector<16x128xf32>
    %sub3A_306 = arith.subf %mul3A_300, %mul3A_305 : vector<16x128xf32>
    %sign3A_307 = tpu.bitcast %sub3A_306 : vector<16x128xf32> -> vector<16x128xi32>
    %sign3A_308 = arith.constant -2147483648 : i32
    %sign3A_309 = vector.broadcast %sign3A_308 : i32 to vector<16x128xi32>
    %sign3A_310 = arith.andi %sign3A_307, %sign3A_309 : vector<16x128xi32>
    %sign3A_311 = arith.constant 1065353216 : i32
    %sign3A_312 = vector.broadcast %sign3A_311 : i32 to vector<16x128xi32>
    %sign3A_313 = arith.ori %sign3A_312, %sign3A_310 : vector<16x128xi32>
    %sign3A_314 = tpu.bitcast %sign3A_313 : vector<16x128xi32> -> vector<16x128xf32>
    %sign3A_315 = math.absf %sub3A_306 : vector<16x128xf32>
    %sign3A_316 = arith.constant 0.000000e+00 : f32
    %sign3A_317 = vector.broadcast %sign3A_316 : f32 to vector<16x128xf32>
    %sign3A_318 = arith.cmpf ogt, %sign3A_315, %sign3A_317 : vector<16x128xf32>
    %sign3A_319 = arith.select %sign3A_318, %sign3A_314, %sub3A_306 : vector<16x128xi1>, vector<16x128xf32>
    %add3A_320 = arith.constant 1.000000e+00 : f32
    %add3A_321 = vector.broadcast %add3A_320 : f32 to vector<16x128xf32>
    %add3A_322 = arith.addf %sign3A_319, %add3A_321 : vector<16x128xf32>
    %div3A_323 = arith.constant 2.000000e+00 : f32
    %div3A_324 = vector.broadcast %div3A_323 : f32 to vector<16x128xf32>
    %div3A_325 = arith.divf %add3A_322, %div3A_324 : vector<16x128xf32>
    %ceil3A = math.ceil %div3A_325 : vector<16x128xf32>
    %abs3A = math.absf %sub3A_306 : vector<16x128xf32>
    %sqrt3A = math.sqrt %abs3A : vector<16x128xf32>
    %add3A_326 = arith.addf %sub3A_299, %sqrt3A : vector<16x128xf32>
    %div3A_327 = arith.constant 2.000000e+00 : f32
    %div3A_328 = vector.broadcast %div3A_327 : f32 to vector<16x128xf32>
    %div3A_329 = arith.divf %add3A_326, %div3A_328 : vector<16x128xf32>
    %sign3A_330 = tpu.bitcast %div3A_329 : vector<16x128xf32> -> vector<16x128xi32>
    %sign3A_331 = arith.constant -2147483648 : i32
    %sign3A_332 = vector.broadcast %sign3A_331 : i32 to vector<16x128xi32>
    %sign3A_333 = arith.andi %sign3A_330, %sign3A_332 : vector<16x128xi32>
    %sign3A_334 = arith.constant 1065353216 : i32
    %sign3A_335 = vector.broadcast %sign3A_334 : i32 to vector<16x128xi32>
    %sign3A_336 = arith.ori %sign3A_335, %sign3A_333 : vector<16x128xi32>
    %sign3A_337 = tpu.bitcast %sign3A_336 : vector<16x128xi32> -> vector<16x128xf32>
    %sign3A_338 = math.absf %div3A_329 : vector<16x128xf32>
    %sign3A_339 = arith.constant 0.000000e+00 : f32
    %sign3A_340 = vector.broadcast %sign3A_339 : f32 to vector<16x128xf32>
    %sign3A_341 = arith.cmpf ogt, %sign3A_338, %sign3A_340 : vector<16x128xf32>
    %sign3A_342 = arith.select %sign3A_341, %sign3A_337, %div3A_329 : vector<16x128xi1>, vector<16x128xf32>
    %abs3A_343 = math.absf %div3A_329 : vector<16x128xf32>
    %pow3A = arith.constant 0.333333343 : f32
    %pow3A_344 = vector.broadcast %pow3A : f32 to vector<16x128xf32>
    %pow3A_345 = math.powf %abs3A_343, %pow3A_344 : vector<16x128xf32>
    %mul3A_346 = arith.mulf %sign3A_342, %pow3A_345 : vector<16x128xf32>
    %div3A_347 = arith.divf %add3A_270, %mul3A_346 : vector<16x128xf32>
    %add3A_348 = arith.addf %mul3A_346, %div3A_347 : vector<16x128xf32>
    %mul3A_349 = arith.constant 3.000000e+00 : f32
    %mul3A_350 = vector.broadcast %mul3A_349 : f32 to vector<16x128xf32>
    %mul3A_351 = arith.mulf %mul3A_350, %add3A_183 : vector<16x128xf32>
    %div3A_352 = arith.divf %add3A_348, %mul3A_351 : vector<16x128xf32>
    %mul3A_353 = arith.constant 2.000000e+00 : f32
    %mul3A_354 = vector.broadcast %mul3A_353 : f32 to vector<16x128xf32>
    %mul3A_355 = arith.mulf %mul3A_354, %div3A : vector<16x128xf32>
    %div3A_356 = arith.constant 3.000000e+00 : f32
    %div3A_357 = vector.broadcast %div3A_356 : f32 to vector<16x128xf32>
    %div3A_358 = arith.divf %mul3A_355, %div3A_357 : vector<16x128xf32>
    %sub3A_359 = arith.subf %div3A_352, %div3A_358 : vector<16x128xf32>
    %abs3A_360 = math.absf %sub3A_359 : vector<16x128xf32>
    %sqrt3A_361 = math.sqrt %abs3A_360 : vector<16x128xf32>
    %mul3A_362 = arith.constant 5.000000e-01 : f32
    %mul3A_363 = vector.broadcast %mul3A_362 : f32 to vector<16x128xf32>
    %mul3A_364 = arith.mulf %mul3A_363, %sqrt3A_361 : vector<16x128xf32>
    %mul3A_365 = arith.mulf %sub3A_299, %sub3A_299 : vector<16x128xf32>
    %div3A_366 = arith.constant 4.000000e+00 : f32
    %div3A_367 = vector.broadcast %div3A_366 : f32 to vector<16x128xf32>
    %div3A_368 = arith.divf %mul3A_365, %div3A_367 : vector<16x128xf32>
    %mul3A_369 = arith.mulf %add3A_270, %add3A_270 : vector<16x128xf32>
    %mul3A_370 = arith.mulf %mul3A_369, %add3A_270 : vector<16x128xf32>
    %div3A_371 = arith.divf %div3A_368, %mul3A_370 : vector<16x128xf32>
    %abs3A_372 = math.absf %div3A_371 : vector<16x128xf32>
    %sqrt3A_373 = math.sqrt %abs3A_372 : vector<16x128xf32>
    %min3A = arith.constant 1.000000e+00 : f32
    %min3A_374 = vector.broadcast %min3A : f32 to vector<16x128xf32>
    %min3A_375 = arith.minimumf %sqrt3A_373, %min3A_374 : vector<16x128xf32>
    %sub3A_376 = arith.constant 1.000000e+00 : f32
    %sub3A_377 = vector.broadcast %sub3A_376 : f32 to vector<16x128xf32>
    %sub3A_378 = arith.subf %sub3A_377, %min3A_375 : vector<16x128xf32>
    %add3A_379 = arith.constant 1.000000e+00 : f32
    %add3A_380 = vector.broadcast %add3A_379 : f32 to vector<16x128xf32>
    %add3A_381 = arith.addf %min3A_375, %add3A_380 : vector<16x128xf32>
    %mul3A_382 = arith.mulf %sub3A_378, %add3A_381 : vector<16x128xf32>
    %sqrt3A_383 = math.sqrt %mul3A_382 : vector<16x128xf32>
    %atan23A = math.atan2 %sqrt3A_383, %min3A_375 : vector<16x128xf32>
    %abs3A_384 = math.absf %add3A_270 : vector<16x128xf32>
    %sqrt3A_385 = math.sqrt %abs3A_384 : vector<16x128xf32>
    %mul3A_386 = arith.constant 2.000000e+00 : f32
    %mul3A_387 = vector.broadcast %mul3A_386 : f32 to vector<16x128xf32>
    %mul3A_388 = arith.mulf %mul3A_387, %sqrt3A_385 : vector<16x128xf32>
    %div3A_389 = arith.constant 3.000000e+00 : f32
    %div3A_390 = vector.broadcast %div3A_389 : f32 to vector<16x128xf32>
    %div3A_391 = arith.divf %atan23A, %div3A_390 : vector<16x128xf32>
    %cos3A = math.cos %div3A_391 : vector<16x128xf32>
    %mul3A_392 = arith.mulf %mul3A_388, %cos3A : vector<16x128xf32>
    %mul3A_393 = arith.constant 3.000000e+00 : f32
    %mul3A_394 = vector.broadcast %mul3A_393 : f32 to vector<16x128xf32>
    %mul3A_395 = arith.mulf %mul3A_394, %add3A_183 : vector<16x128xf32>
    %div3A_396 = arith.divf %mul3A_392, %mul3A_395 : vector<16x128xf32>
    %mul3A_397 = arith.constant 2.000000e+00 : f32
    %mul3A_398 = vector.broadcast %mul3A_397 : f32 to vector<16x128xf32>
    %mul3A_399 = arith.mulf %mul3A_398, %div3A : vector<16x128xf32>
    %div3A_400 = arith.constant 3.000000e+00 : f32
    %div3A_401 = vector.broadcast %div3A_400 : f32 to vector<16x128xf32>
    %div3A_402 = arith.divf %mul3A_399, %div3A_401 : vector<16x128xf32>
    %sub3A_403 = arith.subf %div3A_396, %div3A_402 : vector<16x128xf32>
    %abs3A_404 = math.absf %sub3A_403 : vector<16x128xf32>
    %sqrt3A_405 = math.sqrt %abs3A_404 : vector<16x128xf32>
    %mul3A_406 = arith.constant 5.000000e-01 : f32
    %mul3A_407 = vector.broadcast %mul3A_406 : f32 to vector<16x128xf32>
    %mul3A_408 = arith.mulf %mul3A_407, %sqrt3A_405 : vector<16x128xf32>
    %mul3A_409 = arith.mulf %ceil3A, %mul3A_364 : vector<16x128xf32>
    %sub3A_410 = arith.constant 1.000000e+00 : f32
    %sub3A_411 = vector.broadcast %sub3A_410 : f32 to vector<16x128xf32>
    %sub3A_412 = arith.subf %sub3A_411, %ceil3A : vector<16x128xf32>
    %mul3A_413 = arith.mulf %sub3A_412, %mul3A_408 : vector<16x128xf32>
    %add3A_414 = arith.addf %mul3A_409, %mul3A_413 : vector<16x128xf32>
    %mul3A_415 = arith.mulf %add3A_414, %add3A_414 : vector<16x128xf32>
    %mul3A_416 = arith.constant -4.000000e+00 : f32
    %mul3A_417 = vector.broadcast %mul3A_416 : f32 to vector<16x128xf32>
    %mul3A_418 = arith.mulf %mul3A_417, %mul3A_415 : vector<16x128xf32>
    %mul3A_419 = arith.constant 2.000000e+00 : f32
    %mul3A_420 = vector.broadcast %mul3A_419 : f32 to vector<16x128xf32>
    %mul3A_421 = arith.mulf %mul3A_420, %div3A : vector<16x128xf32>
    %sub3A_422 = arith.subf %mul3A_418, %mul3A_421 : vector<16x128xf32>
    %div3A_423 = arith.divf %div3A_247, %add3A_414 : vector<16x128xf32>
    %abs3A_424 = math.absf %div3A_423 : vector<16x128xf32>
    %add3A_425 = arith.addf %sub3A_422, %abs3A_424 : vector<16x128xf32>
    %abs3A_426 = math.absf %add3A_425 : vector<16x128xf32>
    %sqrt3A_427 = math.sqrt %abs3A_426 : vector<16x128xf32>
    %mul3A_428 = arith.constant 5.000000e-01 : f32
    %mul3A_429 = vector.broadcast %mul3A_428 : f32 to vector<16x128xf32>
    %mul3A_430 = arith.mulf %mul3A_429, %sqrt3A_427 : vector<16x128xf32>
    %mul3A_431 = arith.constant 4.000000e+00 : f32
    %mul3A_432 = vector.broadcast %mul3A_431 : f32 to vector<16x128xf32>
    %mul3A_433 = arith.mulf %mul3A_432, %add3A_183 : vector<16x128xf32>
    %div3A_434 = arith.divf %mul3A_189, %mul3A_433 : vector<16x128xf32>
    %sub3A_435 = arith.subf %mul3A_430, %div3A_434 : vector<16x128xf32>
    %mul3A_436 = arith.mulf %sign3A_259, %add3A_414 : vector<16x128xf32>
    %sub3A_437 = arith.subf %sub3A_435, %mul3A_436 : vector<16x128xf32>
    %sub3A_438 = arith.constant 1.000000e+00 : f32
    %sub3A_439 = vector.broadcast %sub3A_438 : f32 to vector<16x128xf32>
    %sub3A_440 = arith.subf %sub3A_439, %sub3A_437 : vector<16x128xf32>
    %mul3A_441 = arith.mulf %sub3A_440, %sub3A_437 : vector<16x128xf32>
    %lt3A = arith.constant 0.000000e+00 : f32
    %lt3A_442 = vector.broadcast %lt3A : f32 to vector<16x128xf32>
    %lt3A_443 = arith.cmpf olt, %mul3A_441, %lt3A_442 : vector<16x128xf32>
    %mul3A_444 = arith.mulf %add3A_414, %add3A_414 : vector<16x128xf32>
    %mul3A_445 = arith.constant -4.000000e+00 : f32
    %mul3A_446 = vector.broadcast %mul3A_445 : f32 to vector<16x128xf32>
    %mul3A_447 = arith.mulf %mul3A_446, %mul3A_444 : vector<16x128xf32>
    %mul3A_448 = arith.constant 2.000000e+00 : f32
    %mul3A_449 = vector.broadcast %mul3A_448 : f32 to vector<16x128xf32>
    %mul3A_450 = arith.mulf %mul3A_449, %div3A : vector<16x128xf32>
    %sub3A_451 = arith.subf %mul3A_447, %mul3A_450 : vector<16x128xf32>
    %div3A_452 = arith.divf %div3A_247, %add3A_414 : vector<16x128xf32>
    %abs3A_453 = math.absf %div3A_452 : vector<16x128xf32>
    %sub3A_454 = arith.subf %sub3A_451, %abs3A_453 : vector<16x128xf32>
    %abs3A_455 = math.absf %sub3A_454 : vector<16x128xf32>
    %sqrt3A_456 = math.sqrt %abs3A_455 : vector<16x128xf32>
    %mul3A_457 = arith.constant 5.000000e-01 : f32
    %mul3A_458 = vector.broadcast %mul3A_457 : f32 to vector<16x128xf32>
    %mul3A_459 = arith.mulf %mul3A_458, %sqrt3A_456 : vector<16x128xf32>
    %mul3A_460 = arith.constant 4.000000e+00 : f32
    %mul3A_461 = vector.broadcast %mul3A_460 : f32 to vector<16x128xf32>
    %mul3A_462 = arith.mulf %mul3A_461, %add3A_183 : vector<16x128xf32>
    %div3A_463 = arith.divf %mul3A_189, %mul3A_462 : vector<16x128xf32>
    %sub3A_464 = arith.subf %mul3A_459, %div3A_463 : vector<16x128xf32>
    %mul3A_465 = arith.mulf %sign3A_259, %add3A_414 : vector<16x128xf32>
    %add3A_466 = arith.addf %sub3A_464, %mul3A_465 : vector<16x128xf32>
    %select_n3A_467 = arith.select %lt3A_443, %add3A_466, %sub3A_437 : vector<16x128xi1>, vector<16x128xf32>
    %mul3A_468 = arith.mulf %select_n3A_467, %select_n3A_467 : vector<16x128xf32>
    %abs3A_469 = math.absf %select_n3A_467 : vector<16x128xf32>
    %jit3A_470 = arith.constant 0.000000e+00 : f32
    %broadcast_in_dim3A_471 = vector.broadcast %jit3A_470 : f32 to vector<16x128xf32>
    %select_n3A_472 = arith.select %gt3A_149, %mul3A_468, %broadcast_in_dim3A_471 : vector<16x128xi1>, vector<16x128xf32>
    %jit3A_473 = arith.constant 0.000000e+00 : f32
    %broadcast_in_dim3A_474 = vector.broadcast %jit3A_473 : f32 to vector<16x128xf32>
    %select_n3A_475 = arith.select %gt3A_149, %abs3A_469, %broadcast_in_dim3A_474 : vector<16x128xi1>, vector<16x128xf32>
    %mul3A_476 = vector.broadcast %get3A_1 : f32 to vector<16x128xf32>
    %mul3A_477 = arith.mulf %mul3A_476, %select_n3A_150 : vector<16x128xf32>
    %mul3A_478 = arith.constant 4.000000e-03 : f32
    %mul3A_479 = vector.broadcast %mul3A_478 : f32 to vector<16x128xf32>
    %mul3A_480 = arith.mulf %mul3A_477, %mul3A_479 : vector<16x128xf32>
    %mul3A_481 = arith.mulf %mul3A_480, %select_n3A_472 : vector<16x128xf32>
    %add3A_482 = arith.addf %select_n3A_150, %mul3A_481 : vector<16x128xf32>
    %mul3A_483 = arith.mulf %select_n3A_113, %select_n3A_475 : vector<16x128xf32>
    %add3A_484 = arith.addf %add3A_482, %mul3A_483 : vector<16x128xf32>
    %mul3A_485 = vector.broadcast %get3A_1 : f32 to vector<16x128xf32>
    %mul3A_486 = arith.mulf %mul3A_485, %select_n3A_151 : vector<16x128xf32>
    %mul3A_487 = arith.constant 4.000000e-03 : f32
    %mul3A_488 = vector.broadcast %mul3A_487 : f32 to vector<16x128xf32>
    %mul3A_489 = arith.mulf %mul3A_486, %mul3A_488 : vector<16x128xf32>
    %mul3A_490 = arith.mulf %mul3A_489, %select_n3A_472 : vector<16x128xf32>
    %add3A_491 = arith.addf %select_n3A_151, %mul3A_490 : vector<16x128xf32>
    %mul3A_492 = arith.mulf %select_n3A_114, %select_n3A_475 : vector<16x128xf32>
    %add3A_493 = arith.addf %add3A_491, %mul3A_492 : vector<16x128xf32>
    %mul3A_494 = arith.mulf %add3A_484, %add3A_484 : vector<16x128xf32>
    %mul3A_495 = arith.mulf %add3A_493, %add3A_493 : vector<16x128xf32>
    %add3A_496 = arith.addf %mul3A_494, %mul3A_495 : vector<16x128xf32>
    %mul3A_497 = arith.mulf %get3A_1, %get3A_1 : f32
    %add3A_498 = arith.constant 2.000000e+00 : f32
    %add3A_499 = arith.addf %mul3A_497, %add3A_498 : f32
    %mul3A_500 = vector.broadcast %add3A_499 : f32 to vector<16x128xf32>
    %mul3A_501 = arith.mulf %mul3A_500, %add3A_496 : vector<16x128xf32>
    %sub3A_502 = arith.constant 4.000000e+00 : f32
    %sub3A_503 = vector.broadcast %sub3A_502 : f32 to vector<16x128xf32>
    %sub3A_504 = arith.subf %mul3A_501, %sub3A_503 : vector<16x128xf32>
    %mul3A_505 = arith.mulf %select_n3A_472, %sub3A_504 : vector<16x128xf32>
    %mul3A_506 = arith.constant 4.000000e-03 : f32
    %mul3A_507 = vector.broadcast %mul3A_506 : f32 to vector<16x128xf32>
    %mul3A_508 = arith.mulf %mul3A_505, %mul3A_507 : vector<16x128xf32>
    %mul3A_509 = arith.constant -4.000000e-03 : f32
    %mul3A_510 = vector.broadcast %mul3A_509 : f32 to vector<16x128xf32>
    %mul3A_511 = arith.mulf %mul3A_510, %select_n3A_472 : vector<16x128xf32>
    %exp3A = math.exp %mul3A_511 : vector<16x128xf32>
    %mul3A_512 = arith.mulf %exp3A, %add3A_496 : vector<16x128xf32>
    %add3A_513 = arith.addf %mul3A_508, %mul3A_512 : vector<16x128xf32>
    %mul3A_514 = arith.mulf %select_n3A_152, %add3A_513 : vector<16x128xf32>
    %jit3A_515 = arith.constant 1.000000e-01 : f32
    %broadcast_in_dim3A_516 = vector.broadcast %jit3A_515 : f32 to vector<16x128xf32>
    %select_n3A_517 = arith.select %ge3A_46, %get3A_6, %broadcast_in_dim3A_516 : vector<16x128xi1>, vector<16x128xf32>
    %jit3A_518 = arith.constant 1.000000e-01 : f32
    %broadcast_in_dim3A_519 = vector.broadcast %jit3A_518 : f32 to vector<16x128xf32>
    %select_n3A_520 = arith.select %ge3A_46, %get3A_11, %broadcast_in_dim3A_519 : vector<16x128xi1>, vector<16x128xf32>
    %mul3A_521 = vector.broadcast %get3A_1 : f32 to vector<16x128xf32>
    %mul3A_522 = arith.mulf %mul3A_521, %get3A_6 : vector<16x128xf32>
    %mul3A_523 = arith.constant 4.000000e-03 : f32
    %mul3A_524 = vector.broadcast %mul3A_523 : f32 to vector<16x128xf32>
    %mul3A_525 = arith.mulf %mul3A_522, %mul3A_524 : vector<16x128xf32>
    %jit3A_526 = arith.constant 0.00999999977 : f32
    %broadcast_in_dim3A_527 = vector.broadcast %jit3A_526 : f32 to vector<16x128xf32>
    %select_n3A_528 = arith.select %ge3A_46, %mul3A_525, %broadcast_in_dim3A_527 : vector<16x128xi1>, vector<16x128xf32>
    %mul3A_529 = vector.broadcast %get3A_1 : f32 to vector<16x128xf32>
    %mul3A_530 = arith.mulf %mul3A_529, %get3A_11 : vector<16x128xf32>
    %mul3A_531 = arith.constant 4.000000e-03 : f32
    %mul3A_532 = vector.broadcast %mul3A_531 : f32 to vector<16x128xf32>
    %mul3A_533 = arith.mulf %mul3A_530, %mul3A_532 : vector<16x128xf32>
    %jit3A_534 = arith.constant 0.00999999977 : f32
    %broadcast_in_dim3A_535 = vector.broadcast %jit3A_534 : f32 to vector<16x128xf32>
    %select_n3A_536 = arith.select %ge3A_46, %mul3A_533, %broadcast_in_dim3A_535 : vector<16x128xi1>, vector<16x128xf32>
    %jit3A_537 = arith.constant 0.00999999977 : f32
    %broadcast_in_dim3A_538 = vector.broadcast %jit3A_537 : f32 to vector<16x128xf32>
    %select_n3A_539 = arith.select %ge3A_46, %mul3A_19, %broadcast_in_dim3A_538 : vector<16x128xi1>, vector<16x128xf32>
    %jit3A_540 = arith.constant 0.00999999977 : f32
    %broadcast_in_dim3A_541 = vector.broadcast %jit3A_540 : f32 to vector<16x128xf32>
    %select_n3A_542 = arith.select %ge3A_46, %mul3A_28, %broadcast_in_dim3A_541 : vector<16x128xi1>, vector<16x128xf32>
    %mul3A_543 = arith.mulf %select_n3A_528, %select_n3A_528 : vector<16x128xf32>
    %mul3A_544 = arith.mulf %select_n3A_536, %select_n3A_536 : vector<16x128xf32>
    %add3A_545 = arith.addf %mul3A_543, %mul3A_544 : vector<16x128xf32>
    %mul3A_546 = arith.mulf %select_n3A_528, %select_n3A_539 : vector<16x128xf32>
    %mul3A_547 = arith.mulf %select_n3A_536, %select_n3A_542 : vector<16x128xf32>
    %add3A_548 = arith.addf %mul3A_546, %mul3A_547 : vector<16x128xf32>
    %mul3A_549 = arith.constant 2.000000e+00 : f32
    %mul3A_550 = vector.broadcast %mul3A_549 : f32 to vector<16x128xf32>
    %mul3A_551 = arith.mulf %mul3A_550, %add3A_548 : vector<16x128xf32>
    %mul3A_552 = arith.constant 2.000000e+00 : f32
    %mul3A_553 = vector.broadcast %mul3A_552 : f32 to vector<16x128xf32>
    %mul3A_554 = arith.mulf %mul3A_553, %select_n3A_528 : vector<16x128xf32>
    %mul3A_555 = arith.mulf %mul3A_554, %select_n3A_517 : vector<16x128xf32>
    %mul3A_556 = arith.mulf %select_n3A_539, %select_n3A_539 : vector<16x128xf32>
    %add3A_557 = arith.addf %mul3A_555, %mul3A_556 : vector<16x128xf32>
    %mul3A_558 = arith.constant 2.000000e+00 : f32
    %mul3A_559 = vector.broadcast %mul3A_558 : f32 to vector<16x128xf32>
    %mul3A_560 = arith.mulf %mul3A_559, %select_n3A_536 : vector<16x128xf32>
    %mul3A_561 = arith.mulf %mul3A_560, %select_n3A_520 : vector<16x128xf32>
    %mul3A_562 = arith.mulf %select_n3A_542, %select_n3A_542 : vector<16x128xf32>
    %add3A_563 = arith.addf %mul3A_561, %mul3A_562 : vector<16x128xf32>
    %add3A_564 = arith.addf %add3A_557, %add3A_563 : vector<16x128xf32>
    %mul3A_565 = arith.mulf %select_n3A_539, %select_n3A_517 : vector<16x128xf32>
    %mul3A_566 = arith.mulf %select_n3A_542, %select_n3A_520 : vector<16x128xf32>
    %add3A_567 = arith.addf %mul3A_565, %mul3A_566 : vector<16x128xf32>
    %mul3A_568 = arith.constant 2.000000e+00 : f32
    %mul3A_569 = vector.broadcast %mul3A_568 : f32 to vector<16x128xf32>
    %mul3A_570 = arith.mulf %mul3A_569, %add3A_567 : vector<16x128xf32>
    %mul3A_571 = arith.mulf %select_n3A_517, %select_n3A_517 : vector<16x128xf32>
    %mul3A_572 = arith.mulf %select_n3A_520, %select_n3A_520 : vector<16x128xf32>
    %add3A_573 = arith.addf %mul3A_571, %mul3A_572 : vector<16x128xf32>
    %sub3A_574 = arith.constant 1.000000e+00 : f32
    %sub3A_575 = vector.broadcast %sub3A_574 : f32 to vector<16x128xf32>
    %sub3A_576 = arith.subf %add3A_573, %sub3A_575 : vector<16x128xf32>
    %mul3A_577 = arith.constant 8.000000e+00 : f32
    %mul3A_578 = vector.broadcast %mul3A_577 : f32 to vector<16x128xf32>
    %mul3A_579 = arith.mulf %mul3A_578, %add3A_545 : vector<16x128xf32>
    %mul3A_580 = arith.mulf %mul3A_579, %add3A_564 : vector<16x128xf32>
    %mul3A_581 = arith.mulf %mul3A_551, %mul3A_551 : vector<16x128xf32>
    %mul3A_582 = arith.constant 3.000000e+00 : f32
    %mul3A_583 = vector.broadcast %mul3A_582 : f32 to vector<16x128xf32>
    %mul3A_584 = arith.mulf %mul3A_583, %mul3A_581 : vector<16x128xf32>
    %sub3A_585 = arith.subf %mul3A_580, %mul3A_584 : vector<16x128xf32>
    %mul3A_586 = arith.mulf %add3A_545, %add3A_545 : vector<16x128xf32>
    %mul3A_587 = arith.constant 8.000000e+00 : f32
    %mul3A_588 = vector.broadcast %mul3A_587 : f32 to vector<16x128xf32>
    %mul3A_589 = arith.mulf %mul3A_588, %mul3A_586 : vector<16x128xf32>
    %div3A_590 = arith.divf %sub3A_585, %mul3A_589 : vector<16x128xf32>
    %mul3A_591 = arith.mulf %mul3A_551, %mul3A_551 : vector<16x128xf32>
    %mul3A_592 = arith.mulf %mul3A_591, %mul3A_551 : vector<16x128xf32>
    %mul3A_593 = arith.constant 4.000000e+00 : f32
    %mul3A_594 = vector.broadcast %mul3A_593 : f32 to vector<16x128xf32>
    %mul3A_595 = arith.mulf %mul3A_594, %add3A_545 : vector<16x128xf32>
    %mul3A_596 = arith.mulf %mul3A_595, %mul3A_551 : vector<16x128xf32>
    %mul3A_597 = arith.mulf %mul3A_596, %add3A_564 : vector<16x128xf32>
    %sub3A_598 = arith.subf %mul3A_592, %mul3A_597 : vector<16x128xf32>
    %mul3A_599 = arith.mulf %add3A_545, %add3A_545 : vector<16x128xf32>
    %mul3A_600 = arith.constant 8.000000e+00 : f32
    %mul3A_601 = vector.broadcast %mul3A_600 : f32 to vector<16x128xf32>
    %mul3A_602 = arith.mulf %mul3A_601, %mul3A_599 : vector<16x128xf32>
    %mul3A_603 = arith.mulf %mul3A_602, %mul3A_570 : vector<16x128xf32>
    %add3A_604 = arith.addf %sub3A_598, %mul3A_603 : vector<16x128xf32>
    %mul3A_605 = arith.mulf %add3A_545, %add3A_545 : vector<16x128xf32>
    %mul3A_606 = arith.mulf %mul3A_605, %add3A_545 : vector<16x128xf32>
    %mul3A_607 = arith.constant 8.000000e+00 : f32
    %mul3A_608 = vector.broadcast %mul3A_607 : f32 to vector<16x128xf32>
    %mul3A_609 = arith.mulf %mul3A_608, %mul3A_606 : vector<16x128xf32>
    %div3A_610 = arith.divf %add3A_604, %mul3A_609 : vector<16x128xf32>
    %sign3A_611 = tpu.bitcast %div3A_610 : vector<16x128xf32> -> vector<16x128xi32>
    %sign3A_612 = arith.constant -2147483648 : i32
    %sign3A_613 = vector.broadcast %sign3A_612 : i32 to vector<16x128xi32>
    %sign3A_614 = arith.andi %sign3A_611, %sign3A_613 : vector<16x128xi32>
    %sign3A_615 = arith.constant 1065353216 : i32
    %sign3A_616 = vector.broadcast %sign3A_615 : i32 to vector<16x128xi32>
    %sign3A_617 = arith.ori %sign3A_616, %sign3A_614 : vector<16x128xi32>
    %sign3A_618 = tpu.bitcast %sign3A_617 : vector<16x128xi32> -> vector<16x128xf32>
    %sign3A_619 = math.absf %div3A_610 : vector<16x128xf32>
    %sign3A_620 = arith.constant 0.000000e+00 : f32
    %sign3A_621 = vector.broadcast %sign3A_620 : f32 to vector<16x128xf32>
    %sign3A_622 = arith.cmpf ogt, %sign3A_619, %sign3A_621 : vector<16x128xf32>
    %sign3A_623 = arith.select %sign3A_622, %sign3A_618, %div3A_610 : vector<16x128xi1>, vector<16x128xf32>
    %mul3A_624 = arith.mulf %add3A_564, %add3A_564 : vector<16x128xf32>
    %mul3A_625 = arith.constant 3.000000e+00 : f32
    %mul3A_626 = vector.broadcast %mul3A_625 : f32 to vector<16x128xf32>
    %mul3A_627 = arith.mulf %mul3A_626, %mul3A_551 : vector<16x128xf32>
    %mul3A_628 = arith.mulf %mul3A_627, %mul3A_570 : vector<16x128xf32>
    %sub3A_629 = arith.subf %mul3A_624, %mul3A_628 : vector<16x128xf32>
    %mul3A_630 = arith.constant 1.200000e+01 : f32
    %mul3A_631 = vector.broadcast %mul3A_630 : f32 to vector<16x128xf32>
    %mul3A_632 = arith.mulf %mul3A_631, %add3A_545 : vector<16x128xf32>
    %mul3A_633 = arith.mulf %mul3A_632, %sub3A_576 : vector<16x128xf32>
    %add3A_634 = arith.addf %sub3A_629, %mul3A_633 : vector<16x128xf32>
    %mul3A_635 = arith.mulf %add3A_564, %add3A_564 : vector<16x128xf32>
    %mul3A_636 = arith.mulf %mul3A_635, %add3A_564 : vector<16x128xf32>
    %mul3A_637 = arith.constant 2.000000e+00 : f32
    %mul3A_638 = vector.broadcast %mul3A_637 : f32 to vector<16x128xf32>
    %mul3A_639 = arith.mulf %mul3A_638, %mul3A_636 : vector<16x128xf32>
    %mul3A_640 = arith.constant 9.000000e+00 : f32
    %mul3A_641 = vector.broadcast %mul3A_640 : f32 to vector<16x128xf32>
    %mul3A_642 = arith.mulf %mul3A_641, %mul3A_551 : vector<16x128xf32>
    %mul3A_643 = arith.mulf %mul3A_642, %add3A_564 : vector<16x128xf32>
    %mul3A_644 = arith.mulf %mul3A_643, %mul3A_570 : vector<16x128xf32>
    %sub3A_645 = arith.subf %mul3A_639, %mul3A_644 : vector<16x128xf32>
    %mul3A_646 = arith.mulf %mul3A_551, %mul3A_551 : vector<16x128xf32>
    %mul3A_647 = arith.constant 2.700000e+01 : f32
    %mul3A_648 = vector.broadcast %mul3A_647 : f32 to vector<16x128xf32>
    %mul3A_649 = arith.mulf %mul3A_648, %mul3A_646 : vector<16x128xf32>
    %mul3A_650 = arith.mulf %mul3A_649, %sub3A_576 : vector<16x128xf32>
    %add3A_651 = arith.addf %sub3A_645, %mul3A_650 : vector<16x128xf32>
    %mul3A_652 = arith.constant 2.700000e+01 : f32
    %mul3A_653 = vector.broadcast %mul3A_652 : f32 to vector<16x128xf32>
    %mul3A_654 = arith.mulf %mul3A_653, %add3A_545 : vector<16x128xf32>
    %mul3A_655 = arith.mulf %mul3A_570, %mul3A_570 : vector<16x128xf32>
    %mul3A_656 = arith.mulf %mul3A_654, %mul3A_655 : vector<16x128xf32>
    %add3A_657 = arith.addf %add3A_651, %mul3A_656 : vector<16x128xf32>
    %mul3A_658 = arith.constant 7.200000e+01 : f32
    %mul3A_659 = vector.broadcast %mul3A_658 : f32 to vector<16x128xf32>
    %mul3A_660 = arith.mulf %mul3A_659, %add3A_545 : vector<16x128xf32>
    %mul3A_661 = arith.mulf %mul3A_660, %add3A_564 : vector<16x128xf32>
    %mul3A_662 = arith.mulf %mul3A_661, %sub3A_576 : vector<16x128xf32>
    %sub3A_663 = arith.subf %add3A_657, %mul3A_662 : vector<16x128xf32>
    %mul3A_664 = arith.mulf %sub3A_663, %sub3A_663 : vector<16x128xf32>
    %mul3A_665 = arith.mulf %add3A_634, %add3A_634 : vector<16x128xf32>
    %mul3A_666 = arith.mulf %mul3A_665, %add3A_634 : vector<16x128xf32>
    %mul3A_667 = arith.constant 4.000000e+00 : f32
    %mul3A_668 = vector.broadcast %mul3A_667 : f32 to vector<16x128xf32>
    %mul3A_669 = arith.mulf %mul3A_668, %mul3A_666 : vector<16x128xf32>
    %sub3A_670 = arith.subf %mul3A_664, %mul3A_669 : vector<16x128xf32>
    %sign3A_671 = tpu.bitcast %sub3A_670 : vector<16x128xf32> -> vector<16x128xi32>
    %sign3A_672 = arith.constant -2147483648 : i32
    %sign3A_673 = vector.broadcast %sign3A_672 : i32 to vector<16x128xi32>
    %sign3A_674 = arith.andi %sign3A_671, %sign3A_673 : vector<16x128xi32>
    %sign3A_675 = arith.constant 1065353216 : i32
    %sign3A_676 = vector.broadcast %sign3A_675 : i32 to vector<16x128xi32>
    %sign3A_677 = arith.ori %sign3A_676, %sign3A_674 : vector<16x128xi32>
    %sign3A_678 = tpu.bitcast %sign3A_677 : vector<16x128xi32> -> vector<16x128xf32>
    %sign3A_679 = math.absf %sub3A_670 : vector<16x128xf32>
    %sign3A_680 = arith.constant 0.000000e+00 : f32
    %sign3A_681 = vector.broadcast %sign3A_680 : f32 to vector<16x128xf32>
    %sign3A_682 = arith.cmpf ogt, %sign3A_679, %sign3A_681 : vector<16x128xf32>
    %sign3A_683 = arith.select %sign3A_682, %sign3A_678, %sub3A_670 : vector<16x128xi1>, vector<16x128xf32>
    %add3A_684 = arith.constant 1.000000e+00 : f32
    %add3A_685 = vector.broadcast %add3A_684 : f32 to vector<16x128xf32>
    %add3A_686 = arith.addf %sign3A_683, %add3A_685 : vector<16x128xf32>
    %div3A_687 = arith.constant 2.000000e+00 : f32
    %div3A_688 = vector.broadcast %div3A_687 : f32 to vector<16x128xf32>
    %div3A_689 = arith.divf %add3A_686, %div3A_688 : vector<16x128xf32>
    %ceil3A_690 = math.ceil %div3A_689 : vector<16x128xf32>
    %abs3A_691 = math.absf %sub3A_670 : vector<16x128xf32>
    %sqrt3A_692 = math.sqrt %abs3A_691 : vector<16x128xf32>
    %add3A_693 = arith.addf %sub3A_663, %sqrt3A_692 : vector<16x128xf32>
    %div3A_694 = arith.constant 2.000000e+00 : f32
    %div3A_695 = vector.broadcast %div3A_694 : f32 to vector<16x128xf32>
    %div3A_696 = arith.divf %add3A_693, %div3A_695 : vector<16x128xf32>
    %sign3A_697 = tpu.bitcast %div3A_696 : vector<16x128xf32> -> vector<16x128xi32>
    %sign3A_698 = arith.constant -2147483648 : i32
    %sign3A_699 = vector.broadcast %sign3A_698 : i32 to vector<16x128xi32>
    %sign3A_700 = arith.andi %sign3A_697, %sign3A_699 : vector<16x128xi32>
    %sign3A_701 = arith.constant 1065353216 : i32
    %sign3A_702 = vector.broadcast %sign3A_701 : i32 to vector<16x128xi32>
    %sign3A_703 = arith.ori %sign3A_702, %sign3A_700 : vector<16x128xi32>
    %sign3A_704 = tpu.bitcast %sign3A_703 : vector<16x128xi32> -> vector<16x128xf32>
    %sign3A_705 = math.absf %div3A_696 : vector<16x128xf32>
    %sign3A_706 = arith.constant 0.000000e+00 : f32
    %sign3A_707 = vector.broadcast %sign3A_706 : f32 to vector<16x128xf32>
    %sign3A_708 = arith.cmpf ogt, %sign3A_705, %sign3A_707 : vector<16x128xf32>
    %sign3A_709 = arith.select %sign3A_708, %sign3A_704, %div3A_696 : vector<16x128xi1>, vector<16x128xf32>
    %abs3A_710 = math.absf %div3A_696 : vector<16x128xf32>
    %pow3A_711 = arith.constant 0.333333343 : f32
    %pow3A_712 = vector.broadcast %pow3A_711 : f32 to vector<16x128xf32>
    %pow3A_713 = math.powf %abs3A_710, %pow3A_712 : vector<16x128xf32>
    %mul3A_714 = arith.mulf %sign3A_709, %pow3A_713 : vector<16x128xf32>
    %div3A_715 = arith.divf %add3A_634, %mul3A_714 : vector<16x128xf32>
    %add3A_716 = arith.addf %mul3A_714, %div3A_715 : vector<16x128xf32>
    %mul3A_717 = arith.constant 3.000000e+00 : f32
    %mul3A_718 = vector.broadcast %mul3A_717 : f32 to vector<16x128xf32>
    %mul3A_719 = arith.mulf %mul3A_718, %add3A_545 : vector<16x128xf32>
    %div3A_720 = arith.divf %add3A_716, %mul3A_719 : vector<16x128xf32>
    %mul3A_721 = arith.constant 2.000000e+00 : f32
    %mul3A_722 = vector.broadcast %mul3A_721 : f32 to vector<16x128xf32>
    %mul3A_723 = arith.mulf %mul3A_722, %div3A_590 : vector<16x128xf32>
    %div3A_724 = arith.constant 3.000000e+00 : f32
    %div3A_725 = vector.broadcast %div3A_724 : f32 to vector<16x128xf32>
    %div3A_726 = arith.divf %mul3A_723, %div3A_725 : vector<16x128xf32>
    %sub3A_727 = arith.subf %div3A_720, %div3A_726 : vector<16x128xf32>
    %abs3A_728 = math.absf %sub3A_727 : vector<16x128xf32>
    %sqrt3A_729 = math.sqrt %abs3A_728 : vector<16x128xf32>
    %mul3A_730 = arith.constant 5.000000e-01 : f32
    %mul3A_731 = vector.broadcast %mul3A_730 : f32 to vector<16x128xf32>
    %mul3A_732 = arith.mulf %mul3A_731, %sqrt3A_729 : vector<16x128xf32>
    %mul3A_733 = arith.mulf %sub3A_663, %sub3A_663 : vector<16x128xf32>
    %div3A_734 = arith.constant 4.000000e+00 : f32
    %div3A_735 = vector.broadcast %div3A_734 : f32 to vector<16x128xf32>
    %div3A_736 = arith.divf %mul3A_733, %div3A_735 : vector<16x128xf32>
    %mul3A_737 = arith.mulf %add3A_634, %add3A_634 : vector<16x128xf32>
    %mul3A_738 = arith.mulf %mul3A_737, %add3A_634 : vector<16x128xf32>
    %div3A_739 = arith.divf %div3A_736, %mul3A_738 : vector<16x128xf32>
    %abs3A_740 = math.absf %div3A_739 : vector<16x128xf32>
    %sqrt3A_741 = math.sqrt %abs3A_740 : vector<16x128xf32>
    %min3A_742 = arith.constant 1.000000e+00 : f32
    %min3A_743 = vector.broadcast %min3A_742 : f32 to vector<16x128xf32>
    %min3A_744 = arith.minimumf %sqrt3A_741, %min3A_743 : vector<16x128xf32>
    %sub3A_745 = arith.constant 1.000000e+00 : f32
    %sub3A_746 = vector.broadcast %sub3A_745 : f32 to vector<16x128xf32>
    %sub3A_747 = arith.subf %sub3A_746, %min3A_744 : vector<16x128xf32>
    %add3A_748 = arith.constant 1.000000e+00 : f32
    %add3A_749 = vector.broadcast %add3A_748 : f32 to vector<16x128xf32>
    %add3A_750 = arith.addf %min3A_744, %add3A_749 : vector<16x128xf32>
    %mul3A_751 = arith.mulf %sub3A_747, %add3A_750 : vector<16x128xf32>
    %sqrt3A_752 = math.sqrt %mul3A_751 : vector<16x128xf32>
    %atan23A_753 = math.atan2 %sqrt3A_752, %min3A_744 : vector<16x128xf32>
    %abs3A_754 = math.absf %add3A_634 : vector<16x128xf32>
    %sqrt3A_755 = math.sqrt %abs3A_754 : vector<16x128xf32>
    %mul3A_756 = arith.constant 2.000000e+00 : f32
    %mul3A_757 = vector.broadcast %mul3A_756 : f32 to vector<16x128xf32>
    %mul3A_758 = arith.mulf %mul3A_757, %sqrt3A_755 : vector<16x128xf32>
    %div3A_759 = arith.constant 3.000000e+00 : f32
    %div3A_760 = vector.broadcast %div3A_759 : f32 to vector<16x128xf32>
    %div3A_761 = arith.divf %atan23A_753, %div3A_760 : vector<16x128xf32>
    %cos3A_762 = math.cos %div3A_761 : vector<16x128xf32>
    %mul3A_763 = arith.mulf %mul3A_758, %cos3A_762 : vector<16x128xf32>
    %mul3A_764 = arith.constant 3.000000e+00 : f32
    %mul3A_765 = vector.broadcast %mul3A_764 : f32 to vector<16x128xf32>
    %mul3A_766 = arith.mulf %mul3A_765, %add3A_545 : vector<16x128xf32>
    %div3A_767 = arith.divf %mul3A_763, %mul3A_766 : vector<16x128xf32>
    %mul3A_768 = arith.constant 2.000000e+00 : f32
    %mul3A_769 = vector.broadcast %mul3A_768 : f32 to vector<16x128xf32>
    %mul3A_770 = arith.mulf %mul3A_769, %div3A_590 : vector<16x128xf32>
    %div3A_771 = arith.constant 3.000000e+00 : f32
    %div3A_772 = vector.broadcast %div3A_771 : f32 to vector<16x128xf32>
    %div3A_773 = arith.divf %mul3A_770, %div3A_772 : vector<16x128xf32>
    %sub3A_774 = arith.subf %div3A_767, %div3A_773 : vector<16x128xf32>
    %abs3A_775 = math.absf %sub3A_774 : vector<16x128xf32>
    %sqrt3A_776 = math.sqrt %abs3A_775 : vector<16x128xf32>
    %mul3A_777 = arith.constant 5.000000e-01 : f32
    %mul3A_778 = vector.broadcast %mul3A_777 : f32 to vector<16x128xf32>
    %mul3A_779 = arith.mulf %mul3A_778, %sqrt3A_776 : vector<16x128xf32>
    %mul3A_780 = arith.mulf %ceil3A_690, %mul3A_732 : vector<16x128xf32>
    %sub3A_781 = arith.constant 1.000000e+00 : f32
    %sub3A_782 = vector.broadcast %sub3A_781 : f32 to vector<16x128xf32>
    %sub3A_783 = arith.subf %sub3A_782, %ceil3A_690 : vector<16x128xf32>
    %mul3A_784 = arith.mulf %sub3A_783, %mul3A_779 : vector<16x128xf32>
    %add3A_785 = arith.addf %mul3A_780, %mul3A_784 : vector<16x128xf32>
    %mul3A_786 = arith.mulf %add3A_785, %add3A_785 : vector<16x128xf32>
    %mul3A_787 = arith.constant -4.000000e+00 : f32
    %mul3A_788 = vector.broadcast %mul3A_787 : f32 to vector<16x128xf32>
    %mul3A_789 = arith.mulf %mul3A_788, %mul3A_786 : vector<16x128xf32>
    %mul3A_790 = arith.constant 2.000000e+00 : f32
    %mul3A_791 = vector.broadcast %mul3A_790 : f32 to vector<16x128xf32>
    %mul3A_792 = arith.mulf %mul3A_791, %div3A_590 : vector<16x128xf32>
    %sub3A_793 = arith.subf %mul3A_789, %mul3A_792 : vector<16x128xf32>
    %div3A_794 = arith.divf %div3A_610, %add3A_785 : vector<16x128xf32>
    %abs3A_795 = math.absf %div3A_794 : vector<16x128xf32>
    %add3A_796 = arith.addf %sub3A_793, %abs3A_795 : vector<16x128xf32>
    %abs3A_797 = math.absf %add3A_796 : vector<16x128xf32>
    %sqrt3A_798 = math.sqrt %abs3A_797 : vector<16x128xf32>
    %mul3A_799 = arith.constant 5.000000e-01 : f32
    %mul3A_800 = vector.broadcast %mul3A_799 : f32 to vector<16x128xf32>
    %mul3A_801 = arith.mulf %mul3A_800, %sqrt3A_798 : vector<16x128xf32>
    %mul3A_802 = arith.constant 4.000000e+00 : f32
    %mul3A_803 = vector.broadcast %mul3A_802 : f32 to vector<16x128xf32>
    %mul3A_804 = arith.mulf %mul3A_803, %add3A_545 : vector<16x128xf32>
    %div3A_805 = arith.divf %mul3A_551, %mul3A_804 : vector<16x128xf32>
    %sub3A_806 = arith.subf %mul3A_801, %div3A_805 : vector<16x128xf32>
    %mul3A_807 = arith.mulf %sign3A_623, %add3A_785 : vector<16x128xf32>
    %sub3A_808 = arith.subf %sub3A_806, %mul3A_807 : vector<16x128xf32>
    %sub3A_809 = arith.constant 1.000000e+00 : f32
    %sub3A_810 = vector.broadcast %sub3A_809 : f32 to vector<16x128xf32>
    %sub3A_811 = arith.subf %sub3A_810, %sub3A_808 : vector<16x128xf32>
    %mul3A_812 = arith.mulf %sub3A_811, %sub3A_808 : vector<16x128xf32>
    %lt3A_813 = arith.constant 0.000000e+00 : f32
    %lt3A_814 = vector.broadcast %lt3A_813 : f32 to vector<16x128xf32>
    %lt3A_815 = arith.cmpf olt, %mul3A_812, %lt3A_814 : vector<16x128xf32>
    %mul3A_816 = arith.mulf %add3A_785, %add3A_785 : vector<16x128xf32>
    %mul3A_817 = arith.constant -4.000000e+00 : f32
    %mul3A_818 = vector.broadcast %mul3A_817 : f32 to vector<16x128xf32>
    %mul3A_819 = arith.mulf %mul3A_818, %mul3A_816 : vector<16x128xf32>
    %mul3A_820 = arith.constant 2.000000e+00 : f32
    %mul3A_821 = vector.broadcast %mul3A_820 : f32 to vector<16x128xf32>
    %mul3A_822 = arith.mulf %mul3A_821, %div3A_590 : vector<16x128xf32>
    %sub3A_823 = arith.subf %mul3A_819, %mul3A_822 : vector<16x128xf32>
    %div3A_824 = arith.divf %div3A_610, %add3A_785 : vector<16x128xf32>
    %abs3A_825 = math.absf %div3A_824 : vector<16x128xf32>
    %sub3A_826 = arith.subf %sub3A_823, %abs3A_825 : vector<16x128xf32>
    %abs3A_827 = math.absf %sub3A_826 : vector<16x128xf32>
    %sqrt3A_828 = math.sqrt %abs3A_827 : vector<16x128xf32>
    %mul3A_829 = arith.constant 5.000000e-01 : f32
    %mul3A_830 = vector.broadcast %mul3A_829 : f32 to vector<16x128xf32>
    %mul3A_831 = arith.mulf %mul3A_830, %sqrt3A_828 : vector<16x128xf32>
    %mul3A_832 = arith.constant 4.000000e+00 : f32
    %mul3A_833 = vector.broadcast %mul3A_832 : f32 to vector<16x128xf32>
    %mul3A_834 = arith.mulf %mul3A_833, %add3A_545 : vector<16x128xf32>
    %div3A_835 = arith.divf %mul3A_551, %mul3A_834 : vector<16x128xf32>
    %sub3A_836 = arith.subf %mul3A_831, %div3A_835 : vector<16x128xf32>
    %mul3A_837 = arith.mulf %sign3A_623, %add3A_785 : vector<16x128xf32>
    %add3A_838 = arith.addf %sub3A_836, %mul3A_837 : vector<16x128xf32>
    %select_n3A_839 = arith.select %lt3A_815, %add3A_838, %sub3A_808 : vector<16x128xi1>, vector<16x128xf32>
    %mul3A_840 = arith.mulf %select_n3A_839, %select_n3A_839 : vector<16x128xf32>
    %jit3A_841 = arith.constant 1.000000e+00 : f32
    %broadcast_in_dim3A_842 = vector.broadcast %jit3A_841 : f32 to vector<16x128xf32>
    %select_n3A_843 = arith.select %ge3A_46, %mul3A_840, %broadcast_in_dim3A_842 : vector<16x128xi1>, vector<16x128xf32>
    %mul3A_844 = arith.constant -4.000000e-03 : f32
    %mul3A_845 = vector.broadcast %mul3A_844 : f32 to vector<16x128xf32>
    %mul3A_846 = arith.mulf %mul3A_845, %select_n3A_843 : vector<16x128xf32>
    %exp3A_847 = math.exp %mul3A_846 : vector<16x128xf32>
    %mul3A_848 = arith.mulf %select_n3A_843, %sub3A_56 : vector<16x128xf32>
    %mul3A_849 = arith.constant 4.000000e-03 : f32
    %mul3A_850 = vector.broadcast %mul3A_849 : f32 to vector<16x128xf32>
    %mul3A_851 = arith.mulf %mul3A_848, %mul3A_850 : vector<16x128xf32>
    %mul3A_852 = arith.constant 4.000000e-03 : f32
    %mul3A_853 = vector.broadcast %mul3A_852 : f32 to vector<16x128xf32>
    %mul3A_854 = arith.mulf %mul3A_853, %add3A_137 : vector<16x128xf32>
    %add3A_855 = arith.addf %mul3A_854, %mul3A_514 : vector<16x128xf32>
    %mul3A_856 = arith.mulf %exp3A_847, %add3A_855 : vector<16x128xf32>
    %add3A_857 = arith.addf %mul3A_851, %mul3A_856 : vector<16x128xf32>
    %swap3A = arith.constant 0 : index
    %swap3A_858 = arith.constant 0 : index
    %swap3A_859 = vector.load %arg4[%swap3A, %swap3A_858] : memref<16x128xf32, #tpu.memory_space<vmem>>, vector<16x128xf32>
    tpu.vector_store %arg4[%swap3A, %swap3A_858], %add3A_857 {strides = array<i32>} : memref<16x128xf32, #tpu.memory_space<vmem>>, vector<16x128xf32>,
    return
  }
  func.func @transform_0(%arg0: i32) -> (i32, i32, i32) {
    %add3A = arith.constant 16 : i32
    %add3A_0 = arith.addi %add3A, %arg0 : i32
    %c0_i32 = arith.constant 0 : i32
    %c0_i32_1 = arith.constant 0 : i32
    %c0_i32_2 = arith.constant 0 : i32
    return %c0_i32, %add3A_0, %c0_i32_1 : i32, i32, i32
  }
  func.func @transform_1(%arg0: i32) -> (i32, i32, i32, i32) {
    %add3A = arith.constant 16 : i32
    %add3A_0 = arith.addi %add3A, %arg0 : i32
    %c0_i32 = arith.constant 0 : i32
    %c0_i32_1 = arith.constant 0 : i32
    %c0_i32_2 = arith.constant 0 : i32
    %c0_i32_3 = arith.constant 0 : i32
    return %c0_i32, %c0_i32_1, %add3A_0, %c0_i32_2 : i32, i32, i32, i32
  }
  func.func @transform_2(%arg0: i32) -> (i32, i32) {
    %c0_i32 = arith.constant 0 : i32
    %c0_i32_0 = arith.constant 0 : i32
    %c0_i32_1 = arith.constant 0 : i32
    return %c0_i32, %c0_i32_0 : i32, i32
  }
  func.func @transform_3(%arg0: i32) -> (i32, i32) {
    %c0_i32 = arith.constant 0 : i32
    %c0_i32_0 = arith.constant 0 : i32
    return %arg0, %c0_i32 : i32, i32
  }
}

module attributes {stable_mosaic.version = 14 : i64} {
  func.func @_tc_phase2_body(%arg0: i32, %arg1: memref<2x16x128xf32, #tpu.memory_space<vmem>>, %arg2: memref<2x16x128xf32, #tpu.memory_space<vmem>>, %arg3: memref<1x1xf32, #tpu.memory_space<smem>>, %arg4: memref<16x128xf32, #tpu.memory_space<vmem>>, %arg5: memref<16x128xf32, #tpu.memory_space<vmem>>, %arg6: memref<16x128xf32, #tpu.memory_space<vmem>>, %arg7: memref<16x128xf32, #tpu.memory_space<vmem>>, %arg8: memref<16x128xf32, #tpu.memory_space<vmem>>, %arg9: memref<16x128xf32, #tpu.memory_space<vmem>>, %arg10: memref<16x128xf32, #tpu.memory_space<vmem>>, %arg11: memref<16x128xf32, #tpu.memory_space<vmem>>) attributes {dimension_semantics = [#tpu.dimension_semantics<arbitrary>], iteration_bounds = array<i64: 16>, scalar_prefetch = 0 : i64, scratch_operands = 0 : i64, tpu.core_type = #tpu.core_type<tc>, window_params = [{transform_indices = @transform_0, window_bounds = array<i64: 2, 16, 128>}, {transform_indices = @transform_1, window_bounds = array<i64: 2, 16, 128>}, {transform_indices = @transform_2, window_bounds = array<i64: 1, 1>}, {transform_indices = @transform_3, window_bounds = array<i64: 16, 128>}, {transform_indices = @transform_4, window_bounds = array<i64: 16, 128>}, {transform_indices = @transform_5, window_bounds = array<i64: 16, 128>}, {transform_indices = @transform_6, window_bounds = array<i64: 16, 128>}, {transform_indices = @transform_7, window_bounds = array<i64: 16, 128>}, {transform_indices = @transform_8, window_bounds = array<i64: 16, 128>}, {transform_indices = @transform_9, window_bounds = array<i64: 16, 128>}, {transform_indices = @transform_10, window_bounds = array<i64: 16, 128>}]} {
    %get3A = arith.constant 0 : index
    %get3A_0 = arith.constant 0 : index
    %get3A_1 = memref.load %arg3[%get3A, %get3A_0] : memref<1x1xf32, #tpu.memory_space<smem>>
    %get3A_2 = arith.constant 0 : index
    %get3A_3 = arith.constant 0 : index
    %get3A_4 = arith.constant 0 : index
    %get3A_5 = vector.load %arg1[%get3A_2, %get3A_3, %get3A_4] : memref<2x16x128xf32, #tpu.memory_space<vmem>>, vector<1x16x128xf32>
    %get3A_6 = vector.shape_cast %get3A_5 : vector<1x16x128xf32> to vector<16x128xf32>
    %get3A_7 = arith.constant 1 : index
    %get3A_8 = arith.constant 0 : index
    %get3A_9 = arith.constant 0 : index
    %get3A_10 = vector.load %arg1[%get3A_7, %get3A_8, %get3A_9] : memref<2x16x128xf32, #tpu.memory_space<vmem>>, vector<1x16x128xf32>
    %get3A_11 = vector.shape_cast %get3A_10 : vector<1x16x128xf32> to vector<16x128xf32>
    %get3A_12 = arith.constant 0 : index
    %get3A_13 = arith.constant 0 : index
    %get3A_14 = arith.constant 0 : index
    %get3A_15 = vector.load %arg2[%get3A_12, %get3A_13, %get3A_14] : memref<2x16x128xf32, #tpu.memory_space<vmem>>, vector<1x16x128xf32>
    %get3A_16 = vector.shape_cast %get3A_15 : vector<1x16x128xf32> to vector<16x128xf32>
    %mul3A = arith.constant 1.41421354 : f32
    %mul3A_17 = vector.broadcast %mul3A : f32 to vector<16x128xf32>
    %mul3A_18 = arith.mulf %mul3A_17, %get3A_16 : vector<16x128xf32>
    %get3A_19 = arith.constant 1 : index
    %get3A_20 = arith.constant 0 : index
    %get3A_21 = arith.constant 0 : index
    %get3A_22 = vector.load %arg2[%get3A_19, %get3A_20, %get3A_21] : memref<2x16x128xf32, #tpu.memory_space<vmem>>, vector<1x16x128xf32>
    %get3A_23 = vector.shape_cast %get3A_22 : vector<1x16x128xf32> to vector<16x128xf32>
    %mul3A_24 = arith.constant 1.41421354 : f32
    %mul3A_25 = vector.broadcast %mul3A_24 : f32 to vector<16x128xf32>
    %mul3A_26 = arith.mulf %mul3A_25, %get3A_23 : vector<16x128xf32>
    %mul3A_27 = vector.broadcast %get3A_1 : f32 to vector<16x128xf32>
    %mul3A_28 = arith.mulf %mul3A_27, %get3A_6 : vector<16x128xf32>
    %mul3A_29 = arith.constant 4.000000e-03 : f32
    %mul3A_30 = vector.broadcast %mul3A_29 : f32 to vector<16x128xf32>
    %mul3A_31 = arith.mulf %mul3A_28, %mul3A_30 : vector<16x128xf32>
    %mul3A_32 = vector.broadcast %get3A_1 : f32 to vector<16x128xf32>
    %mul3A_33 = arith.mulf %mul3A_32, %get3A_11 : vector<16x128xf32>
    %mul3A_34 = arith.constant 4.000000e-03 : f32
    %mul3A_35 = vector.broadcast %mul3A_34 : f32 to vector<16x128xf32>
    %mul3A_36 = arith.mulf %mul3A_33, %mul3A_35 : vector<16x128xf32>
    %add3A = arith.addf %mul3A_31, %mul3A_18 : vector<16x128xf32>
    %add3A_37 = arith.addf %get3A_6, %add3A : vector<16x128xf32>
    %add3A_38 = arith.addf %mul3A_36, %mul3A_26 : vector<16x128xf32>
    %add3A_39 = arith.addf %get3A_11, %add3A_38 : vector<16x128xf32>
    %mul3A_40 = arith.mulf %add3A_37, %add3A_37 : vector<16x128xf32>
    %mul3A_41 = arith.mulf %add3A_39, %add3A_39 : vector<16x128xf32>
    %add3A_42 = arith.addf %mul3A_40, %mul3A_41 : vector<16x128xf32>
    %ge3A = arith.constant 1.000000e+00 : f32
    %ge3A_43 = vector.broadcast %ge3A : f32 to vector<16x128xf32>
    %ge3A_44 = arith.cmpf oge, %add3A_42, %ge3A_43 : vector<16x128xf32>
    %mul3A_45 = arith.mulf %get3A_1, %get3A_1 : f32
    %add3A_46 = arith.constant 2.000000e+00 : f32
    %add3A_47 = arith.addf %mul3A_45, %add3A_46 : f32
    %mul3A_48 = arith.mulf %get3A_6, %get3A_6 : vector<16x128xf32>
    %mul3A_49 = arith.mulf %get3A_11, %get3A_11 : vector<16x128xf32>
    %add3A_50 = arith.addf %mul3A_48, %mul3A_49 : vector<16x128xf32>
    %mul3A_51 = vector.broadcast %add3A_47 : f32 to vector<16x128xf32>
    %mul3A_52 = arith.mulf %mul3A_51, %add3A_50 : vector<16x128xf32>
    %sub3A = arith.constant 4.000000e+00 : f32
    %sub3A_53 = vector.broadcast %sub3A : f32 to vector<16x128xf32>
    %sub3A_54 = arith.subf %mul3A_52, %sub3A_53 : vector<16x128xf32>
    %get3A_55 = arith.constant 0 : index
    %get3A_56 = arith.constant 0 : index
    %get3A_57 = vector.load %arg4[%get3A_55, %get3A_56] : memref<16x128xf32, #tpu.memory_space<vmem>>, vector<16x128xf32>
    %get3A_58 = arith.constant 0 : index
    %get3A_59 = arith.constant 0 : index
    %get3A_60 = vector.load %arg5[%get3A_58, %get3A_59] : memref<16x128xf32, #tpu.memory_space<vmem>>, vector<16x128xf32>
    %get3A_61 = arith.constant 0 : index
    %get3A_62 = arith.constant 0 : index
    %get3A_63 = vector.load %arg6[%get3A_61, %get3A_62] : memref<16x128xf32, #tpu.memory_space<vmem>>, vector<16x128xf32>
    %get3A_64 = arith.constant 0 : index
    %get3A_65 = arith.constant 0 : index
    %get3A_66 = vector.load %arg7[%get3A_64, %get3A_65] : memref<16x128xf32, #tpu.memory_space<vmem>>, vector<16x128xf32>
    %get3A_67 = arith.constant 0 : index
    %get3A_68 = arith.constant 0 : index
    %get3A_69 = vector.load %arg8[%get3A_67, %get3A_68] : memref<16x128xf32, #tpu.memory_space<vmem>>, vector<16x128xf32>
    %get3A_70 = arith.constant 0 : index
    %get3A_71 = arith.constant 0 : index
    %get3A_72 = vector.load %arg9[%get3A_70, %get3A_71] : memref<16x128xf32, #tpu.memory_space<vmem>>, vector<16x128xf32>
    %get3A_73 = arith.constant 0 : index
    %get3A_74 = arith.constant 0 : index
    %get3A_75 = vector.load %arg10[%get3A_73, %get3A_74] : memref<16x128xf32, #tpu.memory_space<vmem>>, vector<16x128xf32>
    %gt3A = arith.constant 0.000000e+00 : f32
    %gt3A_76 = vector.broadcast %gt3A : f32 to vector<16x128xf32>
    %gt3A_77 = arith.cmpf ogt, %get3A_75, %gt3A_76 : vector<16x128xf32>
    %jit3A = arith.constant 1.000000e-01 : f32
    %broadcast_in_dim3A = vector.broadcast %jit3A : f32 to vector<16x128xf32>
    %select_n3A = arith.select %gt3A_77, %get3A_57, %broadcast_in_dim3A : vector<16x128xi1>, vector<16x128xf32>
    %jit3A_78 = arith.constant 1.000000e-01 : f32
    %broadcast_in_dim3A_79 = vector.broadcast %jit3A_78 : f32 to vector<16x128xf32>
    %select_n3A_80 = arith.select %gt3A_77, %get3A_60, %broadcast_in_dim3A_79 : vector<16x128xi1>, vector<16x128xf32>
    %mul3A_81 = vector.broadcast %get3A_1 : f32 to vector<16x128xf32>
    %mul3A_82 = arith.mulf %mul3A_81, %get3A_57 : vector<16x128xf32>
    %mul3A_83 = arith.constant 4.000000e-03 : f32
    %mul3A_84 = vector.broadcast %mul3A_83 : f32 to vector<16x128xf32>
    %mul3A_85 = arith.mulf %mul3A_82, %mul3A_84 : vector<16x128xf32>
    %jit3A_86 = arith.constant 0.00999999977 : f32
    %broadcast_in_dim3A_87 = vector.broadcast %jit3A_86 : f32 to vector<16x128xf32>
    %select_n3A_88 = arith.select %gt3A_77, %mul3A_85, %broadcast_in_dim3A_87 : vector<16x128xi1>, vector<16x128xf32>
    %mul3A_89 = vector.broadcast %get3A_1 : f32 to vector<16x128xf32>
    %mul3A_90 = arith.mulf %mul3A_89, %get3A_60 : vector<16x128xf32>
    %mul3A_91 = arith.constant 4.000000e-03 : f32
    %mul3A_92 = vector.broadcast %mul3A_91 : f32 to vector<16x128xf32>
    %mul3A_93 = arith.mulf %mul3A_90, %mul3A_92 : vector<16x128xf32>
    %jit3A_94 = arith.constant 0.00999999977 : f32
    %broadcast_in_dim3A_95 = vector.broadcast %jit3A_94 : f32 to vector<16x128xf32>
    %select_n3A_96 = arith.select %gt3A_77, %mul3A_93, %broadcast_in_dim3A_95 : vector<16x128xi1>, vector<16x128xf32>
    %jit3A_97 = arith.constant 0.00999999977 : f32
    %broadcast_in_dim3A_98 = vector.broadcast %jit3A_97 : f32 to vector<16x128xf32>
    %select_n3A_99 = arith.select %gt3A_77, %get3A_63, %broadcast_in_dim3A_98 : vector<16x128xi1>, vector<16x128xf32>
    %jit3A_100 = arith.constant 0.00999999977 : f32
    %broadcast_in_dim3A_101 = vector.broadcast %jit3A_100 : f32 to vector<16x128xf32>
    %select_n3A_102 = arith.select %gt3A_77, %get3A_66, %broadcast_in_dim3A_101 : vector<16x128xi1>, vector<16x128xf32>
    %mul3A_103 = arith.mulf %select_n3A_88, %select_n3A_88 : vector<16x128xf32>
    %mul3A_104 = arith.mulf %select_n3A_96, %select_n3A_96 : vector<16x128xf32>
    %add3A_105 = arith.addf %mul3A_103, %mul3A_104 : vector<16x128xf32>
    %mul3A_106 = arith.mulf %select_n3A_88, %select_n3A_99 : vector<16x128xf32>
    %mul3A_107 = arith.mulf %select_n3A_96, %select_n3A_102 : vector<16x128xf32>
    %add3A_108 = arith.addf %mul3A_106, %mul3A_107 : vector<16x128xf32>
    %mul3A_109 = arith.constant 2.000000e+00 : f32
    %mul3A_110 = vector.broadcast %mul3A_109 : f32 to vector<16x128xf32>
    %mul3A_111 = arith.mulf %mul3A_110, %add3A_108 : vector<16x128xf32>
    %mul3A_112 = arith.constant 2.000000e+00 : f32
    %mul3A_113 = vector.broadcast %mul3A_112 : f32 to vector<16x128xf32>
    %mul3A_114 = arith.mulf %mul3A_113, %select_n3A_88 : vector<16x128xf32>
    %mul3A_115 = arith.mulf %mul3A_114, %select_n3A : vector<16x128xf32>
    %mul3A_116 = arith.mulf %select_n3A_99, %select_n3A_99 : vector<16x128xf32>
    %add3A_117 = arith.addf %mul3A_115, %mul3A_116 : vector<16x128xf32>
    %mul3A_118 = arith.constant 2.000000e+00 : f32
    %mul3A_119 = vector.broadcast %mul3A_118 : f32 to vector<16x128xf32>
    %mul3A_120 = arith.mulf %mul3A_119, %select_n3A_96 : vector<16x128xf32>
    %mul3A_121 = arith.mulf %mul3A_120, %select_n3A_80 : vector<16x128xf32>
    %mul3A_122 = arith.mulf %select_n3A_102, %select_n3A_102 : vector<16x128xf32>
    %add3A_123 = arith.addf %mul3A_121, %mul3A_122 : vector<16x128xf32>
    %add3A_124 = arith.addf %add3A_117, %add3A_123 : vector<16x128xf32>
    %mul3A_125 = arith.mulf %select_n3A_99, %select_n3A : vector<16x128xf32>
    %mul3A_126 = arith.mulf %select_n3A_102, %select_n3A_80 : vector<16x128xf32>
    %add3A_127 = arith.addf %mul3A_125, %mul3A_126 : vector<16x128xf32>
    %mul3A_128 = arith.constant 2.000000e+00 : f32
    %mul3A_129 = vector.broadcast %mul3A_128 : f32 to vector<16x128xf32>
    %mul3A_130 = arith.mulf %mul3A_129, %add3A_127 : vector<16x128xf32>
    %mul3A_131 = arith.mulf %select_n3A, %select_n3A : vector<16x128xf32>
    %mul3A_132 = arith.mulf %select_n3A_80, %select_n3A_80 : vector<16x128xf32>
    %add3A_133 = arith.addf %mul3A_131, %mul3A_132 : vector<16x128xf32>
    %sub3A_134 = arith.constant 1.000000e+00 : f32
    %sub3A_135 = vector.broadcast %sub3A_134 : f32 to vector<16x128xf32>
    %sub3A_136 = arith.subf %add3A_133, %sub3A_135 : vector<16x128xf32>
    %mul3A_137 = arith.constant 8.000000e+00 : f32
    %mul3A_138 = vector.broadcast %mul3A_137 : f32 to vector<16x128xf32>
    %mul3A_139 = arith.mulf %mul3A_138, %add3A_105 : vector<16x128xf32>
    %mul3A_140 = arith.mulf %mul3A_139, %add3A_124 : vector<16x128xf32>
    %mul3A_141 = arith.mulf %mul3A_111, %mul3A_111 : vector<16x128xf32>
    %mul3A_142 = arith.constant 3.000000e+00 : f32
    %mul3A_143 = vector.broadcast %mul3A_142 : f32 to vector<16x128xf32>
    %mul3A_144 = arith.mulf %mul3A_143, %mul3A_141 : vector<16x128xf32>
    %sub3A_145 = arith.subf %mul3A_140, %mul3A_144 : vector<16x128xf32>
    %mul3A_146 = arith.mulf %add3A_105, %add3A_105 : vector<16x128xf32>
    %mul3A_147 = arith.constant 8.000000e+00 : f32
    %mul3A_148 = vector.broadcast %mul3A_147 : f32 to vector<16x128xf32>
    %mul3A_149 = arith.mulf %mul3A_148, %mul3A_146 : vector<16x128xf32>
    %div3A = arith.divf %sub3A_145, %mul3A_149 : vector<16x128xf32>
    %mul3A_150 = arith.mulf %mul3A_111, %mul3A_111 : vector<16x128xf32>
    %mul3A_151 = arith.mulf %mul3A_150, %mul3A_111 : vector<16x128xf32>
    %mul3A_152 = arith.constant 4.000000e+00 : f32
    %mul3A_153 = vector.broadcast %mul3A_152 : f32 to vector<16x128xf32>
    %mul3A_154 = arith.mulf %mul3A_153, %add3A_105 : vector<16x128xf32>
    %mul3A_155 = arith.mulf %mul3A_154, %mul3A_111 : vector<16x128xf32>
    %mul3A_156 = arith.mulf %mul3A_155, %add3A_124 : vector<16x128xf32>
    %sub3A_157 = arith.subf %mul3A_151, %mul3A_156 : vector<16x128xf32>
    %mul3A_158 = arith.mulf %add3A_105, %add3A_105 : vector<16x128xf32>
    %mul3A_159 = arith.constant 8.000000e+00 : f32
    %mul3A_160 = vector.broadcast %mul3A_159 : f32 to vector<16x128xf32>
    %mul3A_161 = arith.mulf %mul3A_160, %mul3A_158 : vector<16x128xf32>
    %mul3A_162 = arith.mulf %mul3A_161, %mul3A_130 : vector<16x128xf32>
    %add3A_163 = arith.addf %sub3A_157, %mul3A_162 : vector<16x128xf32>
    %mul3A_164 = arith.mulf %add3A_105, %add3A_105 : vector<16x128xf32>
    %mul3A_165 = arith.mulf %mul3A_164, %add3A_105 : vector<16x128xf32>
    %mul3A_166 = arith.constant 8.000000e+00 : f32
    %mul3A_167 = vector.broadcast %mul3A_166 : f32 to vector<16x128xf32>
    %mul3A_168 = arith.mulf %mul3A_167, %mul3A_165 : vector<16x128xf32>
    %div3A_169 = arith.divf %add3A_163, %mul3A_168 : vector<16x128xf32>
    %sign3A = tpu.bitcast %div3A_169 : vector<16x128xf32> -> vector<16x128xi32>
    %sign3A_170 = arith.constant -2147483648 : i32
    %sign3A_171 = vector.broadcast %sign3A_170 : i32 to vector<16x128xi32>
    %sign3A_172 = arith.andi %sign3A, %sign3A_171 : vector<16x128xi32>
    %sign3A_173 = arith.constant 1065353216 : i32
    %sign3A_174 = vector.broadcast %sign3A_173 : i32 to vector<16x128xi32>
    %sign3A_175 = arith.ori %sign3A_174, %sign3A_172 : vector<16x128xi32>
    %sign3A_176 = tpu.bitcast %sign3A_175 : vector<16x128xi32> -> vector<16x128xf32>
    %sign3A_177 = math.absf %div3A_169 : vector<16x128xf32>
    %sign3A_178 = arith.constant 0.000000e+00 : f32
    %sign3A_179 = vector.broadcast %sign3A_178 : f32 to vector<16x128xf32>
    %sign3A_180 = arith.cmpf ogt, %sign3A_177, %sign3A_179 : vector<16x128xf32>
    %sign3A_181 = arith.select %sign3A_180, %sign3A_176, %div3A_169 : vector<16x128xi1>, vector<16x128xf32>
    %mul3A_182 = arith.mulf %add3A_124, %add3A_124 : vector<16x128xf32>
    %mul3A_183 = arith.constant 3.000000e+00 : f32
    %mul3A_184 = vector.broadcast %mul3A_183 : f32 to vector<16x128xf32>
    %mul3A_185 = arith.mulf %mul3A_184, %mul3A_111 : vector<16x128xf32>
    %mul3A_186 = arith.mulf %mul3A_185, %mul3A_130 : vector<16x128xf32>
    %sub3A_187 = arith.subf %mul3A_182, %mul3A_186 : vector<16x128xf32>
    %mul3A_188 = arith.constant 1.200000e+01 : f32
    %mul3A_189 = vector.broadcast %mul3A_188 : f32 to vector<16x128xf32>
    %mul3A_190 = arith.mulf %mul3A_189, %add3A_105 : vector<16x128xf32>
    %mul3A_191 = arith.mulf %mul3A_190, %sub3A_136 : vector<16x128xf32>
    %add3A_192 = arith.addf %sub3A_187, %mul3A_191 : vector<16x128xf32>
    %mul3A_193 = arith.mulf %add3A_124, %add3A_124 : vector<16x128xf32>
    %mul3A_194 = arith.mulf %mul3A_193, %add3A_124 : vector<16x128xf32>
    %mul3A_195 = arith.constant 2.000000e+00 : f32
    %mul3A_196 = vector.broadcast %mul3A_195 : f32 to vector<16x128xf32>
    %mul3A_197 = arith.mulf %mul3A_196, %mul3A_194 : vector<16x128xf32>
    %mul3A_198 = arith.constant 9.000000e+00 : f32
    %mul3A_199 = vector.broadcast %mul3A_198 : f32 to vector<16x128xf32>
    %mul3A_200 = arith.mulf %mul3A_199, %mul3A_111 : vector<16x128xf32>
    %mul3A_201 = arith.mulf %mul3A_200, %add3A_124 : vector<16x128xf32>
    %mul3A_202 = arith.mulf %mul3A_201, %mul3A_130 : vector<16x128xf32>
    %sub3A_203 = arith.subf %mul3A_197, %mul3A_202 : vector<16x128xf32>
    %mul3A_204 = arith.mulf %mul3A_111, %mul3A_111 : vector<16x128xf32>
    %mul3A_205 = arith.constant 2.700000e+01 : f32
    %mul3A_206 = vector.broadcast %mul3A_205 : f32 to vector<16x128xf32>
    %mul3A_207 = arith.mulf %mul3A_206, %mul3A_204 : vector<16x128xf32>
    %mul3A_208 = arith.mulf %mul3A_207, %sub3A_136 : vector<16x128xf32>
    %add3A_209 = arith.addf %sub3A_203, %mul3A_208 : vector<16x128xf32>
    %mul3A_210 = arith.constant 2.700000e+01 : f32
    %mul3A_211 = vector.broadcast %mul3A_210 : f32 to vector<16x128xf32>
    %mul3A_212 = arith.mulf %mul3A_211, %add3A_105 : vector<16x128xf32>
    %mul3A_213 = arith.mulf %mul3A_130, %mul3A_130 : vector<16x128xf32>
    %mul3A_214 = arith.mulf %mul3A_212, %mul3A_213 : vector<16x128xf32>
    %add3A_215 = arith.addf %add3A_209, %mul3A_214 : vector<16x128xf32>
    %mul3A_216 = arith.constant 7.200000e+01 : f32
    %mul3A_217 = vector.broadcast %mul3A_216 : f32 to vector<16x128xf32>
    %mul3A_218 = arith.mulf %mul3A_217, %add3A_105 : vector<16x128xf32>
    %mul3A_219 = arith.mulf %mul3A_218, %add3A_124 : vector<16x128xf32>
    %mul3A_220 = arith.mulf %mul3A_219, %sub3A_136 : vector<16x128xf32>
    %sub3A_221 = arith.subf %add3A_215, %mul3A_220 : vector<16x128xf32>
    %mul3A_222 = arith.mulf %sub3A_221, %sub3A_221 : vector<16x128xf32>
    %mul3A_223 = arith.mulf %add3A_192, %add3A_192 : vector<16x128xf32>
    %mul3A_224 = arith.mulf %mul3A_223, %add3A_192 : vector<16x128xf32>
    %mul3A_225 = arith.constant 4.000000e+00 : f32
    %mul3A_226 = vector.broadcast %mul3A_225 : f32 to vector<16x128xf32>
    %mul3A_227 = arith.mulf %mul3A_226, %mul3A_224 : vector<16x128xf32>
    %sub3A_228 = arith.subf %mul3A_222, %mul3A_227 : vector<16x128xf32>
    %sign3A_229 = tpu.bitcast %sub3A_228 : vector<16x128xf32> -> vector<16x128xi32>
    %sign3A_230 = arith.constant -2147483648 : i32
    %sign3A_231 = vector.broadcast %sign3A_230 : i32 to vector<16x128xi32>
    %sign3A_232 = arith.andi %sign3A_229, %sign3A_231 : vector<16x128xi32>
    %sign3A_233 = arith.constant 1065353216 : i32
    %sign3A_234 = vector.broadcast %sign3A_233 : i32 to vector<16x128xi32>
    %sign3A_235 = arith.ori %sign3A_234, %sign3A_232 : vector<16x128xi32>
    %sign3A_236 = tpu.bitcast %sign3A_235 : vector<16x128xi32> -> vector<16x128xf32>
    %sign3A_237 = math.absf %sub3A_228 : vector<16x128xf32>
    %sign3A_238 = arith.constant 0.000000e+00 : f32
    %sign3A_239 = vector.broadcast %sign3A_238 : f32 to vector<16x128xf32>
    %sign3A_240 = arith.cmpf ogt, %sign3A_237, %sign3A_239 : vector<16x128xf32>
    %sign3A_241 = arith.select %sign3A_240, %sign3A_236, %sub3A_228 : vector<16x128xi1>, vector<16x128xf32>
    %add3A_242 = arith.constant 1.000000e+00 : f32
    %add3A_243 = vector.broadcast %add3A_242 : f32 to vector<16x128xf32>
    %add3A_244 = arith.addf %sign3A_241, %add3A_243 : vector<16x128xf32>
    %div3A_245 = arith.constant 2.000000e+00 : f32
    %div3A_246 = vector.broadcast %div3A_245 : f32 to vector<16x128xf32>
    %div3A_247 = arith.divf %add3A_244, %div3A_246 : vector<16x128xf32>
    %ceil3A = math.ceil %div3A_247 : vector<16x128xf32>
    %abs3A = math.absf %sub3A_228 : vector<16x128xf32>
    %sqrt3A = math.sqrt %abs3A : vector<16x128xf32>
    %add3A_248 = arith.addf %sub3A_221, %sqrt3A : vector<16x128xf32>
    %div3A_249 = arith.constant 2.000000e+00 : f32
    %div3A_250 = vector.broadcast %div3A_249 : f32 to vector<16x128xf32>
    %div3A_251 = arith.divf %add3A_248, %div3A_250 : vector<16x128xf32>
    %sign3A_252 = tpu.bitcast %div3A_251 : vector<16x128xf32> -> vector<16x128xi32>
    %sign3A_253 = arith.constant -2147483648 : i32
    %sign3A_254 = vector.broadcast %sign3A_253 : i32 to vector<16x128xi32>
    %sign3A_255 = arith.andi %sign3A_252, %sign3A_254 : vector<16x128xi32>
    %sign3A_256 = arith.constant 1065353216 : i32
    %sign3A_257 = vector.broadcast %sign3A_256 : i32 to vector<16x128xi32>
    %sign3A_258 = arith.ori %sign3A_257, %sign3A_255 : vector<16x128xi32>
    %sign3A_259 = tpu.bitcast %sign3A_258 : vector<16x128xi32> -> vector<16x128xf32>
    %sign3A_260 = math.absf %div3A_251 : vector<16x128xf32>
    %sign3A_261 = arith.constant 0.000000e+00 : f32
    %sign3A_262 = vector.broadcast %sign3A_261 : f32 to vector<16x128xf32>
    %sign3A_263 = arith.cmpf ogt, %sign3A_260, %sign3A_262 : vector<16x128xf32>
    %sign3A_264 = arith.select %sign3A_263, %sign3A_259, %div3A_251 : vector<16x128xi1>, vector<16x128xf32>
    %abs3A_265 = math.absf %div3A_251 : vector<16x128xf32>
    %pow3A = arith.constant 0.333333343 : f32
    %pow3A_266 = vector.broadcast %pow3A : f32 to vector<16x128xf32>
    %pow3A_267 = math.powf %abs3A_265, %pow3A_266 : vector<16x128xf32>
    %mul3A_268 = arith.mulf %sign3A_264, %pow3A_267 : vector<16x128xf32>
    %div3A_269 = arith.divf %add3A_192, %mul3A_268 : vector<16x128xf32>
    %add3A_270 = arith.addf %mul3A_268, %div3A_269 : vector<16x128xf32>
    %mul3A_271 = arith.constant 3.000000e+00 : f32
    %mul3A_272 = vector.broadcast %mul3A_271 : f32 to vector<16x128xf32>
    %mul3A_273 = arith.mulf %mul3A_272, %add3A_105 : vector<16x128xf32>
    %div3A_274 = arith.divf %add3A_270, %mul3A_273 : vector<16x128xf32>
    %mul3A_275 = arith.constant 2.000000e+00 : f32
    %mul3A_276 = vector.broadcast %mul3A_275 : f32 to vector<16x128xf32>
    %mul3A_277 = arith.mulf %mul3A_276, %div3A : vector<16x128xf32>
    %div3A_278 = arith.constant 3.000000e+00 : f32
    %div3A_279 = vector.broadcast %div3A_278 : f32 to vector<16x128xf32>
    %div3A_280 = arith.divf %mul3A_277, %div3A_279 : vector<16x128xf32>
    %sub3A_281 = arith.subf %div3A_274, %div3A_280 : vector<16x128xf32>
    %abs3A_282 = math.absf %sub3A_281 : vector<16x128xf32>
    %sqrt3A_283 = math.sqrt %abs3A_282 : vector<16x128xf32>
    %mul3A_284 = arith.constant 5.000000e-01 : f32
    %mul3A_285 = vector.broadcast %mul3A_284 : f32 to vector<16x128xf32>
    %mul3A_286 = arith.mulf %mul3A_285, %sqrt3A_283 : vector<16x128xf32>
    %mul3A_287 = arith.mulf %sub3A_221, %sub3A_221 : vector<16x128xf32>
    %div3A_288 = arith.constant 4.000000e+00 : f32
    %div3A_289 = vector.broadcast %div3A_288 : f32 to vector<16x128xf32>
    %div3A_290 = arith.divf %mul3A_287, %div3A_289 : vector<16x128xf32>
    %mul3A_291 = arith.mulf %add3A_192, %add3A_192 : vector<16x128xf32>
    %mul3A_292 = arith.mulf %mul3A_291, %add3A_192 : vector<16x128xf32>
    %div3A_293 = arith.divf %div3A_290, %mul3A_292 : vector<16x128xf32>
    %abs3A_294 = math.absf %div3A_293 : vector<16x128xf32>
    %sqrt3A_295 = math.sqrt %abs3A_294 : vector<16x128xf32>
    %min3A = arith.constant 1.000000e+00 : f32
    %min3A_296 = vector.broadcast %min3A : f32 to vector<16x128xf32>
    %min3A_297 = arith.minimumf %sqrt3A_295, %min3A_296 : vector<16x128xf32>
    %sub3A_298 = arith.constant 1.000000e+00 : f32
    %sub3A_299 = vector.broadcast %sub3A_298 : f32 to vector<16x128xf32>
    %sub3A_300 = arith.subf %sub3A_299, %min3A_297 : vector<16x128xf32>
    %add3A_301 = arith.constant 1.000000e+00 : f32
    %add3A_302 = vector.broadcast %add3A_301 : f32 to vector<16x128xf32>
    %add3A_303 = arith.addf %min3A_297, %add3A_302 : vector<16x128xf32>
    %mul3A_304 = arith.mulf %sub3A_300, %add3A_303 : vector<16x128xf32>
    %sqrt3A_305 = math.sqrt %mul3A_304 : vector<16x128xf32>
    %atan23A = math.atan2 %sqrt3A_305, %min3A_297 : vector<16x128xf32>
    %abs3A_306 = math.absf %add3A_192 : vector<16x128xf32>
    %sqrt3A_307 = math.sqrt %abs3A_306 : vector<16x128xf32>
    %mul3A_308 = arith.constant 2.000000e+00 : f32
    %mul3A_309 = vector.broadcast %mul3A_308 : f32 to vector<16x128xf32>
    %mul3A_310 = arith.mulf %mul3A_309, %sqrt3A_307 : vector<16x128xf32>
    %div3A_311 = arith.constant 3.000000e+00 : f32
    %div3A_312 = vector.broadcast %div3A_311 : f32 to vector<16x128xf32>
    %div3A_313 = arith.divf %atan23A, %div3A_312 : vector<16x128xf32>
    %cos3A = math.cos %div3A_313 : vector<16x128xf32>
    %mul3A_314 = arith.mulf %mul3A_310, %cos3A : vector<16x128xf32>
    %mul3A_315 = arith.constant 3.000000e+00 : f32
    %mul3A_316 = vector.broadcast %mul3A_315 : f32 to vector<16x128xf32>
    %mul3A_317 = arith.mulf %mul3A_316, %add3A_105 : vector<16x128xf32>
    %div3A_318 = arith.divf %mul3A_314, %mul3A_317 : vector<16x128xf32>
    %mul3A_319 = arith.constant 2.000000e+00 : f32
    %mul3A_320 = vector.broadcast %mul3A_319 : f32 to vector<16x128xf32>
    %mul3A_321 = arith.mulf %mul3A_320, %div3A : vector<16x128xf32>
    %div3A_322 = arith.constant 3.000000e+00 : f32
    %div3A_323 = vector.broadcast %div3A_322 : f32 to vector<16x128xf32>
    %div3A_324 = arith.divf %mul3A_321, %div3A_323 : vector<16x128xf32>
    %sub3A_325 = arith.subf %div3A_318, %div3A_324 : vector<16x128xf32>
    %abs3A_326 = math.absf %sub3A_325 : vector<16x128xf32>
    %sqrt3A_327 = math.sqrt %abs3A_326 : vector<16x128xf32>
    %mul3A_328 = arith.constant 5.000000e-01 : f32
    %mul3A_329 = vector.broadcast %mul3A_328 : f32 to vector<16x128xf32>
    %mul3A_330 = arith.mulf %mul3A_329, %sqrt3A_327 : vector<16x128xf32>
    %mul3A_331 = arith.mulf %ceil3A, %mul3A_286 : vector<16x128xf32>
    %sub3A_332 = arith.constant 1.000000e+00 : f32
    %sub3A_333 = vector.broadcast %sub3A_332 : f32 to vector<16x128xf32>
    %sub3A_334 = arith.subf %sub3A_333, %ceil3A : vector<16x128xf32>
    %mul3A_335 = arith.mulf %sub3A_334, %mul3A_330 : vector<16x128xf32>
    %add3A_336 = arith.addf %mul3A_331, %mul3A_335 : vector<16x128xf32>
    %mul3A_337 = arith.mulf %add3A_336, %add3A_336 : vector<16x128xf32>
    %mul3A_338 = arith.constant -4.000000e+00 : f32
    %mul3A_339 = vector.broadcast %mul3A_338 : f32 to vector<16x128xf32>
    %mul3A_340 = arith.mulf %mul3A_339, %mul3A_337 : vector<16x128xf32>
    %mul3A_341 = arith.constant 2.000000e+00 : f32
    %mul3A_342 = vector.broadcast %mul3A_341 : f32 to vector<16x128xf32>
    %mul3A_343 = arith.mulf %mul3A_342, %div3A : vector<16x128xf32>
    %sub3A_344 = arith.subf %mul3A_340, %mul3A_343 : vector<16x128xf32>
    %div3A_345 = arith.divf %div3A_169, %add3A_336 : vector<16x128xf32>
    %abs3A_346 = math.absf %div3A_345 : vector<16x128xf32>
    %add3A_347 = arith.addf %sub3A_344, %abs3A_346 : vector<16x128xf32>
    %abs3A_348 = math.absf %add3A_347 : vector<16x128xf32>
    %sqrt3A_349 = math.sqrt %abs3A_348 : vector<16x128xf32>
    %mul3A_350 = arith.constant 5.000000e-01 : f32
    %mul3A_351 = vector.broadcast %mul3A_350 : f32 to vector<16x128xf32>
    %mul3A_352 = arith.mulf %mul3A_351, %sqrt3A_349 : vector<16x128xf32>
    %mul3A_353 = arith.constant 4.000000e+00 : f32
    %mul3A_354 = vector.broadcast %mul3A_353 : f32 to vector<16x128xf32>
    %mul3A_355 = arith.mulf %mul3A_354, %add3A_105 : vector<16x128xf32>
    %div3A_356 = arith.divf %mul3A_111, %mul3A_355 : vector<16x128xf32>
    %sub3A_357 = arith.subf %mul3A_352, %div3A_356 : vector<16x128xf32>
    %mul3A_358 = arith.mulf %sign3A_181, %add3A_336 : vector<16x128xf32>
    %sub3A_359 = arith.subf %sub3A_357, %mul3A_358 : vector<16x128xf32>
    %sub3A_360 = arith.constant 1.000000e+00 : f32
    %sub3A_361 = vector.broadcast %sub3A_360 : f32 to vector<16x128xf32>
    %sub3A_362 = arith.subf %sub3A_361, %sub3A_359 : vector<16x128xf32>
    %mul3A_363 = arith.mulf %sub3A_362, %sub3A_359 : vector<16x128xf32>
    %lt3A = arith.constant 0.000000e+00 : f32
    %lt3A_364 = vector.broadcast %lt3A : f32 to vector<16x128xf32>
    %lt3A_365 = arith.cmpf olt, %mul3A_363, %lt3A_364 : vector<16x128xf32>
    %mul3A_366 = arith.mulf %add3A_336, %add3A_336 : vector<16x128xf32>
    %mul3A_367 = arith.constant -4.000000e+00 : f32
    %mul3A_368 = vector.broadcast %mul3A_367 : f32 to vector<16x128xf32>
    %mul3A_369 = arith.mulf %mul3A_368, %mul3A_366 : vector<16x128xf32>
    %mul3A_370 = arith.constant 2.000000e+00 : f32
    %mul3A_371 = vector.broadcast %mul3A_370 : f32 to vector<16x128xf32>
    %mul3A_372 = arith.mulf %mul3A_371, %div3A : vector<16x128xf32>
    %sub3A_373 = arith.subf %mul3A_369, %mul3A_372 : vector<16x128xf32>
    %div3A_374 = arith.divf %div3A_169, %add3A_336 : vector<16x128xf32>
    %abs3A_375 = math.absf %div3A_374 : vector<16x128xf32>
    %sub3A_376 = arith.subf %sub3A_373, %abs3A_375 : vector<16x128xf32>
    %abs3A_377 = math.absf %sub3A_376 : vector<16x128xf32>
    %sqrt3A_378 = math.sqrt %abs3A_377 : vector<16x128xf32>
    %mul3A_379 = arith.constant 5.000000e-01 : f32
    %mul3A_380 = vector.broadcast %mul3A_379 : f32 to vector<16x128xf32>
    %mul3A_381 = arith.mulf %mul3A_380, %sqrt3A_378 : vector<16x128xf32>
    %mul3A_382 = arith.constant 4.000000e+00 : f32
    %mul3A_383 = vector.broadcast %mul3A_382 : f32 to vector<16x128xf32>
    %mul3A_384 = arith.mulf %mul3A_383, %add3A_105 : vector<16x128xf32>
    %div3A_385 = arith.divf %mul3A_111, %mul3A_384 : vector<16x128xf32>
    %sub3A_386 = arith.subf %mul3A_381, %div3A_385 : vector<16x128xf32>
    %mul3A_387 = arith.mulf %sign3A_181, %add3A_336 : vector<16x128xf32>
    %add3A_388 = arith.addf %sub3A_386, %mul3A_387 : vector<16x128xf32>
    %select_n3A_389 = arith.select %lt3A_365, %add3A_388, %sub3A_359 : vector<16x128xi1>, vector<16x128xf32>
    %mul3A_390 = arith.mulf %select_n3A_389, %select_n3A_389 : vector<16x128xf32>
    %abs3A_391 = math.absf %select_n3A_389 : vector<16x128xf32>
    %jit3A_392 = arith.constant 0.000000e+00 : f32
    %broadcast_in_dim3A_393 = vector.broadcast %jit3A_392 : f32 to vector<16x128xf32>
    %select_n3A_394 = arith.select %gt3A_77, %mul3A_390, %broadcast_in_dim3A_393 : vector<16x128xi1>, vector<16x128xf32>
    %jit3A_395 = arith.constant 0.000000e+00 : f32
    %broadcast_in_dim3A_396 = vector.broadcast %jit3A_395 : f32 to vector<16x128xf32>
    %select_n3A_397 = arith.select %gt3A_77, %abs3A_391, %broadcast_in_dim3A_396 : vector<16x128xi1>, vector<16x128xf32>
    %mul3A_398 = vector.broadcast %get3A_1 : f32 to vector<16x128xf32>
    %mul3A_399 = arith.mulf %mul3A_398, %get3A_57 : vector<16x128xf32>
    %mul3A_400 = arith.constant 4.000000e-03 : f32
    %mul3A_401 = vector.broadcast %mul3A_400 : f32 to vector<16x128xf32>
    %mul3A_402 = arith.mulf %mul3A_399, %mul3A_401 : vector<16x128xf32>
    %mul3A_403 = arith.mulf %mul3A_402, %select_n3A_394 : vector<16x128xf32>
    %add3A_404 = arith.addf %get3A_57, %mul3A_403 : vector<16x128xf32>
    %mul3A_405 = arith.mulf %get3A_63, %select_n3A_397 : vector<16x128xf32>
    %add3A_406 = arith.addf %add3A_404, %mul3A_405 : vector<16x128xf32>
    %mul3A_407 = vector.broadcast %get3A_1 : f32 to vector<16x128xf32>
    %mul3A_408 = arith.mulf %mul3A_407, %get3A_60 : vector<16x128xf32>
    %mul3A_409 = arith.constant 4.000000e-03 : f32
    %mul3A_410 = vector.broadcast %mul3A_409 : f32 to vector<16x128xf32>
    %mul3A_411 = arith.mulf %mul3A_408, %mul3A_410 : vector<16x128xf32>
    %mul3A_412 = arith.mulf %mul3A_411, %select_n3A_394 : vector<16x128xf32>
    %add3A_413 = arith.addf %get3A_60, %mul3A_412 : vector<16x128xf32>
    %mul3A_414 = arith.mulf %get3A_66, %select_n3A_397 : vector<16x128xf32>
    %add3A_415 = arith.addf %add3A_413, %mul3A_414 : vector<16x128xf32>
    %mul3A_416 = arith.mulf %add3A_406, %add3A_406 : vector<16x128xf32>
    %mul3A_417 = arith.mulf %add3A_415, %add3A_415 : vector<16x128xf32>
    %add3A_418 = arith.addf %mul3A_416, %mul3A_417 : vector<16x128xf32>
    %mul3A_419 = arith.mulf %get3A_1, %get3A_1 : f32
    %add3A_420 = arith.constant 2.000000e+00 : f32
    %add3A_421 = arith.addf %mul3A_419, %add3A_420 : f32
    %mul3A_422 = vector.broadcast %add3A_421 : f32 to vector<16x128xf32>
    %mul3A_423 = arith.mulf %mul3A_422, %add3A_418 : vector<16x128xf32>
    %sub3A_424 = arith.constant 4.000000e+00 : f32
    %sub3A_425 = vector.broadcast %sub3A_424 : f32 to vector<16x128xf32>
    %sub3A_426 = arith.subf %mul3A_423, %sub3A_425 : vector<16x128xf32>
    %mul3A_427 = arith.mulf %select_n3A_394, %sub3A_426 : vector<16x128xf32>
    %mul3A_428 = arith.constant 4.000000e-03 : f32
    %mul3A_429 = vector.broadcast %mul3A_428 : f32 to vector<16x128xf32>
    %mul3A_430 = arith.mulf %mul3A_427, %mul3A_429 : vector<16x128xf32>
    %mul3A_431 = arith.constant -4.000000e-03 : f32
    %mul3A_432 = vector.broadcast %mul3A_431 : f32 to vector<16x128xf32>
    %mul3A_433 = arith.mulf %mul3A_432, %select_n3A_394 : vector<16x128xf32>
    %exp3A = math.exp %mul3A_433 : vector<16x128xf32>
    %mul3A_434 = arith.mulf %exp3A, %add3A_418 : vector<16x128xf32>
    %add3A_435 = arith.addf %mul3A_430, %mul3A_434 : vector<16x128xf32>
    %mul3A_436 = arith.mulf %get3A_69, %add3A_435 : vector<16x128xf32>
    %jit3A_437 = arith.constant 1.000000e-01 : f32
    %broadcast_in_dim3A_438 = vector.broadcast %jit3A_437 : f32 to vector<16x128xf32>
    %select_n3A_439 = arith.select %ge3A_44, %get3A_6, %broadcast_in_dim3A_438 : vector<16x128xi1>, vector<16x128xf32>
    %jit3A_440 = arith.constant 1.000000e-01 : f32
    %broadcast_in_dim3A_441 = vector.broadcast %jit3A_440 : f32 to vector<16x128xf32>
    %select_n3A_442 = arith.select %ge3A_44, %get3A_11, %broadcast_in_dim3A_441 : vector<16x128xi1>, vector<16x128xf32>
    %mul3A_443 = vector.broadcast %get3A_1 : f32 to vector<16x128xf32>
    %mul3A_444 = arith.mulf %mul3A_443, %get3A_6 : vector<16x128xf32>
    %mul3A_445 = arith.constant 4.000000e-03 : f32
    %mul3A_446 = vector.broadcast %mul3A_445 : f32 to vector<16x128xf32>
    %mul3A_447 = arith.mulf %mul3A_444, %mul3A_446 : vector<16x128xf32>
    %jit3A_448 = arith.constant 0.00999999977 : f32
    %broadcast_in_dim3A_449 = vector.broadcast %jit3A_448 : f32 to vector<16x128xf32>
    %select_n3A_450 = arith.select %ge3A_44, %mul3A_447, %broadcast_in_dim3A_449 : vector<16x128xi1>, vector<16x128xf32>
    %mul3A_451 = vector.broadcast %get3A_1 : f32 to vector<16x128xf32>
    %mul3A_452 = arith.mulf %mul3A_451, %get3A_11 : vector<16x128xf32>
    %mul3A_453 = arith.constant 4.000000e-03 : f32
    %mul3A_454 = vector.broadcast %mul3A_453 : f32 to vector<16x128xf32>
    %mul3A_455 = arith.mulf %mul3A_452, %mul3A_454 : vector<16x128xf32>
    %jit3A_456 = arith.constant 0.00999999977 : f32
    %broadcast_in_dim3A_457 = vector.broadcast %jit3A_456 : f32 to vector<16x128xf32>
    %select_n3A_458 = arith.select %ge3A_44, %mul3A_455, %broadcast_in_dim3A_457 : vector<16x128xi1>, vector<16x128xf32>
    %jit3A_459 = arith.constant 0.00999999977 : f32
    %broadcast_in_dim3A_460 = vector.broadcast %jit3A_459 : f32 to vector<16x128xf32>
    %select_n3A_461 = arith.select %ge3A_44, %mul3A_18, %broadcast_in_dim3A_460 : vector<16x128xi1>, vector<16x128xf32>
    %jit3A_462 = arith.constant 0.00999999977 : f32
    %broadcast_in_dim3A_463 = vector.broadcast %jit3A_462 : f32 to vector<16x128xf32>
    %select_n3A_464 = arith.select %ge3A_44, %mul3A_26, %broadcast_in_dim3A_463 : vector<16x128xi1>, vector<16x128xf32>
    %mul3A_465 = arith.mulf %select_n3A_450, %select_n3A_450 : vector<16x128xf32>
    %mul3A_466 = arith.mulf %select_n3A_458, %select_n3A_458 : vector<16x128xf32>
    %add3A_467 = arith.addf %mul3A_465, %mul3A_466 : vector<16x128xf32>
    %mul3A_468 = arith.mulf %select_n3A_450, %select_n3A_461 : vector<16x128xf32>
    %mul3A_469 = arith.mulf %select_n3A_458, %select_n3A_464 : vector<16x128xf32>
    %add3A_470 = arith.addf %mul3A_468, %mul3A_469 : vector<16x128xf32>
    %mul3A_471 = arith.constant 2.000000e+00 : f32
    %mul3A_472 = vector.broadcast %mul3A_471 : f32 to vector<16x128xf32>
    %mul3A_473 = arith.mulf %mul3A_472, %add3A_470 : vector<16x128xf32>
    %mul3A_474 = arith.constant 2.000000e+00 : f32
    %mul3A_475 = vector.broadcast %mul3A_474 : f32 to vector<16x128xf32>
    %mul3A_476 = arith.mulf %mul3A_475, %select_n3A_450 : vector<16x128xf32>
    %mul3A_477 = arith.mulf %mul3A_476, %select_n3A_439 : vector<16x128xf32>
    %mul3A_478 = arith.mulf %select_n3A_461, %select_n3A_461 : vector<16x128xf32>
    %add3A_479 = arith.addf %mul3A_477, %mul3A_478 : vector<16x128xf32>
    %mul3A_480 = arith.constant 2.000000e+00 : f32
    %mul3A_481 = vector.broadcast %mul3A_480 : f32 to vector<16x128xf32>
    %mul3A_482 = arith.mulf %mul3A_481, %select_n3A_458 : vector<16x128xf32>
    %mul3A_483 = arith.mulf %mul3A_482, %select_n3A_442 : vector<16x128xf32>
    %mul3A_484 = arith.mulf %select_n3A_464, %select_n3A_464 : vector<16x128xf32>
    %add3A_485 = arith.addf %mul3A_483, %mul3A_484 : vector<16x128xf32>
    %add3A_486 = arith.addf %add3A_479, %add3A_485 : vector<16x128xf32>
    %mul3A_487 = arith.mulf %select_n3A_461, %select_n3A_439 : vector<16x128xf32>
    %mul3A_488 = arith.mulf %select_n3A_464, %select_n3A_442 : vector<16x128xf32>
    %add3A_489 = arith.addf %mul3A_487, %mul3A_488 : vector<16x128xf32>
    %mul3A_490 = arith.constant 2.000000e+00 : f32
    %mul3A_491 = vector.broadcast %mul3A_490 : f32 to vector<16x128xf32>
    %mul3A_492 = arith.mulf %mul3A_491, %add3A_489 : vector<16x128xf32>
    %mul3A_493 = arith.mulf %select_n3A_439, %select_n3A_439 : vector<16x128xf32>
    %mul3A_494 = arith.mulf %select_n3A_442, %select_n3A_442 : vector<16x128xf32>
    %add3A_495 = arith.addf %mul3A_493, %mul3A_494 : vector<16x128xf32>
    %sub3A_496 = arith.constant 1.000000e+00 : f32
    %sub3A_497 = vector.broadcast %sub3A_496 : f32 to vector<16x128xf32>
    %sub3A_498 = arith.subf %add3A_495, %sub3A_497 : vector<16x128xf32>
    %mul3A_499 = arith.constant 8.000000e+00 : f32
    %mul3A_500 = vector.broadcast %mul3A_499 : f32 to vector<16x128xf32>
    %mul3A_501 = arith.mulf %mul3A_500, %add3A_467 : vector<16x128xf32>
    %mul3A_502 = arith.mulf %mul3A_501, %add3A_486 : vector<16x128xf32>
    %mul3A_503 = arith.mulf %mul3A_473, %mul3A_473 : vector<16x128xf32>
    %mul3A_504 = arith.constant 3.000000e+00 : f32
    %mul3A_505 = vector.broadcast %mul3A_504 : f32 to vector<16x128xf32>
    %mul3A_506 = arith.mulf %mul3A_505, %mul3A_503 : vector<16x128xf32>
    %sub3A_507 = arith.subf %mul3A_502, %mul3A_506 : vector<16x128xf32>
    %mul3A_508 = arith.mulf %add3A_467, %add3A_467 : vector<16x128xf32>
    %mul3A_509 = arith.constant 8.000000e+00 : f32
    %mul3A_510 = vector.broadcast %mul3A_509 : f32 to vector<16x128xf32>
    %mul3A_511 = arith.mulf %mul3A_510, %mul3A_508 : vector<16x128xf32>
    %div3A_512 = arith.divf %sub3A_507, %mul3A_511 : vector<16x128xf32>
    %mul3A_513 = arith.mulf %mul3A_473, %mul3A_473 : vector<16x128xf32>
    %mul3A_514 = arith.mulf %mul3A_513, %mul3A_473 : vector<16x128xf32>
    %mul3A_515 = arith.constant 4.000000e+00 : f32
    %mul3A_516 = vector.broadcast %mul3A_515 : f32 to vector<16x128xf32>
    %mul3A_517 = arith.mulf %mul3A_516, %add3A_467 : vector<16x128xf32>
    %mul3A_518 = arith.mulf %mul3A_517, %mul3A_473 : vector<16x128xf32>
    %mul3A_519 = arith.mulf %mul3A_518, %add3A_486 : vector<16x128xf32>
    %sub3A_520 = arith.subf %mul3A_514, %mul3A_519 : vector<16x128xf32>
    %mul3A_521 = arith.mulf %add3A_467, %add3A_467 : vector<16x128xf32>
    %mul3A_522 = arith.constant 8.000000e+00 : f32
    %mul3A_523 = vector.broadcast %mul3A_522 : f32 to vector<16x128xf32>
    %mul3A_524 = arith.mulf %mul3A_523, %mul3A_521 : vector<16x128xf32>
    %mul3A_525 = arith.mulf %mul3A_524, %mul3A_492 : vector<16x128xf32>
    %add3A_526 = arith.addf %sub3A_520, %mul3A_525 : vector<16x128xf32>
    %mul3A_527 = arith.mulf %add3A_467, %add3A_467 : vector<16x128xf32>
    %mul3A_528 = arith.mulf %mul3A_527, %add3A_467 : vector<16x128xf32>
    %mul3A_529 = arith.constant 8.000000e+00 : f32
    %mul3A_530 = vector.broadcast %mul3A_529 : f32 to vector<16x128xf32>
    %mul3A_531 = arith.mulf %mul3A_530, %mul3A_528 : vector<16x128xf32>
    %div3A_532 = arith.divf %add3A_526, %mul3A_531 : vector<16x128xf32>
    %sign3A_533 = tpu.bitcast %div3A_532 : vector<16x128xf32> -> vector<16x128xi32>
    %sign3A_534 = arith.constant -2147483648 : i32
    %sign3A_535 = vector.broadcast %sign3A_534 : i32 to vector<16x128xi32>
    %sign3A_536 = arith.andi %sign3A_533, %sign3A_535 : vector<16x128xi32>
    %sign3A_537 = arith.constant 1065353216 : i32
    %sign3A_538 = vector.broadcast %sign3A_537 : i32 to vector<16x128xi32>
    %sign3A_539 = arith.ori %sign3A_538, %sign3A_536 : vector<16x128xi32>
    %sign3A_540 = tpu.bitcast %sign3A_539 : vector<16x128xi32> -> vector<16x128xf32>
    %sign3A_541 = math.absf %div3A_532 : vector<16x128xf32>
    %sign3A_542 = arith.constant 0.000000e+00 : f32
    %sign3A_543 = vector.broadcast %sign3A_542 : f32 to vector<16x128xf32>
    %sign3A_544 = arith.cmpf ogt, %sign3A_541, %sign3A_543 : vector<16x128xf32>
    %sign3A_545 = arith.select %sign3A_544, %sign3A_540, %div3A_532 : vector<16x128xi1>, vector<16x128xf32>
    %mul3A_546 = arith.mulf %add3A_486, %add3A_486 : vector<16x128xf32>
    %mul3A_547 = arith.constant 3.000000e+00 : f32
    %mul3A_548 = vector.broadcast %mul3A_547 : f32 to vector<16x128xf32>
    %mul3A_549 = arith.mulf %mul3A_548, %mul3A_473 : vector<16x128xf32>
    %mul3A_550 = arith.mulf %mul3A_549, %mul3A_492 : vector<16x128xf32>
    %sub3A_551 = arith.subf %mul3A_546, %mul3A_550 : vector<16x128xf32>
    %mul3A_552 = arith.constant 1.200000e+01 : f32
    %mul3A_553 = vector.broadcast %mul3A_552 : f32 to vector<16x128xf32>
    %mul3A_554 = arith.mulf %mul3A_553, %add3A_467 : vector<16x128xf32>
    %mul3A_555 = arith.mulf %mul3A_554, %sub3A_498 : vector<16x128xf32>
    %add3A_556 = arith.addf %sub3A_551, %mul3A_555 : vector<16x128xf32>
    %mul3A_557 = arith.mulf %add3A_486, %add3A_486 : vector<16x128xf32>
    %mul3A_558 = arith.mulf %mul3A_557, %add3A_486 : vector<16x128xf32>
    %mul3A_559 = arith.constant 2.000000e+00 : f32
    %mul3A_560 = vector.broadcast %mul3A_559 : f32 to vector<16x128xf32>
    %mul3A_561 = arith.mulf %mul3A_560, %mul3A_558 : vector<16x128xf32>
    %mul3A_562 = arith.constant 9.000000e+00 : f32
    %mul3A_563 = vector.broadcast %mul3A_562 : f32 to vector<16x128xf32>
    %mul3A_564 = arith.mulf %mul3A_563, %mul3A_473 : vector<16x128xf32>
    %mul3A_565 = arith.mulf %mul3A_564, %add3A_486 : vector<16x128xf32>
    %mul3A_566 = arith.mulf %mul3A_565, %mul3A_492 : vector<16x128xf32>
    %sub3A_567 = arith.subf %mul3A_561, %mul3A_566 : vector<16x128xf32>
    %mul3A_568 = arith.mulf %mul3A_473, %mul3A_473 : vector<16x128xf32>
    %mul3A_569 = arith.constant 2.700000e+01 : f32
    %mul3A_570 = vector.broadcast %mul3A_569 : f32 to vector<16x128xf32>
    %mul3A_571 = arith.mulf %mul3A_570, %mul3A_568 : vector<16x128xf32>
    %mul3A_572 = arith.mulf %mul3A_571, %sub3A_498 : vector<16x128xf32>
    %add3A_573 = arith.addf %sub3A_567, %mul3A_572 : vector<16x128xf32>
    %mul3A_574 = arith.constant 2.700000e+01 : f32
    %mul3A_575 = vector.broadcast %mul3A_574 : f32 to vector<16x128xf32>
    %mul3A_576 = arith.mulf %mul3A_575, %add3A_467 : vector<16x128xf32>
    %mul3A_577 = arith.mulf %mul3A_492, %mul3A_492 : vector<16x128xf32>
    %mul3A_578 = arith.mulf %mul3A_576, %mul3A_577 : vector<16x128xf32>
    %add3A_579 = arith.addf %add3A_573, %mul3A_578 : vector<16x128xf32>
    %mul3A_580 = arith.constant 7.200000e+01 : f32
    %mul3A_581 = vector.broadcast %mul3A_580 : f32 to vector<16x128xf32>
    %mul3A_582 = arith.mulf %mul3A_581, %add3A_467 : vector<16x128xf32>
    %mul3A_583 = arith.mulf %mul3A_582, %add3A_486 : vector<16x128xf32>
    %mul3A_584 = arith.mulf %mul3A_583, %sub3A_498 : vector<16x128xf32>
    %sub3A_585 = arith.subf %add3A_579, %mul3A_584 : vector<16x128xf32>
    %mul3A_586 = arith.mulf %sub3A_585, %sub3A_585 : vector<16x128xf32>
    %mul3A_587 = arith.mulf %add3A_556, %add3A_556 : vector<16x128xf32>
    %mul3A_588 = arith.mulf %mul3A_587, %add3A_556 : vector<16x128xf32>
    %mul3A_589 = arith.constant 4.000000e+00 : f32
    %mul3A_590 = vector.broadcast %mul3A_589 : f32 to vector<16x128xf32>
    %mul3A_591 = arith.mulf %mul3A_590, %mul3A_588 : vector<16x128xf32>
    %sub3A_592 = arith.subf %mul3A_586, %mul3A_591 : vector<16x128xf32>
    %sign3A_593 = tpu.bitcast %sub3A_592 : vector<16x128xf32> -> vector<16x128xi32>
    %sign3A_594 = arith.constant -2147483648 : i32
    %sign3A_595 = vector.broadcast %sign3A_594 : i32 to vector<16x128xi32>
    %sign3A_596 = arith.andi %sign3A_593, %sign3A_595 : vector<16x128xi32>
    %sign3A_597 = arith.constant 1065353216 : i32
    %sign3A_598 = vector.broadcast %sign3A_597 : i32 to vector<16x128xi32>
    %sign3A_599 = arith.ori %sign3A_598, %sign3A_596 : vector<16x128xi32>
    %sign3A_600 = tpu.bitcast %sign3A_599 : vector<16x128xi32> -> vector<16x128xf32>
    %sign3A_601 = math.absf %sub3A_592 : vector<16x128xf32>
    %sign3A_602 = arith.constant 0.000000e+00 : f32
    %sign3A_603 = vector.broadcast %sign3A_602 : f32 to vector<16x128xf32>
    %sign3A_604 = arith.cmpf ogt, %sign3A_601, %sign3A_603 : vector<16x128xf32>
    %sign3A_605 = arith.select %sign3A_604, %sign3A_600, %sub3A_592 : vector<16x128xi1>, vector<16x128xf32>
    %add3A_606 = arith.constant 1.000000e+00 : f32
    %add3A_607 = vector.broadcast %add3A_606 : f32 to vector<16x128xf32>
    %add3A_608 = arith.addf %sign3A_605, %add3A_607 : vector<16x128xf32>
    %div3A_609 = arith.constant 2.000000e+00 : f32
    %div3A_610 = vector.broadcast %div3A_609 : f32 to vector<16x128xf32>
    %div3A_611 = arith.divf %add3A_608, %div3A_610 : vector<16x128xf32>
    %ceil3A_612 = math.ceil %div3A_611 : vector<16x128xf32>
    %abs3A_613 = math.absf %sub3A_592 : vector<16x128xf32>
    %sqrt3A_614 = math.sqrt %abs3A_613 : vector<16x128xf32>
    %add3A_615 = arith.addf %sub3A_585, %sqrt3A_614 : vector<16x128xf32>
    %div3A_616 = arith.constant 2.000000e+00 : f32
    %div3A_617 = vector.broadcast %div3A_616 : f32 to vector<16x128xf32>
    %div3A_618 = arith.divf %add3A_615, %div3A_617 : vector<16x128xf32>
    %sign3A_619 = tpu.bitcast %div3A_618 : vector<16x128xf32> -> vector<16x128xi32>
    %sign3A_620 = arith.constant -2147483648 : i32
    %sign3A_621 = vector.broadcast %sign3A_620 : i32 to vector<16x128xi32>
    %sign3A_622 = arith.andi %sign3A_619, %sign3A_621 : vector<16x128xi32>
    %sign3A_623 = arith.constant 1065353216 : i32
    %sign3A_624 = vector.broadcast %sign3A_623 : i32 to vector<16x128xi32>
    %sign3A_625 = arith.ori %sign3A_624, %sign3A_622 : vector<16x128xi32>
    %sign3A_626 = tpu.bitcast %sign3A_625 : vector<16x128xi32> -> vector<16x128xf32>
    %sign3A_627 = math.absf %div3A_618 : vector<16x128xf32>
    %sign3A_628 = arith.constant 0.000000e+00 : f32
    %sign3A_629 = vector.broadcast %sign3A_628 : f32 to vector<16x128xf32>
    %sign3A_630 = arith.cmpf ogt, %sign3A_627, %sign3A_629 : vector<16x128xf32>
    %sign3A_631 = arith.select %sign3A_630, %sign3A_626, %div3A_618 : vector<16x128xi1>, vector<16x128xf32>
    %abs3A_632 = math.absf %div3A_618 : vector<16x128xf32>
    %pow3A_633 = arith.constant 0.333333343 : f32
    %pow3A_634 = vector.broadcast %pow3A_633 : f32 to vector<16x128xf32>
    %pow3A_635 = math.powf %abs3A_632, %pow3A_634 : vector<16x128xf32>
    %mul3A_636 = arith.mulf %sign3A_631, %pow3A_635 : vector<16x128xf32>
    %div3A_637 = arith.divf %add3A_556, %mul3A_636 : vector<16x128xf32>
    %add3A_638 = arith.addf %mul3A_636, %div3A_637 : vector<16x128xf32>
    %mul3A_639 = arith.constant 3.000000e+00 : f32
    %mul3A_640 = vector.broadcast %mul3A_639 : f32 to vector<16x128xf32>
    %mul3A_641 = arith.mulf %mul3A_640, %add3A_467 : vector<16x128xf32>
    %div3A_642 = arith.divf %add3A_638, %mul3A_641 : vector<16x128xf32>
    %mul3A_643 = arith.constant 2.000000e+00 : f32
    %mul3A_644 = vector.broadcast %mul3A_643 : f32 to vector<16x128xf32>
    %mul3A_645 = arith.mulf %mul3A_644, %div3A_512 : vector<16x128xf32>
    %div3A_646 = arith.constant 3.000000e+00 : f32
    %div3A_647 = vector.broadcast %div3A_646 : f32 to vector<16x128xf32>
    %div3A_648 = arith.divf %mul3A_645, %div3A_647 : vector<16x128xf32>
    %sub3A_649 = arith.subf %div3A_642, %div3A_648 : vector<16x128xf32>
    %abs3A_650 = math.absf %sub3A_649 : vector<16x128xf32>
    %sqrt3A_651 = math.sqrt %abs3A_650 : vector<16x128xf32>
    %mul3A_652 = arith.constant 5.000000e-01 : f32
    %mul3A_653 = vector.broadcast %mul3A_652 : f32 to vector<16x128xf32>
    %mul3A_654 = arith.mulf %mul3A_653, %sqrt3A_651 : vector<16x128xf32>
    %mul3A_655 = arith.mulf %sub3A_585, %sub3A_585 : vector<16x128xf32>
    %div3A_656 = arith.constant 4.000000e+00 : f32
    %div3A_657 = vector.broadcast %div3A_656 : f32 to vector<16x128xf32>
    %div3A_658 = arith.divf %mul3A_655, %div3A_657 : vector<16x128xf32>
    %mul3A_659 = arith.mulf %add3A_556, %add3A_556 : vector<16x128xf32>
    %mul3A_660 = arith.mulf %mul3A_659, %add3A_556 : vector<16x128xf32>
    %div3A_661 = arith.divf %div3A_658, %mul3A_660 : vector<16x128xf32>
    %abs3A_662 = math.absf %div3A_661 : vector<16x128xf32>
    %sqrt3A_663 = math.sqrt %abs3A_662 : vector<16x128xf32>
    %min3A_664 = arith.constant 1.000000e+00 : f32
    %min3A_665 = vector.broadcast %min3A_664 : f32 to vector<16x128xf32>
    %min3A_666 = arith.minimumf %sqrt3A_663, %min3A_665 : vector<16x128xf32>
    %sub3A_667 = arith.constant 1.000000e+00 : f32
    %sub3A_668 = vector.broadcast %sub3A_667 : f32 to vector<16x128xf32>
    %sub3A_669 = arith.subf %sub3A_668, %min3A_666 : vector<16x128xf32>
    %add3A_670 = arith.constant 1.000000e+00 : f32
    %add3A_671 = vector.broadcast %add3A_670 : f32 to vector<16x128xf32>
    %add3A_672 = arith.addf %min3A_666, %add3A_671 : vector<16x128xf32>
    %mul3A_673 = arith.mulf %sub3A_669, %add3A_672 : vector<16x128xf32>
    %sqrt3A_674 = math.sqrt %mul3A_673 : vector<16x128xf32>
    %atan23A_675 = math.atan2 %sqrt3A_674, %min3A_666 : vector<16x128xf32>
    %abs3A_676 = math.absf %add3A_556 : vector<16x128xf32>
    %sqrt3A_677 = math.sqrt %abs3A_676 : vector<16x128xf32>
    %mul3A_678 = arith.constant 2.000000e+00 : f32
    %mul3A_679 = vector.broadcast %mul3A_678 : f32 to vector<16x128xf32>
    %mul3A_680 = arith.mulf %mul3A_679, %sqrt3A_677 : vector<16x128xf32>
    %div3A_681 = arith.constant 3.000000e+00 : f32
    %div3A_682 = vector.broadcast %div3A_681 : f32 to vector<16x128xf32>
    %div3A_683 = arith.divf %atan23A_675, %div3A_682 : vector<16x128xf32>
    %cos3A_684 = math.cos %div3A_683 : vector<16x128xf32>
    %mul3A_685 = arith.mulf %mul3A_680, %cos3A_684 : vector<16x128xf32>
    %mul3A_686 = arith.constant 3.000000e+00 : f32
    %mul3A_687 = vector.broadcast %mul3A_686 : f32 to vector<16x128xf32>
    %mul3A_688 = arith.mulf %mul3A_687, %add3A_467 : vector<16x128xf32>
    %div3A_689 = arith.divf %mul3A_685, %mul3A_688 : vector<16x128xf32>
    %mul3A_690 = arith.constant 2.000000e+00 : f32
    %mul3A_691 = vector.broadcast %mul3A_690 : f32 to vector<16x128xf32>
    %mul3A_692 = arith.mulf %mul3A_691, %div3A_512 : vector<16x128xf32>
    %div3A_693 = arith.constant 3.000000e+00 : f32
    %div3A_694 = vector.broadcast %div3A_693 : f32 to vector<16x128xf32>
    %div3A_695 = arith.divf %mul3A_692, %div3A_694 : vector<16x128xf32>
    %sub3A_696 = arith.subf %div3A_689, %div3A_695 : vector<16x128xf32>
    %abs3A_697 = math.absf %sub3A_696 : vector<16x128xf32>
    %sqrt3A_698 = math.sqrt %abs3A_697 : vector<16x128xf32>
    %mul3A_699 = arith.constant 5.000000e-01 : f32
    %mul3A_700 = vector.broadcast %mul3A_699 : f32 to vector<16x128xf32>
    %mul3A_701 = arith.mulf %mul3A_700, %sqrt3A_698 : vector<16x128xf32>
    %mul3A_702 = arith.mulf %ceil3A_612, %mul3A_654 : vector<16x128xf32>
    %sub3A_703 = arith.constant 1.000000e+00 : f32
    %sub3A_704 = vector.broadcast %sub3A_703 : f32 to vector<16x128xf32>
    %sub3A_705 = arith.subf %sub3A_704, %ceil3A_612 : vector<16x128xf32>
    %mul3A_706 = arith.mulf %sub3A_705, %mul3A_701 : vector<16x128xf32>
    %add3A_707 = arith.addf %mul3A_702, %mul3A_706 : vector<16x128xf32>
    %mul3A_708 = arith.mulf %add3A_707, %add3A_707 : vector<16x128xf32>
    %mul3A_709 = arith.constant -4.000000e+00 : f32
    %mul3A_710 = vector.broadcast %mul3A_709 : f32 to vector<16x128xf32>
    %mul3A_711 = arith.mulf %mul3A_710, %mul3A_708 : vector<16x128xf32>
    %mul3A_712 = arith.constant 2.000000e+00 : f32
    %mul3A_713 = vector.broadcast %mul3A_712 : f32 to vector<16x128xf32>
    %mul3A_714 = arith.mulf %mul3A_713, %div3A_512 : vector<16x128xf32>
    %sub3A_715 = arith.subf %mul3A_711, %mul3A_714 : vector<16x128xf32>
    %div3A_716 = arith.divf %div3A_532, %add3A_707 : vector<16x128xf32>
    %abs3A_717 = math.absf %div3A_716 : vector<16x128xf32>
    %add3A_718 = arith.addf %sub3A_715, %abs3A_717 : vector<16x128xf32>
    %abs3A_719 = math.absf %add3A_718 : vector<16x128xf32>
    %sqrt3A_720 = math.sqrt %abs3A_719 : vector<16x128xf32>
    %mul3A_721 = arith.constant 5.000000e-01 : f32
    %mul3A_722 = vector.broadcast %mul3A_721 : f32 to vector<16x128xf32>
    %mul3A_723 = arith.mulf %mul3A_722, %sqrt3A_720 : vector<16x128xf32>
    %mul3A_724 = arith.constant 4.000000e+00 : f32
    %mul3A_725 = vector.broadcast %mul3A_724 : f32 to vector<16x128xf32>
    %mul3A_726 = arith.mulf %mul3A_725, %add3A_467 : vector<16x128xf32>
    %div3A_727 = arith.divf %mul3A_473, %mul3A_726 : vector<16x128xf32>
    %sub3A_728 = arith.subf %mul3A_723, %div3A_727 : vector<16x128xf32>
    %mul3A_729 = arith.mulf %sign3A_545, %add3A_707 : vector<16x128xf32>
    %sub3A_730 = arith.subf %sub3A_728, %mul3A_729 : vector<16x128xf32>
    %sub3A_731 = arith.constant 1.000000e+00 : f32
    %sub3A_732 = vector.broadcast %sub3A_731 : f32 to vector<16x128xf32>
    %sub3A_733 = arith.subf %sub3A_732, %sub3A_730 : vector<16x128xf32>
    %mul3A_734 = arith.mulf %sub3A_733, %sub3A_730 : vector<16x128xf32>
    %lt3A_735 = arith.constant 0.000000e+00 : f32
    %lt3A_736 = vector.broadcast %lt3A_735 : f32 to vector<16x128xf32>
    %lt3A_737 = arith.cmpf olt, %mul3A_734, %lt3A_736 : vector<16x128xf32>
    %mul3A_738 = arith.mulf %add3A_707, %add3A_707 : vector<16x128xf32>
    %mul3A_739 = arith.constant -4.000000e+00 : f32
    %mul3A_740 = vector.broadcast %mul3A_739 : f32 to vector<16x128xf32>
    %mul3A_741 = arith.mulf %mul3A_740, %mul3A_738 : vector<16x128xf32>
    %mul3A_742 = arith.constant 2.000000e+00 : f32
    %mul3A_743 = vector.broadcast %mul3A_742 : f32 to vector<16x128xf32>
    %mul3A_744 = arith.mulf %mul3A_743, %div3A_512 : vector<16x128xf32>
    %sub3A_745 = arith.subf %mul3A_741, %mul3A_744 : vector<16x128xf32>
    %div3A_746 = arith.divf %div3A_532, %add3A_707 : vector<16x128xf32>
    %abs3A_747 = math.absf %div3A_746 : vector<16x128xf32>
    %sub3A_748 = arith.subf %sub3A_745, %abs3A_747 : vector<16x128xf32>
    %abs3A_749 = math.absf %sub3A_748 : vector<16x128xf32>
    %sqrt3A_750 = math.sqrt %abs3A_749 : vector<16x128xf32>
    %mul3A_751 = arith.constant 5.000000e-01 : f32
    %mul3A_752 = vector.broadcast %mul3A_751 : f32 to vector<16x128xf32>
    %mul3A_753 = arith.mulf %mul3A_752, %sqrt3A_750 : vector<16x128xf32>
    %mul3A_754 = arith.constant 4.000000e+00 : f32
    %mul3A_755 = vector.broadcast %mul3A_754 : f32 to vector<16x128xf32>
    %mul3A_756 = arith.mulf %mul3A_755, %add3A_467 : vector<16x128xf32>
    %div3A_757 = arith.divf %mul3A_473, %mul3A_756 : vector<16x128xf32>
    %sub3A_758 = arith.subf %mul3A_753, %div3A_757 : vector<16x128xf32>
    %mul3A_759 = arith.mulf %sign3A_545, %add3A_707 : vector<16x128xf32>
    %add3A_760 = arith.addf %sub3A_758, %mul3A_759 : vector<16x128xf32>
    %select_n3A_761 = arith.select %lt3A_737, %add3A_760, %sub3A_730 : vector<16x128xi1>, vector<16x128xf32>
    %mul3A_762 = arith.mulf %select_n3A_761, %select_n3A_761 : vector<16x128xf32>
    %jit3A_763 = arith.constant 1.000000e+00 : f32
    %broadcast_in_dim3A_764 = vector.broadcast %jit3A_763 : f32 to vector<16x128xf32>
    %select_n3A_765 = arith.select %ge3A_44, %mul3A_762, %broadcast_in_dim3A_764 : vector<16x128xi1>, vector<16x128xf32>
    %mul3A_766 = arith.constant -4.000000e-03 : f32
    %mul3A_767 = vector.broadcast %mul3A_766 : f32 to vector<16x128xf32>
    %mul3A_768 = arith.mulf %mul3A_767, %select_n3A_765 : vector<16x128xf32>
    %exp3A_769 = math.exp %mul3A_768 : vector<16x128xf32>
    %mul3A_770 = arith.mulf %select_n3A_765, %sub3A_54 : vector<16x128xf32>
    %mul3A_771 = arith.constant 4.000000e-03 : f32
    %mul3A_772 = vector.broadcast %mul3A_771 : f32 to vector<16x128xf32>
    %mul3A_773 = arith.mulf %mul3A_770, %mul3A_772 : vector<16x128xf32>
    %mul3A_774 = arith.constant 4.000000e-03 : f32
    %mul3A_775 = vector.broadcast %mul3A_774 : f32 to vector<16x128xf32>
    %mul3A_776 = arith.mulf %mul3A_775, %get3A_72 : vector<16x128xf32>
    %add3A_777 = arith.addf %mul3A_776, %mul3A_436 : vector<16x128xf32>
    %mul3A_778 = arith.mulf %exp3A_769, %add3A_777 : vector<16x128xf32>
    %add3A_779 = arith.addf %mul3A_773, %mul3A_778 : vector<16x128xf32>
    %swap3A = arith.constant 0 : index
    %swap3A_780 = arith.constant 0 : index
    %swap3A_781 = vector.load %arg11[%swap3A, %swap3A_780] : memref<16x128xf32, #tpu.memory_space<vmem>>, vector<16x128xf32>
    tpu.vector_store %arg11[%swap3A, %swap3A_780], %add3A_779 {strides = array<i32>} : memref<16x128xf32, #tpu.memory_space<vmem>>, vector<16x128xf32>,
    return
  }
  func.func @transform_0(%arg0: i32) -> (i32, i32, i32) {
    %c0_i32 = arith.constant 0 : i32
    %c0_i32_0 = arith.constant 0 : i32
    %c0_i32_1 = arith.constant 0 : i32
    return %c0_i32, %arg0, %c0_i32_0 : i32, i32, i32
  }
  func.func @transform_1(%arg0: i32) -> (i32, i32, i32) {
    %c0_i32 = arith.constant 0 : i32
    %c0_i32_0 = arith.constant 0 : i32
    %c0_i32_1 = arith.constant 0 : i32
    return %c0_i32, %arg0, %c0_i32_0 : i32, i32, i32
  }
  func.func @transform_2(%arg0: i32) -> (i32, i32) {
    %c0_i32 = arith.constant 0 : i32
    %c0_i32_0 = arith.constant 0 : i32
    %c0_i32_1 = arith.constant 0 : i32
    return %c0_i32, %c0_i32_0 : i32, i32
  }
  func.func @transform_3(%arg0: i32) -> (i32, i32) {
    %c0_i32 = arith.constant 0 : i32
    %c0_i32_0 = arith.constant 0 : i32
    return %arg0, %c0_i32 : i32, i32
  }
  func.func @transform_4(%arg0: i32) -> (i32, i32) {
    %c0_i32 = arith.constant 0 : i32
    %c0_i32_0 = arith.constant 0 : i32
    return %arg0, %c0_i32 : i32, i32
  }
  func.func @transform_5(%arg0: i32) -> (i32, i32) {
    %c0_i32 = arith.constant 0 : i32
    %c0_i32_0 = arith.constant 0 : i32
    return %arg0, %c0_i32 : i32, i32
  }
  func.func @transform_6(%arg0: i32) -> (i32, i32) {
    %c0_i32 = arith.constant 0 : i32
    %c0_i32_0 = arith.constant 0 : i32
    return %arg0, %c0_i32 : i32, i32
  }
  func.func @transform_7(%arg0: i32) -> (i32, i32) {
    %c0_i32 = arith.constant 0 : i32
    %c0_i32_0 = arith.constant 0 : i32
    return %arg0, %c0_i32 : i32, i32
  }
  func.func @transform_8(%arg0: i32) -> (i32, i32) {
    %c0_i32 = arith.constant 0 : i32
    %c0_i32_0 = arith.constant 0 : i32
    return %arg0, %c0_i32 : i32, i32
  }
  func.func @transform_9(%arg0: i32) -> (i32, i32) {
    %c0_i32 = arith.constant 0 : i32
    %c0_i32_0 = arith.constant 0 : i32
    return %arg0, %c0_i32 : i32, i32
  }
  func.func @transform_10(%arg0: i32) -> (i32, i32) {
    %c0_i32 = arith.constant 0 : i32
    %c0_i32_0 = arith.constant 0 : i32
    return %arg0, %c0_i32 : i32, i32
  }
}

</mosaic_0001>

<sc_bundles>
// kernel: kernel.5.cloned.1.call-start
scs
__scs_entry_jumppad:
0x0: {  	(pc) =	sbr.rel $0x88, $3  }
0x1: {  	(tag) =	ssettag $0x0;
	lr =	simm.s32 $0x1  }
0x2: {  	[smem:$0x3F9E] =	sst lr;
	_ =	strace $0xD0000000  }
0x3: {  	_ = 	snop  }
0x4: {  	_ = 	snop  }
0x5: {  	_ = 	snop  }
0x6: {  	_ = 	snop  }
0x7: {  	_ = 	snop  }
__scs_overlays_trampoline_lowered:
0x8: {  	[smem:$0x3FAD] =	sst s0  }
0x9: {  	[smem:$0x3FAE] =	sst s1  }
0xa: {  	[smem:$0x3FAF] =	sst s2  }
0xb: {  	[smem:$0x3FB0] =	sst s3  }
0xc: {  	[smem:$0x3FB1] =	sst s4  }
0xd: {  	[smem:$0x3FB2] =	sst s5  }
0xe: {  	[smem:$0x3FB3] =	sst s6  }
0xf: {  	[smem:$0x3FB4] =	sst s7  }
0x10: {  	[smem:$0x3FB5] =	sst s8  }
0x11: {  	[smem:$0x3FB6] =	sst s9;
	s0 =	simm.s32 @!p0 $0x0  }
0x12: {  	s1 =	sld [smem:$0x3F9C];
	s0 =	simm.s32 @p0 $0x1  }
0x13: {  	[smem:$0x3FB7] =	sst s0;
	s0 =	simm.s32 @!p1 $0x0  }
0x14: {  	s2 =	sld [smem:$0x3F9B];
	s0 =	simm.s32 @p1 $0x1  }
0x15: {  	[smem:$0x3FB8] =	sst s0;
	s0 =	simm.s32 @!p2 $0x0  }
0x16: {  	s3 =	sld [smem:$0x3FDB];
	s0 =	simm.s32 @p2 $0x1  }
0x17: {  	s4 =	simm.s32 $0x1BF5;
	[smem:$0x3FBA] =	sst s0  }
0x18: {  	s0 =	sld [smem:$0x3F9D];
	_ =	swait.ge [sflag:s4], $0x0  }
0x19: {  	s7 =	sld [smem:$0x3F9E]  }
0x1a: {  	s8 =	sadd.s32 $0xFFFFE003, lr  }
0x1b: {  	s9 =	sadd.s32 $0xFFFFFEF7, lr;
	s5 =	simm.s32 $0xFFFFFFFF;
	p2 =	slt.u32 s8, $0xFFFFF086  }
0x1c: {  	p1 =	slt.u32 s9, $0xF7A;
	s5 =	simm.s32 @!p2 $0x0  }
0x1d: {  	s5 =	simm.s32 @p1 $0x1;
	p0 =	seq.s32 s7, s2  }
0x1e: {  	s7 =	smul.u32 @!p0 $0xF7A, s2;
	p2 =	seq.s32 @!p0 s5, $0x0  }
0x1f: {  	s9 =	smul.u32 $0xF7A, s1;
	s8 =	simm.s32 @!p0 $0x1BF5;
	p2 =	por !p2, p0  }
0x20: {  	[sflag:s8] =	ssyncset.s32 @!p0 $0xFFFFF086;
	s6 =	sadd.s32 @!p0 s3, s7;
	s7 =	simm.s32 @!p0 $0x108  }
0x21: {  	s3 =	sadd.s32 s3, s9;
	s6 =	sadd.s32 @!p0 $0x88, s6;
	s7 =	simm.s32 @p2 $0x1082  }
0x22: {  	[simem:s7], [sflag:s8] =	dma.local @!p0 [hbm:s6], $0xF7A  }
0x23: {  	s9 =	sor.u32 $0xD0000000, s2;
	s6 =	simm.s32 $0x108;
	_ =	swait.ge @!p0 [sflag:s8], $0x0  }
0x24: {  	s3 =	sadd.s32 $0x88, s3;
	s6 =	simm.s32 @!p1 $0x1082;
	[sflag:s4] =	ssyncset.s32 $0xFFFFF086  }
0x25: {  	[simem:s6], [sflag:s4] =	dma.local [hbm:s3], $0xF7A  }
0x26: {  	[smem:$0x3F9E] =	sst s1;
	(tag) =	ssettag s2;
	_ =	strace s9  }
0x27: {  	s1 =	sld [smem:$0x3FAE]  }
0x28: {  	s2 =	sld [smem:$0x3FAF]  }
0x29: {  	s4 =	sld [smem:$0x3FB1]  }
0x2a: {  	p0 =	seq.s32 s5, $0x0;
	s5 =	sld [smem:$0x3FB2]  }
0x2b: {  	s6 =	sld [smem:$0x3FB3]  }
0x2c: {  	s7 =	sld [smem:$0x3FB4]  }
0x2d: {  	s3 =	simm.s32 $0x108;
	s8 =	sld [smem:$0x3FB5]  }
0x2e: {  	s3 =	simm.s32 @!p0 $0x1082;
	s9 =	sld [smem:$0x3FB6]  }
0x2f: {  	lr =	sadd.s32 s0, s3;
	s0 =	sld [smem:$0x3FAD]  }
0x30: {  	s3 =	sld [smem:$0x3FB0]  }
0x31: {  	[smem:$0x3FB9] =	sst s10  }
0x32: {  	s10 =	sld [smem:$0x3FB7];
	_ =	sdelay $0x3  }
0x33: {  	p0 =	seq.s32 s10, $0x1;
	s10 =	sld [smem:$0x3FB9];
	_ =	sdelay $0x3  }
0x34: {  	[smem:$0x3FB9] =	sst s10  }
0x35: {  	s10 =	sld [smem:$0x3FB8];
	_ =	sdelay $0x3  }
0x36: {  	p1 =	seq.s32 s10, $0x1;
	s10 =	sld [smem:$0x3FB9];
	_ =	sdelay $0x3  }
0x37: {  	[smem:$0x3FB9] =	sst s10  }
0x38: {  	s10 =	sld [smem:$0x3FBA]  }
0x39: {  	_ = 	snop;
	(pc) =	sbr.ind lr, $3  }
0x3a: {  	_ = 	snop  }
0x3b: {  	_ = 	snop  }
0x3c: {  	p2 =	seq.s32 s10, $0x1;
	s10 =	sld [smem:$0x3FB9]  }
0x3d: {  	_ =	shalt  }
0x3e: {  	_ =	shalt  }
0x3f: {  	_ =	shalt  }
0x40: {  	_ =	shalt  }
0x41: {  	_ =	shalt  }
0x42: {  	_ =	shalt  }
0x43: {  	_ =	shalt  }
0x44: {  	_ =	shalt  }
0x45: {  	_ =	shalt  }
0x46: {  	_ =	shalt  }
0x47: {  	_ =	shalt  }
0x48: {  	_ =	shalt  }
0x49: {  	_ =	shalt  }
0x4a: {  	_ =	shalt  }
0x4b: {  	_ =	shalt  }
0x4c: {  	_ =	shalt  }
0x4d: {  	_ =	shalt  }
0x4e: {  	_ =	shalt  }
0x4f: {  	_ =	shalt  }
0x50: {  	_ =	shalt  }
0x51: {  	_ =	shalt  }
0x52: {  	_ =	shalt  }
0x53: {  	_ =	shalt  }
0x54: {  	_ =	shalt  }
0x55: {  	_ =	shalt  }
0x56: {  	_ =	shalt  }
0x57: {  	_ =	shalt  }
0x58: {  	_ =	shalt  }
0x59: {  	_ =	shalt  }
0x5a: {  	_ =	shalt  }
0x5b: {  	_ =	shalt  }
0x5c: {  	_ =	shalt  }
0x5d: {  	_ =	shalt  }
0x5e: {  	_ =	shalt  }
0x5f: {  	_ =	shalt  }
0x60: {  	_ =	shalt  }
0x61: {  	_ =	shalt  }
0x62: {  	_ =	shalt  }
0x63: {  	_ =	shalt  }
0x64: {  	_ =	shalt  }
0x65: {  	_ =	shalt  }
0x66: {  	_ =	shalt  }
0x67: {  	_ =	shalt  }
0x68: {  	_ =	shalt  }
0x69: {  	_ =	shalt  }
0x6a: {  	_ =	shalt  }
0x6b: {  	_ =	shalt  }
0x6c: {  	_ =	shalt  }
0x6d: {  	_ =	shalt  }
0x6e: {  	_ =	shalt  }
0x6f: {  	_ =	shalt  }
0x70: {  	_ =	shalt  }
0x71: {  	_ =	shalt  }
0x72: {  	_ =	shalt  }
0x73: {  	_ =	shalt  }
0x74: {  	_ =	shalt  }
0x75: {  	_ =	shalt  }
0x76: {  	_ =	shalt  }
0x77: {  	_ =	shalt  }
0x78: {  	_ =	shalt  }
0x79: {  	_ =	shalt  }
0x7a: {  	_ =	shalt  }
0x7b: {  	_ =	shalt  }
0x7c: {  	_ =	shalt  }
0x7d: {  	_ =	shalt  }
0x7e: {  	_ =	shalt  }
0x7f: {  	_ =	shalt  }
0x80: {  	_ =	shalt  }
0x81: {  	_ =	shalt  }
0x82: {  	_ =	shalt  }
0x83: {  	_ =	shalt  }
0x84: {  	_ =	shalt  }
0x85: {  	_ =	shalt  }
0x86: {  	_ =	shalt  }
0x87: {  	_ =	shalt  }
.Lfunc_end0:
.L_simem_size_0:
called_computation_lowered:
.L_overlay_start_0:
0x88: {  	s2 =	sld [smem:$0x3FD9]  }
0x89: {  	s3 =	sld [smem:$0x3FFE];
	_ =	sdelay $0x1  }
0x8a: {  	s1 =	srdreg.scid  }
0x8b: {  	s0 =	sand.u32 $0x1, s1  }
0x8c: {  	s17 =	sshll.u32 s0, $0xA;
	s2 =	sadd.s32 s3, s2  }
0x8d: {  	s2 =	sadd.s32 s2, s17  }
0x8e: {  	[smem:$0x3FC5] =	sst s2  }
0x8f: {  	_ = 	snop  }
0x90: {  	s2 =	sld [smem:$0x3FC9]  }
0x91: {  	s18 =	sld [smem:$0x3FD0];
	(tm) =	ssettm $0x1  }
0x92: {  	s4 =	sld [smem:$0x3FFB];
	_ =	sdelay $0x3  }
0x93: {  	_ =	strace s4  }
0x94: {  	s4 =	sld [smem:$0x3FFC];
	_ =	sdelay $0x3  }
0x95: {  	_ =	strace s4  }
0x96: {  	s4 =	sld [smem:$0x3FFD];
	_ =	sdelay $0x3  }
0x97: {  	_ =	strace s4  }
0x98: {  	_ =	strace $0x8FFFFFFF  }
0x99: {  	s19 =	sld [smem:$0x3FDB];
	_ =	sdelay $0x1  }
0x9a: {  	s5 =	simm.s32 $_scs_section_size  }
0x9b: {  	s6 =	simm.s32 $_size__tile_overlayer_lowered;
	s7 =	simm.s32 $_tile_overlayer_lowered  }
0x9c: {  	s22 =	simm.s32 $0x1BFF;
	s21 =	sshll.u32 s7, $0x1;
	s4 =	sadd.s32 s5, s19  }
0x9d: {  	s8 =	simm.s32 $0x0;
	s20 =	sshll.u32 s6, $0x1;
	s6 =	sadd.s32 s21, s4  }
0x9e: {  	[timem:s8], [sflag:s22] =	dma.local [hbm:s6], s20  }
0x9f: {  	_ =	swait.ge [sflag:s22], s20  }
0xa0: {  	s5 =	ssub.s32 $0x0, s20;
	[sflag:s22] =	ssyncset.done $0x0  }
0xa1: {  	[sflag:s22] =	ssyncadd.s32 s5;
	_ =	sdelay $0x1  }
0xa2: {  	s23 =	simm.s32 $0x1B8B  }
0xa3: {  	_ =	swait.ge [sflag:s23], $0x1  }
0xa4: {  	[sflag:s23] =	ssyncset.done $0x0  }
0xa5: {  	s25 =	simm.s32 $0x1B8E;
	s24 =	sld [smem:$0x3FFE];
	[sflag:s23] =	ssyncadd.s32 $0xFFFFFFFF  }
0xa6: {  	s26 =	simm.s32 $execute0_lowered;
	[smem:$0x3FD2] =	sst s25  }
0xa7: {  	s6 =	sshll.u32 s26, $0x1;
	_ =	strace $0x80000046;
	[dreg:$0x1] =	wrdreg $0xFFFFFFFF  }
0xa8: {  	s28 =	simm.s32 $_size_execute0_lowered;
	s4 =	sadd.s32 s4, s6;
	[dreg:$0x0] =	wrdreg $0x0  }
0xa9: {  	s6 =	sshll.u32 s28, $0x1;
	[dreg:$0x2] =	wrdreg s4  }
0xaa: {  	[dreg:$0x3] =	wrdreg s6  }
0xab: {  	[dreg:$0x4] =	wrdreg $0xC0  }
0xac: {  	_ =	task [dreg:s8], $0x5FFFF  }
0xad: {  	[dreg:$0x1] =	wrdreg $0xFFFFFFFF  }
0xae: {  	[dreg:$0x0] =	wrdreg $0x60  }
0xaf: {  	[dreg:$0x2] =	wrdreg s2  }
0xb0: {  	[dreg:$0x3] =	wrdreg s24  }
0xb1: {  	[dreg:$0x4] =	wrdreg s18  }
0xb2: {  	[dreg:$0x5] =	wrdreg $0x9  }
0xb3: {  	_ =	task.clear_ibuf [dreg:s8], $0x6FFFF;
	_ =	strace $0x90000046  }
0xb4: {  	s29 =	simm.s32 $0x9;
	_ =	strace $0x80000048  }
0xb5: {  	_ =	swait.ge [sflag:s29], $0x1  }
0xb6: {  	[sflag:s29] =	ssyncadd.s32 $0xFFFFFFFF  }
0xb7: {  	_ =	strace $0x90000048  }
0xb8: {  	_ =	sfence  }
0xb9: {  	s30 =	sld [smem:$0x0];
	_ =	sdelay $0x2  }
0xba: {  	s31 =	sshll.u32 s1, $0xD;
	s1 =	sshrl.u32 s1, $0x2  }
0xbb: {  	s3 =	sand.u32 $0x4000, s31;
	s1 =	sadd.s32 s1, s30  }
0xbc: {  	s0 =	sor.u32 s3, s0;
	s1 =	sshll.u32 s1, $0x11  }
0xbd: {  	s0 =	sor.u32 s1, s0  }
0xbe: {  	s0 =	sadd.s32 $0x8F2B, s0  }
0xbf: {  	[sflag:s0] =	ssyncadd.remote.s32 $0x1  }
0xc0: {  	_ =	sfence.sel $0xFFFF  }
0xc1: {  	[dreg:$0x0] =	wrdreg $0xFFFFFFFF;
	(pc) =	sbr.abs _section_cstart, $3  }
0xc2: {  	[dreg:$0x1] =	wrdreg $0xFFFFFFFF  }
0xc3: {  	_ =	task.clear_ibuf [dreg:s8], $0x2FFFF;
	_ =	strace $0x9FFFFFFF  }
0xc4: {  	(tm) =	ssettm $0x7FFFFFFF  }
0xc5: {  	_ =	shalt  }
tec
execute0_lowered:
.L_overlay_start_1:
0x0: {  	(tag) =	ssettag $0x1  }
0x1: {  	s0 =	rddreg [dreg:$0x0]  }
0x2: {  	s2 =	rddreg [dreg:$0x1]  }
0x3: {  	s3 =	rddreg [dreg:$0x2]  }
0x4: {  	s1 =	simm.s32 $0x0;
	s7 =	srdreg.scid;
	s13 =	stileid.u32  }
0x5: {  	s30 =	simm.s32 $0xE680;
	s31 =	simm.s32 $0xE880;
	[smem:$0x7FF] =	sst s1  }
0x6: {  	s4 =	sadd.s32 $0x1C00, s2;
	s5 =	sadd.s32 $0xE1C00, s2;
	s16 =	sadd.s32 $0xE1E00, s2  }
0x7: {  	s6 =	sadd.s32 $0xE2E00, s2;
	s7 =	sand.u32 $0x1, s7;
	s13 =	sshll.u32 s13, $0xB  }
0x8: {  	_ =	strace $0x80000047;
	s11 =	ssub.s32 $0x2, s7;
	s7 =	sshll.u32 s7, $0xA  }
0x9: {  	[dreg:$0x4] =	wrdreg s5;
	s12 =	sshrl.u32 s11, $0x1;
	s7 =	sor.u32 s7, s13  }
0xa: {  	s22 =	ssub.s32 s11, s12;
	s17 =	sadd.s32 s4, s7;
	s18 =	sshrl.u32 s7, $0x2  }
0xb: {  	s19 =	sshrl.u32 s7, $0x3;
	[dreg:$0x5] =	wrdreg s17;
	s11 =	sadd.s32 s0, s18  }
0xc: {  	s8 =	sadd.s32 $0xE3E00, s2;
	s20 =	sadd.s32 s3, s19;
	[dreg:$0x6] =	wrdreg s11  }
0xd: {  	s9 =	sadd.s32 $0xE4E00, s2;
	s21 =	sadd.s32 s16, s19;
	[dreg:$0x7] =	wrdreg s20  }
0xe: {  	s10 =	sadd.s32 $0xE5E00, s2;
	s23 =	sadd.s32 s6, s19;
	[dreg:$0x8] =	wrdreg s21  }
0xf: {  	s2 =	sadd.s32 $0xE6E00, s2;
	s24 =	sadd.s32 s8, s19;
	[dreg:$0x9] =	wrdreg s23  }
0x10: {  	s7 =	sshrl.u32 s7, $0x7;
	s25 =	sadd.s32 s9, s19;
	[dreg:$0xa] =	wrdreg s24  }
0x11: {  	s26 =	sadd.s32 s10, s19;
	s7 =	sor.u32 $0x4, s7;
	[dreg:$0xb] =	wrdreg s25  }
0x12: {  	s12 =	sadd.s32 s2, s19;
	s22 =	smax.u32 s22, $0x1;
	[dreg:$0xc] =	wrdreg s26  }
0x13: {  	s28 =	sshll.u32 s7, $0x7;
	s14 =	sshll.u32 s7, $0x5;
	s29 =	sshll.u32 s7, $0x4  }
0x14: {  	s24 =	simm.s32 $0x1;
	s23 =	simm.s32 $0xEE80;
	s13 =	sadd.s32 s4, s28  }
0x15: {  	s14 =	sadd.s32 s0, s14;
	s15 =	sadd.s32 s3, s29;
	s16 =	sadd.s32 s16, s29  }
0x16: {  	s17 =	sadd.s32 s6, s29;
	s18 =	sadd.s32 s8, s29;
	s19 =	sadd.s32 s9, s29  }
0x17: {  	s20 =	sadd.s32 s10, s29;
	s21 =	sadd.s32 s2, s29;
	s0 =	simm.s32 $0xEA80  }
0x18: {  	v0 =	vimm.f32 $0.0e+00;
	s3 =	simm.s32 $0xEC80;
	s2 =	simm.s32 $0xF080;
	s4 =	simm.s32 $0x0  }
.LBB2_1:
0x19: {  	s5 =	rddreg [dreg:$0x4];
	s6 =	simm.s32 $0xE400  }
0x1a: {  	[tilespmem:s6], [sflag:$0x1] =	stream.linear.gather [hbm4b:s5+s1], $0x80, $0x38;
	[tilespmem:$0xF280] =	vst v63  }
0x1b: {  	_ =	swait.ge [sflag:s24], $0x80  }
0x1c: {  	[sflag:s24] =	ssyncset.done $0x0  }
0x1d: {  	[sflag:s24] =	ssyncadd.s32 $0xFFFFFF80  }
0x1e: {  	s26 =	simm.s32 $0x1000;
	s7 =	simm.s32 $0x80000;
	s25 =	rddreg [dreg:$0x5];
	v1 =	vld [tilespmem:$0xE400]  }
0x1f: {  	[tilespmem:s1], [sflag:$0x1] =	stream.strided.gather [hbm4b:s25+s26], $0xE000, s7, s26, $0x38;
	[tilespmem:$0xF280] =	vst v63  }
0x20: {  	_ =	swait.ge [sflag:s24], $0xE000  }
0x21: {  	[sflag:s24] =	ssyncset.done $0x0  }
0x22: {  	s29 =	simm.s32 $0xE000;
	s28 =	rddreg [dreg:$0x6];
	[sflag:s24] =	ssyncadd.s32 $0xFFFF2000  }
0x23: {  	[tilespmem:s29], [sflag:$0x1] =	stream.linear.gather [hbm4b:s28+s1], $0x400, $0x38;
	v2 =	vmul.f32 v1, v1;
	[tilespmem:$0xF280] =	vst v63  }
0x24: {  	_ =	swait.ge [sflag:s24], $0x400  }
0x25: {  	[sflag:s24] =	ssyncset.done $0x0;
	v2 =	vadd.f32 $2.000000000e+00, v2  }
0x26: {  	s5 =	simm.s32 $0x0;
	[sflag:s24] =	ssyncadd.s32 $0xFFFFFC00  }
.LBB2_2:
0x27: {  	s6 =	sshll.u32 s5, $0x4;
	s7 =	sshll.u32 s5, $0x7  }
0x28: {  	s25 =	sand.u32 $0x60, s6;
	s7 =	sand.u32 $0x7FFFFC00, s7  }
0x29: {  	s8 =	sshrl.u32 s7, $0x2;
	v3 =	vmov s25  }
0x2a: {  	s9 =	simm.s32 $0x200;
	s8 =	sadd.s32 $0xE000, s8  }
0x2b: {  	s26 =	simm.s32 $0x80;
	s9 =	sand.u32 $0x7000, s9;
	s10 =	sor.u32 s25, s8  }
0x2c: {  	s26 =	sand.u32 $0x380, s26;
	s9 =	sadd.s32 s7, s9;
	v4 =	vld [tilespmem:s10+$0x0]  }
0x2d: {  	s9 =	sadd.s32 s26, s9;
	v15 =	vld [tilespmem:s10+$0x80]  }
0x2e: {  	v5 =	vld.idx.msk [tilespmem:v3+s9+$0x0 ss:$0x1], $0xffff  }
0x2f: {  	v6 =	vld.idx.msk [tilespmem:v3+s9+$0x7000 ss:$0x1], $0xffff;
	_ =	sdelay $0x3  }
0x30: {  	v7 =	vmul.f32 v4, v1;
	v8 =	vmul.f32 v15, v1  }
0x31: {  	v10 =	vmul.f32 $1.414213540e+00, v5;
	v17 =	vmul.f32 $1.414213540e+00, v6  }
0x32: {  	v5 =	vmul.f32 $4.000000190e-03, v7;
	v6 =	vmul.f32 $4.000000190e-03, v8;
	_ =	sdelay $0x1  }
0x33: {  	v7 =	vadd.f32 v10, v5;
	v8 =	vadd.f32 v17, v6;
	_ =	sdelay $0x1  }
0x34: {  	v7 =	vadd.f32 v7, v4;
	v8 =	vadd.f32 v8, v15  }
0x35: {  	s28 =	simm.s32 $0x400  }
0x36: {  	s10 =	sand.u32 $0xF000, s28;
	s9 =	simm.s32 $0x100;
	v7 =	vmul.f32 v7, v7;
	v8 =	vmul.f32 v8, v8  }
0x37: {  	s10 =	sadd.s32 s7, s10;
	s29 =	sand.u32 $0x380, s9  }
0x38: {  	s10 =	sadd.s32 s29, s10;
	v7 =	vadd.f32 v8, v7  }
0x39: {  	v12 =	vld.idx.msk [tilespmem:v3+s10+$0x7000 ss:$0x1], $0xffff  }
0x3a: {  	v8 =	vld.idx.msk [tilespmem:v3+s10+$0x0 ss:$0x1], $0xffff;
	vm0 =	vlt.f32 v7, $1.000000000e+00  }
0x3b: {  	v9 =	vimm.f32 $1.000000000e+00;
	v5 =	vadd.f32 v5, v4;
	v7 =	vsel vm0, $0x3F800000, v0  }
0x3c: {  	v6 =	vadd.f32 v6, v15;
	v11 =	vmul.f32 v7, v9  }
0x3d: {  	v13 =	vadd.f32 v10, v5  }
0x3e: {  	v14 =	vimm.f32 $0.0e+00;
	v16 =	vadd.f32 v17, v6;
	v18 =	vsub.f32 v9, v11  }
0x3f: {  	v5 =	vmul.f32 $1.414213540e+00, v12;
	v7 =	vmul.f32 $1.414213540e+00, v8;
	vm0 =	vgt.f32 v11, $0.0e+00  }
0x40: {  	v6 =	vsel vm0, v13, v4;
	v8 =	vsel vm0, v16, v15;
	v13 =	vadd.f32 v18, v14  }
0x41: {  	v16 =	vmul.f32 v6, v1;
	v20 =	vmul.f32 v8, v1;
	vm0 =	vgt.f32 v18, $0.0e+00  }
0x42: {  	v18 =	vmul.f32 v6, v6;
	v21 =	vmul.f32 v8, v8;
	v12 =	vsel vm0, v9, v14  }
0x43: {  	v15 =	vsel vm0, v15, v14;
	v19 =	vmul.f32 $4.000000190e-03, v16;
	v20 =	vmul.f32 $4.000000190e-03, v20  }
0x44: {  	v16 =	vsel vm0, v10, v14;
	v10 =	vsel vm0, v17, v14;
	v18 =	vadd.f32 v21, v18  }
0x45: {  	s26 =	simm.s32 $0x1;
	s10 =	simm.s32 $0x800;
	v17 =	vimm.f32 $0.0e+00;
	v21 =	vadd.f32 v19, v7;
	v22 =	vadd.f32 v20, v5  }
.LBB2_3:
0x46: {  	s28 =	sadd.s32 $0xFFFFFE00, s10;
	v18 =	vmul.f32 v18, v2;
	v19 =	vadd.f32 v19, v6;
	v20 =	vadd.f32 v20, v8;
	s9 =	sadd.s32 $0x100, s9  }
0x47: {  	v14 =	vsel vm0, v4, v14;
	s28 =	sand.u32 $0x7000, s28;
	s11 =	sadd.s32 $0xFFFFFF80, s9;
	v4 =	vadd.f32 v21, v6;
	v21 =	vadd.f32 v22, v8  }
0x48: {  	s11 =	sand.u32 $0x380, s11;
	s28 =	sadd.s32 s7, s28;
	v18 =	vadd.f32 $-4.000000000e+00, v18;
	v20 =	vadd.f32 v20, v5  }
0x49: {  	s11 =	sadd.s32 s11, s28;
	v4 =	vmul.f32 v4, v4;
	v21 =	vmul.f32 v21, v21  }
0x4a: {  	v22 =	vld.idx.msk [tilespmem:v3+s11+$0x0 ss:$0x1], $0xffff;
	v18 =	vmul.f32 v18, v9  }
0x4b: {  	s26 =	sadd.s32 $0x2, s26;
	v23 =	vld.idx.msk [tilespmem:v3+s11+$0x7000 ss:$0x1], $0xffff;
	v4 =	vadd.f32 v21, v4  }
0x4c: {  	p0 =	slt.u32 s26, $0x2F;
	v18 =	vmul.f32 v18, v11  }
0x4d: {  	vm0 =	vlt.f32 v4, $1.000000000e+00  }
0x4e: {  	v17 =	vadd.f32 v18, v17;
	v4 =	vsel vm0, $0x3F800000, v0  }
0x4f: {  	v18 =	vmul.f32 v4, v11  }
0x50: {  	v21 =	vmul.f32 $1.414213540e+00, v22;
	v4 =	vadd.f32 v19, v7  }
0x51: {  	v22 =	vmul.f32 $1.414213540e+00, v23;
	v11 =	vsub.f32 v11, v18;
	vm0 =	vgt.f32 v18, $0.0e+00  }
0x52: {  	v9 =	vmul.f32 $9.960079780e-01, v9;
	v4 =	vsel vm0, v4, v6;
	v23 =	vsel vm0, v20, v8  }
0x53: {  	v19 =	vmul.f32 v4, v1;
	v20 =	vmul.f32 v23, v1;
	v13 =	vadd.f32 v11, v13  }
0x54: {  	vm0 =	vgt.f32 v11, $0.0e+00;
	v11 =	vmul.f32 v4, v4;
	v24 =	vmul.f32 v23, v23  }
0x55: {  	v12 =	vsel vm0, v9, v12;
	v19 =	vmul.f32 $4.000000190e-03, v19;
	v20 =	vmul.f32 $4.000000190e-03, v20  }
0x56: {  	v16 =	vsel vm0, v7, v16;
	v10 =	vsel vm0, v5, v10;
	v5 =	vadd.f32 v24, v11  }
0x57: {  	v15 =	vsel vm0, v8, v15;
	v7 =	vadd.f32 v21, v19;
	v11 =	vadd.f32 v22, v20  }
0x58: {  	v8 =	vadd.f32 v19, v4;
	v19 =	vadd.f32 v20, v23;
	v5 =	vmul.f32 v5, v2  }
0x59: {  	s11 =	sand.u32 $0xF000, s10;
	v14 =	vsel vm0, v6, v14;
	v7 =	vadd.f32 v7, v4;
	v11 =	vadd.f32 v11, v23  }
0x5a: {  	s28 =	sand.u32 $0x380, s9;
	s11 =	sadd.s32 s7, s11;
	v5 =	vadd.f32 $-4.000000000e+00, v5  }
0x5b: {  	s11 =	sadd.s32 s28, s11;
	v6 =	vmul.f32 v7, v7;
	v7 =	vmul.f32 v11, v11  }
0x5c: {  	v5 =	vmul.f32 v5, v9;
	v20 =	vld.idx.msk [tilespmem:v3+s11+$0x0 ss:$0x1], $0xffff  }
0x5d: {  	v6 =	vadd.f32 v7, v6;
	v24 =	vld.idx.msk [tilespmem:v3+s11+$0x7000 ss:$0x1], $0xffff  }
0x5e: {  	v5 =	vmul.f32 v5, v18  }
0x5f: {  	vm0 =	vlt.f32 v6, $1.000000000e+00  }
0x60: {  	v17 =	vadd.f32 v5, v17;
	v6 =	vsel vm0, $0x3F800000, v0  }
0x61: {  	v11 =	vmul.f32 v6, v18  }
0x62: {  	v6 =	vadd.f32 v21, v8;
	v8 =	vadd.f32 v22, v19;
	v7 =	vmul.f32 $1.414213540e+00, v20  }
0x63: {  	v5 =	vmul.f32 $1.414213540e+00, v24;
	v18 =	vsub.f32 v18, v11;
	vm0 =	vgt.f32 v11, $0.0e+00  }
0x64: {  	v9 =	vmul.f32 $9.960079780e-01, v9;
	v6 =	vsel vm0, v6, v4;
	v8 =	vsel vm0, v8, v23  }
.Ltmp0:
0x65: {  	v13 =	vadd.f32 v18, v13;
	v19 =	vmul.f32 v6, v1;
	v20 =	vmul.f32 v8, v1;
	(pc) =	sbr.rel @p0 .LBB2_3-.Ltmp0, $4  }
0x66: {  	vm0 =	vgt.f32 v18, $0.0e+00;
	v18 =	vmul.f32 v6, v6;
	v24 =	vmul.f32 v8, v8  }
0x67: {  	v12 =	vsel vm0, v9, v12;
	v19 =	vmul.f32 $4.000000190e-03, v19;
	v20 =	vmul.f32 $4.000000190e-03, v20  }
0x68: {  	v16 =	vsel vm0, v21, v16;
	v10 =	vsel vm0, v22, v10;
	v18 =	vadd.f32 v24, v18  }
0x69: {  	s10 =	sadd.s32 $0x400, s10;
	v15 =	vsel vm0, v23, v15;
	v21 =	vadd.f32 v19, v7;
	v22 =	vadd.f32 v20, v5  }
0x6a: {  	_ = 	snop  }
0x6b: {  	v3 =	vadd.f32 v21, v6;
	v21 =	vadd.f32 v22, v8;
	_ =	sdelay $0x1  }
0x6c: {  	v3 =	vmul.f32 v3, v3;
	v21 =	vmul.f32 v21, v21;
	_ =	sdelay $0x1  }
0x6d: {  	v3 =	vadd.f32 v21, v3  }
0x6e: {  	s9 =	sadd.s32 $0xD080, s7  }
0x6f: {  	s26 =	sadd.s32 $0x6080, s7;
	s11 =	sadd.s32 s25, s9;
	vm1 =	vlt.f32 v3, $1.000000000e+00  }
0x70: {  	s10 =	sadd.s32 s25, s26;
	v22 =	vld [tilespmem:s11+$0x0];
	v3 =	vadd.f32 v19, v6;
	v19 =	vadd.f32 v20, v8;
	v20 =	vsel vm1, $0x3F800000, v0  }
0x71: {  	v21 =	vld [tilespmem:s10+$0x0];
	v20 =	vmul.f32 v20, v11  }
0x72: {  	v19 =	vadd.f32 v19, v5;
	v3 =	vadd.f32 v3, v7  }
0x73: {  	vm1 =	vgt.f32 v20, $0.0e+00  }
0x74: {  	v23 =	vsel vm1, v3, v6;
	v19 =	vsel vm1, v19, v8  }
0x75: {  	v3 =	vmul.f32 v23, v1;
	v24 =	vmul.f32 v19, v1  }
0x76: {  	v22 =	vmul.f32 $1.414213540e+00, v22;
	v21 =	vmul.f32 $1.414213540e+00, v21  }
0x77: {  	v25 =	vmul.f32 $4.000000190e-03, v3;
	v24 =	vmul.f32 $4.000000190e-03, v24;
	_ =	sdelay $0x1  }
0x78: {  	v3 =	vadd.f32 v21, v25;
	v26 =	vadd.f32 v22, v24;
	_ =	sdelay $0x1  }
0x79: {  	v3 =	vadd.f32 v3, v23;
	v26 =	vadd.f32 v26, v19  }
0x7a: {  	v18 =	vmul.f32 v18, v2  }
0x7b: {  	v3 =	vmul.f32 v3, v3;
	v26 =	vmul.f32 v26, v26  }
0x7c: {  	v18 =	vadd.f32 $-4.000000000e+00, v18  }
0x7d: {  	v3 =	vadd.f32 v26, v3  }
0x7e: {  	v18 =	vmul.f32 v18, v9  }
0x7f: {  	v9 =	vmul.f32 $9.960079780e-01, v9;
	vm1 =	vlt.f32 v3, $1.000000000e+00;
	v3 =	vimm.f32 $0.0e+00  }
0x80: {  	v25 =	vadd.f32 v25, v23;
	v24 =	vadd.f32 v24, v19;
	v62 =	vsel vm1, $0x3F800000, v3  }
0x81: {  	v27 =	vmul.f32 v23, v23;
	v26 =	vmul.f32 v62, v20  }
0x82: {  	v28 =	vmul.f32 v19, v19;
	v25 =	vadd.f32 v21, v25;
	v24 =	vadd.f32 v22, v24  }
0x83: {  	v18 =	vmul.f32 v18, v11;
	v11 =	vsub.f32 v11, v20;
	vm1 =	vgt.f32 v26, $0.0e+00  }
0x84: {  	v27 =	vadd.f32 v28, v27;
	v25 =	vsel vm1, v25, v23;
	v24 =	vsel vm1, v24, v19  }
0x85: {  	v4 =	vsel vm0, v4, v14;
	v14 =	vmul.f32 v25, v25;
	v63 =	vmul.f32 v24, v24  }
0x86: {  	v17 =	vadd.f32 v18, v17;
	vm0 =	vgt.f32 v11, $0.0e+00;
	v18 =	vmul.f32 v27, v2  }
0x87: {  	v13 =	vadd.f32 v11, v13;
	v7 =	vsel vm0, v7, v16;
	v11 =	vadd.f32 v63, v14  }
0x88: {  	v8 =	vsel vm0, v8, v15;
	v16 =	vsub.f32 v20, v26;
	v14 =	vadd.f32 $-4.000000000e+00, v18  }
0x89: {  	v4 =	vsel vm0, v6, v4;
	v12 =	vsel vm0, v9, v12;
	v6 =	vmul.f32 v11, v2  }
0x8a: {  	v5 =	vsel vm0, v5, v10;
	v11 =	vadd.f32 v16, v13;
	v13 =	vmul.f32 v14, v9  }
0x8b: {  	vm1 =	vgt.f32 v16, $0.0e+00;
	v9 =	vmul.f32 $9.960079780e-01, v9;
	v6 =	vadd.f32 $-4.000000000e+00, v6  }
0x8c: {  	v4 =	vsel vm1, v23, v4;
	v5 =	vsel vm1, v22, v5;
	v13 =	vmul.f32 v13, v20  }
0x8d: {  	v8 =	vsel vm1, v19, v8;
	[tilespmem:s6+$0xEA80] =	vst v5;
	vm2 =	vgt.f32 v11, $0.0e+00;
	v6 =	vmul.f32 v6, v9  }
0x8e: {  	[tilespmem:s6+$0xF080] =	vst v11;
	v4 =	vsel vm2, v4, v25;
	v8 =	vsel vm2, v8, v24;
	v10 =	vadd.f32 v13, v17  }
0x8f: {  	[tilespmem:s6+$0xE480] =	vst v4;
	v4 =	vsel vm1, v21, v7;
	v7 =	vmul.f32 $9.960079780e-01, v9;
	v6 =	vmul.f32 v6, v26  }
0x90: {  	s25 =	sor.u32 $0x10, s25;
	[tilespmem:s6+$0xE680] =	vst v8;
	v8 =	vsel vm1, v9, v12  }
0x91: {  	v5 =	vmov s25;
	[tilespmem:s6+$0xE880] =	vst v4;
	v4 =	vadd.f32 v6, v10;
	v6 =	vsel vm2, v8, v7  }
0x92: {  	s29 =	simm.s32 $0x200;
	[tilespmem:s6+$0xEC80] =	vst v6  }
0x93: {  	s8 =	sadd.s32 s25, s8;
	s11 =	simm.s32 $0x80;
	s10 =	sand.u32 $0x7000, s29;
	[tilespmem:s6+$0xEE80] =	vst v4  }
0x94: {  	s11 =	sand.u32 $0x380, s11;
	s10 =	sadd.s32 s7, s10;
	v4 =	vld [tilespmem:s8+$0x0]  }
0x95: {  	s10 =	sadd.s32 s11, s10;
	v15 =	vld [tilespmem:s8+$0x80]  }
0x96: {  	v6 =	vld.idx.msk [tilespmem:v5+s10+$0x0 ss:$0x1], $0xffff  }
0x97: {  	v7 =	vld.idx.msk [tilespmem:v5+s10+$0x7000 ss:$0x1], $0xffff;
	_ =	sdelay $0x3  }
0x98: {  	v8 =	vmul.f32 v4, v1;
	v9 =	vmul.f32 v15, v1  }
0x99: {  	v11 =	vmul.f32 $1.414213540e+00, v6;
	v17 =	vmul.f32 $1.414213540e+00, v7  }
0x9a: {  	v6 =	vmul.f32 $4.000000190e-03, v8;
	v7 =	vmul.f32 $4.000000190e-03, v9;
	_ =	sdelay $0x1  }
0x9b: {  	v8 =	vadd.f32 v11, v6;
	v9 =	vadd.f32 v17, v7;
	_ =	sdelay $0x1  }
0x9c: {  	v8 =	vadd.f32 v8, v4;
	v9 =	vadd.f32 v9, v15  }
0x9d: {  	s11 =	simm.s32 $0x400  }
0x9e: {  	s8 =	simm.s32 $0x100;
	s10 =	sand.u32 $0xF000, s11;
	v8 =	vmul.f32 v8, v8;
	v9 =	vmul.f32 v9, v9  }
0x9f: {  	s29 =	sand.u32 $0x380, s8;
	s10 =	sadd.s32 s7, s10  }
0xa0: {  	s10 =	sadd.s32 s29, s10;
	v8 =	vadd.f32 v9, v8  }
0xa1: {  	v13 =	vld.idx.msk [tilespmem:v5+s10+$0x7000 ss:$0x1], $0xffff  }
0xa2: {  	v9 =	vld.idx.msk [tilespmem:v5+s10+$0x0 ss:$0x1], $0xffff;
	vm0 =	vlt.f32 v8, $1.000000000e+00  }
0xa3: {  	v10 =	vimm.f32 $1.000000000e+00;
	v6 =	vadd.f32 v6, v4;
	v8 =	vsel vm0, $0x3F800000, v0  }
0xa4: {  	v7 =	vadd.f32 v7, v15;
	v12 =	vmul.f32 v8, v10  }
0xa5: {  	v14 =	vadd.f32 v11, v6  }
0xa6: {  	v16 =	vadd.f32 v17, v7;
	v18 =	vsub.f32 v10, v12  }
0xa7: {  	v6 =	vmul.f32 $1.414213540e+00, v13;
	v8 =	vmul.f32 $1.414213540e+00, v9;
	vm0 =	vgt.f32 v12, $0.0e+00  }
0xa8: {  	v7 =	vsel vm0, v14, v4;
	v9 =	vsel vm0, v16, v15;
	v14 =	vadd.f32 v18, v3  }
0xa9: {  	v16 =	vmul.f32 v7, v1;
	v20 =	vmul.f32 v9, v1;
	vm0 =	vgt.f32 v18, $0.0e+00  }
0xaa: {  	v18 =	vmul.f32 v7, v7;
	v21 =	vmul.f32 v9, v9;
	v13 =	vsel vm0, v10, v3  }
0xab: {  	v15 =	vsel vm0, v15, v3;
	v19 =	vmul.f32 $4.000000190e-03, v16;
	v20 =	vmul.f32 $4.000000190e-03, v20  }
0xac: {  	v16 =	vsel vm0, v11, v3;
	v11 =	vsel vm0, v17, v3;
	v18 =	vadd.f32 v21, v18  }
0xad: {  	s28 =	simm.s32 $0x800;
	s10 =	simm.s32 $0x1;
	v17 =	vimm.f32 $0.0e+00;
	v21 =	vadd.f32 v19, v8;
	v22 =	vadd.f32 v20, v6  }
.LBB2_5:
0xae: {  	s11 =	sadd.s32 $0xFFFFFE00, s28;
	v18 =	vmul.f32 v18, v2;
	v19 =	vadd.f32 v19, v7;
	v20 =	vadd.f32 v20, v9;
	s8 =	sadd.s32 $0x100, s8  }
0xaf: {  	v3 =	vsel vm0, v4, v3;
	s11 =	sand.u32 $0x7000, s11;
	s29 =	sadd.s32 $0xFFFFFF80, s8;
	v4 =	vadd.f32 v21, v7;
	v21 =	vadd.f32 v22, v9  }
0xb0: {  	s29 =	sand.u32 $0x380, s29;
	s11 =	sadd.s32 s7, s11;
	v18 =	vadd.f32 $-4.000000000e+00, v18;
	v20 =	vadd.f32 v20, v6  }
0xb1: {  	s11 =	sadd.s32 s29, s11;
	v4 =	vmul.f32 v4, v4;
	v21 =	vmul.f32 v21, v21  }
0xb2: {  	v22 =	vld.idx.msk [tilespmem:v5+s11+$0x0 ss:$0x1], $0xffff;
	v18 =	vmul.f32 v18, v10  }
0xb3: {  	s10 =	sadd.s32 $0x2, s10;
	v23 =	vld.idx.msk [tilespmem:v5+s11+$0x7000 ss:$0x1], $0xffff;
	v4 =	vadd.f32 v21, v4  }
0xb4: {  	p0 =	slt.u32 s10, $0x2F;
	v18 =	vmul.f32 v18, v12  }
0xb5: {  	vm0 =	vlt.f32 v4, $1.000000000e+00  }
0xb6: {  	v17 =	vadd.f32 v18, v17;
	v4 =	vsel vm0, $0x3F800000, v0  }
0xb7: {  	v18 =	vmul.f32 v4, v12  }
0xb8: {  	v21 =	vmul.f32 $1.414213540e+00, v22;
	v4 =	vadd.f32 v19, v8  }
0xb9: {  	v22 =	vmul.f32 $1.414213540e+00, v23;
	v12 =	vsub.f32 v12, v18;
	vm0 =	vgt.f32 v18, $0.0e+00  }
0xba: {  	v10 =	vmul.f32 $9.960079780e-01, v10;
	v4 =	vsel vm0, v4, v7;
	v23 =	vsel vm0, v20, v9  }
0xbb: {  	v19 =	vmul.f32 v4, v1;
	v20 =	vmul.f32 v23, v1;
	v14 =	vadd.f32 v12, v14  }
0xbc: {  	vm0 =	vgt.f32 v12, $0.0e+00;
	v12 =	vmul.f32 v4, v4;
	v24 =	vmul.f32 v23, v23  }
0xbd: {  	v13 =	vsel vm0, v10, v13;
	v19 =	vmul.f32 $4.000000190e-03, v19;
	v20 =	vmul.f32 $4.000000190e-03, v20  }
0xbe: {  	v16 =	vsel vm0, v8, v16;
	v11 =	vsel vm0, v6, v11;
	v6 =	vadd.f32 v24, v12  }
0xbf: {  	v15 =	vsel vm0, v9, v15;
	v8 =	vadd.f32 v21, v19;
	v12 =	vadd.f32 v22, v20  }
0xc0: {  	v9 =	vadd.f32 v19, v4;
	v19 =	vadd.f32 v20, v23;
	v6 =	vmul.f32 v6, v2  }
0xc1: {  	s11 =	sand.u32 $0xF000, s28;
	v3 =	vsel vm0, v7, v3;
	v8 =	vadd.f32 v8, v4;
	v12 =	vadd.f32 v12, v23  }
0xc2: {  	s29 =	sand.u32 $0x380, s8;
	s11 =	sadd.s32 s7, s11;
	v6 =	vadd.f32 $-4.000000000e+00, v6  }
0xc3: {  	s11 =	sadd.s32 s29, s11;
	v7 =	vmul.f32 v8, v8;
	v8 =	vmul.f32 v12, v12  }
0xc4: {  	v6 =	vmul.f32 v6, v10;
	v20 =	vld.idx.msk [tilespmem:v5+s11+$0x0 ss:$0x1], $0xffff  }
0xc5: {  	v7 =	vadd.f32 v8, v7;
	v24 =	vld.idx.msk [tilespmem:v5+s11+$0x7000 ss:$0x1], $0xffff  }
0xc6: {  	v6 =	vmul.f32 v6, v18  }
0xc7: {  	vm0 =	vlt.f32 v7, $1.000000000e+00  }
0xc8: {  	v17 =	vadd.f32 v6, v17;
	v7 =	vsel vm0, $0x3F800000, v0  }
0xc9: {  	v12 =	vmul.f32 v7, v18  }
0xca: {  	v7 =	vadd.f32 v21, v9;
	v9 =	vadd.f32 v22, v19;
	v8 =	vmul.f32 $1.414213540e+00, v20  }
0xcb: {  	v6 =	vmul.f32 $1.414213540e+00, v24;
	v18 =	vsub.f32 v18, v12;
	vm0 =	vgt.f32 v12, $0.0e+00  }
0xcc: {  	v10 =	vmul.f32 $9.960079780e-01, v10;
	v7 =	vsel vm0, v7, v4;
	v9 =	vsel vm0, v9, v23  }
.Ltmp1:
0xcd: {  	v14 =	vadd.f32 v18, v14;
	v19 =	vmul.f32 v7, v1;
	v20 =	vmul.f32 v9, v1;
	(pc) =	sbr.rel @p0 .LBB2_5-.Ltmp1, $4  }
0xce: {  	vm0 =	vgt.f32 v18, $0.0e+00;
	v18 =	vmul.f32 v7, v7;
	v24 =	vmul.f32 v9, v9  }
0xcf: {  	v13 =	vsel vm0, v10, v13;
	v19 =	vmul.f32 $4.000000190e-03, v19;
	v20 =	vmul.f32 $4.000000190e-03, v20  }
0xd0: {  	v16 =	vsel vm0, v21, v16;
	v11 =	vsel vm0, v22, v11;
	v18 =	vadd.f32 v24, v18  }
0xd1: {  	s28 =	sadd.s32 $0x400, s28;
	v15 =	vsel vm0, v23, v15;
	v21 =	vadd.f32 v19, v8;
	v22 =	vadd.f32 v20, v6  }
0xd2: {  	_ = 	snop  }
0xd3: {  	v5 =	vadd.f32 v21, v7;
	v40 =	vadd.f32 v22, v9;
	_ =	sdelay $0x1  }
0xd4: {  	v5 =	vmul.f32 v5, v5;
	v21 =	vmul.f32 v40, v40;
	_ =	sdelay $0x1  }
0xd5: {  	v5 =	vadd.f32 v21, v5;
	_ =	sdelay $0x1  }
0xd6: {  	s7 =	sadd.s32 s25, s26;
	vm1 =	vlt.f32 v5, $1.000000000e+00  }
0xd7: {  	v41 =	vadd.f32 v19, v7;
	v42 =	vadd.f32 v20, v9;
	s28 =	sadd.s32 s25, s9;
	v44 =	vld [tilespmem:s7+$0x0];
	v43 =	vsel vm1, $0x3F800000, v0  }
0xd8: {  	v45 =	vld [tilespmem:s28+$0x0];
	v20 =	vmul.f32 v43, v12  }
0xd9: {  	v19 =	vadd.f32 v42, v6;
	v5 =	vadd.f32 v41, v8  }
0xda: {  	vm11 =	vgt.f32 v20, $0.0e+00  }
0xdb: {  	v5 =	vsel vm11, v5, v7;
	v19 =	vsel vm11, v19, v9  }
0xdc: {  	v23 =	vmul.f32 v5, v1;
	v24 =	vmul.f32 v19, v1  }
0xdd: {  	v21 =	vmul.f32 $1.414213540e+00, v44;
	v22 =	vmul.f32 $1.414213540e+00, v45  }
0xde: {  	v23 =	vmul.f32 $4.000000190e-03, v23;
	v24 =	vmul.f32 $4.000000190e-03, v24;
	_ =	sdelay $0x1  }
0xdf: {  	v25 =	vadd.f32 v21, v23;
	v26 =	vadd.f32 v22, v24;
	_ =	sdelay $0x1  }
0xe0: {  	v25 =	vadd.f32 v25, v5;
	v26 =	vadd.f32 v26, v19  }
0xe1: {  	v18 =	vmul.f32 v18, v2  }
0xe2: {  	v25 =	vmul.f32 v25, v25;
	v26 =	vmul.f32 v26, v26;
	_ =	sdelay $0x1  }
0xe3: {  	v18 =	vadd.f32 $-4.000000000e+00, v18;
	v25 =	vadd.f32 v26, v25;
	_ =	sdelay $0x1  }
0xe4: {  	v51 =	vmul.f32 $9.960079780e-01, v10;
	v18 =	vmul.f32 v18, v10;
	vm12 =	vlt.f32 v25, $1.000000000e+00  }
0xe5: {  	v23 =	vadd.f32 v23, v5;
	v24 =	vadd.f32 v24, v19;
	v25 =	vsel vm12, $0x3F800000, v0  }
0xe6: {  	v46 =	vmul.f32 v5, v5;
	v25 =	vmul.f32 v25, v20  }
0xe7: {  	v27 =	vmul.f32 v19, v19;
	v23 =	vadd.f32 v21, v23;
	v24 =	vadd.f32 v22, v24  }
0xe8: {  	v10 =	vmul.f32 $9.960079780e-01, v51;
	v18 =	vmul.f32 v18, v12;
	vm13 =	vgt.f32 v25, $0.0e+00  }
0xe9: {  	v26 =	vadd.f32 v27, v46;
	v23 =	vsel vm13, v23, v5;
	v24 =	vsel vm13, v24, v19  }
0xea: {  	v48 =	vmul.f32 v23, v23;
	v49 =	vmul.f32 v24, v24  }
0xeb: {  	v3 =	vsel vm0, v4, v3;
	v47 =	vsub.f32 v12, v20;
	v50 =	vmul.f32 v26, v2  }
0xec: {  	v60 =	vmul.f32 $9.960079780e-01, v10;
	v17 =	vadd.f32 v18, v17;
	v4 =	vadd.f32 v49, v48  }
0xed: {  	v14 =	vadd.f32 v47, v14;
	vm14 =	vgt.f32 v47, $0.0e+00;
	v53 =	vadd.f32 $-4.000000000e+00, v50  }
0xee: {  	v52 =	vsel vm14, v8, v16;
	v54 =	vsub.f32 v20, v25;
	v4 =	vmul.f32 v4, v2  }
0xef: {  	v55 =	vsel vm14, v9, v15;
	v58 =	vsel vm14, v6, v11;
	v12 =	vmul.f32 v53, v51  }
0xf0: {  	s6 =	sand.u32 $0x180, s6;
	vm15 =	vgt.f32 v54, $0.0e+00;
	v56 =	vadd.f32 v54, v14;
	v4 =	vadd.f32 $-4.000000000e+00, v4  }
0xf1: {  	s6 =	sor.u32 s6, s25;
	v3 =	vsel vm14, v7, v3;
	v12 =	vmul.f32 v12, v20;
	v61 =	vsel vm15, v22, v58  }
0xf2: {  	v3 =	vsel vm15, v5, v3;
	vm2 =	vgt.f32 v56, $0.0e+00;
	[tilespmem:s6+$0xEA80] =	vst v61;
	v4 =	vmul.f32 v4, v10  }
0xf3: {  	p0 =	slt.u32 s5, $0x1E;
	v13 =	vsel vm14, v51, v13;
	v57 =	vsel vm15, v19, v55;
	[tilespmem:s6+$0xF080] =	vst v56;
	v3 =	vsel vm2, v3, v23  }
.Ltmp2:
0xf4: {  	v59 =	vadd.f32 v12, v17;
	v5 =	vsel vm2, v57, v24;
	[tilespmem:s6+$0xE480] =	vst v3;
	v4 =	vmul.f32 v4, v25;
	(pc) =	sbr.rel @p0 .LBB2_2-.Ltmp2, $4  }
0xf5: {  	v62 =	vsel vm15, v10, v13;
	v3 =	vsel vm15, v21, v52;
	[tilespmem:s6+$0xE680] =	vst v5  }
0xf6: {  	v63 =	vsel vm2, v62, v60;
	[tilespmem:s6+$0xE880] =	vst v3;
	v3 =	vadd.f32 v4, v59  }
0xf7: {  	s29 =	sadd.s32 $0x2, s5;
	[tilespmem:s6+$0xEC80] =	vst v63  }
0xf8: {  	s5 =	smov.u32 s29;
	[tilespmem:s6+$0xEE80] =	vst v3  }
0xf9: {  	s5 =	simm.s32 $0x0;
	s6 =	rddreg [dreg:$0x7];
	s7 =	simm.s32 $0xE480  }
0xfa: {  	[hbm4b:s6+s5] =	stream.linear.scatter [tilespmem:s7], [sflag:$0x1], $0x200, $0x38;
	[tilespmem:$0xF280] =	vst v63  }
0xfb: {  	_ =	swait.ge [sflag:s24], $0x200  }
0xfc: {  	[sflag:s24] =	ssyncset.done $0x0  }
0xfd: {  	s8 =	rddreg [dreg:$0x8];
	[sflag:s24] =	ssyncadd.s32 $0xFFFFFE00  }
0xfe: {  	[hbm4b:s8+s5] =	stream.linear.scatter [tilespmem:s30], [sflag:$0x1], $0x200, $0x38;
	[tilespmem:$0xF280] =	vst v63  }
0xff: {  	_ =	swait.ge [sflag:s24], $0x200  }
0x100: {  	[sflag:s24] =	ssyncset.done $0x0  }
0x101: {  	s9 =	rddreg [dreg:$0x9];
	[sflag:s24] =	ssyncadd.s32 $0xFFFFFE00  }
0x102: {  	[hbm4b:s9+s5] =	stream.linear.scatter [tilespmem:s31], [sflag:$0x1], $0x200, $0x38;
	[tilespmem:$0xF280] =	vst v63  }
0x103: {  	_ =	swait.ge [sflag:s24], $0x200  }
0x104: {  	[sflag:s24] =	ssyncset.done $0x0  }
0x105: {  	s10 =	rddreg [dreg:$0xa];
	[sflag:s24] =	ssyncadd.s32 $0xFFFFFE00  }
0x106: {  	[hbm4b:s10+s5] =	stream.linear.scatter [tilespmem:s0], [sflag:$0x1], $0x200, $0x38;
	[tilespmem:$0xF280] =	vst v63  }
0x107: {  	_ =	swait.ge [sflag:s24], $0x200  }
0x108: {  	[sflag:s24] =	ssyncset.done $0x0  }
0x109: {  	s11 =	rddreg [dreg:$0xb];
	[sflag:s24] =	ssyncadd.s32 $0xFFFFFE00  }
0x10a: {  	[hbm4b:s11+s5] =	stream.linear.scatter [tilespmem:s3], [sflag:$0x1], $0x200, $0x38;
	[tilespmem:$0xF280] =	vst v63  }
0x10b: {  	_ =	swait.ge [sflag:s24], $0x200  }
0x10c: {  	[sflag:s24] =	ssyncset.done $0x0  }
0x10d: {  	s25 =	rddreg [dreg:$0xc];
	[sflag:s24] =	ssyncadd.s32 $0xFFFFFE00  }
0x10e: {  	[hbm4b:s25+s5] =	stream.linear.scatter [tilespmem:s23], [sflag:$0x1], $0x200, $0x38;
	[tilespmem:$0xF280] =	vst v63  }
0x10f: {  	_ =	swait.ge [sflag:s24], $0x200  }
0x110: {  	[sflag:s24] =	ssyncset.done $0x0  }
0x111: {  	[sflag:s24] =	ssyncadd.s32 $0xFFFFFE00  }
0x112: {  	[hbm4b:s12+s5] =	stream.linear.scatter [tilespmem:s2], [sflag:$0x1], $0x200, $0x38;
	[tilespmem:$0xF280] =	vst v63  }
0x113: {  	_ =	swait.ge [sflag:s24], $0x200  }
0x114: {  	[sflag:s24] =	ssyncset.done $0x0  }
0x115: {  	s26 =	simm.s32 $0x1000;
	s28 =	simm.s32 $0x80000;
	[sflag:s24] =	ssyncadd.s32 $0xFFFFFE00  }
0x116: {  	[tilespmem:s5], [sflag:$0x1] =	stream.strided.gather [hbm4b:s13+s26], $0xE000, s28, s26, $0x38;
	[tilespmem:$0xF280] =	vst v63  }
0x117: {  	_ =	swait.ge [sflag:s24], $0xE000  }
0x118: {  	[sflag:s24] =	ssyncset.done $0x0  }
0x119: {  	s29 =	simm.s32 $0xE000;
	[sflag:s24] =	ssyncadd.s32 $0xFFFF2000  }
0x11a: {  	[tilespmem:s29], [sflag:$0x1] =	stream.linear.gather [hbm4b:s14+s5], $0x400, $0x38;
	[tilespmem:$0xF280] =	vst v63  }
0x11b: {  	_ =	swait.ge [sflag:s24], $0x400  }
0x11c: {  	[sflag:s24] =	ssyncset.done $0x0  }
0x11d: {  	[sflag:s24] =	ssyncadd.s32 $0xFFFFFC00  }
.LBB2_8:
0x11e: {  	s6 =	sshll.u32 s5, $0x4;
	s7 =	sshll.u32 s5, $0x7  }
0x11f: {  	s25 =	sand.u32 $0x60, s6;
	s7 =	sand.u32 $0x7FFFFC00, s7  }
0x120: {  	s8 =	sshrl.u32 s7, $0x2;
	v3 =	vmov s25  }
0x121: {  	s9 =	simm.s32 $0x200;
	s8 =	sadd.s32 $0xE000, s8  }
0x122: {  	s11 =	simm.s32 $0x80;
	s9 =	sand.u32 $0x7000, s9;
	s10 =	sor.u32 s25, s8  }
0x123: {  	s11 =	sand.u32 $0x380, s11;
	s9 =	sadd.s32 s7, s9;
	v4 =	vld [tilespmem:s10+$0x0]  }
0x124: {  	s9 =	sadd.s32 s11, s9;
	v15 =	vld [tilespmem:s10+$0x80]  }
0x125: {  	v5 =	vld.idx.msk [tilespmem:v3+s9+$0x0 ss:$0x1], $0xffff  }
0x126: {  	v6 =	vld.idx.msk [tilespmem:v3+s9+$0x7000 ss:$0x1], $0xffff;
	_ =	sdelay $0x3  }
0x127: {  	v7 =	vmul.f32 v4, v1;
	v8 =	vmul.f32 v15, v1  }
0x128: {  	v10 =	vmul.f32 $1.414213540e+00, v5;
	v17 =	vmul.f32 $1.414213540e+00, v6  }
0x129: {  	v5 =	vmul.f32 $4.000000190e-03, v7;
	v6 =	vmul.f32 $4.000000190e-03, v8;
	_ =	sdelay $0x1  }
0x12a: {  	v7 =	vadd.f32 v10, v5;
	v8 =	vadd.f32 v17, v6;
	_ =	sdelay $0x1  }
0x12b: {  	v7 =	vadd.f32 v7, v4;
	v8 =	vadd.f32 v8, v15  }
0x12c: {  	s28 =	simm.s32 $0x400  }
0x12d: {  	s10 =	sand.u32 $0xF000, s28;
	s9 =	simm.s32 $0x100;
	v7 =	vmul.f32 v7, v7;
	v8 =	vmul.f32 v8, v8  }
0x12e: {  	s10 =	sadd.s32 s7, s10;
	s29 =	sand.u32 $0x380, s9  }
0x12f: {  	s10 =	sadd.s32 s29, s10;
	v7 =	vadd.f32 v8, v7  }
0x130: {  	v12 =	vld.idx.msk [tilespmem:v3+s10+$0x7000 ss:$0x1], $0xffff  }
0x131: {  	v8 =	vld.idx.msk [tilespmem:v3+s10+$0x0 ss:$0x1], $0xffff;
	vm0 =	vlt.f32 v7, $1.000000000e+00  }
0x132: {  	v9 =	vimm.f32 $1.000000000e+00;
	v5 =	vadd.f32 v5, v4;
	v7 =	vsel vm0, $0x3F800000, v0  }
0x133: {  	v6 =	vadd.f32 v6, v15;
	v11 =	vmul.f32 v7, v9  }
0x134: {  	v13 =	vadd.f32 v10, v5  }
0x135: {  	v14 =	vimm.f32 $0.0e+00;
	v16 =	vadd.f32 v17, v6;
	v18 =	vsub.f32 v9, v11  }
0x136: {  	v5 =	vmul.f32 $1.414213540e+00, v12;
	v7 =	vmul.f32 $1.414213540e+00, v8;
	vm0 =	vgt.f32 v11, $0.0e+00  }
0x137: {  	v6 =	vsel vm0, v13, v4;
	v8 =	vsel vm0, v16, v15;
	v13 =	vadd.f32 v18, v14  }
0x138: {  	v16 =	vmul.f32 v6, v1;
	v20 =	vmul.f32 v8, v1;
	vm0 =	vgt.f32 v18, $0.0e+00  }
0x139: {  	v18 =	vmul.f32 v6, v6;
	v21 =	vmul.f32 v8, v8;
	v12 =	vsel vm0, v9, v14  }
0x13a: {  	v15 =	vsel vm0, v15, v14;
	v19 =	vmul.f32 $4.000000190e-03, v16;
	v20 =	vmul.f32 $4.000000190e-03, v20  }
0x13b: {  	v16 =	vsel vm0, v10, v14;
	v10 =	vsel vm0, v17, v14;
	v18 =	vadd.f32 v21, v18  }
0x13c: {  	s26 =	simm.s32 $0x800;
	s10 =	simm.s32 $0x1;
	v17 =	vimm.f32 $0.0e+00;
	v21 =	vadd.f32 v19, v7;
	v22 =	vadd.f32 v20, v5  }
.LBB2_9:
0x13d: {  	s11 =	sadd.s32 $0xFFFFFE00, s26;
	v18 =	vmul.f32 v18, v2;
	v19 =	vadd.f32 v19, v6;
	v20 =	vadd.f32 v20, v8;
	s9 =	sadd.s32 $0x100, s9  }
0x13e: {  	v14 =	vsel vm0, v4, v14;
	s11 =	sand.u32 $0x7000, s11;
	s28 =	sadd.s32 $0xFFFFFF80, s9;
	v4 =	vadd.f32 v21, v6;
	v21 =	vadd.f32 v22, v8  }
0x13f: {  	s28 =	sand.u32 $0x380, s28;
	s11 =	sadd.s32 s7, s11;
	v18 =	vadd.f32 $-4.000000000e+00, v18;
	v20 =	vadd.f32 v20, v5  }
0x140: {  	s11 =	sadd.s32 s28, s11;
	v4 =	vmul.f32 v4, v4;
	v21 =	vmul.f32 v21, v21  }
0x141: {  	v22 =	vld.idx.msk [tilespmem:v3+s11+$0x0 ss:$0x1], $0xffff;
	v18 =	vmul.f32 v18, v9  }
0x142: {  	s10 =	sadd.s32 $0x2, s10;
	v23 =	vld.idx.msk [tilespmem:v3+s11+$0x7000 ss:$0x1], $0xffff;
	v4 =	vadd.f32 v21, v4  }
0x143: {  	p0 =	slt.u32 s10, $0x2F;
	v18 =	vmul.f32 v18, v11  }
0x144: {  	vm0 =	vlt.f32 v4, $1.000000000e+00  }
0x145: {  	v17 =	vadd.f32 v18, v17;
	v4 =	vsel vm0, $0x3F800000, v0  }
0x146: {  	v18 =	vmul.f32 v4, v11  }
0x147: {  	v21 =	vmul.f32 $1.414213540e+00, v22;
	v4 =	vadd.f32 v19, v7  }
0x148: {  	v22 =	vmul.f32 $1.414213540e+00, v23;
	v11 =	vsub.f32 v11, v18;
	vm0 =	vgt.f32 v18, $0.0e+00  }
0x149: {  	v9 =	vmul.f32 $9.960079780e-01, v9;
	v4 =	vsel vm0, v4, v6;
	v23 =	vsel vm0, v20, v8  }
0x14a: {  	v19 =	vmul.f32 v4, v1;
	v20 =	vmul.f32 v23, v1;
	v13 =	vadd.f32 v11, v13  }
0x14b: {  	vm0 =	vgt.f32 v11, $0.0e+00;
	v11 =	vmul.f32 v4, v4;
	v24 =	vmul.f32 v23, v23  }
0x14c: {  	v12 =	vsel vm0, v9, v12;
	v19 =	vmul.f32 $4.000000190e-03, v19;
	v20 =	vmul.f32 $4.000000190e-03, v20  }
0x14d: {  	v16 =	vsel vm0, v7, v16;
	v10 =	vsel vm0, v5, v10;
	v5 =	vadd.f32 v24, v11  }
0x14e: {  	v15 =	vsel vm0, v8, v15;
	v7 =	vadd.f32 v21, v19;
	v11 =	vadd.f32 v22, v20  }
0x14f: {  	v8 =	vadd.f32 v19, v4;
	v19 =	vadd.f32 v20, v23;
	v5 =	vmul.f32 v5, v2  }
0x150: {  	s11 =	sand.u32 $0xF000, s26;
	v14 =	vsel vm0, v6, v14;
	v7 =	vadd.f32 v7, v4;
	v11 =	vadd.f32 v11, v23  }
0x151: {  	s28 =	sand.u32 $0x380, s9;
	s11 =	sadd.s32 s7, s11;
	v5 =	vadd.f32 $-4.000000000e+00, v5  }
0x152: {  	s11 =	sadd.s32 s28, s11;
	v6 =	vmul.f32 v7, v7;
	v7 =	vmul.f32 v11, v11  }
0x153: {  	v5 =	vmul.f32 v5, v9;
	v20 =	vld.idx.msk [tilespmem:v3+s11+$0x0 ss:$0x1], $0xffff  }
0x154: {  	v6 =	vadd.f32 v7, v6;
	v24 =	vld.idx.msk [tilespmem:v3+s11+$0x7000 ss:$0x1], $0xffff  }
0x155: {  	v5 =	vmul.f32 v5, v18  }
0x156: {  	vm0 =	vlt.f32 v6, $1.000000000e+00  }
0x157: {  	v17 =	vadd.f32 v5, v17;
	v6 =	vsel vm0, $0x3F800000, v0  }
0x158: {  	v11 =	vmul.f32 v6, v18  }
0x159: {  	v6 =	vadd.f32 v21, v8;
	v8 =	vadd.f32 v22, v19;
	v7 =	vmul.f32 $1.414213540e+00, v20  }
0x15a: {  	v5 =	vmul.f32 $1.414213540e+00, v24;
	v18 =	vsub.f32 v18, v11;
	vm0 =	vgt.f32 v11, $0.0e+00  }
0x15b: {  	v9 =	vmul.f32 $9.960079780e-01, v9;
	v6 =	vsel vm0, v6, v4;
	v8 =	vsel vm0, v8, v23  }
.Ltmp3:
0x15c: {  	v13 =	vadd.f32 v18, v13;
	v19 =	vmul.f32 v6, v1;
	v20 =	vmul.f32 v8, v1;
	(pc) =	sbr.rel @p0 .LBB2_9-.Ltmp3, $4  }
0x15d: {  	vm0 =	vgt.f32 v18, $0.0e+00;
	v18 =	vmul.f32 v6, v6;
	v24 =	vmul.f32 v8, v8  }
0x15e: {  	v12 =	vsel vm0, v9, v12;
	v19 =	vmul.f32 $4.000000190e-03, v19;
	v20 =	vmul.f32 $4.000000190e-03, v20  }
0x15f: {  	v16 =	vsel vm0, v21, v16;
	v10 =	vsel vm0, v22, v10;
	v18 =	vadd.f32 v24, v18  }
0x160: {  	s26 =	sadd.s32 $0x400, s26;
	v15 =	vsel vm0, v23, v15;
	v21 =	vadd.f32 v19, v7;
	v22 =	vadd.f32 v20, v5  }
0x161: {  	_ = 	snop  }
0x162: {  	v3 =	vadd.f32 v21, v6;
	v21 =	vadd.f32 v22, v8;
	_ =	sdelay $0x1  }
0x163: {  	v3 =	vmul.f32 v3, v3;
	v21 =	vmul.f32 v21, v21;
	_ =	sdelay $0x1  }
0x164: {  	v3 =	vadd.f32 v21, v3  }
0x165: {  	s9 =	sadd.s32 $0xD080, s7  }
0x166: {  	s26 =	sadd.s32 $0x6080, s7;
	s11 =	sadd.s32 s25, s9;
	vm1 =	vlt.f32 v3, $1.000000000e+00  }
0x167: {  	s10 =	sadd.s32 s25, s26;
	v22 =	vld [tilespmem:s11+$0x0];
	v3 =	vadd.f32 v19, v6;
	v19 =	vadd.f32 v20, v8;
	v20 =	vsel vm1, $0x3F800000, v0  }
0x168: {  	v21 =	vld [tilespmem:s10+$0x0];
	v20 =	vmul.f32 v20, v11  }
0x169: {  	v19 =	vadd.f32 v19, v5;
	v3 =	vadd.f32 v3, v7  }
0x16a: {  	vm1 =	vgt.f32 v20, $0.0e+00  }
0x16b: {  	v23 =	vsel vm1, v3, v6;
	v19 =	vsel vm1, v19, v8  }
0x16c: {  	v3 =	vmul.f32 v23, v1;
	v24 =	vmul.f32 v19, v1  }
0x16d: {  	v22 =	vmul.f32 $1.414213540e+00, v22;
	v21 =	vmul.f32 $1.414213540e+00, v21  }
0x16e: {  	v25 =	vmul.f32 $4.000000190e-03, v3;
	v24 =	vmul.f32 $4.000000190e-03, v24;
	_ =	sdelay $0x1  }
0x16f: {  	v3 =	vadd.f32 v21, v25;
	v26 =	vadd.f32 v22, v24;
	_ =	sdelay $0x1  }
0x170: {  	v3 =	vadd.f32 v3, v23;
	v26 =	vadd.f32 v26, v19  }
0x171: {  	v18 =	vmul.f32 v18, v2  }
0x172: {  	v3 =	vmul.f32 v3, v3;
	v26 =	vmul.f32 v26, v26  }
0x173: {  	v18 =	vadd.f32 $-4.000000000e+00, v18  }
0x174: {  	v3 =	vadd.f32 v26, v3  }
0x175: {  	v18 =	vmul.f32 v18, v9  }
0x176: {  	v9 =	vmul.f32 $9.960079780e-01, v9;
	vm1 =	vlt.f32 v3, $1.000000000e+00;
	v3 =	vimm.f32 $0.0e+00  }
0x177: {  	v25 =	vadd.f32 v25, v23;
	v24 =	vadd.f32 v24, v19;
	v62 =	vsel vm1, $0x3F800000, v3  }
0x178: {  	v27 =	vmul.f32 v23, v23;
	v26 =	vmul.f32 v62, v20  }
0x179: {  	v28 =	vmul.f32 v19, v19;
	v25 =	vadd.f32 v21, v25;
	v24 =	vadd.f32 v22, v24  }
0x17a: {  	v18 =	vmul.f32 v18, v11;
	v11 =	vsub.f32 v11, v20;
	vm1 =	vgt.f32 v26, $0.0e+00  }
0x17b: {  	v27 =	vadd.f32 v28, v27;
	v25 =	vsel vm1, v25, v23;
	v24 =	vsel vm1, v24, v19  }
0x17c: {  	v4 =	vsel vm0, v4, v14;
	v14 =	vmul.f32 v25, v25;
	v63 =	vmul.f32 v24, v24  }
0x17d: {  	v17 =	vadd.f32 v18, v17;
	vm0 =	vgt.f32 v11, $0.0e+00;
	v18 =	vmul.f32 v27, v2  }
0x17e: {  	v13 =	vadd.f32 v11, v13;
	v7 =	vsel vm0, v7, v16;
	v11 =	vadd.f32 v63, v14  }
0x17f: {  	v8 =	vsel vm0, v8, v15;
	v16 =	vsub.f32 v20, v26;
	v14 =	vadd.f32 $-4.000000000e+00, v18  }
0x180: {  	v4 =	vsel vm0, v6, v4;
	v12 =	vsel vm0, v9, v12;
	v6 =	vmul.f32 v11, v2  }
0x181: {  	v5 =	vsel vm0, v5, v10;
	v11 =	vadd.f32 v16, v13;
	v13 =	vmul.f32 v14, v9  }
0x182: {  	vm1 =	vgt.f32 v16, $0.0e+00;
	v9 =	vmul.f32 $9.960079780e-01, v9;
	v6 =	vadd.f32 $-4.000000000e+00, v6  }
0x183: {  	v4 =	vsel vm1, v23, v4;
	v5 =	vsel vm1, v22, v5;
	v13 =	vmul.f32 v13, v20  }
0x184: {  	v8 =	vsel vm1, v19, v8;
	[tilespmem:s6+$0xEA80] =	vst v5;
	vm2 =	vgt.f32 v11, $0.0e+00;
	v6 =	vmul.f32 v6, v9  }
0x185: {  	[tilespmem:s6+$0xF080] =	vst v11;
	v4 =	vsel vm2, v4, v25;
	v8 =	vsel vm2, v8, v24;
	v10 =	vadd.f32 v13, v17  }
0x186: {  	[tilespmem:s6+$0xE480] =	vst v4;
	v4 =	vsel vm1, v21, v7;
	v7 =	vmul.f32 $9.960079780e-01, v9;
	v6 =	vmul.f32 v6, v26  }
0x187: {  	s25 =	sor.u32 $0x10, s25;
	[tilespmem:s6+$0xE680] =	vst v8;
	v8 =	vsel vm1, v9, v12  }
0x188: {  	v5 =	vmov s25;
	[tilespmem:s6+$0xE880] =	vst v4;
	v4 =	vadd.f32 v6, v10;
	v6 =	vsel vm2, v8, v7  }
0x189: {  	s29 =	simm.s32 $0x200;
	[tilespmem:s6+$0xEC80] =	vst v6  }
0x18a: {  	s8 =	sadd.s32 s25, s8;
	s11 =	simm.s32 $0x80;
	s10 =	sand.u32 $0x7000, s29;
	[tilespmem:s6+$0xEE80] =	vst v4  }
0x18b: {  	s11 =	sand.u32 $0x380, s11;
	s10 =	sadd.s32 s7, s10;
	v4 =	vld [tilespmem:s8+$0x0]  }
0x18c: {  	s10 =	sadd.s32 s11, s10;
	v15 =	vld [tilespmem:s8+$0x80]  }
0x18d: {  	v6 =	vld.idx.msk [tilespmem:v5+s10+$0x0 ss:$0x1], $0xffff  }
0x18e: {  	v7 =	vld.idx.msk [tilespmem:v5+s10+$0x7000 ss:$0x1], $0xffff;
	_ =	sdelay $0x3  }
0x18f: {  	v8 =	vmul.f32 v4, v1;
	v9 =	vmul.f32 v15, v1  }
0x190: {  	v11 =	vmul.f32 $1.414213540e+00, v6;
	v17 =	vmul.f32 $1.414213540e+00, v7  }
0x191: {  	v6 =	vmul.f32 $4.000000190e-03, v8;
	v7 =	vmul.f32 $4.000000190e-03, v9;
	_ =	sdelay $0x1  }
0x192: {  	v8 =	vadd.f32 v11, v6;
	v9 =	vadd.f32 v17, v7;
	_ =	sdelay $0x1  }
0x193: {  	v8 =	vadd.f32 v8, v4;
	v9 =	vadd.f32 v9, v15  }
0x194: {  	s11 =	simm.s32 $0x400  }
0x195: {  	s8 =	simm.s32 $0x100;
	s10 =	sand.u32 $0xF000, s11;
	v8 =	vmul.f32 v8, v8;
	v9 =	vmul.f32 v9, v9  }
0x196: {  	s29 =	sand.u32 $0x380, s8;
	s10 =	sadd.s32 s7, s10  }
0x197: {  	s10 =	sadd.s32 s29, s10;
	v8 =	vadd.f32 v9, v8  }
0x198: {  	v13 =	vld.idx.msk [tilespmem:v5+s10+$0x7000 ss:$0x1], $0xffff  }
0x199: {  	v9 =	vld.idx.msk [tilespmem:v5+s10+$0x0 ss:$0x1], $0xffff;
	vm0 =	vlt.f32 v8, $1.000000000e+00  }
0x19a: {  	v10 =	vimm.f32 $1.000000000e+00;
	v6 =	vadd.f32 v6, v4;
	v8 =	vsel vm0, $0x3F800000, v0  }
0x19b: {  	v7 =	vadd.f32 v7, v15;
	v12 =	vmul.f32 v8, v10  }
0x19c: {  	v14 =	vadd.f32 v11, v6  }
0x19d: {  	v16 =	vadd.f32 v17, v7;
	v18 =	vsub.f32 v10, v12  }
0x19e: {  	v6 =	vmul.f32 $1.414213540e+00, v13;
	v8 =	vmul.f32 $1.414213540e+00, v9;
	vm0 =	vgt.f32 v12, $0.0e+00  }
0x19f: {  	v7 =	vsel vm0, v14, v4;
	v9 =	vsel vm0, v16, v15;
	v14 =	vadd.f32 v18, v3  }
0x1a0: {  	v16 =	vmul.f32 v7, v1;
	v20 =	vmul.f32 v9, v1;
	vm0 =	vgt.f32 v18, $0.0e+00  }
0x1a1: {  	v18 =	vmul.f32 v7, v7;
	v21 =	vmul.f32 v9, v9;
	v13 =	vsel vm0, v10, v3  }
0x1a2: {  	v15 =	vsel vm0, v15, v3;
	v19 =	vmul.f32 $4.000000190e-03, v16;
	v20 =	vmul.f32 $4.000000190e-03, v20  }
0x1a3: {  	v16 =	vsel vm0, v11, v3;
	v11 =	vsel vm0, v17, v3;
	v18 =	vadd.f32 v21, v18  }
0x1a4: {  	s28 =	simm.s32 $0x800;
	s10 =	simm.s32 $0x1;
	v17 =	vimm.f32 $0.0e+00;
	v21 =	vadd.f32 v19, v8;
	v22 =	vadd.f32 v20, v6  }
.LBB2_11:
0x1a5: {  	s11 =	sadd.s32 $0xFFFFFE00, s28;
	v18 =	vmul.f32 v18, v2;
	v19 =	vadd.f32 v19, v7;
	v20 =	vadd.f32 v20, v9;
	s8 =	sadd.s32 $0x100, s8  }
0x1a6: {  	v3 =	vsel vm0, v4, v3;
	s11 =	sand.u32 $0x7000, s11;
	s29 =	sadd.s32 $0xFFFFFF80, s8;
	v4 =	vadd.f32 v21, v7;
	v21 =	vadd.f32 v22, v9  }
0x1a7: {  	s29 =	sand.u32 $0x380, s29;
	s11 =	sadd.s32 s7, s11;
	v18 =	vadd.f32 $-4.000000000e+00, v18;
	v20 =	vadd.f32 v20, v6  }
0x1a8: {  	s11 =	sadd.s32 s29, s11;
	v4 =	vmul.f32 v4, v4;
	v21 =	vmul.f32 v21, v21  }
0x1a9: {  	v22 =	vld.idx.msk [tilespmem:v5+s11+$0x0 ss:$0x1], $0xffff;
	v18 =	vmul.f32 v18, v10  }
0x1aa: {  	s10 =	sadd.s32 $0x2, s10;
	v23 =	vld.idx.msk [tilespmem:v5+s11+$0x7000 ss:$0x1], $0xffff;
	v4 =	vadd.f32 v21, v4  }
0x1ab: {  	p0 =	slt.u32 s10, $0x2F;
	v18 =	vmul.f32 v18, v12  }
0x1ac: {  	vm0 =	vlt.f32 v4, $1.000000000e+00  }
0x1ad: {  	v17 =	vadd.f32 v18, v17;
	v4 =	vsel vm0, $0x3F800000, v0  }
0x1ae: {  	v18 =	vmul.f32 v4, v12  }
0x1af: {  	v21 =	vmul.f32 $1.414213540e+00, v22;
	v4 =	vadd.f32 v19, v8  }
0x1b0: {  	v22 =	vmul.f32 $1.414213540e+00, v23;
	v12 =	vsub.f32 v12, v18;
	vm0 =	vgt.f32 v18, $0.0e+00  }
0x1b1: {  	v10 =	vmul.f32 $9.960079780e-01, v10;
	v4 =	vsel vm0, v4, v7;
	v23 =	vsel vm0, v20, v9  }
0x1b2: {  	v19 =	vmul.f32 v4, v1;
	v20 =	vmul.f32 v23, v1;
	v14 =	vadd.f32 v12, v14  }
0x1b3: {  	vm0 =	vgt.f32 v12, $0.0e+00;
	v12 =	vmul.f32 v4, v4;
	v24 =	vmul.f32 v23, v23  }
0x1b4: {  	v13 =	vsel vm0, v10, v13;
	v19 =	vmul.f32 $4.000000190e-03, v19;
	v20 =	vmul.f32 $4.000000190e-03, v20  }
0x1b5: {  	v16 =	vsel vm0, v8, v16;
	v11 =	vsel vm0, v6, v11;
	v6 =	vadd.f32 v24, v12  }
0x1b6: {  	v15 =	vsel vm0, v9, v15;
	v8 =	vadd.f32 v21, v19;
	v12 =	vadd.f32 v22, v20  }
0x1b7: {  	v9 =	vadd.f32 v19, v4;
	v19 =	vadd.f32 v20, v23;
	v6 =	vmul.f32 v6, v2  }
0x1b8: {  	s11 =	sand.u32 $0xF000, s28;
	v3 =	vsel vm0, v7, v3;
	v8 =	vadd.f32 v8, v4;
	v12 =	vadd.f32 v12, v23  }
0x1b9: {  	s29 =	sand.u32 $0x380, s8;
	s11 =	sadd.s32 s7, s11;
	v6 =	vadd.f32 $-4.000000000e+00, v6  }
0x1ba: {  	s11 =	sadd.s32 s29, s11;
	v7 =	vmul.f32 v8, v8;
	v8 =	vmul.f32 v12, v12  }
0x1bb: {  	v6 =	vmul.f32 v6, v10;
	v20 =	vld.idx.msk [tilespmem:v5+s11+$0x0 ss:$0x1], $0xffff  }
0x1bc: {  	v7 =	vadd.f32 v8, v7;
	v24 =	vld.idx.msk [tilespmem:v5+s11+$0x7000 ss:$0x1], $0xffff  }
0x1bd: {  	v6 =	vmul.f32 v6, v18  }
0x1be: {  	vm0 =	vlt.f32 v7, $1.000000000e+00  }
0x1bf: {  	v17 =	vadd.f32 v6, v17;
	v7 =	vsel vm0, $0x3F800000, v0  }
0x1c0: {  	v12 =	vmul.f32 v7, v18  }
0x1c1: {  	v7 =	vadd.f32 v21, v9;
	v9 =	vadd.f32 v22, v19;
	v8 =	vmul.f32 $1.414213540e+00, v20  }
0x1c2: {  	v6 =	vmul.f32 $1.414213540e+00, v24;
	v18 =	vsub.f32 v18, v12;
	vm0 =	vgt.f32 v12, $0.0e+00  }
0x1c3: {  	v10 =	vmul.f32 $9.960079780e-01, v10;
	v7 =	vsel vm0, v7, v4;
	v9 =	vsel vm0, v9, v23  }
.Ltmp4:
0x1c4: {  	v14 =	vadd.f32 v18, v14;
	v19 =	vmul.f32 v7, v1;
	v20 =	vmul.f32 v9, v1;
	(pc) =	sbr.rel @p0 .LBB2_11-.Ltmp4, $4  }
0x1c5: {  	vm0 =	vgt.f32 v18, $0.0e+00;
	v18 =	vmul.f32 v7, v7;
	v24 =	vmul.f32 v9, v9  }
0x1c6: {  	v13 =	vsel vm0, v10, v13;
	v19 =	vmul.f32 $4.000000190e-03, v19;
	v20 =	vmul.f32 $4.000000190e-03, v20  }
0x1c7: {  	v16 =	vsel vm0, v21, v16;
	v11 =	vsel vm0, v22, v11;
	v18 =	vadd.f32 v24, v18  }
0x1c8: {  	s28 =	sadd.s32 $0x400, s28;
	v15 =	vsel vm0, v23, v15;
	v21 =	vadd.f32 v19, v8;
	v22 =	vadd.f32 v20, v6  }
0x1c9: {  	_ = 	snop  }
0x1ca: {  	v5 =	vadd.f32 v21, v7;
	v40 =	vadd.f32 v22, v9;
	_ =	sdelay $0x1  }
0x1cb: {  	v5 =	vmul.f32 v5, v5;
	v21 =	vmul.f32 v40, v40;
	_ =	sdelay $0x1  }
0x1cc: {  	v5 =	vadd.f32 v21, v5;
	_ =	sdelay $0x1  }
0x1cd: {  	s7 =	sadd.s32 s25, s26;
	vm1 =	vlt.f32 v5, $1.000000000e+00  }
0x1ce: {  	v41 =	vadd.f32 v19, v7;
	v42 =	vadd.f32 v20, v9;
	s28 =	sadd.s32 s25, s9;
	v44 =	vld [tilespmem:s7+$0x0];
	v43 =	vsel vm1, $0x3F800000, v0  }
0x1cf: {  	v45 =	vld [tilespmem:s28+$0x0];
	v20 =	vmul.f32 v43, v12  }
0x1d0: {  	v19 =	vadd.f32 v42, v6;
	v5 =	vadd.f32 v41, v8  }
0x1d1: {  	vm11 =	vgt.f32 v20, $0.0e+00  }
0x1d2: {  	v5 =	vsel vm11, v5, v7;
	v19 =	vsel vm11, v19, v9  }
0x1d3: {  	v23 =	vmul.f32 v5, v1;
	v24 =	vmul.f32 v19, v1  }
0x1d4: {  	v21 =	vmul.f32 $1.414213540e+00, v44;
	v22 =	vmul.f32 $1.414213540e+00, v45  }
0x1d5: {  	v23 =	vmul.f32 $4.000000190e-03, v23;
	v24 =	vmul.f32 $4.000000190e-03, v24;
	_ =	sdelay $0x1  }
0x1d6: {  	v25 =	vadd.f32 v21, v23;
	v26 =	vadd.f32 v22, v24;
	_ =	sdelay $0x1  }
0x1d7: {  	v25 =	vadd.f32 v25, v5;
	v26 =	vadd.f32 v26, v19  }
0x1d8: {  	v18 =	vmul.f32 v18, v2  }
0x1d9: {  	v25 =	vmul.f32 v25, v25;
	v26 =	vmul.f32 v26, v26;
	_ =	sdelay $0x1  }
0x1da: {  	v18 =	vadd.f32 $-4.000000000e+00, v18;
	v25 =	vadd.f32 v26, v25;
	_ =	sdelay $0x1  }
0x1db: {  	v51 =	vmul.f32 $9.960079780e-01, v10;
	v18 =	vmul.f32 v18, v10;
	vm12 =	vlt.f32 v25, $1.000000000e+00  }
0x1dc: {  	v23 =	vadd.f32 v23, v5;
	v24 =	vadd.f32 v24, v19;
	v25 =	vsel vm12, $0x3F800000, v0  }
0x1dd: {  	v46 =	vmul.f32 v5, v5;
	v25 =	vmul.f32 v25, v20  }
0x1de: {  	v27 =	vmul.f32 v19, v19;
	v23 =	vadd.f32 v21, v23;
	v24 =	vadd.f32 v22, v24  }
0x1df: {  	v10 =	vmul.f32 $9.960079780e-01, v51;
	v18 =	vmul.f32 v18, v12;
	vm13 =	vgt.f32 v25, $0.0e+00  }
0x1e0: {  	v26 =	vadd.f32 v27, v46;
	v23 =	vsel vm13, v23, v5;
	v24 =	vsel vm13, v24, v19  }
0x1e1: {  	v48 =	vmul.f32 v23, v23;
	v49 =	vmul.f32 v24, v24  }
0x1e2: {  	v3 =	vsel vm0, v4, v3;
	v47 =	vsub.f32 v12, v20;
	v50 =	vmul.f32 v26, v2  }
0x1e3: {  	v60 =	vmul.f32 $9.960079780e-01, v10;
	v17 =	vadd.f32 v18, v17;
	v4 =	vadd.f32 v49, v48  }
0x1e4: {  	v14 =	vadd.f32 v47, v14;
	vm14 =	vgt.f32 v47, $0.0e+00;
	v53 =	vadd.f32 $-4.000000000e+00, v50  }
0x1e5: {  	v52 =	vsel vm14, v8, v16;
	v54 =	vsub.f32 v20, v25;
	v4 =	vmul.f32 v4, v2  }
0x1e6: {  	v55 =	vsel vm14, v9, v15;
	v58 =	vsel vm14, v6, v11;
	v12 =	vmul.f32 v53, v51  }
0x1e7: {  	s6 =	sand.u32 $0x180, s6;
	vm15 =	vgt.f32 v54, $0.0e+00;
	v56 =	vadd.f32 v54, v14;
	v4 =	vadd.f32 $-4.000000000e+00, v4  }
0x1e8: {  	s6 =	sor.u32 s6, s25;
	v3 =	vsel vm14, v7, v3;
	v12 =	vmul.f32 v12, v20;
	v61 =	vsel vm15, v22, v58  }
0x1e9: {  	v3 =	vsel vm15, v5, v3;
	vm2 =	vgt.f32 v56, $0.0e+00;
	[tilespmem:s6+$0xEA80] =	vst v61;
	v4 =	vmul.f32 v4, v10  }
0x1ea: {  	p0 =	slt.u32 s5, $0x1E;
	v13 =	vsel vm14, v51, v13;
	v57 =	vsel vm15, v19, v55;
	[tilespmem:s6+$0xF080] =	vst v56;
	v3 =	vsel vm2, v3, v23  }
.Ltmp5:
0x1eb: {  	v59 =	vadd.f32 v12, v17;
	v5 =	vsel vm2, v57, v24;
	[tilespmem:s6+$0xE480] =	vst v3;
	v4 =	vmul.f32 v4, v25;
	(pc) =	sbr.rel @p0 .LBB2_8-.Ltmp5, $4  }
0x1ec: {  	v62 =	vsel vm15, v10, v13;
	v3 =	vsel vm15, v21, v52;
	[tilespmem:s6+$0xE680] =	vst v5  }
0x1ed: {  	v63 =	vsel vm2, v62, v60;
	[tilespmem:s6+$0xE880] =	vst v3;
	v3 =	vadd.f32 v4, v59  }
0x1ee: {  	s29 =	sadd.s32 $0x2, s5;
	[tilespmem:s6+$0xEC80] =	vst v63  }
0x1ef: {  	s5 =	smov.u32 s29;
	[tilespmem:s6+$0xEE80] =	vst v3  }
0x1f0: {  	s5 =	simm.s32 $0xE480  }
0x1f1: {  	[hbm4b:s15+s1] =	stream.linear.scatter [tilespmem:s5], [sflag:$0x1], $0x200, $0x38;
	[tilespmem:$0xF280] =	vst v63  }
0x1f2: {  	_ =	swait.ge [sflag:s24], $0x200  }
0x1f3: {  	[sflag:s24] =	ssyncset.done $0x0  }
0x1f4: {  	[sflag:s24] =	ssyncadd.s32 $0xFFFFFE00  }
0x1f5: {  	[hbm4b:s16+s1] =	stream.linear.scatter [tilespmem:s30], [sflag:$0x1], $0x200, $0x38;
	[tilespmem:$0xF280] =	vst v63  }
0x1f6: {  	_ =	swait.ge [sflag:s24], $0x200  }
0x1f7: {  	[sflag:s24] =	ssyncset.done $0x0  }
0x1f8: {  	[sflag:s24] =	ssyncadd.s32 $0xFFFFFE00  }
0x1f9: {  	[hbm4b:s17+s1] =	stream.linear.scatter [tilespmem:s31], [sflag:$0x1], $0x200, $0x38;
	[tilespmem:$0xF280] =	vst v63  }
0x1fa: {  	_ =	swait.ge [sflag:s24], $0x200  }
0x1fb: {  	[sflag:s24] =	ssyncset.done $0x0  }
0x1fc: {  	[sflag:s24] =	ssyncadd.s32 $0xFFFFFE00  }
0x1fd: {  	[hbm4b:s18+s1] =	stream.linear.scatter [tilespmem:s0], [sflag:$0x1], $0x200, $0x38;
	[tilespmem:$0xF280] =	vst v63  }
0x1fe: {  	_ =	swait.ge [sflag:s24], $0x200  }
0x1ff: {  	[sflag:s24] =	ssyncset.done $0x0  }
0x200: {  	[sflag:s24] =	ssyncadd.s32 $0xFFFFFE00  }
0x201: {  	[hbm4b:s19+s1] =	stream.linear.scatter [tilespmem:s3], [sflag:$0x1], $0x200, $0x38;
	[tilespmem:$0xF280] =	vst v63  }
0x202: {  	_ =	swait.ge [sflag:s24], $0x200  }
0x203: {  	[sflag:s24] =	ssyncset.done $0x0  }
0x204: {  	[sflag:s24] =	ssyncadd.s32 $0xFFFFFE00  }
0x205: {  	[hbm4b:s20+s1] =	stream.linear.scatter [tilespmem:s23], [sflag:$0x1], $0x200, $0x38;
	[tilespmem:$0xF280] =	vst v63  }
0x206: {  	s4 =	sadd.s32 $0x1, s4;
	_ =	swait.ge [sflag:s24], $0x200  }
0x207: {  	p0 =	sne.s32 s4, s22;
	[sflag:s24] =	ssyncset.done $0x0  }
.Ltmp6:
0x208: {  	[sflag:s24] =	ssyncadd.s32 $0xFFFFFE00;
	(pc) =	sbr.rel @p0 .LBB2_1-.Ltmp6, $4  }
0x209: {  	[hbm4b:s21+s1] =	stream.linear.scatter [tilespmem:s2], [sflag:$0x1], $0x200, $0x38;
	[tilespmem:$0xF280] =	vst v63  }
0x20a: {  	_ =	swait.ge [sflag:s24], $0x200  }
0x20b: {  	[sflag:s24] =	ssyncset.done $0x0  }
0x20c: {  	[sflag:s24] =	ssyncadd.s32 $0xFFFFFE00  }
0x20d: {  	_ =	sfence.sel $0x180000  }
0x20e: {  	[bflag:$0x0] =	sbarrier.arrive $0xFFFF  }
0x20f: {  	_ =	strace $0x90000047  }
0x210: {  	s0 =	stileid.u32;
	[bflag:$0x2] =	sbarrier.arrive $0xFFFF  }
0x211: {  	p0 =	sne.s32 s0, $0x0;
	s0 =	rddreg [dreg:$0x3]  }
0x212: {  	s0 =	sadd.s32 @!p0 $0x100000, s0  }
0x213: {  	[sflag:s0] =	ssyncadd.tile.s32 @!p0 $0x1;
	_ =	shalt  }
.Lfunc_end2:
_tile_overlayer_lowered:
.L_overlay_start_2:
0x214: {  	(tag) =	ssettag $0x2  }
0x215: {  	s0 =	rddreg [dreg:$0x0];
	s2 =	stileid.u32  }
0x216: {  	s1 =	rddreg [dreg:$0x1];
	p0 =	sne.s32 s2, $0x0  }
0x217: {  	s3 =	rddreg [dreg:$0x2];
	[bflag:$0x3] =	sbarrier.arrive $0xFFFF;
	s2 =	simm.s32 @!p0 $0x1C01  }
0x218: {  	[timem:s3], [sflag:s2] =	dma.local @!p0 [hbm:s0], s1  }
0x219: {  	s0 =	simm.s32 @!p0 $0x1  }
0x21a: {  	_ =	swait.ge @!p0 [sflag:s0], s1  }
0x21b: {  	s1 =	ssub.s32 @!p0 $0x0, s1;
	[sflag:s0] =	ssyncset.done @!p0 $0x0  }
0x21c: {  	[sflag:s0] =	ssyncadd.s32 @!p0 s1  }
0x21d: {  	[bflag:$0x3] =	sbarrier.arrive $0xFFFF  }
0x21e: {  	_ =	shalt  }

</sc_bundles>
